<compile_context>
chip_gen: v7x
topology: tpu7x:2x2x1
jax: 0.10.2.dev20260603
libtpu: 0.0.44.dev20260713+nightly
codegen_flags: <defaults>
</compile_context>

<pallas_src>
import jax
import jax.numpy as jnp
from jax import lax
from jax.experimental import pallas as pl
from jax.experimental.pallas import tpu as pltpu
from jax.experimental.pallas import tpu_sc as plsc

_N, _M, _D = 10000, 16, 256
_L = 16
_NW = 32
_C = 8

_T = 9600
_TCB = 400

_SC_ROWS = _N - _T
_TOT_BLK = _SC_ROWS // _C
_NBLK = -(-_TOT_BLK // _NW)
_PAIRS = _NBLK // 2
_ODD = _NBLK % 2 == 1
assert _SC_ROWS % _C == 0 and _T % _TCB == 0 and _TOT_BLK >= _NBLK


def _sc_body(mail_hbm, out_hbm, buf, obuf, isem0, isem1, osem0, osem1):
    cid = lax.axis_index("c")
    sid = lax.axis_index("s")
    wid = sid * 2 + cid
    w_blk0 = jnp.minimum(wid * _NBLK, _TOT_BLK - _NBLK)

    def blk_node0(i):
        return (w_blk0 + i) * _C

    def start_in(i, slot, sem):
        n0 = _T + blk_node0(i)
        pltpu.async_copy(
            mail_hbm.at[pl.ds(n0, _C)],
            buf.at[pl.ds(slot * _C, _C)],
            sem,
        )

    def wait_in(slot, sem):
        pltpu.make_async_copy(
            mail_hbm.at[pl.ds(0, _C)],
            buf.at[pl.ds(slot * _C, _C)],
            sem,
        ).wait()

    def start_out(i, slot, sem):
        n0 = blk_node0(i)
        pltpu.async_copy(
            obuf.at[pl.ds(slot * _C, _C)],
            out_hbm.at[pl.ds(n0, _C)],
            sem,
        )

    def wait_out(slot, sem):
        pltpu.make_async_copy(
            obuf.at[pl.ds(slot * _C, _C)],
            out_hbm.at[pl.ds(0, _C)],
            sem,
        ).wait()

    def compute_block(slot):
        def node_body(j, carry):
            idx = slot * _C + j
            for f in range(_D // _L):
                vals = [buf[idx, m, pl.ds(f * _L, _L)] for m in range(_M)]
                while len(vals) > 1:
                    vals = [jnp.maximum(vals[k], vals[k + 1])
                            for k in range(0, len(vals) - 1, 2)] + (
                        [vals[-1]] if len(vals) % 2 else [])
                obuf[idx, pl.ds(f * _L, _L)] = vals[0]
            return carry

        lax.fori_loop(0, _C, node_body, 0)

    start_in(0, 0, isem0)

    def pair_body(p, carry):
        i0 = 2 * p
        i1 = i0 + 1
        start_in(i1, 1, isem1)
        wait_in(0, isem0)

        @pl.when(p >= 1)
        def _():
            wait_out(0, osem0)

        compute_block(0)
        start_out(i0, 0, osem0)

        @pl.when(jnp.logical_or(p < _PAIRS - 1, _ODD))
        def _():
            start_in(i0 + 2, 0, isem0)

        wait_in(1, isem1)

        @pl.when(p >= 1)
        def _():
            wait_out(1, osem1)

        compute_block(1)
        start_out(i1, 1, osem1)
        return carry

    lax.fori_loop(0, _PAIRS, pair_body, 0)
    if _ODD:
        wait_in(0, isem0)
        wait_out(0, osem0)
        compute_block(0)
        start_out(_NBLK - 1, 0, osem0)
    wait_out(0, osem0)
    wait_out(1, osem1)


def _sc_call(mailbox):
    mesh = plsc.VectorSubcoreMesh(core_axis_name="c", subcore_axis_name="s")
    return pl.kernel(
        _sc_body,
        out_type=jax.ShapeDtypeStruct((_SC_ROWS, _D), jnp.float32),
        mesh=mesh,
        scratch_types=[
            pltpu.VMEM((2 * _C, _M, _D), jnp.float32),
            pltpu.VMEM((2 * _C, _D), jnp.float32),
            pltpu.SemaphoreType.DMA,
            pltpu.SemaphoreType.DMA,
            pltpu.SemaphoreType.DMA,
            pltpu.SemaphoreType.DMA,
        ],
    )(mailbox)


def _tc_body(mail_ref, out_ref):
    out_ref[...] = jnp.max(mail_ref[...], axis=1)


def _tc_call(mailbox):
    return pl.pallas_call(
        _tc_body,
        grid=(_T // _TCB,),
        in_specs=[pl.BlockSpec((_TCB, _M, _D), lambda i: (i, 0, 0))],
        out_specs=pl.BlockSpec((_TCB, _D), lambda i: (i, 0)),
        out_shape=jax.ShapeDtypeStruct((_N, _D), mailbox.dtype),
    )(mailbox)


def kernel(mailbox):
    sc_out = _sc_call(mailbox)
    tc_out = _tc_call(mailbox)
    return lax.dynamic_update_slice(tc_out, sc_out, (_T, 0))

# --- scband reference (transcript-rebuilt; emitter-appended) ---
"""Pipeline reference for scband-max-aggregation-45337674776742 (READ-ONLY COPY).

The authoritative reference and input builder live on the scoring server;
editing this copy changes nothing except your own understanding.
"""

import jax, jax.numpy as jnp
import numpy as np

def setup_inputs(seed: int = 0) -> dict:
    key = jax.random.key(seed)
    mailbox = jax.random.normal(key, (10000, 16, 256), dtype=jnp.float32)
    return {"mailbox": mailbox}

def reference(mailbox):
    # DGL reduce-func semantics: torch.max(nodes.mailbox['feature_n'], dim=1)[0]
    # mailbox: [num_dst_nodes, num_messages, d] -> max over the message dim.
    max_agg = jnp.max(mailbox, axis=1)
    return max_agg

if __name__ == "__main__":
    import jax
    _d = setup_inputs()
    print(jax.jit(kernel)(*tuple(_d.values())))

</pallas_src>

<mosaic_0001>
#map = affine_map<(d0, d1) -> (0, 0, 0)>
#map1 = affine_map<(d0, d1) -> (0, 0)>
module attributes {stable_mosaic.version = 14 : i64} {
  func.func @_sc_body(%arg0: i32, %arg1: i32, %arg2: memref<10000x16x256xf32, #tpu.memory_space<hbm>>, %arg3: memref<400x256xf32, #tpu.memory_space<hbm>>, %arg4: memref<16x16x256xf32, #tpu.memory_space<vmem>>, %arg5: memref<16x256xf32, #tpu.memory_space<vmem>>, %arg6: memref<!tpu.dma_semaphore, #tpu.memory_space<semaphore_mem>>, %arg7: memref<!tpu.dma_semaphore, #tpu.memory_space<semaphore_mem>>, %arg8: memref<!tpu.dma_semaphore, #tpu.memory_space<semaphore_mem>>, %arg9: memref<!tpu.dma_semaphore, #tpu.memory_space<semaphore_mem>>) attributes {dimension_semantics = [#tpu.dimension_semantics<core_parallel>, #tpu.dimension_semantics<subcore_parallel>], iteration_bounds = array<i64: 2, 16>, scalar_prefetch = 0 : i64, scratch_operands = 6 : i64, tpu.core_type = #tpu.core_type<sc_vector_subcore>, window_params = [{transform_indices = #map}, {transform_indices = #map1}]} {
    %mul3A = arith.constant 2 : i32
    %mul3A_0 = arith.muli %arg1, %mul3A : i32
    %add3A = arith.addi %mul3A_0, %arg0 : i32
    %mul3A_1 = arith.constant 2 : i32
    %mul3A_2 = arith.muli %add3A, %mul3A_1 : i32
    %min3A = arith.constant 48 : i32
    %min3A_3 = arith.minsi %mul3A_2, %min3A : i32
    %add3A_4 = arith.constant 0 : i32
    %add3A_5 = arith.addi %min3A_3, %add3A_4 : i32
    %mul3A_6 = arith.constant 8 : i32
    %mul3A_7 = arith.muli %add3A_5, %mul3A_6 : i32
    %add3A_8 = arith.constant 9600 : i32
    %add3A_9 = arith.addi %add3A_8, %mul3A_7 : i32
    %dma_start3A = arith.constant 0 : i32
    %dma_start3A_10 = arith.constant 0 : i32
    %dma_start3A_11 = arith.constant 0 : i32
    %dma_start3A_12 = tpu.memref_slice %arg4[%dma_start3A, %dma_start3A_10, %dma_start3A_11] : memref<16x16x256xf32, #tpu.memory_space<vmem>> -> memref<8x16x256xf32, #tpu.memory_space<vmem>>
    %dma_start3A_13 = arith.constant 0 : i32
    %dma_start3A_14 = arith.constant 0 : i32
    %dma_start3A_15 = tpu.memref_slice %arg2[%add3A_9, %dma_start3A_13, %dma_start3A_14] : memref<10000x16x256xf32, #tpu.memory_space<hbm>> -> memref<8x16x256xf32, #tpu.memory_space<hbm>>
    %dma_start3A_16 = arith.constant 0 : i32
    %dma_start3A_17 = arith.constant 0 : i32
    %dma_start3A_18 = arith.constant 0 : i32
    %dma_start3A_19 = tpu.memref_slice %arg4[%dma_start3A_16, %dma_start3A_17, %dma_start3A_18] : memref<16x16x256xf32, #tpu.memory_space<vmem>> -> memref<8x16x256xf32, #tpu.memory_space<vmem>>
    %dma_start3A_20 = arith.constant 0 : i32
    %dma_start3A_21 = arith.constant 0 : i32
    %dma_start3A_22 = tpu.memref_slice %arg2[%add3A_9, %dma_start3A_20, %dma_start3A_21] : memref<10000x16x256xf32, #tpu.memory_space<hbm>> -> memref<8x16x256xf32, #tpu.memory_space<hbm>>
    tpu.enqueue_dma source(%dma_start3A_22 : memref<8x16x256xf32, #tpu.memory_space<hbm>>) target(%dma_start3A_19 : memref<8x16x256xf32, #tpu.memory_space<vmem>>) target_semaphore(%arg6 : memref<!tpu.dma_semaphore, #tpu.memory_space<semaphore_mem>>)
    %scan3A = arith.constant 0 : i32
    %scan3A_23 = arith.constant 0 : i32
    %mul3A_24 = arith.constant 2 : i32
    %mul3A_25 = arith.muli %mul3A_24, %scan3A_23 : i32
    %add3A_26 = arith.constant 1 : i32
    %add3A_27 = arith.addi %mul3A_25, %add3A_26 : i32
    %add3A_28 = arith.addi %min3A_3, %add3A_27 : i32
    %mul3A_29 = arith.constant 8 : i32
    %mul3A_30 = arith.muli %add3A_28, %mul3A_29 : i32
    %add3A_31 = arith.constant 9600 : i32
    %add3A_32 = arith.addi %add3A_31, %mul3A_30 : i32
    %dma_start3A_33 = arith.constant 8 : i32
    %dma_start3A_34 = arith.constant 0 : i32
    %dma_start3A_35 = arith.constant 0 : i32
    %dma_start3A_36 = tpu.memref_slice %arg4[%dma_start3A_33, %dma_start3A_34, %dma_start3A_35] : memref<16x16x256xf32, #tpu.memory_space<vmem>> -> memref<8x16x256xf32, #tpu.memory_space<vmem>>
    %dma_start3A_37 = arith.constant 0 : i32
    %dma_start3A_38 = arith.constant 0 : i32
    %dma_start3A_39 = tpu.memref_slice %arg2[%add3A_32, %dma_start3A_37, %dma_start3A_38] : memref<10000x16x256xf32, #tpu.memory_space<hbm>> -> memref<8x16x256xf32, #tpu.memory_space<hbm>>
    %dma_start3A_40 = arith.constant 8 : i32
    %dma_start3A_41 = arith.constant 0 : i32
    %dma_start3A_42 = arith.constant 0 : i32
    %dma_start3A_43 = tpu.memref_slice %arg4[%dma_start3A_40, %dma_start3A_41, %dma_start3A_42] : memref<16x16x256xf32, #tpu.memory_space<vmem>> -> memref<8x16x256xf32, #tpu.memory_space<vmem>>
    %dma_start3A_44 = arith.constant 0 : i32
    %dma_start3A_45 = arith.constant 0 : i32
    %dma_start3A_46 = tpu.memref_slice %arg2[%add3A_32, %dma_start3A_44, %dma_start3A_45] : memref<10000x16x256xf32, #tpu.memory_space<hbm>> -> memref<8x16x256xf32, #tpu.memory_space<hbm>>
    tpu.enqueue_dma source(%dma_start3A_46 : memref<8x16x256xf32, #tpu.memory_space<hbm>>) target(%dma_start3A_43 : memref<8x16x256xf32, #tpu.memory_space<vmem>>) target_semaphore(%arg7 : memref<!tpu.dma_semaphore, #tpu.memory_space<semaphore_mem>>)
    %dma_wait3A = arith.constant 0 : i32
    %dma_wait3A_47 = arith.constant 0 : i32
    %dma_wait3A_48 = arith.constant 0 : i32
    %dma_wait3A_49 = tpu.memref_slice %arg4[%dma_wait3A, %dma_wait3A_47, %dma_wait3A_48] : memref<16x16x256xf32, #tpu.memory_space<vmem>> -> memref<8x16x256xf32, #tpu.memory_space<vmem>>
    %dma_wait3A_50 = arith.constant 0 : i32
    %dma_wait3A_51 = arith.constant 0 : i32
    %dma_wait3A_52 = arith.constant 0 : i32
    %dma_wait3A_53 = tpu.memref_slice %arg2[%dma_wait3A_50, %dma_wait3A_51, %dma_wait3A_52] : memref<10000x16x256xf32, #tpu.memory_space<hbm>> -> memref<8x16x256xf32, #tpu.memory_space<hbm>>
    %dma_wait3A_54 = arith.constant 0 : i32
    %dma_wait3A_55 = arith.constant 0 : i32
    %dma_wait3A_56 = arith.constant 0 : i32
    %dma_wait3A_57 = tpu.memref_slice %arg4[%dma_wait3A_54, %dma_wait3A_55, %dma_wait3A_56] : memref<16x16x256xf32, #tpu.memory_space<vmem>> -> memref<8x16x256xf32, #tpu.memory_space<vmem>>
    %dma_wait3A_58 = arith.constant 0 : i32
    %dma_wait3A_59 = arith.constant 0 : i32
    %dma_wait3A_60 = arith.constant 0 : i32
    %dma_wait3A_61 = tpu.memref_slice %arg2[%dma_wait3A_58, %dma_wait3A_59, %dma_wait3A_60] : memref<10000x16x256xf32, #tpu.memory_space<hbm>> -> memref<8x16x256xf32, #tpu.memory_space<hbm>>
    tpu.wait_dma2 semaphore(%arg6 : memref<!tpu.dma_semaphore, #tpu.memory_space<semaphore_mem>>) src(%dma_wait3A_61 : memref<8x16x256xf32, #tpu.memory_space<hbm>>) dst(%dma_wait3A_57 : memref<8x16x256xf32, #tpu.memory_space<vmem>>)
    %ge3A = arith.constant 1 : i32
    %ge3A_62 = arith.cmpi sge, %scan3A_23, %ge3A : i32
    %convert_element_type3A = arith.extui %ge3A_62 : i1 to i32
    %cond3A = arith.constant 0 : i32
    %cond3A_63 = arith.cmpi ne, %convert_element_type3A, %cond3A : i32
    scf.if %cond3A_63 {
      %dma_wait3A_153 = arith.constant 0 : i32
      %dma_wait3A_154 = arith.constant 0 : i32
      %dma_wait3A_155 = tpu.memref_slice %arg5[%dma_wait3A_153, %dma_wait3A_154] : memref<16x256xf32, #tpu.memory_space<vmem>> -> memref<8x256xf32, #tpu.memory_space<vmem>>
      %dma_wait3A_156 = arith.constant 0 : i32
      %dma_wait3A_157 = arith.constant 0 : i32
      %dma_wait3A_158 = tpu.memref_slice %arg3[%dma_wait3A_156, %dma_wait3A_157] : memref<400x256xf32, #tpu.memory_space<hbm>> -> memref<8x256xf32, #tpu.memory_space<hbm>>
      %dma_wait3A_159 = arith.constant 0 : i32
      %dma_wait3A_160 = arith.constant 0 : i32
      %dma_wait3A_161 = tpu.memref_slice %arg3[%dma_wait3A_159, %dma_wait3A_160] : memref<400x256xf32, #tpu.memory_space<hbm>> -> memref<8x256xf32, #tpu.memory_space<hbm>>
      %dma_wait3A_162 = arith.constant 0 : i32
      %dma_wait3A_163 = arith.constant 0 : i32
      %dma_wait3A_164 = tpu.memref_slice %arg5[%dma_wait3A_162, %dma_wait3A_163] : memref<16x256xf32, #tpu.memory_space<vmem>> -> memref<8x256xf32, #tpu.memory_space<vmem>>
      tpu.wait_dma2 semaphore(%arg8 : memref<!tpu.dma_semaphore, #tpu.memory_space<semaphore_mem>>) src(%dma_wait3A_164 : memref<8x256xf32, #tpu.memory_space<vmem>>) dst(%dma_wait3A_161 : memref<8x256xf32, #tpu.memory_space<hbm>>)
    } else {
    }
    %scan3A_64 = arith.constant 0 : i32
    %scan3A_65 = arith.constant 0 : i32
    %scan3A_66 = arith.constant 8 : i32
    %scan3A_67 = arith.addi %scan3A_65, %scan3A_66 : i32
    %scan3A_68 = arith.constant 1 : i32
    scf.for %scan3A_153 = %scan3A_65 to %scan3A_67 step %scan3A_68  : i32 {
      %add3A_154 = arith.constant 0 : i32
      %add3A_155 = arith.addi %add3A_154, %scan3A_153 : i32
      %get3A = arith.constant 0 : i32
      %get3A_156 = arith.index_cast %add3A_155 : i32 to index
      %get3A_157 = arith.index_cast %get3A : i32 to index
      %get3A_158 = arith.constant 0 : index
      %get3A_159 = tpu.vector_load %arg4[%get3A_156, %get3A_157, %get3A_158] {strides = array<i32>} : memref<16x16x256xf32, #tpu.memory_space<vmem>>, vector<1x1x16xf32>,
      %get3A_160 = vector.shape_cast %get3A_159 : vector<1x1x16xf32> to vector<16xf32>
      %get3A_161 = arith.constant 1 : i32
      %get3A_162 = arith.index_cast %add3A_155 : i32 to index
      %get3A_163 = arith.index_cast %get3A_161 : i32 to index
      %get3A_164 = arith.constant 0 : index
      %get3A_165 = tpu.vector_load %arg4[%get3A_162, %get3A_163, %get3A_164] {strides = array<i32>} : memref<16x16x256xf32, #tpu.memory_space<vmem>>, vector<1x1x16xf32>,
      %get3A_166 = vector.shape_cast %get3A_165 : vector<1x1x16xf32> to vector<16xf32>
      %get3A_167 = arith.constant 2 : i32
      %get3A_168 = arith.index_cast %add3A_155 : i32 to index
      %get3A_169 = arith.index_cast %get3A_167 : i32 to index
      %get3A_170 = arith.constant 0 : index
      %get3A_171 = tpu.vector_load %arg4[%get3A_168, %get3A_169, %get3A_170] {strides = array<i32>} : memref<16x16x256xf32, #tpu.memory_space<vmem>>, vector<1x1x16xf32>,
      %get3A_172 = vector.shape_cast %get3A_171 : vector<1x1x16xf32> to vector<16xf32>
      %get3A_173 = arith.constant 3 : i32
      %get3A_174 = arith.index_cast %add3A_155 : i32 to index
      %get3A_175 = arith.index_cast %get3A_173 : i32 to index
      %get3A_176 = arith.constant 0 : index
      %get3A_177 = tpu.vector_load %arg4[%get3A_174, %get3A_175, %get3A_176] {strides = array<i32>} : memref<16x16x256xf32, #tpu.memory_space<vmem>>, vector<1x1x16xf32>,
      %get3A_178 = vector.shape_cast %get3A_177 : vector<1x1x16xf32> to vector<16xf32>
      %get3A_179 = arith.constant 4 : i32
      %get3A_180 = arith.index_cast %add3A_155 : i32 to index
      %get3A_181 = arith.index_cast %get3A_179 : i32 to index
      %get3A_182 = arith.constant 0 : index
      %get3A_183 = tpu.vector_load %arg4[%get3A_180, %get3A_181, %get3A_182] {strides = array<i32>} : memref<16x16x256xf32, #tpu.memory_space<vmem>>, vector<1x1x16xf32>,
      %get3A_184 = vector.shape_cast %get3A_183 : vector<1x1x16xf32> to vector<16xf32>
      %get3A_185 = arith.constant 5 : i32
      %get3A_186 = arith.index_cast %add3A_155 : i32 to index
      %get3A_187 = arith.index_cast %get3A_185 : i32 to index
      %get3A_188 = arith.constant 0 : index
      %get3A_189 = tpu.vector_load %arg4[%get3A_186, %get3A_187, %get3A_188] {strides = array<i32>} : memref<16x16x256xf32, #tpu.memory_space<vmem>>, vector<1x1x16xf32>,
      %get3A_190 = vector.shape_cast %get3A_189 : vector<1x1x16xf32> to vector<16xf32>
      %get3A_191 = arith.constant 6 : i32
      %get3A_192 = arith.index_cast %add3A_155 : i32 to index
      %get3A_193 = arith.index_cast %get3A_191 : i32 to index
      %get3A_194 = arith.constant 0 : index
      %get3A_195 = tpu.vector_load %arg4[%get3A_192, %get3A_193, %get3A_194] {strides = array<i32>} : memref<16x16x256xf32, #tpu.memory_space<vmem>>, vector<1x1x16xf32>,
      %get3A_196 = vector.shape_cast %get3A_195 : vector<1x1x16xf32> to vector<16xf32>
      %get3A_197 = arith.constant 7 : i32
      %get3A_198 = arith.index_cast %add3A_155 : i32 to index
      %get3A_199 = arith.index_cast %get3A_197 : i32 to index
      %get3A_200 = arith.constant 0 : index
      %get3A_201 = tpu.vector_load %arg4[%get3A_198, %get3A_199, %get3A_200] {strides = array<i32>} : memref<16x16x256xf32, #tpu.memory_space<vmem>>, vector<1x1x16xf32>,
      %get3A_202 = vector.shape_cast %get3A_201 : vector<1x1x16xf32> to vector<16xf32>
      %get3A_203 = arith.constant 8 : i32
      %get3A_204 = arith.index_cast %add3A_155 : i32 to index
      %get3A_205 = arith.index_cast %get3A_203 : i32 to index
      %get3A_206 = arith.constant 0 : index
      %get3A_207 = tpu.vector_load %arg4[%get3A_204, %get3A_205, %get3A_206] {strides = array<i32>} : memref<16x16x256xf32, #tpu.memory_space<vmem>>, vector<1x1x16xf32>,
      %get3A_208 = vector.shape_cast %get3A_207 : vector<1x1x16xf32> to vector<16xf32>
      %get3A_209 = arith.constant 9 : i32
      %get3A_210 = arith.index_cast %add3A_155 : i32 to index
      %get3A_211 = arith.index_cast %get3A_209 : i32 to index
      %get3A_212 = arith.constant 0 : index
      %get3A_213 = tpu.vector_load %arg4[%get3A_210, %get3A_211, %get3A_212] {strides = array<i32>} : memref<16x16x256xf32, #tpu.memory_space<vmem>>, vector<1x1x16xf32>,
      %get3A_214 = vector.shape_cast %get3A_213 : vector<1x1x16xf32> to vector<16xf32>
      %get3A_215 = arith.constant 10 : i32
      %get3A_216 = arith.index_cast %add3A_155 : i32 to index
      %get3A_217 = arith.index_cast %get3A_215 : i32 to index
      %get3A_218 = arith.constant 0 : index
      %get3A_219 = tpu.vector_load %arg4[%get3A_216, %get3A_217, %get3A_218] {strides = array<i32>} : memref<16x16x256xf32, #tpu.memory_space<vmem>>, vector<1x1x16xf32>,
      %get3A_220 = vector.shape_cast %get3A_219 : vector<1x1x16xf32> to vector<16xf32>
      %get3A_221 = arith.constant 11 : i32
      %get3A_222 = arith.index_cast %add3A_155 : i32 to index
      %get3A_223 = arith.index_cast %get3A_221 : i32 to index
      %get3A_224 = arith.constant 0 : index
      %get3A_225 = tpu.vector_load %arg4[%get3A_222, %get3A_223, %get3A_224] {strides = array<i32>} : memref<16x16x256xf32, #tpu.memory_space<vmem>>, vector<1x1x16xf32>,
      %get3A_226 = vector.shape_cast %get3A_225 : vector<1x1x16xf32> to vector<16xf32>
      %get3A_227 = arith.constant 12 : i32
      %get3A_228 = arith.index_cast %add3A_155 : i32 to index
      %get3A_229 = arith.index_cast %get3A_227 : i32 to index
      %get3A_230 = arith.constant 0 : index
      %get3A_231 = tpu.vector_load %arg4[%get3A_228, %get3A_229, %get3A_230] {strides = array<i32>} : memref<16x16x256xf32, #tpu.memory_space<vmem>>, vector<1x1x16xf32>,
      %get3A_232 = vector.shape_cast %get3A_231 : vector<1x1x16xf32> to vector<16xf32>
      %get3A_233 = arith.constant 13 : i32
      %get3A_234 = arith.index_cast %add3A_155 : i32 to index
      %get3A_235 = arith.index_cast %get3A_233 : i32 to index
      %get3A_236 = arith.constant 0 : index
      %get3A_237 = tpu.vector_load %arg4[%get3A_234, %get3A_235, %get3A_236] {strides = array<i32>} : memref<16x16x256xf32, #tpu.memory_space<vmem>>, vector<1x1x16xf32>,
      %get3A_238 = vector.shape_cast %get3A_237 : vector<1x1x16xf32> to vector<16xf32>
      %get3A_239 = arith.constant 14 : i32
      %get3A_240 = arith.index_cast %add3A_155 : i32 to index
      %get3A_241 = arith.index_cast %get3A_239 : i32 to index
      %get3A_242 = arith.constant 0 : index
      %get3A_243 = tpu.vector_load %arg4[%get3A_240, %get3A_241, %get3A_242] {strides = array<i32>} : memref<16x16x256xf32, #tpu.memory_space<vmem>>, vector<1x1x16xf32>,
      %get3A_244 = vector.shape_cast %get3A_243 : vector<1x1x16xf32> to vector<16xf32>
      %get3A_245 = arith.constant 15 : i32
      %get3A_246 = arith.index_cast %add3A_155 : i32 to index
      %get3A_247 = arith.index_cast %get3A_245 : i32 to index
      %get3A_248 = arith.constant 0 : index
      %get3A_249 = tpu.vector_load %arg4[%get3A_246, %get3A_247, %get3A_248] {strides = array<i32>} : memref<16x16x256xf32, #tpu.memory_space<vmem>>, vector<1x1x16xf32>,
      %get3A_250 = vector.shape_cast %get3A_249 : vector<1x1x16xf32> to vector<16xf32>
      %max3A = arith.maximumf %get3A_160, %get3A_166 : vector<16xf32>
      %max3A_251 = arith.maximumf %get3A_172, %get3A_178 : vector<16xf32>
      %max3A_252 = arith.maximumf %get3A_184, %get3A_190 : vector<16xf32>
      %max3A_253 = arith.maximumf %get3A_196, %get3A_202 : vector<16xf32>
      %max3A_254 = arith.maximumf %get3A_208, %get3A_214 : vector<16xf32>
      %max3A_255 = arith.maximumf %get3A_220, %get3A_226 : vector<16xf32>
      %max3A_256 = arith.maximumf %get3A_232, %get3A_238 : vector<16xf32>
      %max3A_257 = arith.maximumf %get3A_244, %get3A_250 : vector<16xf32>
      %max3A_258 = arith.maximumf %max3A, %max3A_251 : vector<16xf32>
      %max3A_259 = arith.maximumf %max3A_252, %max3A_253 : vector<16xf32>
      %max3A_260 = arith.maximumf %max3A_254, %max3A_255 : vector<16xf32>
      %max3A_261 = arith.maximumf %max3A_256, %max3A_257 : vector<16xf32>
      %max3A_262 = arith.maximumf %max3A_258, %max3A_259 : vector<16xf32>
      %max3A_263 = arith.maximumf %max3A_260, %max3A_261 : vector<16xf32>
      %max3A_264 = arith.maximumf %max3A_262, %max3A_263 : vector<16xf32>
      %swap3A = arith.index_cast %add3A_155 : i32 to index
      %swap3A_265 = arith.constant 0 : index
      %swap3A_266 = tpu.vector_load %arg5[%swap3A, %swap3A_265] {strides = array<i32>} : memref<16x256xf32, #tpu.memory_space<vmem>>, vector<1x16xf32>,
      %swap3A_267 = vector.shape_cast %swap3A_266 : vector<1x16xf32> to vector<16xf32>
      %swap3A_268 = vector.shape_cast %max3A_264 : vector<16xf32> to vector<1x16xf32>
      tpu.vector_store %arg5[%swap3A, %swap3A_265], %swap3A_268 {strides = array<i32>} : memref<16x256xf32, #tpu.memory_space<vmem>>, vector<1x16xf32>,
      %get3A_269 = arith.constant 0 : i32
      %get3A_270 = arith.index_cast %add3A_155 : i32 to index
      %get3A_271 = arith.index_cast %get3A_269 : i32 to index
      %get3A_272 = arith.constant 16 : index
      %get3A_273 = tpu.vector_load %arg4[%get3A_270, %get3A_271, %get3A_272] {strides = array<i32>} : memref<16x16x256xf32, #tpu.memory_space<vmem>>, vector<1x1x16xf32>,
      %get3A_274 = vector.shape_cast %get3A_273 : vector<1x1x16xf32> to vector<16xf32>
      %get3A_275 = arith.constant 1 : i32
      %get3A_276 = arith.index_cast %add3A_155 : i32 to index
      %get3A_277 = arith.index_cast %get3A_275 : i32 to index
      %get3A_278 = arith.constant 16 : index
      %get3A_279 = tpu.vector_load %arg4[%get3A_276, %get3A_277, %get3A_278] {strides = array<i32>} : memref<16x16x256xf32, #tpu.memory_space<vmem>>, vector<1x1x16xf32>,
      %get3A_280 = vector.shape_cast %get3A_279 : vector<1x1x16xf32> to vector<16xf32>
      %get3A_281 = arith.constant 2 : i32
      %get3A_282 = arith.index_cast %add3A_155 : i32 to index
      %get3A_283 = arith.index_cast %get3A_281 : i32 to index
      %get3A_284 = arith.constant 16 : index
      %get3A_285 = tpu.vector_load %arg4[%get3A_282, %get3A_283, %get3A_284] {strides = array<i32>} : memref<16x16x256xf32, #tpu.memory_space<vmem>>, vector<1x1x16xf32>,
      %get3A_286 = vector.shape_cast %get3A_285 : vector<1x1x16xf32> to vector<16xf32>
      %get3A_287 = arith.constant 3 : i32
      %get3A_288 = arith.index_cast %add3A_155 : i32 to index
      %get3A_289 = arith.index_cast %get3A_287 : i32 to index
      %get3A_290 = arith.constant 16 : index
      %get3A_291 = tpu.vector_load %arg4[%get3A_288, %get3A_289, %get3A_290] {strides = array<i32>} : memref<16x16x256xf32, #tpu.memory_space<vmem>>, vector<1x1x16xf32>,
      %get3A_292 = vector.shape_cast %get3A_291 : vector<1x1x16xf32> to vector<16xf32>
      %get3A_293 = arith.constant 4 : i32
      %get3A_294 = arith.index_cast %add3A_155 : i32 to index
      %get3A_295 = arith.index_cast %get3A_293 : i32 to index
      %get3A_296 = arith.constant 16 : index
      %get3A_297 = tpu.vector_load %arg4[%get3A_294, %get3A_295, %get3A_296] {strides = array<i32>} : memref<16x16x256xf32, #tpu.memory_space<vmem>>, vector<1x1x16xf32>,
      %get3A_298 = vector.shape_cast %get3A_297 : vector<1x1x16xf32> to vector<16xf32>
      %get3A_299 = arith.constant 5 : i32
      %get3A_300 = arith.index_cast %add3A_155 : i32 to index
      %get3A_301 = arith.index_cast %get3A_299 : i32 to index
      %get3A_302 = arith.constant 16 : index
      %get3A_303 = tpu.vector_load %arg4[%get3A_300, %get3A_301, %get3A_302] {strides = array<i32>} : memref<16x16x256xf32, #tpu.memory_space<vmem>>, vector<1x1x16xf32>,
      %get3A_304 = vector.shape_cast %get3A_303 : vector<1x1x16xf32> to vector<16xf32>
      %get3A_305 = arith.constant 6 : i32
      %get3A_306 = arith.index_cast %add3A_155 : i32 to index
      %get3A_307 = arith.index_cast %get3A_305 : i32 to index
      %get3A_308 = arith.constant 16 : index
      %get3A_309 = tpu.vector_load %arg4[%get3A_306, %get3A_307, %get3A_308] {strides = array<i32>} : memref<16x16x256xf32, #tpu.memory_space<vmem>>, vector<1x1x16xf32>,
      %get3A_310 = vector.shape_cast %get3A_309 : vector<1x1x16xf32> to vector<16xf32>
      %get3A_311 = arith.constant 7 : i32
      %get3A_312 = arith.index_cast %add3A_155 : i32 to index
      %get3A_313 = arith.index_cast %get3A_311 : i32 to index
      %get3A_314 = arith.constant 16 : index
      %get3A_315 = tpu.vector_load %arg4[%get3A_312, %get3A_313, %get3A_314] {strides = array<i32>} : memref<16x16x256xf32, #tpu.memory_space<vmem>>, vector<1x1x16xf32>,
      %get3A_316 = vector.shape_cast %get3A_315 : vector<1x1x16xf32> to vector<16xf32>
      %get3A_317 = arith.constant 8 : i32
      %get3A_318 = arith.index_cast %add3A_155 : i32 to index
      %get3A_319 = arith.index_cast %get3A_317 : i32 to index
      %get3A_320 = arith.constant 16 : index
      %get3A_321 = tpu.vector_load %arg4[%get3A_318, %get3A_319, %get3A_320] {strides = array<i32>} : memref<16x16x256xf32, #tpu.memory_space<vmem>>, vector<1x1x16xf32>,
      %get3A_322 = vector.shape_cast %get3A_321 : vector<1x1x16xf32> to vector<16xf32>
      %get3A_323 = arith.constant 9 : i32
      %get3A_324 = arith.index_cast %add3A_155 : i32 to index
      %get3A_325 = arith.index_cast %get3A_323 : i32 to index
      %get3A_326 = arith.constant 16 : index
      %get3A_327 = tpu.vector_load %arg4[%get3A_324, %get3A_325, %get3A_326] {strides = array<i32>} : memref<16x16x256xf32, #tpu.memory_space<vmem>>, vector<1x1x16xf32>,
      %get3A_328 = vector.shape_cast %get3A_327 : vector<1x1x16xf32> to vector<16xf32>
      %get3A_329 = arith.constant 10 : i32
      %get3A_330 = arith.index_cast %add3A_155 : i32 to index
      %get3A_331 = arith.index_cast %get3A_329 : i32 to index
      %get3A_332 = arith.constant 16 : index
      %get3A_333 = tpu.vector_load %arg4[%get3A_330, %get3A_331, %get3A_332] {strides = array<i32>} : memref<16x16x256xf32, #tpu.memory_space<vmem>>, vector<1x1x16xf32>,
      %get3A_334 = vector.shape_cast %get3A_333 : vector<1x1x16xf32> to vector<16xf32>
      %get3A_335 = arith.constant 11 : i32
      %get3A_336 = arith.index_cast %add3A_155 : i32 to index
      %get3A_337 = arith.index_cast %get3A_335 : i32 to index
      %get3A_338 = arith.constant 16 : index
      %get3A_339 = tpu.vector_load %arg4[%get3A_336, %get3A_337, %get3A_338] {strides = array<i32>} : memref<16x16x256xf32, #tpu.memory_space<vmem>>, vector<1x1x16xf32>,
      %get3A_340 = vector.shape_cast %get3A_339 : vector<1x1x16xf32> to vector<16xf32>
      %get3A_341 = arith.constant 12 : i32
      %get3A_342 = arith.index_cast %add3A_155 : i32 to index
      %get3A_343 = arith.index_cast %get3A_341 : i32 to index
      %get3A_344 = arith.constant 16 : index
      %get3A_345 = tpu.vector_load %arg4[%get3A_342, %get3A_343, %get3A_344] {strides = array<i32>} : memref<16x16x256xf32, #tpu.memory_space<vmem>>, vector<1x1x16xf32>,
      %get3A_346 = vector.shape_cast %get3A_345 : vector<1x1x16xf32> to vector<16xf32>
      %get3A_347 = arith.constant 13 : i32
      %get3A_348 = arith.index_cast %add3A_155 : i32 to index
      %get3A_349 = arith.index_cast %get3A_347 : i32 to index
      %get3A_350 = arith.constant 16 : index
      %get3A_351 = tpu.vector_load %arg4[%get3A_348, %get3A_349, %get3A_350] {strides = array<i32>} : memref<16x16x256xf32, #tpu.memory_space<vmem>>, vector<1x1x16xf32>,
      %get3A_352 = vector.shape_cast %get3A_351 : vector<1x1x16xf32> to vector<16xf32>
      %get3A_353 = arith.constant 14 : i32
      %get3A_354 = arith.index_cast %add3A_155 : i32 to index
      %get3A_355 = arith.index_cast %get3A_353 : i32 to index
      %get3A_356 = arith.constant 16 : index
      %get3A_357 = tpu.vector_load %arg4[%get3A_354, %get3A_355, %get3A_356] {strides = array<i32>} : memref<16x16x256xf32, #tpu.memory_space<vmem>>, vector<1x1x16xf32>,
      %get3A_358 = vector.shape_cast %get3A_357 : vector<1x1x16xf32> to vector<16xf32>
      %get3A_359 = arith.constant 15 : i32
      %get3A_360 = arith.index_cast %add3A_155 : i32 to index
      %get3A_361 = arith.index_cast %get3A_359 : i32 to index
      %get3A_362 = arith.constant 16 : index
      %get3A_363 = tpu.vector_load %arg4[%get3A_360, %get3A_361, %get3A_362] {strides = array<i32>} : memref<16x16x256xf32, #tpu.memory_space<vmem>>, vector<1x1x16xf32>,
      %get3A_364 = vector.shape_cast %get3A_363 : vector<1x1x16xf32> to vector<16xf32>
      %max3A_365 = arith.maximumf %get3A_274, %get3A_280 : vector<16xf32>
      %max3A_366 = arith.maximumf %get3A_286, %get3A_292 : vector<16xf32>
      %max3A_367 = arith.maximumf %get3A_298, %get3A_304 : vector<16xf32>
      %max3A_368 = arith.maximumf %get3A_310, %get3A_316 : vector<16xf32>
      %max3A_369 = arith.maximumf %get3A_322, %get3A_328 : vector<16xf32>
      %max3A_370 = arith.maximumf %get3A_334, %get3A_340 : vector<16xf32>
      %max3A_371 = arith.maximumf %get3A_346, %get3A_352 : vector<16xf32>
      %max3A_372 = arith.maximumf %get3A_358, %get3A_364 : vector<16xf32>
      %max3A_373 = arith.maximumf %max3A_365, %max3A_366 : vector<16xf32>
      %max3A_374 = arith.maximumf %max3A_367, %max3A_368 : vector<16xf32>
      %max3A_375 = arith.maximumf %max3A_369, %max3A_370 : vector<16xf32>
      %max3A_376 = arith.maximumf %max3A_371, %max3A_372 : vector<16xf32>
      %max3A_377 = arith.maximumf %max3A_373, %max3A_374 : vector<16xf32>
      %max3A_378 = arith.maximumf %max3A_375, %max3A_376 : vector<16xf32>
      %max3A_379 = arith.maximumf %max3A_377, %max3A_378 : vector<16xf32>
      %swap3A_380 = arith.index_cast %add3A_155 : i32 to index
      %swap3A_381 = arith.constant 16 : index
      %swap3A_382 = tpu.vector_load %arg5[%swap3A_380, %swap3A_381] {strides = array<i32>} : memref<16x256xf32, #tpu.memory_space<vmem>>, vector<1x16xf32>,
      %swap3A_383 = vector.shape_cast %swap3A_382 : vector<1x16xf32> to vector<16xf32>
      %swap3A_384 = vector.shape_cast %max3A_379 : vector<16xf32> to vector<1x16xf32>
      tpu.vector_store %arg5[%swap3A_380, %swap3A_381], %swap3A_384 {strides = array<i32>} : memref<16x256xf32, #tpu.memory_space<vmem>>, vector<1x16xf32>,
      %get3A_385 = arith.constant 0 : i32
      %get3A_386 = arith.index_cast %add3A_155 : i32 to index
      %get3A_387 = arith.index_cast %get3A_385 : i32 to index
      %get3A_388 = arith.constant 32 : index
      %get3A_389 = tpu.vector_load %arg4[%get3A_386, %get3A_387, %get3A_388] {strides = array<i32>} : memref<16x16x256xf32, #tpu.memory_space<vmem>>, vector<1x1x16xf32>,
      %get3A_390 = vector.shape_cast %get3A_389 : vector<1x1x16xf32> to vector<16xf32>
      %get3A_391 = arith.constant 1 : i32
      %get3A_392 = arith.index_cast %add3A_155 : i32 to index
      %get3A_393 = arith.index_cast %get3A_391 : i32 to index
      %get3A_394 = arith.constant 32 : index
      %get3A_395 = tpu.vector_load %arg4[%get3A_392, %get3A_393, %get3A_394] {strides = array<i32>} : memref<16x16x256xf32, #tpu.memory_space<vmem>>, vector<1x1x16xf32>,
      %get3A_396 = vector.shape_cast %get3A_395 : vector<1x1x16xf32> to vector<16xf32>
      %get3A_397 = arith.constant 2 : i32
      %get3A_398 = arith.index_cast %add3A_155 : i32 to index
      %get3A_399 = arith.index_cast %get3A_397 : i32 to index
      %get3A_400 = arith.constant 32 : index
      %get3A_401 = tpu.vector_load %arg4[%get3A_398, %get3A_399, %get3A_400] {strides = array<i32>} : memref<16x16x256xf32, #tpu.memory_space<vmem>>, vector<1x1x16xf32>,
      %get3A_402 = vector.shape_cast %get3A_401 : vector<1x1x16xf32> to vector<16xf32>
      %get3A_403 = arith.constant 3 : i32
      %get3A_404 = arith.index_cast %add3A_155 : i32 to index
      %get3A_405 = arith.index_cast %get3A_403 : i32 to index
      %get3A_406 = arith.constant 32 : index
      %get3A_407 = tpu.vector_load %arg4[%get3A_404, %get3A_405, %get3A_406] {strides = array<i32>} : memref<16x16x256xf32, #tpu.memory_space<vmem>>, vector<1x1x16xf32>,
      %get3A_408 = vector.shape_cast %get3A_407 : vector<1x1x16xf32> to vector<16xf32>
      %get3A_409 = arith.constant 4 : i32
      %get3A_410 = arith.index_cast %add3A_155 : i32 to index
      %get3A_411 = arith.index_cast %get3A_409 : i32 to index
      %get3A_412 = arith.constant 32 : index
      %get3A_413 = tpu.vector_load %arg4[%get3A_410, %get3A_411, %get3A_412] {strides = array<i32>} : memref<16x16x256xf32, #tpu.memory_space<vmem>>, vector<1x1x16xf32>,
      %get3A_414 = vector.shape_cast %get3A_413 : vector<1x1x16xf32> to vector<16xf32>
      %get3A_415 = arith.constant 5 : i32
      %get3A_416 = arith.index_cast %add3A_155 : i32 to index
      %get3A_417 = arith.index_cast %get3A_415 : i32 to index
      %get3A_418 = arith.constant 32 : index
      %get3A_419 = tpu.vector_load %arg4[%get3A_416, %get3A_417, %get3A_418] {strides = array<i32>} : memref<16x16x256xf32, #tpu.memory_space<vmem>>, vector<1x1x16xf32>,
      %get3A_420 = vector.shape_cast %get3A_419 : vector<1x1x16xf32> to vector<16xf32>
      %get3A_421 = arith.constant 6 : i32
      %get3A_422 = arith.index_cast %add3A_155 : i32 to index
      %get3A_423 = arith.index_cast %get3A_421 : i32 to index
      %get3A_424 = arith.constant 32 : index
      %get3A_425 = tpu.vector_load %arg4[%get3A_422, %get3A_423, %get3A_424] {strides = array<i32>} : memref<16x16x256xf32, #tpu.memory_space<vmem>>, vector<1x1x16xf32>,
      %get3A_426 = vector.shape_cast %get3A_425 : vector<1x1x16xf32> to vector<16xf32>
      %get3A_427 = arith.constant 7 : i32
      %get3A_428 = arith.index_cast %add3A_155 : i32 to index
      %get3A_429 = arith.index_cast %get3A_427 : i32 to index
      %get3A_430 = arith.constant 32 : index
      %get3A_431 = tpu.vector_load %arg4[%get3A_428, %get3A_429, %get3A_430] {strides = array<i32>} : memref<16x16x256xf32, #tpu.memory_space<vmem>>, vector<1x1x16xf32>,
      %get3A_432 = vector.shape_cast %get3A_431 : vector<1x1x16xf32> to vector<16xf32>
      %get3A_433 = arith.constant 8 : i32
      %get3A_434 = arith.index_cast %add3A_155 : i32 to index
      %get3A_435 = arith.index_cast %get3A_433 : i32 to index
      %get3A_436 = arith.constant 32 : index
      %get3A_437 = tpu.vector_load %arg4[%get3A_434, %get3A_435, %get3A_436] {strides = array<i32>} : memref<16x16x256xf32, #tpu.memory_space<vmem>>, vector<1x1x16xf32>,
      %get3A_438 = vector.shape_cast %get3A_437 : vector<1x1x16xf32> to vector<16xf32>
      %get3A_439 = arith.constant 9 : i32
      %get3A_440 = arith.index_cast %add3A_155 : i32 to index
      %get3A_441 = arith.index_cast %get3A_439 : i32 to index
      %get3A_442 = arith.constant 32 : index
      %get3A_443 = tpu.vector_load %arg4[%get3A_440, %get3A_441, %get3A_442] {strides = array<i32>} : memref<16x16x256xf32, #tpu.memory_space<vmem>>, vector<1x1x16xf32>,
      %get3A_444 = vector.shape_cast %get3A_443 : vector<1x1x16xf32> to vector<16xf32>
      %get3A_445 = arith.constant 10 : i32
      %get3A_446 = arith.index_cast %add3A_155 : i32 to index
      %get3A_447 = arith.index_cast %get3A_445 : i32 to index
      %get3A_448 = arith.constant 32 : index
      %get3A_449 = tpu.vector_load %arg4[%get3A_446, %get3A_447, %get3A_448] {strides = array<i32>} : memref<16x16x256xf32, #tpu.memory_space<vmem>>, vector<1x1x16xf32>,
      %get3A_450 = vector.shape_cast %get3A_449 : vector<1x1x16xf32> to vector<16xf32>
      %get3A_451 = arith.constant 11 : i32
      %get3A_452 = arith.index_cast %add3A_155 : i32 to index
      %get3A_453 = arith.index_cast %get3A_451 : i32 to index
      %get3A_454 = arith.constant 32 : index
      %get3A_455 = tpu.vector_load %arg4[%get3A_452, %get3A_453, %get3A_454] {strides = array<i32>} : memref<16x16x256xf32, #tpu.memory_space<vmem>>, vector<1x1x16xf32>,
      %get3A_456 = vector.shape_cast %get3A_455 : vector<1x1x16xf32> to vector<16xf32>
      %get3A_457 = arith.constant 12 : i32
      %get3A_458 = arith.index_cast %add3A_155 : i32 to index
      %get3A_459 = arith.index_cast %get3A_457 : i32 to index
      %get3A_460 = arith.constant 32 : index
      %get3A_461 = tpu.vector_load %arg4[%get3A_458, %get3A_459, %get3A_460] {strides = array<i32>} : memref<16x16x256xf32, #tpu.memory_space<vmem>>, vector<1x1x16xf32>,
      %get3A_462 = vector.shape_cast %get3A_461 : vector<1x1x16xf32> to vector<16xf32>
      %get3A_463 = arith.constant 13 : i32
      %get3A_464 = arith.index_cast %add3A_155 : i32 to index
      %get3A_465 = arith.index_cast %get3A_463 : i32 to index
      %get3A_466 = arith.constant 32 : index
      %get3A_467 = tpu.vector_load %arg4[%get3A_464, %get3A_465, %get3A_466] {strides = array<i32>} : memref<16x16x256xf32, #tpu.memory_space<vmem>>, vector<1x1x16xf32>,
      %get3A_468 = vector.shape_cast %get3A_467 : vector<1x1x16xf32> to vector<16xf32>
      %get3A_469 = arith.constant 14 : i32
      %get3A_470 = arith.index_cast %add3A_155 : i32 to index
      %get3A_471 = arith.index_cast %get3A_469 : i32 to index
      %get3A_472 = arith.constant 32 : index
      %get3A_473 = tpu.vector_load %arg4[%get3A_470, %get3A_471, %get3A_472] {strides = array<i32>} : memref<16x16x256xf32, #tpu.memory_space<vmem>>, vector<1x1x16xf32>,
      %get3A_474 = vector.shape_cast %get3A_473 : vector<1x1x16xf32> to vector<16xf32>
      %get3A_475 = arith.constant 15 : i32
      %get3A_476 = arith.index_cast %add3A_155 : i32 to index
      %get3A_477 = arith.index_cast %get3A_475 : i32 to index
      %get3A_478 = arith.constant 32 : index
      %get3A_479 = tpu.vector_load %arg4[%get3A_476, %get3A_477, %get3A_478] {strides = array<i32>} : memref<16x16x256xf32, #tpu.memory_space<vmem>>, vector<1x1x16xf32>,
      %get3A_480 = vector.shape_cast %get3A_479 : vector<1x1x16xf32> to vector<16xf32>
      %max3A_481 = arith.maximumf %get3A_390, %get3A_396 : vector<16xf32>
      %max3A_482 = arith.maximumf %get3A_402, %get3A_408 : vector<16xf32>
      %max3A_483 = arith.maximumf %get3A_414, %get3A_420 : vector<16xf32>
      %max3A_484 = arith.maximumf %get3A_426, %get3A_432 : vector<16xf32>
      %max3A_485 = arith.maximumf %get3A_438, %get3A_444 : vector<16xf32>
      %max3A_486 = arith.maximumf %get3A_450, %get3A_456 : vector<16xf32>
      %max3A_487 = arith.maximumf %get3A_462, %get3A_468 : vector<16xf32>
      %max3A_488 = arith.maximumf %get3A_474, %get3A_480 : vector<16xf32>
      %max3A_489 = arith.maximumf %max3A_481, %max3A_482 : vector<16xf32>
      %max3A_490 = arith.maximumf %max3A_483, %max3A_484 : vector<16xf32>
      %max3A_491 = arith.maximumf %max3A_485, %max3A_486 : vector<16xf32>
      %max3A_492 = arith.maximumf %max3A_487, %max3A_488 : vector<16xf32>
      %max3A_493 = arith.maximumf %max3A_489, %max3A_490 : vector<16xf32>
      %max3A_494 = arith.maximumf %max3A_491, %max3A_492 : vector<16xf32>
      %max3A_495 = arith.maximumf %max3A_493, %max3A_494 : vector<16xf32>
      %swap3A_496 = arith.index_cast %add3A_155 : i32 to index
      %swap3A_497 = arith.constant 32 : index
      %swap3A_498 = tpu.vector_load %arg5[%swap3A_496, %swap3A_497] {strides = array<i32>} : memref<16x256xf32, #tpu.memory_space<vmem>>, vector<1x16xf32>,
      %swap3A_499 = vector.shape_cast %swap3A_498 : vector<1x16xf32> to vector<16xf32>
      %swap3A_500 = vector.shape_cast %max3A_495 : vector<16xf32> to vector<1x16xf32>
      tpu.vector_store %arg5[%swap3A_496, %swap3A_497], %swap3A_500 {strides = array<i32>} : memref<16x256xf32, #tpu.memory_space<vmem>>, vector<1x16xf32>,
      %get3A_501 = arith.constant 0 : i32
      %get3A_502 = arith.index_cast %add3A_155 : i32 to index
      %get3A_503 = arith.index_cast %get3A_501 : i32 to index
      %get3A_504 = arith.constant 48 : index
      %get3A_505 = tpu.vector_load %arg4[%get3A_502, %get3A_503, %get3A_504] {strides = array<i32>} : memref<16x16x256xf32, #tpu.memory_space<vmem>>, vector<1x1x16xf32>,
      %get3A_506 = vector.shape_cast %get3A_505 : vector<1x1x16xf32> to vector<16xf32>
      %get3A_507 = arith.constant 1 : i32
      %get3A_508 = arith.index_cast %add3A_155 : i32 to index
      %get3A_509 = arith.index_cast %get3A_507 : i32 to index
      %get3A_510 = arith.constant 48 : index
      %get3A_511 = tpu.vector_load %arg4[%get3A_508, %get3A_509, %get3A_510] {strides = array<i32>} : memref<16x16x256xf32, #tpu.memory_space<vmem>>, vector<1x1x16xf32>,
      %get3A_512 = vector.shape_cast %get3A_511 : vector<1x1x16xf32> to vector<16xf32>
      %get3A_513 = arith.constant 2 : i32
      %get3A_514 = arith.index_cast %add3A_155 : i32 to index
      %get3A_515 = arith.index_cast %get3A_513 : i32 to index
      %get3A_516 = arith.constant 48 : index
      %get3A_517 = tpu.vector_load %arg4[%get3A_514, %get3A_515, %get3A_516] {strides = array<i32>} : memref<16x16x256xf32, #tpu.memory_space<vmem>>, vector<1x1x16xf32>,
      %get3A_518 = vector.shape_cast %get3A_517 : vector<1x1x16xf32> to vector<16xf32>
      %get3A_519 = arith.constant 3 : i32
      %get3A_520 = arith.index_cast %add3A_155 : i32 to index
      %get3A_521 = arith.index_cast %get3A_519 : i32 to index
      %get3A_522 = arith.constant 48 : index
      %get3A_523 = tpu.vector_load %arg4[%get3A_520, %get3A_521, %get3A_522] {strides = array<i32>} : memref<16x16x256xf32, #tpu.memory_space<vmem>>, vector<1x1x16xf32>,
      %get3A_524 = vector.shape_cast %get3A_523 : vector<1x1x16xf32> to vector<16xf32>
      %get3A_525 = arith.constant 4 : i32
      %get3A_526 = arith.index_cast %add3A_155 : i32 to index
      %get3A_527 = arith.index_cast %get3A_525 : i32 to index
      %get3A_528 = arith.constant 48 : index
      %get3A_529 = tpu.vector_load %arg4[%get3A_526, %get3A_527, %get3A_528] {strides = array<i32>} : memref<16x16x256xf32, #tpu.memory_space<vmem>>, vector<1x1x16xf32>,
      %get3A_530 = vector.shape_cast %get3A_529 : vector<1x1x16xf32> to vector<16xf32>
      %get3A_531 = arith.constant 5 : i32
      %get3A_532 = arith.index_cast %add3A_155 : i32 to index
      %get3A_533 = arith.index_cast %get3A_531 : i32 to index
      %get3A_534 = arith.constant 48 : index
      %get3A_535 = tpu.vector_load %arg4[%get3A_532, %get3A_533, %get3A_534] {strides = array<i32>} : memref<16x16x256xf32, #tpu.memory_space<vmem>>, vector<1x1x16xf32>,
      %get3A_536 = vector.shape_cast %get3A_535 : vector<1x1x16xf32> to vector<16xf32>
      %get3A_537 = arith.constant 6 : i32
      %get3A_538 = arith.index_cast %add3A_155 : i32 to index
      %get3A_539 = arith.index_cast %get3A_537 : i32 to index
      %get3A_540 = arith.constant 48 : index
      %get3A_541 = tpu.vector_load %arg4[%get3A_538, %get3A_539, %get3A_540] {strides = array<i32>} : memref<16x16x256xf32, #tpu.memory_space<vmem>>, vector<1x1x16xf32>,
      %get3A_542 = vector.shape_cast %get3A_541 : vector<1x1x16xf32> to vector<16xf32>
      %get3A_543 = arith.constant 7 : i32
      %get3A_544 = arith.index_cast %add3A_155 : i32 to index
      %get3A_545 = arith.index_cast %get3A_543 : i32 to index
      %get3A_546 = arith.constant 48 : index
      %get3A_547 = tpu.vector_load %arg4[%get3A_544, %get3A_545, %get3A_546] {strides = array<i32>} : memref<16x16x256xf32, #tpu.memory_space<vmem>>, vector<1x1x16xf32>,
      %get3A_548 = vector.shape_cast %get3A_547 : vector<1x1x16xf32> to vector<16xf32>
      %get3A_549 = arith.constant 8 : i32
      %get3A_550 = arith.index_cast %add3A_155 : i32 to index
      %get3A_551 = arith.index_cast %get3A_549 : i32 to index
      %get3A_552 = arith.constant 48 : index
      %get3A_553 = tpu.vector_load %arg4[%get3A_550, %get3A_551, %get3A_552] {strides = array<i32>} : memref<16x16x256xf32, #tpu.memory_space<vmem>>, vector<1x1x16xf32>,
      %get3A_554 = vector.shape_cast %get3A_553 : vector<1x1x16xf32> to vector<16xf32>
      %get3A_555 = arith.constant 9 : i32
      %get3A_556 = arith.index_cast %add3A_155 : i32 to index
      %get3A_557 = arith.index_cast %get3A_555 : i32 to index
      %get3A_558 = arith.constant 48 : index
      %get3A_559 = tpu.vector_load %arg4[%get3A_556, %get3A_557, %get3A_558] {strides = array<i32>} : memref<16x16x256xf32, #tpu.memory_space<vmem>>, vector<1x1x16xf32>,
      %get3A_560 = vector.shape_cast %get3A_559 : vector<1x1x16xf32> to vector<16xf32>
      %get3A_561 = arith.constant 10 : i32
      %get3A_562 = arith.index_cast %add3A_155 : i32 to index
      %get3A_563 = arith.index_cast %get3A_561 : i32 to index
      %get3A_564 = arith.constant 48 : index
      %get3A_565 = tpu.vector_load %arg4[%get3A_562, %get3A_563, %get3A_564] {strides = array<i32>} : memref<16x16x256xf32, #tpu.memory_space<vmem>>, vector<1x1x16xf32>,
      %get3A_566 = vector.shape_cast %get3A_565 : vector<1x1x16xf32> to vector<16xf32>
      %get3A_567 = arith.constant 11 : i32
      %get3A_568 = arith.index_cast %add3A_155 : i32 to index
      %get3A_569 = arith.index_cast %get3A_567 : i32 to index
      %get3A_570 = arith.constant 48 : index
      %get3A_571 = tpu.vector_load %arg4[%get3A_568, %get3A_569, %get3A_570] {strides = array<i32>} : memref<16x16x256xf32, #tpu.memory_space<vmem>>, vector<1x1x16xf32>,
      %get3A_572 = vector.shape_cast %get3A_571 : vector<1x1x16xf32> to vector<16xf32>
      %get3A_573 = arith.constant 12 : i32
      %get3A_574 = arith.index_cast %add3A_155 : i32 to index
      %get3A_575 = arith.index_cast %get3A_573 : i32 to index
      %get3A_576 = arith.constant 48 : index
      %get3A_577 = tpu.vector_load %arg4[%get3A_574, %get3A_575, %get3A_576] {strides = array<i32>} : memref<16x16x256xf32, #tpu.memory_space<vmem>>, vector<1x1x16xf32>,
      %get3A_578 = vector.shape_cast %get3A_577 : vector<1x1x16xf32> to vector<16xf32>
      %get3A_579 = arith.constant 13 : i32
      %get3A_580 = arith.index_cast %add3A_155 : i32 to index
      %get3A_581 = arith.index_cast %get3A_579 : i32 to index
      %get3A_582 = arith.constant 48 : index
      %get3A_583 = tpu.vector_load %arg4[%get3A_580, %get3A_581, %get3A_582] {strides = array<i32>} : memref<16x16x256xf32, #tpu.memory_space<vmem>>, vector<1x1x16xf32>,
      %get3A_584 = vector.shape_cast %get3A_583 : vector<1x1x16xf32> to vector<16xf32>
      %get3A_585 = arith.constant 14 : i32
      %get3A_586 = arith.index_cast %add3A_155 : i32 to index
      %get3A_587 = arith.index_cast %get3A_585 : i32 to index
      %get3A_588 = arith.constant 48 : index
      %get3A_589 = tpu.vector_load %arg4[%get3A_586, %get3A_587, %get3A_588] {strides = array<i32>} : memref<16x16x256xf32, #tpu.memory_space<vmem>>, vector<1x1x16xf32>,
      %get3A_590 = vector.shape_cast %get3A_589 : vector<1x1x16xf32> to vector<16xf32>
      %get3A_591 = arith.constant 15 : i32
      %get3A_592 = arith.index_cast %add3A_155 : i32 to index
      %get3A_593 = arith.index_cast %get3A_591 : i32 to index
      %get3A_594 = arith.constant 48 : index
      %get3A_595 = tpu.vector_load %arg4[%get3A_592, %get3A_593, %get3A_594] {strides = array<i32>} : memref<16x16x256xf32, #tpu.memory_space<vmem>>, vector<1x1x16xf32>,
      %get3A_596 = vector.shape_cast %get3A_595 : vector<1x1x16xf32> to vector<16xf32>
      %max3A_597 = arith.maximumf %get3A_506, %get3A_512 : vector<16xf32>
      %max3A_598 = arith.maximumf %get3A_518, %get3A_524 : vector<16xf32>
      %max3A_599 = arith.maximumf %get3A_530, %get3A_536 : vector<16xf32>
      %max3A_600 = arith.maximumf %get3A_542, %get3A_548 : vector<16xf32>
      %max3A_601 = arith.maximumf %get3A_554, %get3A_560 : vector<16xf32>
      %max3A_602 = arith.maximumf %get3A_566, %get3A_572 : vector<16xf32>
      %max3A_603 = arith.maximumf %get3A_578, %get3A_584 : vector<16xf32>
      %max3A_604 = arith.maximumf %get3A_590, %get3A_596 : vector<16xf32>
      %max3A_605 = arith.maximumf %max3A_597, %max3A_598 : vector<16xf32>
      %max3A_606 = arith.maximumf %max3A_599, %max3A_600 : vector<16xf32>
      %max3A_607 = arith.maximumf %max3A_601, %max3A_602 : vector<16xf32>
      %max3A_608 = arith.maximumf %max3A_603, %max3A_604 : vector<16xf32>
      %max3A_609 = arith.maximumf %max3A_605, %max3A_606 : vector<16xf32>
      %max3A_610 = arith.maximumf %max3A_607, %max3A_608 : vector<16xf32>
      %max3A_611 = arith.maximumf %max3A_609, %max3A_610 : vector<16xf32>
      %swap3A_612 = arith.index_cast %add3A_155 : i32 to index
      %swap3A_613 = arith.constant 48 : index
      %swap3A_614 = tpu.vector_load %arg5[%swap3A_612, %swap3A_613] {strides = array<i32>} : memref<16x256xf32, #tpu.memory_space<vmem>>, vector<1x16xf32>,
      %swap3A_615 = vector.shape_cast %swap3A_614 : vector<1x16xf32> to vector<16xf32>
      %swap3A_616 = vector.shape_cast %max3A_611 : vector<16xf32> to vector<1x16xf32>
      tpu.vector_store %arg5[%swap3A_612, %swap3A_613], %swap3A_616 {strides = array<i32>} : memref<16x256xf32, #tpu.memory_space<vmem>>, vector<1x16xf32>,
      %get3A_617 = arith.constant 0 : i32
      %get3A_618 = arith.index_cast %add3A_155 : i32 to index
      %get3A_619 = arith.index_cast %get3A_617 : i32 to index
      %get3A_620 = arith.constant 64 : index
      %get3A_621 = tpu.vector_load %arg4[%get3A_618, %get3A_619, %get3A_620] {strides = array<i32>} : memref<16x16x256xf32, #tpu.memory_space<vmem>>, vector<1x1x16xf32>,
      %get3A_622 = vector.shape_cast %get3A_621 : vector<1x1x16xf32> to vector<16xf32>
      %get3A_623 = arith.constant 1 : i32
      %get3A_624 = arith.index_cast %add3A_155 : i32 to index
      %get3A_625 = arith.index_cast %get3A_623 : i32 to index
      %get3A_626 = arith.constant 64 : index
      %get3A_627 = tpu.vector_load %arg4[%get3A_624, %get3A_625, %get3A_626] {strides = array<i32>} : memref<16x16x256xf32, #tpu.memory_space<vmem>>, vector<1x1x16xf32>,
      %get3A_628 = vector.shape_cast %get3A_627 : vector<1x1x16xf32> to vector<16xf32>
      %get3A_629 = arith.constant 2 : i32
      %get3A_630 = arith.index_cast %add3A_155 : i32 to index
      %get3A_631 = arith.index_cast %get3A_629 : i32 to index
      %get3A_632 = arith.constant 64 : index
      %get3A_633 = tpu.vector_load %arg4[%get3A_630, %get3A_631, %get3A_632] {strides = array<i32>} : memref<16x16x256xf32, #tpu.memory_space<vmem>>, vector<1x1x16xf32>,
      %get3A_634 = vector.shape_cast %get3A_633 : vector<1x1x16xf32> to vector<16xf32>
      %get3A_635 = arith.constant 3 : i32
      %get3A_636 = arith.index_cast %add3A_155 : i32 to index
      %get3A_637 = arith.index_cast %get3A_635 : i32 to index
      %get3A_638 = arith.constant 64 : index
      %get3A_639 = tpu.vector_load %arg4[%get3A_636, %get3A_637, %get3A_638] {strides = array<i32>} : memref<16x16x256xf32, #tpu.memory_space<vmem>>, vector<1x1x16xf32>,
      %get3A_640 = vector.shape_cast %get3A_639 : vector<1x1x16xf32> to vector<16xf32>
      %get3A_641 = arith.constant 4 : i32
      %get3A_642 = arith.index_cast %add3A_155 : i32 to index
      %get3A_643 = arith.index_cast %get3A_641 : i32 to index
      %get3A_644 = arith.constant 64 : index
      %get3A_645 = tpu.vector_load %arg4[%get3A_642, %get3A_643, %get3A_644] {strides = array<i32>} : memref<16x16x256xf32, #tpu.memory_space<vmem>>, vector<1x1x16xf32>,
      %get3A_646 = vector.shape_cast %get3A_645 : vector<1x1x16xf32> to vector<16xf32>
      %get3A_647 = arith.constant 5 : i32
      %get3A_648 = arith.index_cast %add3A_155 : i32 to index
      %get3A_649 = arith.index_cast %get3A_647 : i32 to index
      %get3A_650 = arith.constant 64 : index
      %get3A_651 = tpu.vector_load %arg4[%get3A_648, %get3A_649, %get3A_650] {strides = array<i32>} : memref<16x16x256xf32, #tpu.memory_space<vmem>>, vector<1x1x16xf32>,
      %get3A_652 = vector.shape_cast %get3A_651 : vector<1x1x16xf32> to vector<16xf32>
      %get3A_653 = arith.constant 6 : i32
      %get3A_654 = arith.index_cast %add3A_155 : i32 to index
      %get3A_655 = arith.index_cast %get3A_653 : i32 to index
      %get3A_656 = arith.constant 64 : index
      %get3A_657 = tpu.vector_load %arg4[%get3A_654, %get3A_655, %get3A_656] {strides = array<i32>} : memref<16x16x256xf32, #tpu.memory_space<vmem>>, vector<1x1x16xf32>,
      %get3A_658 = vector.shape_cast %get3A_657 : vector<1x1x16xf32> to vector<16xf32>
      %get3A_659 = arith.constant 7 : i32
      %get3A_660 = arith.index_cast %add3A_155 : i32 to index
      %get3A_661 = arith.index_cast %get3A_659 : i32 to index
      %get3A_662 = arith.constant 64 : index
      %get3A_663 = tpu.vector_load %arg4[%get3A_660, %get3A_661, %get3A_662] {strides = array<i32>} : memref<16x16x256xf32, #tpu.memory_space<vmem>>, vector<1x1x16xf32>,
      %get3A_664 = vector.shape_cast %get3A_663 : vector<1x1x16xf32> to vector<16xf32>
      %get3A_665 = arith.constant 8 : i32
      %get3A_666 = arith.index_cast %add3A_155 : i32 to index
      %get3A_667 = arith.index_cast %get3A_665 : i32 to index
      %get3A_668 = arith.constant 64 : index
      %get3A_669 = tpu.vector_load %arg4[%get3A_666, %get3A_667, %get3A_668] {strides = array<i32>} : memref<16x16x256xf32, #tpu.memory_space<vmem>>, vector<1x1x16xf32>,
      %get3A_670 = vector.shape_cast %get3A_669 : vector<1x1x16xf32> to vector<16xf32>
      %get3A_671 = arith.constant 9 : i32
      %get3A_672 = arith.index_cast %add3A_155 : i32 to index
      %get3A_673 = arith.index_cast %get3A_671 : i32 to index
      %get3A_674 = arith.constant 64 : index
      %get3A_675 = tpu.vector_load %arg4[%get3A_672, %get3A_673, %get3A_674] {strides = array<i32>} : memref<16x16x256xf32, #tpu.memory_space<vmem>>, vector<1x1x16xf32>,
      %get3A_676 = vector.shape_cast %get3A_675 : vector<1x1x16xf32> to vector<16xf32>
      %get3A_677 = arith.constant 10 : i32
      %get3A_678 = arith.index_cast %add3A_155 : i32 to index
      %get3A_679 = arith.index_cast %get3A_677 : i32 to index
      %get3A_680 = arith.constant 64 : index
      %get3A_681 = tpu.vector_load %arg4[%get3A_678, %get3A_679, %get3A_680] {strides = array<i32>} : memref<16x16x256xf32, #tpu.memory_space<vmem>>, vector<1x1x16xf32>,
      %get3A_682 = vector.shape_cast %get3A_681 : vector<1x1x16xf32> to vector<16xf32>
      %get3A_683 = arith.constant 11 : i32
      %get3A_684 = arith.index_cast %add3A_155 : i32 to index
      %get3A_685 = arith.index_cast %get3A_683 : i32 to index
      %get3A_686 = arith.constant 64 : index
      %get3A_687 = tpu.vector_load %arg4[%get3A_684, %get3A_685, %get3A_686] {strides = array<i32>} : memref<16x16x256xf32, #tpu.memory_space<vmem>>, vector<1x1x16xf32>,
      %get3A_688 = vector.shape_cast %get3A_687 : vector<1x1x16xf32> to vector<16xf32>
      %get3A_689 = arith.constant 12 : i32
      %get3A_690 = arith.index_cast %add3A_155 : i32 to index
      %get3A_691 = arith.index_cast %get3A_689 : i32 to index
      %get3A_692 = arith.constant 64 : index
      %get3A_693 = tpu.vector_load %arg4[%get3A_690, %get3A_691, %get3A_692] {strides = array<i32>} : memref<16x16x256xf32, #tpu.memory_space<vmem>>, vector<1x1x16xf32>,
      %get3A_694 = vector.shape_cast %get3A_693 : vector<1x1x16xf32> to vector<16xf32>
      %get3A_695 = arith.constant 13 : i32
      %get3A_696 = arith.index_cast %add3A_155 : i32 to index
      %get3A_697 = arith.index_cast %get3A_695 : i32 to index
      %get3A_698 = arith.constant 64 : index
      %get3A_699 = tpu.vector_load %arg4[%get3A_696, %get3A_697, %get3A_698] {strides = array<i32>} : memref<16x16x256xf32, #tpu.memory_space<vmem>>, vector<1x1x16xf32>,
      %get3A_700 = vector.shape_cast %get3A_699 : vector<1x1x16xf32> to vector<16xf32>
      %get3A_701 = arith.constant 14 : i32
      %get3A_702 = arith.index_cast %add3A_155 : i32 to index
      %get3A_703 = arith.index_cast %get3A_701 : i32 to index
      %get3A_704 = arith.constant 64 : index
      %get3A_705 = tpu.vector_load %arg4[%get3A_702, %get3A_703, %get3A_704] {strides = array<i32>} : memref<16x16x256xf32, #tpu.memory_space<vmem>>, vector<1x1x16xf32>,
      %get3A_706 = vector.shape_cast %get3A_705 : vector<1x1x16xf32> to vector<16xf32>
      %get3A_707 = arith.constant 15 : i32
      %get3A_708 = arith.index_cast %add3A_155 : i32 to index
      %get3A_709 = arith.index_cast %get3A_707 : i32 to index
      %get3A_710 = arith.constant 64 : index
      %get3A_711 = tpu.vector_load %arg4[%get3A_708, %get3A_709, %get3A_710] {strides = array<i32>} : memref<16x16x256xf32, #tpu.memory_space<vmem>>, vector<1x1x16xf32>,
      %get3A_712 = vector.shape_cast %get3A_711 : vector<1x1x16xf32> to vector<16xf32>
      %max3A_713 = arith.maximumf %get3A_622, %get3A_628 : vector<16xf32>
      %max3A_714 = arith.maximumf %get3A_634, %get3A_640 : vector<16xf32>
      %max3A_715 = arith.maximumf %get3A_646, %get3A_652 : vector<16xf32>
      %max3A_716 = arith.maximumf %get3A_658, %get3A_664 : vector<16xf32>
      %max3A_717 = arith.maximumf %get3A_670, %get3A_676 : vector<16xf32>
      %max3A_718 = arith.maximumf %get3A_682, %get3A_688 : vector<16xf32>
      %max3A_719 = arith.maximumf %get3A_694, %get3A_700 : vector<16xf32>
      %max3A_720 = arith.maximumf %get3A_706, %get3A_712 : vector<16xf32>
      %max3A_721 = arith.maximumf %max3A_713, %max3A_714 : vector<16xf32>
      %max3A_722 = arith.maximumf %max3A_715, %max3A_716 : vector<16xf32>
      %max3A_723 = arith.maximumf %max3A_717, %max3A_718 : vector<16xf32>
      %max3A_724 = arith.maximumf %max3A_719, %max3A_720 : vector<16xf32>
      %max3A_725 = arith.maximumf %max3A_721, %max3A_722 : vector<16xf32>
      %max3A_726 = arith.maximumf %max3A_723, %max3A_724 : vector<16xf32>
      %max3A_727 = arith.maximumf %max3A_725, %max3A_726 : vector<16xf32>
      %swap3A_728 = arith.index_cast %add3A_155 : i32 to index
      %swap3A_729 = arith.constant 64 : index
      %swap3A_730 = tpu.vector_load %arg5[%swap3A_728, %swap3A_729] {strides = array<i32>} : memref<16x256xf32, #tpu.memory_space<vmem>>, vector<1x16xf32>,
      %swap3A_731 = vector.shape_cast %swap3A_730 : vector<1x16xf32> to vector<16xf32>
      %swap3A_732 = vector.shape_cast %max3A_727 : vector<16xf32> to vector<1x16xf32>
      tpu.vector_store %arg5[%swap3A_728, %swap3A_729], %swap3A_732 {strides = array<i32>} : memref<16x256xf32, #tpu.memory_space<vmem>>, vector<1x16xf32>,
      %get3A_733 = arith.constant 0 : i32
      %get3A_734 = arith.index_cast %add3A_155 : i32 to index
      %get3A_735 = arith.index_cast %get3A_733 : i32 to index
      %get3A_736 = arith.constant 80 : index
      %get3A_737 = tpu.vector_load %arg4[%get3A_734, %get3A_735, %get3A_736] {strides = array<i32>} : memref<16x16x256xf32, #tpu.memory_space<vmem>>, vector<1x1x16xf32>,
      %get3A_738 = vector.shape_cast %get3A_737 : vector<1x1x16xf32> to vector<16xf32>
      %get3A_739 = arith.constant 1 : i32
      %get3A_740 = arith.index_cast %add3A_155 : i32 to index
      %get3A_741 = arith.index_cast %get3A_739 : i32 to index
      %get3A_742 = arith.constant 80 : index
      %get3A_743 = tpu.vector_load %arg4[%get3A_740, %get3A_741, %get3A_742] {strides = array<i32>} : memref<16x16x256xf32, #tpu.memory_space<vmem>>, vector<1x1x16xf32>,
      %get3A_744 = vector.shape_cast %get3A_743 : vector<1x1x16xf32> to vector<16xf32>
      %get3A_745 = arith.constant 2 : i32
      %get3A_746 = arith.index_cast %add3A_155 : i32 to index
      %get3A_747 = arith.index_cast %get3A_745 : i32 to index
      %get3A_748 = arith.constant 80 : index
      %get3A_749 = tpu.vector_load %arg4[%get3A_746, %get3A_747, %get3A_748] {strides = array<i32>} : memref<16x16x256xf32, #tpu.memory_space<vmem>>, vector<1x1x16xf32>,
      %get3A_750 = vector.shape_cast %get3A_749 : vector<1x1x16xf32> to vector<16xf32>
      %get3A_751 = arith.constant 3 : i32
      %get3A_752 = arith.index_cast %add3A_155 : i32 to index
      %get3A_753 = arith.index_cast %get3A_751 : i32 to index
      %get3A_754 = arith.constant 80 : index
      %get3A_755 = tpu.vector_load %arg4[%get3A_752, %get3A_753, %get3A_754] {strides = array<i32>} : memref<16x16x256xf32, #tpu.memory_space<vmem>>, vector<1x1x16xf32>,
      %get3A_756 = vector.shape_cast %get3A_755 : vector<1x1x16xf32> to vector<16xf32>
      %get3A_757 = arith.constant 4 : i32
      %get3A_758 = arith.index_cast %add3A_155 : i32 to index
      %get3A_759 = arith.index_cast %get3A_757 : i32 to index
      %get3A_760 = arith.constant 80 : index
      %get3A_761 = tpu.vector_load %arg4[%get3A_758, %get3A_759, %get3A_760] {strides = array<i32>} : memref<16x16x256xf32, #tpu.memory_space<vmem>>, vector<1x1x16xf32>,
      %get3A_762 = vector.shape_cast %get3A_761 : vector<1x1x16xf32> to vector<16xf32>
      %get3A_763 = arith.constant 5 : i32
      %get3A_764 = arith.index_cast %add3A_155 : i32 to index
      %get3A_765 = arith.index_cast %get3A_763 : i32 to index
      %get3A_766 = arith.constant 80 : index
      %get3A_767 = tpu.vector_load %arg4[%get3A_764, %get3A_765, %get3A_766] {strides = array<i32>} : memref<16x16x256xf32, #tpu.memory_space<vmem>>, vector<1x1x16xf32>,
      %get3A_768 = vector.shape_cast %get3A_767 : vector<1x1x16xf32> to vector<16xf32>
      %get3A_769 = arith.constant 6 : i32
      %get3A_770 = arith.index_cast %add3A_155 : i32 to index
      %get3A_771 = arith.index_cast %get3A_769 : i32 to index
      %get3A_772 = arith.constant 80 : index
      %get3A_773 = tpu.vector_load %arg4[%get3A_770, %get3A_771, %get3A_772] {strides = array<i32>} : memref<16x16x256xf32, #tpu.memory_space<vmem>>, vector<1x1x16xf32>,
      %get3A_774 = vector.shape_cast %get3A_773 : vector<1x1x16xf32> to vector<16xf32>
      %get3A_775 = arith.constant 7 : i32
      %get3A_776 = arith.index_cast %add3A_155 : i32 to index
      %get3A_777 = arith.index_cast %get3A_775 : i32 to index
      %get3A_778 = arith.constant 80 : index
      %get3A_779 = tpu.vector_load %arg4[%get3A_776, %get3A_777, %get3A_778] {strides = array<i32>} : memref<16x16x256xf32, #tpu.memory_space<vmem>>, vector<1x1x16xf32>,
      %get3A_780 = vector.shape_cast %get3A_779 : vector<1x1x16xf32> to vector<16xf32>
      %get3A_781 = arith.constant 8 : i32
      %get3A_782 = arith.index_cast %add3A_155 : i32 to index
      %get3A_783 = arith.index_cast %get3A_781 : i32 to index
      %get3A_784 = arith.constant 80 : index
      %get3A_785 = tpu.vector_load %arg4[%get3A_782, %get3A_783, %get3A_784] {strides = array<i32>} : memref<16x16x256xf32, #tpu.memory_space<vmem>>, vector<1x1x16xf32>,
      %get3A_786 = vector.shape_cast %get3A_785 : vector<1x1x16xf32> to vector<16xf32>
      %get3A_787 = arith.constant 9 : i32
      %get3A_788 = arith.index_cast %add3A_155 : i32 to index
      %get3A_789 = arith.index_cast %get3A_787 : i32 to index
      %get3A_790 = arith.constant 80 : index
      %get3A_791 = tpu.vector_load %arg4[%get3A_788, %get3A_789, %get3A_790] {strides = array<i32>} : memref<16x16x256xf32, #tpu.memory_space<vmem>>, vector<1x1x16xf32>,
      %get3A_792 = vector.shape_cast %get3A_791 : vector<1x1x16xf32> to vector<16xf32>
      %get3A_793 = arith.constant 10 : i32
      %get3A_794 = arith.index_cast %add3A_155 : i32 to index
      %get3A_795 = arith.index_cast %get3A_793 : i32 to index
      %get3A_796 = arith.constant 80 : index
      %get3A_797 = tpu.vector_load %arg4[%get3A_794, %get3A_795, %get3A_796] {strides = array<i32>} : memref<16x16x256xf32, #tpu.memory_space<vmem>>, vector<1x1x16xf32>,
      %get3A_798 = vector.shape_cast %get3A_797 : vector<1x1x16xf32> to vector<16xf32>
      %get3A_799 = arith.constant 11 : i32
      %get3A_800 = arith.index_cast %add3A_155 : i32 to index
      %get3A_801 = arith.index_cast %get3A_799 : i32 to index
      %get3A_802 = arith.constant 80 : index
      %get3A_803 = tpu.vector_load %arg4[%get3A_800, %get3A_801, %get3A_802] {strides = array<i32>} : memref<16x16x256xf32, #tpu.memory_space<vmem>>, vector<1x1x16xf32>,
      %get3A_804 = vector.shape_cast %get3A_803 : vector<1x1x16xf32> to vector<16xf32>
      %get3A_805 = arith.constant 12 : i32
      %get3A_806 = arith.index_cast %add3A_155 : i32 to index
      %get3A_807 = arith.index_cast %get3A_805 : i32 to index
      %get3A_808 = arith.constant 80 : index
      %get3A_809 = tpu.vector_load %arg4[%get3A_806, %get3A_807, %get3A_808] {strides = array<i32>} : memref<16x16x256xf32, #tpu.memory_space<vmem>>, vector<1x1x16xf32>,
      %get3A_810 = vector.shape_cast %get3A_809 : vector<1x1x16xf32> to vector<16xf32>
      %get3A_811 = arith.constant 13 : i32
      %get3A_812 = arith.index_cast %add3A_155 : i32 to index
      %get3A_813 = arith.index_cast %get3A_811 : i32 to index
      %get3A_814 = arith.constant 80 : index
      %get3A_815 = tpu.vector_load %arg4[%get3A_812, %get3A_813, %get3A_814] {strides = array<i32>} : memref<16x16x256xf32, #tpu.memory_space<vmem>>, vector<1x1x16xf32>,
      %get3A_816 = vector.shape_cast %get3A_815 : vector<1x1x16xf32> to vector<16xf32>
      %get3A_817 = arith.constant 14 : i32
      %get3A_818 = arith.index_cast %add3A_155 : i32 to index
      %get3A_819 = arith.index_cast %get3A_817 : i32 to index
      %get3A_820 = arith.constant 80 : index
      %get3A_821 = tpu.vector_load %arg4[%get3A_818, %get3A_819, %get3A_820] {strides = array<i32>} : memref<16x16x256xf32, #tpu.memory_space<vmem>>, vector<1x1x16xf32>,
      %get3A_822 = vector.shape_cast %get3A_821 : vector<1x1x16xf32> to vector<16xf32>
      %get3A_823 = arith.constant 15 : i32
      %get3A_824 = arith.index_cast %add3A_155 : i32 to index
      %get3A_825 = arith.index_cast %get3A_823 : i32 to index
      %get3A_826 = arith.constant 80 : index
      %get3A_827 = tpu.vector_load %arg4[%get3A_824, %get3A_825, %get3A_826] {strides = array<i32>} : memref<16x16x256xf32, #tpu.memory_space<vmem>>, vector<1x1x16xf32>,
      %get3A_828 = vector.shape_cast %get3A_827 : vector<1x1x16xf32> to vector<16xf32>
      %max3A_829 = arith.maximumf %get3A_738, %get3A_744 : vector<16xf32>
      %max3A_830 = arith.maximumf %get3A_750, %get3A_756 : vector<16xf32>
      %max3A_831 = arith.maximumf %get3A_762, %get3A_768 : vector<16xf32>
      %max3A_832 = arith.maximumf %get3A_774, %get3A_780 : vector<16xf32>
      %max3A_833 = arith.maximumf %get3A_786, %get3A_792 : vector<16xf32>
      %max3A_834 = arith.maximumf %get3A_798, %get3A_804 : vector<16xf32>
      %max3A_835 = arith.maximumf %get3A_810, %get3A_816 : vector<16xf32>
      %max3A_836 = arith.maximumf %get3A_822, %get3A_828 : vector<16xf32>
      %max3A_837 = arith.maximumf %max3A_829, %max3A_830 : vector<16xf32>
      %max3A_838 = arith.maximumf %max3A_831, %max3A_832 : vector<16xf32>
      %max3A_839 = arith.maximumf %max3A_833, %max3A_834 : vector<16xf32>
      %max3A_840 = arith.maximumf %max3A_835, %max3A_836 : vector<16xf32>
      %max3A_841 = arith.maximumf %max3A_837, %max3A_838 : vector<16xf32>
      %max3A_842 = arith.maximumf %max3A_839, %max3A_840 : vector<16xf32>
      %max3A_843 = arith.maximumf %max3A_841, %max3A_842 : vector<16xf32>
      %swap3A_844 = arith.index_cast %add3A_155 : i32 to index
      %swap3A_845 = arith.constant 80 : index
      %swap3A_846 = tpu.vector_load %arg5[%swap3A_844, %swap3A_845] {strides = array<i32>} : memref<16x256xf32, #tpu.memory_space<vmem>>, vector<1x16xf32>,
      %swap3A_847 = vector.shape_cast %swap3A_846 : vector<1x16xf32> to vector<16xf32>
      %swap3A_848 = vector.shape_cast %max3A_843 : vector<16xf32> to vector<1x16xf32>
      tpu.vector_store %arg5[%swap3A_844, %swap3A_845], %swap3A_848 {strides = array<i32>} : memref<16x256xf32, #tpu.memory_space<vmem>>, vector<1x16xf32>,
      %get3A_849 = arith.constant 0 : i32
      %get3A_850 = arith.index_cast %add3A_155 : i32 to index
      %get3A_851 = arith.index_cast %get3A_849 : i32 to index
      %get3A_852 = arith.constant 96 : index
      %get3A_853 = tpu.vector_load %arg4[%get3A_850, %get3A_851, %get3A_852] {strides = array<i32>} : memref<16x16x256xf32, #tpu.memory_space<vmem>>, vector<1x1x16xf32>,
      %get3A_854 = vector.shape_cast %get3A_853 : vector<1x1x16xf32> to vector<16xf32>
      %get3A_855 = arith.constant 1 : i32
      %get3A_856 = arith.index_cast %add3A_155 : i32 to index
      %get3A_857 = arith.index_cast %get3A_855 : i32 to index
      %get3A_858 = arith.constant 96 : index
      %get3A_859 = tpu.vector_load %arg4[%get3A_856, %get3A_857, %get3A_858] {strides = array<i32>} : memref<16x16x256xf32, #tpu.memory_space<vmem>>, vector<1x1x16xf32>,
      %get3A_860 = vector.shape_cast %get3A_859 : vector<1x1x16xf32> to vector<16xf32>
      %get3A_861 = arith.constant 2 : i32
      %get3A_862 = arith.index_cast %add3A_155 : i32 to index
      %get3A_863 = arith.index_cast %get3A_861 : i32 to index
      %get3A_864 = arith.constant 96 : index
      %get3A_865 = tpu.vector_load %arg4[%get3A_862, %get3A_863, %get3A_864] {strides = array<i32>} : memref<16x16x256xf32, #tpu.memory_space<vmem>>, vector<1x1x16xf32>,
      %get3A_866 = vector.shape_cast %get3A_865 : vector<1x1x16xf32> to vector<16xf32>
      %get3A_867 = arith.constant 3 : i32
      %get3A_868 = arith.index_cast %add3A_155 : i32 to index
      %get3A_869 = arith.index_cast %get3A_867 : i32 to index
      %get3A_870 = arith.constant 96 : index
      %get3A_871 = tpu.vector_load %arg4[%get3A_868, %get3A_869, %get3A_870] {strides = array<i32>} : memref<16x16x256xf32, #tpu.memory_space<vmem>>, vector<1x1x16xf32>,
      %get3A_872 = vector.shape_cast %get3A_871 : vector<1x1x16xf32> to vector<16xf32>
      %get3A_873 = arith.constant 4 : i32
      %get3A_874 = arith.index_cast %add3A_155 : i32 to index
      %get3A_875 = arith.index_cast %get3A_873 : i32 to index
      %get3A_876 = arith.constant 96 : index
      %get3A_877 = tpu.vector_load %arg4[%get3A_874, %get3A_875, %get3A_876] {strides = array<i32>} : memref<16x16x256xf32, #tpu.memory_space<vmem>>, vector<1x1x16xf32>,
      %get3A_878 = vector.shape_cast %get3A_877 : vector<1x1x16xf32> to vector<16xf32>
      %get3A_879 = arith.constant 5 : i32
      %get3A_880 = arith.index_cast %add3A_155 : i32 to index
      %get3A_881 = arith.index_cast %get3A_879 : i32 to index
      %get3A_882 = arith.constant 96 : index
      %get3A_883 = tpu.vector_load %arg4[%get3A_880, %get3A_881, %get3A_882] {strides = array<i32>} : memref<16x16x256xf32, #tpu.memory_space<vmem>>, vector<1x1x16xf32>,
      %get3A_884 = vector.shape_cast %get3A_883 : vector<1x1x16xf32> to vector<16xf32>
      %get3A_885 = arith.constant 6 : i32
      %get3A_886 = arith.index_cast %add3A_155 : i32 to index
      %get3A_887 = arith.index_cast %get3A_885 : i32 to index
      %get3A_888 = arith.constant 96 : index
      %get3A_889 = tpu.vector_load %arg4[%get3A_886, %get3A_887, %get3A_888] {strides = array<i32>} : memref<16x16x256xf32, #tpu.memory_space<vmem>>, vector<1x1x16xf32>,
      %get3A_890 = vector.shape_cast %get3A_889 : vector<1x1x16xf32> to vector<16xf32>
      %get3A_891 = arith.constant 7 : i32
      %get3A_892 = arith.index_cast %add3A_155 : i32 to index
      %get3A_893 = arith.index_cast %get3A_891 : i32 to index
      %get3A_894 = arith.constant 96 : index
      %get3A_895 = tpu.vector_load %arg4[%get3A_892, %get3A_893, %get3A_894] {strides = array<i32>} : memref<16x16x256xf32, #tpu.memory_space<vmem>>, vector<1x1x16xf32>,
      %get3A_896 = vector.shape_cast %get3A_895 : vector<1x1x16xf32> to vector<16xf32>
      %get3A_897 = arith.constant 8 : i32
      %get3A_898 = arith.index_cast %add3A_155 : i32 to index
      %get3A_899 = arith.index_cast %get3A_897 : i32 to index
      %get3A_900 = arith.constant 96 : index
      %get3A_901 = tpu.vector_load %arg4[%get3A_898, %get3A_899, %get3A_900] {strides = array<i32>} : memref<16x16x256xf32, #tpu.memory_space<vmem>>, vector<1x1x16xf32>,
      %get3A_902 = vector.shape_cast %get3A_901 : vector<1x1x16xf32> to vector<16xf32>
      %get3A_903 = arith.constant 9 : i32
      %get3A_904 = arith.index_cast %add3A_155 : i32 to index
      %get3A_905 = arith.index_cast %get3A_903 : i32 to index
      %get3A_906 = arith.constant 96 : index
      %get3A_907 = tpu.vector_load %arg4[%get3A_904, %get3A_905, %get3A_906] {strides = array<i32>} : memref<16x16x256xf32, #tpu.memory_space<vmem>>, vector<1x1x16xf32>,
      %get3A_908 = vector.shape_cast %get3A_907 : vector<1x1x16xf32> to vector<16xf32>
      %get3A_909 = arith.constant 10 : i32
      %get3A_910 = arith.index_cast %add3A_155 : i32 to index
      %get3A_911 = arith.index_cast %get3A_909 : i32 to index
      %get3A_912 = arith.constant 96 : index
      %get3A_913 = tpu.vector_load %arg4[%get3A_910, %get3A_911, %get3A_912] {strides = array<i32>} : memref<16x16x256xf32, #tpu.memory_space<vmem>>, vector<1x1x16xf32>,
      %get3A_914 = vector.shape_cast %get3A_913 : vector<1x1x16xf32> to vector<16xf32>
      %get3A_915 = arith.constant 11 : i32
      %get3A_916 = arith.index_cast %add3A_155 : i32 to index
      %get3A_917 = arith.index_cast %get3A_915 : i32 to index
      %get3A_918 = arith.constant 96 : index
      %get3A_919 = tpu.vector_load %arg4[%get3A_916, %get3A_917, %get3A_918] {strides = array<i32>} : memref<16x16x256xf32, #tpu.memory_space<vmem>>, vector<1x1x16xf32>,
      %get3A_920 = vector.shape_cast %get3A_919 : vector<1x1x16xf32> to vector<16xf32>
      %get3A_921 = arith.constant 12 : i32
      %get3A_922 = arith.index_cast %add3A_155 : i32 to index
      %get3A_923 = arith.index_cast %get3A_921 : i32 to index
      %get3A_924 = arith.constant 96 : index
      %get3A_925 = tpu.vector_load %arg4[%get3A_922, %get3A_923, %get3A_924] {strides = array<i32>} : memref<16x16x256xf32, #tpu.memory_space<vmem>>, vector<1x1x16xf32>,
      %get3A_926 = vector.shape_cast %get3A_925 : vector<1x1x16xf32> to vector<16xf32>
      %get3A_927 = arith.constant 13 : i32
      %get3A_928 = arith.index_cast %add3A_155 : i32 to index
      %get3A_929 = arith.index_cast %get3A_927 : i32 to index
      %get3A_930 = arith.constant 96 : index
      %get3A_931 = tpu.vector_load %arg4[%get3A_928, %get3A_929, %get3A_930] {strides = array<i32>} : memref<16x16x256xf32, #tpu.memory_space<vmem>>, vector<1x1x16xf32>,
      %get3A_932 = vector.shape_cast %get3A_931 : vector<1x1x16xf32> to vector<16xf32>
      %get3A_933 = arith.constant 14 : i32
      %get3A_934 = arith.index_cast %add3A_155 : i32 to index
      %get3A_935 = arith.index_cast %get3A_933 : i32 to index
      %get3A_936 = arith.constant 96 : index
      %get3A_937 = tpu.vector_load %arg4[%get3A_934, %get3A_935, %get3A_936] {strides = array<i32>} : memref<16x16x256xf32, #tpu.memory_space<vmem>>, vector<1x1x16xf32>,
      %get3A_938 = vector.shape_cast %get3A_937 : vector<1x1x16xf32> to vector<16xf32>
      %get3A_939 = arith.constant 15 : i32
      %get3A_940 = arith.index_cast %add3A_155 : i32 to index
      %get3A_941 = arith.index_cast %get3A_939 : i32 to index
      %get3A_942 = arith.constant 96 : index
      %get3A_943 = tpu.vector_load %arg4[%get3A_940, %get3A_941, %get3A_942] {strides = array<i32>} : memref<16x16x256xf32, #tpu.memory_space<vmem>>, vector<1x1x16xf32>,
      %get3A_944 = vector.shape_cast %get3A_943 : vector<1x1x16xf32> to vector<16xf32>
      %max3A_945 = arith.maximumf %get3A_854, %get3A_860 : vector<16xf32>
      %max3A_946 = arith.maximumf %get3A_866, %get3A_872 : vector<16xf32>
      %max3A_947 = arith.maximumf %get3A_878, %get3A_884 : vector<16xf32>
      %max3A_948 = arith.maximumf %get3A_890, %get3A_896 : vector<16xf32>
      %max3A_949 = arith.maximumf %get3A_902, %get3A_908 : vector<16xf32>
      %max3A_950 = arith.maximumf %get3A_914, %get3A_920 : vector<16xf32>
      %max3A_951 = arith.maximumf %get3A_926, %get3A_932 : vector<16xf32>
      %max3A_952 = arith.maximumf %get3A_938, %get3A_944 : vector<16xf32>
      %max3A_953 = arith.maximumf %max3A_945, %max3A_946 : vector<16xf32>
      %max3A_954 = arith.maximumf %max3A_947, %max3A_948 : vector<16xf32>
      %max3A_955 = arith.maximumf %max3A_949, %max3A_950 : vector<16xf32>
      %max3A_956 = arith.maximumf %max3A_951, %max3A_952 : vector<16xf32>
      %max3A_957 = arith.maximumf %max3A_953, %max3A_954 : vector<16xf32>
      %max3A_958 = arith.maximumf %max3A_955, %max3A_956 : vector<16xf32>
      %max3A_959 = arith.maximumf %max3A_957, %max3A_958 : vector<16xf32>
      %swap3A_960 = arith.index_cast %add3A_155 : i32 to index
      %swap3A_961 = arith.constant 96 : index
      %swap3A_962 = tpu.vector_load %arg5[%swap3A_960, %swap3A_961] {strides = array<i32>} : memref<16x256xf32, #tpu.memory_space<vmem>>, vector<1x16xf32>,
      %swap3A_963 = vector.shape_cast %swap3A_962 : vector<1x16xf32> to vector<16xf32>
      %swap3A_964 = vector.shape_cast %max3A_959 : vector<16xf32> to vector<1x16xf32>
      tpu.vector_store %arg5[%swap3A_960, %swap3A_961], %swap3A_964 {strides = array<i32>} : memref<16x256xf32, #tpu.memory_space<vmem>>, vector<1x16xf32>,
      %get3A_965 = arith.constant 0 : i32
      %get3A_966 = arith.index_cast %add3A_155 : i32 to index
      %get3A_967 = arith.index_cast %get3A_965 : i32 to index
      %get3A_968 = arith.constant 112 : index
      %get3A_969 = tpu.vector_load %arg4[%get3A_966, %get3A_967, %get3A_968] {strides = array<i32>} : memref<16x16x256xf32, #tpu.memory_space<vmem>>, vector<1x1x16xf32>,
      %get3A_970 = vector.shape_cast %get3A_969 : vector<1x1x16xf32> to vector<16xf32>
      %get3A_971 = arith.constant 1 : i32
      %get3A_972 = arith.index_cast %add3A_155 : i32 to index
      %get3A_973 = arith.index_cast %get3A_971 : i32 to index
      %get3A_974 = arith.constant 112 : index
      %get3A_975 = tpu.vector_load %arg4[%get3A_972, %get3A_973, %get3A_974] {strides = array<i32>} : memref<16x16x256xf32, #tpu.memory_space<vmem>>, vector<1x1x16xf32>,
      %get3A_976 = vector.shape_cast %get3A_975 : vector<1x1x16xf32> to vector<16xf32>
      %get3A_977 = arith.constant 2 : i32
      %get3A_978 = arith.index_cast %add3A_155 : i32 to index
      %get3A_979 = arith.index_cast %get3A_977 : i32 to index
      %get3A_980 = arith.constant 112 : index
      %get3A_981 = tpu.vector_load %arg4[%get3A_978, %get3A_979, %get3A_980] {strides = array<i32>} : memref<16x16x256xf32, #tpu.memory_space<vmem>>, vector<1x1x16xf32>,
      %get3A_982 = vector.shape_cast %get3A_981 : vector<1x1x16xf32> to vector<16xf32>
      %get3A_983 = arith.constant 3 : i32
      %get3A_984 = arith.index_cast %add3A_155 : i32 to index
      %get3A_985 = arith.index_cast %get3A_983 : i32 to index
      %get3A_986 = arith.constant 112 : index
      %get3A_987 = tpu.vector_load %arg4[%get3A_984, %get3A_985, %get3A_986] {strides = array<i32>} : memref<16x16x256xf32, #tpu.memory_space<vmem>>, vector<1x1x16xf32>,
      %get3A_988 = vector.shape_cast %get3A_987 : vector<1x1x16xf32> to vector<16xf32>
      %get3A_989 = arith.constant 4 : i32
      %get3A_990 = arith.index_cast %add3A_155 : i32 to index
      %get3A_991 = arith.index_cast %get3A_989 : i32 to index
      %get3A_992 = arith.constant 112 : index
      %get3A_993 = tpu.vector_load %arg4[%get3A_990, %get3A_991, %get3A_992] {strides = array<i32>} : memref<16x16x256xf32, #tpu.memory_space<vmem>>, vector<1x1x16xf32>,
      %get3A_994 = vector.shape_cast %get3A_993 : vector<1x1x16xf32> to vector<16xf32>
      %get3A_995 = arith.constant 5 : i32
      %get3A_996 = arith.index_cast %add3A_155 : i32 to index
      %get3A_997 = arith.index_cast %get3A_995 : i32 to index
      %get3A_998 = arith.constant 112 : index
      %get3A_999 = tpu.vector_load %arg4[%get3A_996, %get3A_997, %get3A_998] {strides = array<i32>} : memref<16x16x256xf32, #tpu.memory_space<vmem>>, vector<1x1x16xf32>,
      %get3A_1000 = vector.shape_cast %get3A_999 : vector<1x1x16xf32> to vector<16xf32>
      %get3A_1001 = arith.constant 6 : i32
      %get3A_1002 = arith.index_cast %add3A_155 : i32 to index
      %get3A_1003 = arith.index_cast %get3A_1001 : i32 to index
      %get3A_1004 = arith.constant 112 : index
      %get3A_1005 = tpu.vector_load %arg4[%get3A_1002, %get3A_1003, %get3A_1004] {strides = array<i32>} : memref<16x16x256xf32, #tpu.memory_space<vmem>>, vector<1x1x16xf32>,
      %get3A_1006 = vector.shape_cast %get3A_1005 : vector<1x1x16xf32> to vector<16xf32>
      %get3A_1007 = arith.constant 7 : i32
      %get3A_1008 = arith.index_cast %add3A_155 : i32 to index
      %get3A_1009 = arith.index_cast %get3A_1007 : i32 to index
      %get3A_1010 = arith.constant 112 : index
      %get3A_1011 = tpu.vector_load %arg4[%get3A_1008, %get3A_1009, %get3A_1010] {strides = array<i32>} : memref<16x16x256xf32, #tpu.memory_space<vmem>>, vector<1x1x16xf32>,
      %get3A_1012 = vector.shape_cast %get3A_1011 : vector<1x1x16xf32> to vector<16xf32>
      %get3A_1013 = arith.constant 8 : i32
      %get3A_1014 = arith.index_cast %add3A_155 : i32 to index
      %get3A_1015 = arith.index_cast %get3A_1013 : i32 to index
      %get3A_1016 = arith.constant 112 : index
      %get3A_1017 = tpu.vector_load %arg4[%get3A_1014, %get3A_1015, %get3A_1016] {strides = array<i32>} : memref<16x16x256xf32, #tpu.memory_space<vmem>>, vector<1x1x16xf32>,
      %get3A_1018 = vector.shape_cast %get3A_1017 : vector<1x1x16xf32> to vector<16xf32>
      %get3A_1019 = arith.constant 9 : i32
      %get3A_1020 = arith.index_cast %add3A_155 : i32 to index
      %get3A_1021 = arith.index_cast %get3A_1019 : i32 to index
      %get3A_1022 = arith.constant 112 : index
      %get3A_1023 = tpu.vector_load %arg4[%get3A_1020, %get3A_1021, %get3A_1022] {strides = array<i32>} : memref<16x16x256xf32, #tpu.memory_space<vmem>>, vector<1x1x16xf32>,
      %get3A_1024 = vector.shape_cast %get3A_1023 : vector<1x1x16xf32> to vector<16xf32>
      %get3A_1025 = arith.constant 10 : i32
      %get3A_1026 = arith.index_cast %add3A_155 : i32 to index
      %get3A_1027 = arith.index_cast %get3A_1025 : i32 to index
      %get3A_1028 = arith.constant 112 : index
      %get3A_1029 = tpu.vector_load %arg4[%get3A_1026, %get3A_1027, %get3A_1028] {strides = array<i32>} : memref<16x16x256xf32, #tpu.memory_space<vmem>>, vector<1x1x16xf32>,
      %get3A_1030 = vector.shape_cast %get3A_1029 : vector<1x1x16xf32> to vector<16xf32>
      %get3A_1031 = arith.constant 11 : i32
      %get3A_1032 = arith.index_cast %add3A_155 : i32 to index
      %get3A_1033 = arith.index_cast %get3A_1031 : i32 to index
      %get3A_1034 = arith.constant 112 : index
      %get3A_1035 = tpu.vector_load %arg4[%get3A_1032, %get3A_1033, %get3A_1034] {strides = array<i32>} : memref<16x16x256xf32, #tpu.memory_space<vmem>>, vector<1x1x16xf32>,
      %get3A_1036 = vector.shape_cast %get3A_1035 : vector<1x1x16xf32> to vector<16xf32>
      %get3A_1037 = arith.constant 12 : i32
      %get3A_1038 = arith.index_cast %add3A_155 : i32 to index
      %get3A_1039 = arith.index_cast %get3A_1037 : i32 to index
      %get3A_1040 = arith.constant 112 : index
      %get3A_1041 = tpu.vector_load %arg4[%get3A_1038, %get3A_1039, %get3A_1040] {strides = array<i32>} : memref<16x16x256xf32, #tpu.memory_space<vmem>>, vector<1x1x16xf32>,
      %get3A_1042 = vector.shape_cast %get3A_1041 : vector<1x1x16xf32> to vector<16xf32>
      %get3A_1043 = arith.constant 13 : i32
      %get3A_1044 = arith.index_cast %add3A_155 : i32 to index
      %get3A_1045 = arith.index_cast %get3A_1043 : i32 to index
      %get3A_1046 = arith.constant 112 : index
      %get3A_1047 = tpu.vector_load %arg4[%get3A_1044, %get3A_1045, %get3A_1046] {strides = array<i32>} : memref<16x16x256xf32, #tpu.memory_space<vmem>>, vector<1x1x16xf32>,
      %get3A_1048 = vector.shape_cast %get3A_1047 : vector<1x1x16xf32> to vector<16xf32>
      %get3A_1049 = arith.constant 14 : i32
      %get3A_1050 = arith.index_cast %add3A_155 : i32 to index
      %get3A_1051 = arith.index_cast %get3A_1049 : i32 to index
      %get3A_1052 = arith.constant 112 : index
      %get3A_1053 = tpu.vector_load %arg4[%get3A_1050, %get3A_1051, %get3A_1052] {strides = array<i32>} : memref<16x16x256xf32, #tpu.memory_space<vmem>>, vector<1x1x16xf32>,
      %get3A_1054 = vector.shape_cast %get3A_1053 : vector<1x1x16xf32> to vector<16xf32>
      %get3A_1055 = arith.constant 15 : i32
      %get3A_1056 = arith.index_cast %add3A_155 : i32 to index
      %get3A_1057 = arith.index_cast %get3A_1055 : i32 to index
      %get3A_1058 = arith.constant 112 : index
      %get3A_1059 = tpu.vector_load %arg4[%get3A_1056, %get3A_1057, %get3A_1058] {strides = array<i32>} : memref<16x16x256xf32, #tpu.memory_space<vmem>>, vector<1x1x16xf32>,
      %get3A_1060 = vector.shape_cast %get3A_1059 : vector<1x1x16xf32> to vector<16xf32>
      %max3A_1061 = arith.maximumf %get3A_970, %get3A_976 : vector<16xf32>
      %max3A_1062 = arith.maximumf %get3A_982, %get3A_988 : vector<16xf32>
      %max3A_1063 = arith.maximumf %get3A_994, %get3A_1000 : vector<16xf32>
      %max3A_1064 = arith.maximumf %get3A_1006, %get3A_1012 : vector<16xf32>
      %max3A_1065 = arith.maximumf %get3A_1018, %get3A_1024 : vector<16xf32>
      %max3A_1066 = arith.maximumf %get3A_1030, %get3A_1036 : vector<16xf32>
      %max3A_1067 = arith.maximumf %get3A_1042, %get3A_1048 : vector<16xf32>
      %max3A_1068 = arith.maximumf %get3A_1054, %get3A_1060 : vector<16xf32>
      %max3A_1069 = arith.maximumf %max3A_1061, %max3A_1062 : vector<16xf32>
      %max3A_1070 = arith.maximumf %max3A_1063, %max3A_1064 : vector<16xf32>
      %max3A_1071 = arith.maximumf %max3A_1065, %max3A_1066 : vector<16xf32>
      %max3A_1072 = arith.maximumf %max3A_1067, %max3A_1068 : vector<16xf32>
      %max3A_1073 = arith.maximumf %max3A_1069, %max3A_1070 : vector<16xf32>
      %max3A_1074 = arith.maximumf %max3A_1071, %max3A_1072 : vector<16xf32>
      %max3A_1075 = arith.maximumf %max3A_1073, %max3A_1074 : vector<16xf32>
      %swap3A_1076 = arith.index_cast %add3A_155 : i32 to index
      %swap3A_1077 = arith.constant 112 : index
      %swap3A_1078 = tpu.vector_load %arg5[%swap3A_1076, %swap3A_1077] {strides = array<i32>} : memref<16x256xf32, #tpu.memory_space<vmem>>, vector<1x16xf32>,
      %swap3A_1079 = vector.shape_cast %swap3A_1078 : vector<1x16xf32> to vector<16xf32>
      %swap3A_1080 = vector.shape_cast %max3A_1075 : vector<16xf32> to vector<1x16xf32>
      tpu.vector_store %arg5[%swap3A_1076, %swap3A_1077], %swap3A_1080 {strides = array<i32>} : memref<16x256xf32, #tpu.memory_space<vmem>>, vector<1x16xf32>,
      %get3A_1081 = arith.constant 0 : i32
      %get3A_1082 = arith.index_cast %add3A_155 : i32 to index
      %get3A_1083 = arith.index_cast %get3A_1081 : i32 to index
      %get3A_1084 = arith.constant 128 : index
      %get3A_1085 = tpu.vector_load %arg4[%get3A_1082, %get3A_1083, %get3A_1084] {strides = array<i32>} : memref<16x16x256xf32, #tpu.memory_space<vmem>>, vector<1x1x16xf32>,
      %get3A_1086 = vector.shape_cast %get3A_1085 : vector<1x1x16xf32> to vector<16xf32>
      %get3A_1087 = arith.constant 1 : i32
      %get3A_1088 = arith.index_cast %add3A_155 : i32 to index
      %get3A_1089 = arith.index_cast %get3A_1087 : i32 to index
      %get3A_1090 = arith.constant 128 : index
      %get3A_1091 = tpu.vector_load %arg4[%get3A_1088, %get3A_1089, %get3A_1090] {strides = array<i32>} : memref<16x16x256xf32, #tpu.memory_space<vmem>>, vector<1x1x16xf32>,
      %get3A_1092 = vector.shape_cast %get3A_1091 : vector<1x1x16xf32> to vector<16xf32>
      %get3A_1093 = arith.constant 2 : i32
      %get3A_1094 = arith.index_cast %add3A_155 : i32 to index
      %get3A_1095 = arith.index_cast %get3A_1093 : i32 to index
      %get3A_1096 = arith.constant 128 : index
      %get3A_1097 = tpu.vector_load %arg4[%get3A_1094, %get3A_1095, %get3A_1096] {strides = array<i32>} : memref<16x16x256xf32, #tpu.memory_space<vmem>>, vector<1x1x16xf32>,
      %get3A_1098 = vector.shape_cast %get3A_1097 : vector<1x1x16xf32> to vector<16xf32>
      %get3A_1099 = arith.constant 3 : i32
      %get3A_1100 = arith.index_cast %add3A_155 : i32 to index
      %get3A_1101 = arith.index_cast %get3A_1099 : i32 to index
      %get3A_1102 = arith.constant 128 : index
      %get3A_1103 = tpu.vector_load %arg4[%get3A_1100, %get3A_1101, %get3A_1102] {strides = array<i32>} : memref<16x16x256xf32, #tpu.memory_space<vmem>>, vector<1x1x16xf32>,
      %get3A_1104 = vector.shape_cast %get3A_1103 : vector<1x1x16xf32> to vector<16xf32>
      %get3A_1105 = arith.constant 4 : i32
      %get3A_1106 = arith.index_cast %add3A_155 : i32 to index
      %get3A_1107 = arith.index_cast %get3A_1105 : i32 to index
      %get3A_1108 = arith.constant 128 : index
      %get3A_1109 = tpu.vector_load %arg4[%get3A_1106, %get3A_1107, %get3A_1108] {strides = array<i32>} : memref<16x16x256xf32, #tpu.memory_space<vmem>>, vector<1x1x16xf32>,
      %get3A_1110 = vector.shape_cast %get3A_1109 : vector<1x1x16xf32> to vector<16xf32>
      %get3A_1111 = arith.constant 5 : i32
      %get3A_1112 = arith.index_cast %add3A_155 : i32 to index
      %get3A_1113 = arith.index_cast %get3A_1111 : i32 to index
      %get3A_1114 = arith.constant 128 : index
      %get3A_1115 = tpu.vector_load %arg4[%get3A_1112, %get3A_1113, %get3A_1114] {strides = array<i32>} : memref<16x16x256xf32, #tpu.memory_space<vmem>>, vector<1x1x16xf32>,
      %get3A_1116 = vector.shape_cast %get3A_1115 : vector<1x1x16xf32> to vector<16xf32>
      %get3A_1117 = arith.constant 6 : i32
      %get3A_1118 = arith.index_cast %add3A_155 : i32 to index
      %get3A_1119 = arith.index_cast %get3A_1117 : i32 to index
      %get3A_1120 = arith.constant 128 : index
      %get3A_1121 = tpu.vector_load %arg4[%get3A_1118, %get3A_1119, %get3A_1120] {strides = array<i32>} : memref<16x16x256xf32, #tpu.memory_space<vmem>>, vector<1x1x16xf32>,
      %get3A_1122 = vector.shape_cast %get3A_1121 : vector<1x1x16xf32> to vector<16xf32>
      %get3A_1123 = arith.constant 7 : i32
      %get3A_1124 = arith.index_cast %add3A_155 : i32 to index
      %get3A_1125 = arith.index_cast %get3A_1123 : i32 to index
      %get3A_1126 = arith.constant 128 : index
      %get3A_1127 = tpu.vector_load %arg4[%get3A_1124, %get3A_1125, %get3A_1126] {strides = array<i32>} : memref<16x16x256xf32, #tpu.memory_space<vmem>>, vector<1x1x16xf32>,
      %get3A_1128 = vector.shape_cast %get3A_1127 : vector<1x1x16xf32> to vector<16xf32>
      %get3A_1129 = arith.constant 8 : i32
      %get3A_1130 = arith.index_cast %add3A_155 : i32 to index
      %get3A_1131 = arith.index_cast %get3A_1129 : i32 to index
      %get3A_1132 = arith.constant 128 : index
      %get3A_1133 = tpu.vector_load %arg4[%get3A_1130, %get3A_1131, %get3A_1132] {strides = array<i32>} : memref<16x16x256xf32, #tpu.memory_space<vmem>>, vector<1x1x16xf32>,
      %get3A_1134 = vector.shape_cast %get3A_1133 : vector<1x1x16xf32> to vector<16xf32>
      %get3A_1135 = arith.constant 9 : i32
      %get3A_1136 = arith.index_cast %add3A_155 : i32 to index
      %get3A_1137 = arith.index_cast %get3A_1135 : i32 to index
      %get3A_1138 = arith.constant 128 : index
      %get3A_1139 = tpu.vector_load %arg4[%get3A_1136, %get3A_1137, %get3A_1138] {strides = array<i32>} : memref<16x16x256xf32, #tpu.memory_space<vmem>>, vector<1x1x16xf32>,
      %get3A_1140 = vector.shape_cast %get3A_1139 : vector<1x1x16xf32> to vector<16xf32>
      %get3A_1141 = arith.constant 10 : i32
      %get3A_1142 = arith.index_cast %add3A_155 : i32 to index
      %get3A_1143 = arith.index_cast %get3A_1141 : i32 to index
      %get3A_1144 = arith.constant 128 : index
      %get3A_1145 = tpu.vector_load %arg4[%get3A_1142, %get3A_1143, %get3A_1144] {strides = array<i32>} : memref<16x16x256xf32, #tpu.memory_space<vmem>>, vector<1x1x16xf32>,
      %get3A_1146 = vector.shape_cast %get3A_1145 : vector<1x1x16xf32> to vector<16xf32>
      %get3A_1147 = arith.constant 11 : i32
      %get3A_1148 = arith.index_cast %add3A_155 : i32 to index
      %get3A_1149 = arith.index_cast %get3A_1147 : i32 to index
      %get3A_1150 = arith.constant 128 : index
      %get3A_1151 = tpu.vector_load %arg4[%get3A_1148, %get3A_1149, %get3A_1150] {strides = array<i32>} : memref<16x16x256xf32, #tpu.memory_space<vmem>>, vector<1x1x16xf32>,
      %get3A_1152 = vector.shape_cast %get3A_1151 : vector<1x1x16xf32> to vector<16xf32>
      %get3A_1153 = arith.constant 12 : i32
      %get3A_1154 = arith.index_cast %add3A_155 : i32 to index
      %get3A_1155 = arith.index_cast %get3A_1153 : i32 to index
      %get3A_1156 = arith.constant 128 : index
      %get3A_1157 = tpu.vector_load %arg4[%get3A_1154, %get3A_1155, %get3A_1156] {strides = array<i32>} : memref<16x16x256xf32, #tpu.memory_space<vmem>>, vector<1x1x16xf32>,
      %get3A_1158 = vector.shape_cast %get3A_1157 : vector<1x1x16xf32> to vector<16xf32>
      %get3A_1159 = arith.constant 13 : i32
      %get3A_1160 = arith.index_cast %add3A_155 : i32 to index
      %get3A_1161 = arith.index_cast %get3A_1159 : i32 to index
      %get3A_1162 = arith.constant 128 : index
      %get3A_1163 = tpu.vector_load %arg4[%get3A_1160, %get3A_1161, %get3A_1162] {strides = array<i32>} : memref<16x16x256xf32, #tpu.memory_space<vmem>>, vector<1x1x16xf32>,
      %get3A_1164 = vector.shape_cast %get3A_1163 : vector<1x1x16xf32> to vector<16xf32>
      %get3A_1165 = arith.constant 14 : i32
      %get3A_1166 = arith.index_cast %add3A_155 : i32 to index
      %get3A_1167 = arith.index_cast %get3A_1165 : i32 to index
      %get3A_1168 = arith.constant 128 : index
      %get3A_1169 = tpu.vector_load %arg4[%get3A_1166, %get3A_1167, %get3A_1168] {strides = array<i32>} : memref<16x16x256xf32, #tpu.memory_space<vmem>>, vector<1x1x16xf32>,
      %get3A_1170 = vector.shape_cast %get3A_1169 : vector<1x1x16xf32> to vector<16xf32>
      %get3A_1171 = arith.constant 15 : i32
      %get3A_1172 = arith.index_cast %add3A_155 : i32 to index
      %get3A_1173 = arith.index_cast %get3A_1171 : i32 to index
      %get3A_1174 = arith.constant 128 : index
      %get3A_1175 = tpu.vector_load %arg4[%get3A_1172, %get3A_1173, %get3A_1174] {strides = array<i32>} : memref<16x16x256xf32, #tpu.memory_space<vmem>>, vector<1x1x16xf32>,
      %get3A_1176 = vector.shape_cast %get3A_1175 : vector<1x1x16xf32> to vector<16xf32>
      %max3A_1177 = arith.maximumf %get3A_1086, %get3A_1092 : vector<16xf32>
      %max3A_1178 = arith.maximumf %get3A_1098, %get3A_1104 : vector<16xf32>
      %max3A_1179 = arith.maximumf %get3A_1110, %get3A_1116 : vector<16xf32>
      %max3A_1180 = arith.maximumf %get3A_1122, %get3A_1128 : vector<16xf32>
      %max3A_1181 = arith.maximumf %get3A_1134, %get3A_1140 : vector<16xf32>
      %max3A_1182 = arith.maximumf %get3A_1146, %get3A_1152 : vector<16xf32>
      %max3A_1183 = arith.maximumf %get3A_1158, %get3A_1164 : vector<16xf32>
      %max3A_1184 = arith.maximumf %get3A_1170, %get3A_1176 : vector<16xf32>
      %max3A_1185 = arith.maximumf %max3A_1177, %max3A_1178 : vector<16xf32>
      %max3A_1186 = arith.maximumf %max3A_1179, %max3A_1180 : vector<16xf32>
      %max3A_1187 = arith.maximumf %max3A_1181, %max3A_1182 : vector<16xf32>
      %max3A_1188 = arith.maximumf %max3A_1183, %max3A_1184 : vector<16xf32>
      %max3A_1189 = arith.maximumf %max3A_1185, %max3A_1186 : vector<16xf32>
      %max3A_1190 = arith.maximumf %max3A_1187, %max3A_1188 : vector<16xf32>
      %max3A_1191 = arith.maximumf %max3A_1189, %max3A_1190 : vector<16xf32>
      %swap3A_1192 = arith.index_cast %add3A_155 : i32 to index
      %swap3A_1193 = arith.constant 128 : index
      %swap3A_1194 = tpu.vector_load %arg5[%swap3A_1192, %swap3A_1193] {strides = array<i32>} : memref<16x256xf32, #tpu.memory_space<vmem>>, vector<1x16xf32>,
      %swap3A_1195 = vector.shape_cast %swap3A_1194 : vector<1x16xf32> to vector<16xf32>
      %swap3A_1196 = vector.shape_cast %max3A_1191 : vector<16xf32> to vector<1x16xf32>
      tpu.vector_store %arg5[%swap3A_1192, %swap3A_1193], %swap3A_1196 {strides = array<i32>} : memref<16x256xf32, #tpu.memory_space<vmem>>, vector<1x16xf32>,
      %get3A_1197 = arith.constant 0 : i32
      %get3A_1198 = arith.index_cast %add3A_155 : i32 to index
      %get3A_1199 = arith.index_cast %get3A_1197 : i32 to index
      %get3A_1200 = arith.constant 144 : index
      %get3A_1201 = tpu.vector_load %arg4[%get3A_1198, %get3A_1199, %get3A_1200] {strides = array<i32>} : memref<16x16x256xf32, #tpu.memory_space<vmem>>, vector<1x1x16xf32>,
      %get3A_1202 = vector.shape_cast %get3A_1201 : vector<1x1x16xf32> to vector<16xf32>
      %get3A_1203 = arith.constant 1 : i32
      %get3A_1204 = arith.index_cast %add3A_155 : i32 to index
      %get3A_1205 = arith.index_cast %get3A_1203 : i32 to index
      %get3A_1206 = arith.constant 144 : index
      %get3A_1207 = tpu.vector_load %arg4[%get3A_1204, %get3A_1205, %get3A_1206] {strides = array<i32>} : memref<16x16x256xf32, #tpu.memory_space<vmem>>, vector<1x1x16xf32>,
      %get3A_1208 = vector.shape_cast %get3A_1207 : vector<1x1x16xf32> to vector<16xf32>
      %get3A_1209 = arith.constant 2 : i32
      %get3A_1210 = arith.index_cast %add3A_155 : i32 to index
      %get3A_1211 = arith.index_cast %get3A_1209 : i32 to index
      %get3A_1212 = arith.constant 144 : index
      %get3A_1213 = tpu.vector_load %arg4[%get3A_1210, %get3A_1211, %get3A_1212] {strides = array<i32>} : memref<16x16x256xf32, #tpu.memory_space<vmem>>, vector<1x1x16xf32>,
      %get3A_1214 = vector.shape_cast %get3A_1213 : vector<1x1x16xf32> to vector<16xf32>
      %get3A_1215 = arith.constant 3 : i32
      %get3A_1216 = arith.index_cast %add3A_155 : i32 to index
      %get3A_1217 = arith.index_cast %get3A_1215 : i32 to index
      %get3A_1218 = arith.constant 144 : index
      %get3A_1219 = tpu.vector_load %arg4[%get3A_1216, %get3A_1217, %get3A_1218] {strides = array<i32>} : memref<16x16x256xf32, #tpu.memory_space<vmem>>, vector<1x1x16xf32>,
      %get3A_1220 = vector.shape_cast %get3A_1219 : vector<1x1x16xf32> to vector<16xf32>
      %get3A_1221 = arith.constant 4 : i32
      %get3A_1222 = arith.index_cast %add3A_155 : i32 to index
      %get3A_1223 = arith.index_cast %get3A_1221 : i32 to index
      %get3A_1224 = arith.constant 144 : index
      %get3A_1225 = tpu.vector_load %arg4[%get3A_1222, %get3A_1223, %get3A_1224] {strides = array<i32>} : memref<16x16x256xf32, #tpu.memory_space<vmem>>, vector<1x1x16xf32>,
      %get3A_1226 = vector.shape_cast %get3A_1225 : vector<1x1x16xf32> to vector<16xf32>
      %get3A_1227 = arith.constant 5 : i32
      %get3A_1228 = arith.index_cast %add3A_155 : i32 to index
      %get3A_1229 = arith.index_cast %get3A_1227 : i32 to index
      %get3A_1230 = arith.constant 144 : index
      %get3A_1231 = tpu.vector_load %arg4[%get3A_1228, %get3A_1229, %get3A_1230] {strides = array<i32>} : memref<16x16x256xf32, #tpu.memory_space<vmem>>, vector<1x1x16xf32>,
      %get3A_1232 = vector.shape_cast %get3A_1231 : vector<1x1x16xf32> to vector<16xf32>
      %get3A_1233 = arith.constant 6 : i32
      %get3A_1234 = arith.index_cast %add3A_155 : i32 to index
      %get3A_1235 = arith.index_cast %get3A_1233 : i32 to index
      %get3A_1236 = arith.constant 144 : index
      %get3A_1237 = tpu.vector_load %arg4[%get3A_1234, %get3A_1235, %get3A_1236] {strides = array<i32>} : memref<16x16x256xf32, #tpu.memory_space<vmem>>, vector<1x1x16xf32>,
      %get3A_1238 = vector.shape_cast %get3A_1237 : vector<1x1x16xf32> to vector<16xf32>
      %get3A_1239 = arith.constant 7 : i32
      %get3A_1240 = arith.index_cast %add3A_155 : i32 to index
      %get3A_1241 = arith.index_cast %get3A_1239 : i32 to index
      %get3A_1242 = arith.constant 144 : index
      %get3A_1243 = tpu.vector_load %arg4[%get3A_1240, %get3A_1241, %get3A_1242] {strides = array<i32>} : memref<16x16x256xf32, #tpu.memory_space<vmem>>, vector<1x1x16xf32>,
      %get3A_1244 = vector.shape_cast %get3A_1243 : vector<1x1x16xf32> to vector<16xf32>
      %get3A_1245 = arith.constant 8 : i32
      %get3A_1246 = arith.index_cast %add3A_155 : i32 to index
      %get3A_1247 = arith.index_cast %get3A_1245 : i32 to index
      %get3A_1248 = arith.constant 144 : index
      %get3A_1249 = tpu.vector_load %arg4[%get3A_1246, %get3A_1247, %get3A_1248] {strides = array<i32>} : memref<16x16x256xf32, #tpu.memory_space<vmem>>, vector<1x1x16xf32>,
      %get3A_1250 = vector.shape_cast %get3A_1249 : vector<1x1x16xf32> to vector<16xf32>
      %get3A_1251 = arith.constant 9 : i32
      %get3A_1252 = arith.index_cast %add3A_155 : i32 to index
      %get3A_1253 = arith.index_cast %get3A_1251 : i32 to index
      %get3A_1254 = arith.constant 144 : index
      %get3A_1255 = tpu.vector_load %arg4[%get3A_1252, %get3A_1253, %get3A_1254] {strides = array<i32>} : memref<16x16x256xf32, #tpu.memory_space<vmem>>, vector<1x1x16xf32>,
      %get3A_1256 = vector.shape_cast %get3A_1255 : vector<1x1x16xf32> to vector<16xf32>
      %get3A_1257 = arith.constant 10 : i32
      %get3A_1258 = arith.index_cast %add3A_155 : i32 to index
      %get3A_1259 = arith.index_cast %get3A_1257 : i32 to index
      %get3A_1260 = arith.constant 144 : index
      %get3A_1261 = tpu.vector_load %arg4[%get3A_1258, %get3A_1259, %get3A_1260] {strides = array<i32>} : memref<16x16x256xf32, #tpu.memory_space<vmem>>, vector<1x1x16xf32>,
      %get3A_1262 = vector.shape_cast %get3A_1261 : vector<1x1x16xf32> to vector<16xf32>
      %get3A_1263 = arith.constant 11 : i32
      %get3A_1264 = arith.index_cast %add3A_155 : i32 to index
      %get3A_1265 = arith.index_cast %get3A_1263 : i32 to index
      %get3A_1266 = arith.constant 144 : index
      %get3A_1267 = tpu.vector_load %arg4[%get3A_1264, %get3A_1265, %get3A_1266] {strides = array<i32>} : memref<16x16x256xf32, #tpu.memory_space<vmem>>, vector<1x1x16xf32>,
      %get3A_1268 = vector.shape_cast %get3A_1267 : vector<1x1x16xf32> to vector<16xf32>
      %get3A_1269 = arith.constant 12 : i32
      %get3A_1270 = arith.index_cast %add3A_155 : i32 to index
      %get3A_1271 = arith.index_cast %get3A_1269 : i32 to index
      %get3A_1272 = arith.constant 144 : index
      %get3A_1273 = tpu.vector_load %arg4[%get3A_1270, %get3A_1271, %get3A_1272] {strides = array<i32>} : memref<16x16x256xf32, #tpu.memory_space<vmem>>, vector<1x1x16xf32>,
      %get3A_1274 = vector.shape_cast %get3A_1273 : vector<1x1x16xf32> to vector<16xf32>
      %get3A_1275 = arith.constant 13 : i32
      %get3A_1276 = arith.index_cast %add3A_155 : i32 to index
      %get3A_1277 = arith.index_cast %get3A_1275 : i32 to index
      %get3A_1278 = arith.constant 144 : index
      %get3A_1279 = tpu.vector_load %arg4[%get3A_1276, %get3A_1277, %get3A_1278] {strides = array<i32>} : memref<16x16x256xf32, #tpu.memory_space<vmem>>, vector<1x1x16xf32>,
      %get3A_1280 = vector.shape_cast %get3A_1279 : vector<1x1x16xf32> to vector<16xf32>
      %get3A_1281 = arith.constant 14 : i32
      %get3A_1282 = arith.index_cast %add3A_155 : i32 to index
      %get3A_1283 = arith.index_cast %get3A_1281 : i32 to index
      %get3A_1284 = arith.constant 144 : index
      %get3A_1285 = tpu.vector_load %arg4[%get3A_1282, %get3A_1283, %get3A_1284] {strides = array<i32>} : memref<16x16x256xf32, #tpu.memory_space<vmem>>, vector<1x1x16xf32>,
      %get3A_1286 = vector.shape_cast %get3A_1285 : vector<1x1x16xf32> to vector<16xf32>
      %get3A_1287 = arith.constant 15 : i32
      %get3A_1288 = arith.index_cast %add3A_155 : i32 to index
      %get3A_1289 = arith.index_cast %get3A_1287 : i32 to index
      %get3A_1290 = arith.constant 144 : index
      %get3A_1291 = tpu.vector_load %arg4[%get3A_1288, %get3A_1289, %get3A_1290] {strides = array<i32>} : memref<16x16x256xf32, #tpu.memory_space<vmem>>, vector<1x1x16xf32>,
      %get3A_1292 = vector.shape_cast %get3A_1291 : vector<1x1x16xf32> to vector<16xf32>
      %max3A_1293 = arith.maximumf %get3A_1202, %get3A_1208 : vector<16xf32>
      %max3A_1294 = arith.maximumf %get3A_1214, %get3A_1220 : vector<16xf32>
      %max3A_1295 = arith.maximumf %get3A_1226, %get3A_1232 : vector<16xf32>
      %max3A_1296 = arith.maximumf %get3A_1238, %get3A_1244 : vector<16xf32>
      %max3A_1297 = arith.maximumf %get3A_1250, %get3A_1256 : vector<16xf32>
      %max3A_1298 = arith.maximumf %get3A_1262, %get3A_1268 : vector<16xf32>
      %max3A_1299 = arith.maximumf %get3A_1274, %get3A_1280 : vector<16xf32>
      %max3A_1300 = arith.maximumf %get3A_1286, %get3A_1292 : vector<16xf32>
      %max3A_1301 = arith.maximumf %max3A_1293, %max3A_1294 : vector<16xf32>
      %max3A_1302 = arith.maximumf %max3A_1295, %max3A_1296 : vector<16xf32>
      %max3A_1303 = arith.maximumf %max3A_1297, %max3A_1298 : vector<16xf32>
      %max3A_1304 = arith.maximumf %max3A_1299, %max3A_1300 : vector<16xf32>
      %max3A_1305 = arith.maximumf %max3A_1301, %max3A_1302 : vector<16xf32>
      %max3A_1306 = arith.maximumf %max3A_1303, %max3A_1304 : vector<16xf32>
      %max3A_1307 = arith.maximumf %max3A_1305, %max3A_1306 : vector<16xf32>
      %swap3A_1308 = arith.index_cast %add3A_155 : i32 to index
      %swap3A_1309 = arith.constant 144 : index
      %swap3A_1310 = tpu.vector_load %arg5[%swap3A_1308, %swap3A_1309] {strides = array<i32>} : memref<16x256xf32, #tpu.memory_space<vmem>>, vector<1x16xf32>,
      %swap3A_1311 = vector.shape_cast %swap3A_1310 : vector<1x16xf32> to vector<16xf32>
      %swap3A_1312 = vector.shape_cast %max3A_1307 : vector<16xf32> to vector<1x16xf32>
      tpu.vector_store %arg5[%swap3A_1308, %swap3A_1309], %swap3A_1312 {strides = array<i32>} : memref<16x256xf32, #tpu.memory_space<vmem>>, vector<1x16xf32>,
      %get3A_1313 = arith.constant 0 : i32
      %get3A_1314 = arith.index_cast %add3A_155 : i32 to index
      %get3A_1315 = arith.index_cast %get3A_1313 : i32 to index
      %get3A_1316 = arith.constant 160 : index
      %get3A_1317 = tpu.vector_load %arg4[%get3A_1314, %get3A_1315, %get3A_1316] {strides = array<i32>} : memref<16x16x256xf32, #tpu.memory_space<vmem>>, vector<1x1x16xf32>,
      %get3A_1318 = vector.shape_cast %get3A_1317 : vector<1x1x16xf32> to vector<16xf32>
      %get3A_1319 = arith.constant 1 : i32
      %get3A_1320 = arith.index_cast %add3A_155 : i32 to index
      %get3A_1321 = arith.index_cast %get3A_1319 : i32 to index
      %get3A_1322 = arith.constant 160 : index
      %get3A_1323 = tpu.vector_load %arg4[%get3A_1320, %get3A_1321, %get3A_1322] {strides = array<i32>} : memref<16x16x256xf32, #tpu.memory_space<vmem>>, vector<1x1x16xf32>,
      %get3A_1324 = vector.shape_cast %get3A_1323 : vector<1x1x16xf32> to vector<16xf32>
      %get3A_1325 = arith.constant 2 : i32
      %get3A_1326 = arith.index_cast %add3A_155 : i32 to index
      %get3A_1327 = arith.index_cast %get3A_1325 : i32 to index
      %get3A_1328 = arith.constant 160 : index
      %get3A_1329 = tpu.vector_load %arg4[%get3A_1326, %get3A_1327, %get3A_1328] {strides = array<i32>} : memref<16x16x256xf32, #tpu.memory_space<vmem>>, vector<1x1x16xf32>,
      %get3A_1330 = vector.shape_cast %get3A_1329 : vector<1x1x16xf32> to vector<16xf32>
      %get3A_1331 = arith.constant 3 : i32
      %get3A_1332 = arith.index_cast %add3A_155 : i32 to index
      %get3A_1333 = arith.index_cast %get3A_1331 : i32 to index
      %get3A_1334 = arith.constant 160 : index
      %get3A_1335 = tpu.vector_load %arg4[%get3A_1332, %get3A_1333, %get3A_1334] {strides = array<i32>} : memref<16x16x256xf32, #tpu.memory_space<vmem>>, vector<1x1x16xf32>,
      %get3A_1336 = vector.shape_cast %get3A_1335 : vector<1x1x16xf32> to vector<16xf32>
      %get3A_1337 = arith.constant 4 : i32
      %get3A_1338 = arith.index_cast %add3A_155 : i32 to index
      %get3A_1339 = arith.index_cast %get3A_1337 : i32 to index
      %get3A_1340 = arith.constant 160 : index
      %get3A_1341 = tpu.vector_load %arg4[%get3A_1338, %get3A_1339, %get3A_1340] {strides = array<i32>} : memref<16x16x256xf32, #tpu.memory_space<vmem>>, vector<1x1x16xf32>,
      %get3A_1342 = vector.shape_cast %get3A_1341 : vector<1x1x16xf32> to vector<16xf32>
      %get3A_1343 = arith.constant 5 : i32
      %get3A_1344 = arith.index_cast %add3A_155 : i32 to index
      %get3A_1345 = arith.index_cast %get3A_1343 : i32 to index
      %get3A_1346 = arith.constant 160 : index
      %get3A_1347 = tpu.vector_load %arg4[%get3A_1344, %get3A_1345, %get3A_1346] {strides = array<i32>} : memref<16x16x256xf32, #tpu.memory_space<vmem>>, vector<1x1x16xf32>,
      %get3A_1348 = vector.shape_cast %get3A_1347 : vector<1x1x16xf32> to vector<16xf32>
      %get3A_1349 = arith.constant 6 : i32
      %get3A_1350 = arith.index_cast %add3A_155 : i32 to index
      %get3A_1351 = arith.index_cast %get3A_1349 : i32 to index
      %get3A_1352 = arith.constant 160 : index
      %get3A_1353 = tpu.vector_load %arg4[%get3A_1350, %get3A_1351, %get3A_1352] {strides = array<i32>} : memref<16x16x256xf32, #tpu.memory_space<vmem>>, vector<1x1x16xf32>,
      %get3A_1354 = vector.shape_cast %get3A_1353 : vector<1x1x16xf32> to vector<16xf32>
      %get3A_1355 = arith.constant 7 : i32
      %get3A_1356 = arith.index_cast %add3A_155 : i32 to index
      %get3A_1357 = arith.index_cast %get3A_1355 : i32 to index
      %get3A_1358 = arith.constant 160 : index
      %get3A_1359 = tpu.vector_load %arg4[%get3A_1356, %get3A_1357, %get3A_1358] {strides = array<i32>} : memref<16x16x256xf32, #tpu.memory_space<vmem>>, vector<1x1x16xf32>,
      %get3A_1360 = vector.shape_cast %get3A_1359 : vector<1x1x16xf32> to vector<16xf32>
      %get3A_1361 = arith.constant 8 : i32
      %get3A_1362 = arith.index_cast %add3A_155 : i32 to index
      %get3A_1363 = arith.index_cast %get3A_1361 : i32 to index
      %get3A_1364 = arith.constant 160 : index
      %get3A_1365 = tpu.vector_load %arg4[%get3A_1362, %get3A_1363, %get3A_1364] {strides = array<i32>} : memref<16x16x256xf32, #tpu.memory_space<vmem>>, vector<1x1x16xf32>,
      %get3A_1366 = vector.shape_cast %get3A_1365 : vector<1x1x16xf32> to vector<16xf32>
      %get3A_1367 = arith.constant 9 : i32
      %get3A_1368 = arith.index_cast %add3A_155 : i32 to index
      %get3A_1369 = arith.index_cast %get3A_1367 : i32 to index
      %get3A_1370 = arith.constant 160 : index
      %get3A_1371 = tpu.vector_load %arg4[%get3A_1368, %get3A_1369, %get3A_1370] {strides = array<i32>} : memref<16x16x256xf32, #tpu.memory_space<vmem>>, vector<1x1x16xf32>,
      %get3A_1372 = vector.shape_cast %get3A_1371 : vector<1x1x16xf32> to vector<16xf32>
      %get3A_1373 = arith.constant 10 : i32
      %get3A_1374 = arith.index_cast %add3A_155 : i32 to index
      %get3A_1375 = arith.index_cast %get3A_1373 : i32 to index
      %get3A_1376 = arith.constant 160 : index
      %get3A_1377 = tpu.vector_load %arg4[%get3A_1374, %get3A_1375, %get3A_1376] {strides = array<i32>} : memref<16x16x256xf32, #tpu.memory_space<vmem>>, vector<1x1x16xf32>,
      %get3A_1378 = vector.shape_cast %get3A_1377 : vector<1x1x16xf32> to vector<16xf32>
      %get3A_1379 = arith.constant 11 : i32
      %get3A_1380 = arith.index_cast %add3A_155 : i32 to index
      %get3A_1381 = arith.index_cast %get3A_1379 : i32 to index
      %get3A_1382 = arith.constant 160 : index
      %get3A_1383 = tpu.vector_load %arg4[%get3A_1380, %get3A_1381, %get3A_1382] {strides = array<i32>} : memref<16x16x256xf32, #tpu.memory_space<vmem>>, vector<1x1x16xf32>,
      %get3A_1384 = vector.shape_cast %get3A_1383 : vector<1x1x16xf32> to vector<16xf32>
      %get3A_1385 = arith.constant 12 : i32
      %get3A_1386 = arith.index_cast %add3A_155 : i32 to index
      %get3A_1387 = arith.index_cast %get3A_1385 : i32 to index
      %get3A_1388 = arith.constant 160 : index
      %get3A_1389 = tpu.vector_load %arg4[%get3A_1386, %get3A_1387, %get3A_1388] {strides = array<i32>} : memref<16x16x256xf32, #tpu.memory_space<vmem>>, vector<1x1x16xf32>,
      %get3A_1390 = vector.shape_cast %get3A_1389 : vector<1x1x16xf32> to vector<16xf32>
      %get3A_1391 = arith.constant 13 : i32
      %get3A_1392 = arith.index_cast %add3A_155 : i32 to index
      %get3A_1393 = arith.index_cast %get3A_1391 : i32 to index
      %get3A_1394 = arith.constant 160 : index
      %get3A_1395 = tpu.vector_load %arg4[%get3A_1392, %get3A_1393, %get3A_1394] {strides = array<i32>} : memref<16x16x256xf32, #tpu.memory_space<vmem>>, vector<1x1x16xf32>,
      %get3A_1396 = vector.shape_cast %get3A_1395 : vector<1x1x16xf32> to vector<16xf32>
      %get3A_1397 = arith.constant 14 : i32
      %get3A_1398 = arith.index_cast %add3A_155 : i32 to index
      %get3A_1399 = arith.index_cast %get3A_1397 : i32 to index
      %get3A_1400 = arith.constant 160 : index
      %get3A_1401 = tpu.vector_load %arg4[%get3A_1398, %get3A_1399, %get3A_1400] {strides = array<i32>} : memref<16x16x256xf32, #tpu.memory_space<vmem>>, vector<1x1x16xf32>,
      %get3A_1402 = vector.shape_cast %get3A_1401 : vector<1x1x16xf32> to vector<16xf32>
      %get3A_1403 = arith.constant 15 : i32
      %get3A_1404 = arith.index_cast %add3A_155 : i32 to index
      %get3A_1405 = arith.index_cast %get3A_1403 : i32 to index
      %get3A_1406 = arith.constant 160 : index
      %get3A_1407 = tpu.vector_load %arg4[%get3A_1404, %get3A_1405, %get3A_1406] {strides = array<i32>} : memref<16x16x256xf32, #tpu.memory_space<vmem>>, vector<1x1x16xf32>,
      %get3A_1408 = vector.shape_cast %get3A_1407 : vector<1x1x16xf32> to vector<16xf32>
      %max3A_1409 = arith.maximumf %get3A_1318, %get3A_1324 : vector<16xf32>
      %max3A_1410 = arith.maximumf %get3A_1330, %get3A_1336 : vector<16xf32>
      %max3A_1411 = arith.maximumf %get3A_1342, %get3A_1348 : vector<16xf32>
      %max3A_1412 = arith.maximumf %get3A_1354, %get3A_1360 : vector<16xf32>
      %max3A_1413 = arith.maximumf %get3A_1366, %get3A_1372 : vector<16xf32>
      %max3A_1414 = arith.maximumf %get3A_1378, %get3A_1384 : vector<16xf32>
      %max3A_1415 = arith.maximumf %get3A_1390, %get3A_1396 : vector<16xf32>
      %max3A_1416 = arith.maximumf %get3A_1402, %get3A_1408 : vector<16xf32>
      %max3A_1417 = arith.maximumf %max3A_1409, %max3A_1410 : vector<16xf32>
      %max3A_1418 = arith.maximumf %max3A_1411, %max3A_1412 : vector<16xf32>
      %max3A_1419 = arith.maximumf %max3A_1413, %max3A_1414 : vector<16xf32>
      %max3A_1420 = arith.maximumf %max3A_1415, %max3A_1416 : vector<16xf32>
      %max3A_1421 = arith.maximumf %max3A_1417, %max3A_1418 : vector<16xf32>
      %max3A_1422 = arith.maximumf %max3A_1419, %max3A_1420 : vector<16xf32>
      %max3A_1423 = arith.maximumf %max3A_1421, %max3A_1422 : vector<16xf32>
      %swap3A_1424 = arith.index_cast %add3A_155 : i32 to index
      %swap3A_1425 = arith.constant 160 : index
      %swap3A_1426 = tpu.vector_load %arg5[%swap3A_1424, %swap3A_1425] {strides = array<i32>} : memref<16x256xf32, #tpu.memory_space<vmem>>, vector<1x16xf32>,
      %swap3A_1427 = vector.shape_cast %swap3A_1426 : vector<1x16xf32> to vector<16xf32>
      %swap3A_1428 = vector.shape_cast %max3A_1423 : vector<16xf32> to vector<1x16xf32>
      tpu.vector_store %arg5[%swap3A_1424, %swap3A_1425], %swap3A_1428 {strides = array<i32>} : memref<16x256xf32, #tpu.memory_space<vmem>>, vector<1x16xf32>,
      %get3A_1429 = arith.constant 0 : i32
      %get3A_1430 = arith.index_cast %add3A_155 : i32 to index
      %get3A_1431 = arith.index_cast %get3A_1429 : i32 to index
      %get3A_1432 = arith.constant 176 : index
      %get3A_1433 = tpu.vector_load %arg4[%get3A_1430, %get3A_1431, %get3A_1432] {strides = array<i32>} : memref<16x16x256xf32, #tpu.memory_space<vmem>>, vector<1x1x16xf32>,
      %get3A_1434 = vector.shape_cast %get3A_1433 : vector<1x1x16xf32> to vector<16xf32>
      %get3A_1435 = arith.constant 1 : i32
      %get3A_1436 = arith.index_cast %add3A_155 : i32 to index
      %get3A_1437 = arith.index_cast %get3A_1435 : i32 to index
      %get3A_1438 = arith.constant 176 : index
      %get3A_1439 = tpu.vector_load %arg4[%get3A_1436, %get3A_1437, %get3A_1438] {strides = array<i32>} : memref<16x16x256xf32, #tpu.memory_space<vmem>>, vector<1x1x16xf32>,
      %get3A_1440 = vector.shape_cast %get3A_1439 : vector<1x1x16xf32> to vector<16xf32>
      %get3A_1441 = arith.constant 2 : i32
      %get3A_1442 = arith.index_cast %add3A_155 : i32 to index
      %get3A_1443 = arith.index_cast %get3A_1441 : i32 to index
      %get3A_1444 = arith.constant 176 : index
      %get3A_1445 = tpu.vector_load %arg4[%get3A_1442, %get3A_1443, %get3A_1444] {strides = array<i32>} : memref<16x16x256xf32, #tpu.memory_space<vmem>>, vector<1x1x16xf32>,
      %get3A_1446 = vector.shape_cast %get3A_1445 : vector<1x1x16xf32> to vector<16xf32>
      %get3A_1447 = arith.constant 3 : i32
      %get3A_1448 = arith.index_cast %add3A_155 : i32 to index
      %get3A_1449 = arith.index_cast %get3A_1447 : i32 to index
      %get3A_1450 = arith.constant 176 : index
      %get3A_1451 = tpu.vector_load %arg4[%get3A_1448, %get3A_1449, %get3A_1450] {strides = array<i32>} : memref<16x16x256xf32, #tpu.memory_space<vmem>>, vector<1x1x16xf32>,
      %get3A_1452 = vector.shape_cast %get3A_1451 : vector<1x1x16xf32> to vector<16xf32>
      %get3A_1453 = arith.constant 4 : i32
      %get3A_1454 = arith.index_cast %add3A_155 : i32 to index
      %get3A_1455 = arith.index_cast %get3A_1453 : i32 to index
      %get3A_1456 = arith.constant 176 : index
      %get3A_1457 = tpu.vector_load %arg4[%get3A_1454, %get3A_1455, %get3A_1456] {strides = array<i32>} : memref<16x16x256xf32, #tpu.memory_space<vmem>>, vector<1x1x16xf32>,
      %get3A_1458 = vector.shape_cast %get3A_1457 : vector<1x1x16xf32> to vector<16xf32>
      %get3A_1459 = arith.constant 5 : i32
      %get3A_1460 = arith.index_cast %add3A_155 : i32 to index
      %get3A_1461 = arith.index_cast %get3A_1459 : i32 to index
      %get3A_1462 = arith.constant 176 : index
      %get3A_1463 = tpu.vector_load %arg4[%get3A_1460, %get3A_1461, %get3A_1462] {strides = array<i32>} : memref<16x16x256xf32, #tpu.memory_space<vmem>>, vector<1x1x16xf32>,
      %get3A_1464 = vector.shape_cast %get3A_1463 : vector<1x1x16xf32> to vector<16xf32>
      %get3A_1465 = arith.constant 6 : i32
      %get3A_1466 = arith.index_cast %add3A_155 : i32 to index
      %get3A_1467 = arith.index_cast %get3A_1465 : i32 to index
      %get3A_1468 = arith.constant 176 : index
      %get3A_1469 = tpu.vector_load %arg4[%get3A_1466, %get3A_1467, %get3A_1468] {strides = array<i32>} : memref<16x16x256xf32, #tpu.memory_space<vmem>>, vector<1x1x16xf32>,
      %get3A_1470 = vector.shape_cast %get3A_1469 : vector<1x1x16xf32> to vector<16xf32>
      %get3A_1471 = arith.constant 7 : i32
      %get3A_1472 = arith.index_cast %add3A_155 : i32 to index
      %get3A_1473 = arith.index_cast %get3A_1471 : i32 to index
      %get3A_1474 = arith.constant 176 : index
      %get3A_1475 = tpu.vector_load %arg4[%get3A_1472, %get3A_1473, %get3A_1474] {strides = array<i32>} : memref<16x16x256xf32, #tpu.memory_space<vmem>>, vector<1x1x16xf32>,
      %get3A_1476 = vector.shape_cast %get3A_1475 : vector<1x1x16xf32> to vector<16xf32>
      %get3A_1477 = arith.constant 8 : i32
      %get3A_1478 = arith.index_cast %add3A_155 : i32 to index
      %get3A_1479 = arith.index_cast %get3A_1477 : i32 to index
      %get3A_1480 = arith.constant 176 : index
      %get3A_1481 = tpu.vector_load %arg4[%get3A_1478, %get3A_1479, %get3A_1480] {strides = array<i32>} : memref<16x16x256xf32, #tpu.memory_space<vmem>>, vector<1x1x16xf32>,
      %get3A_1482 = vector.shape_cast %get3A_1481 : vector<1x1x16xf32> to vector<16xf32>
      %get3A_1483 = arith.constant 9 : i32
      %get3A_1484 = arith.index_cast %add3A_155 : i32 to index
      %get3A_1485 = arith.index_cast %get3A_1483 : i32 to index
      %get3A_1486 = arith.constant 176 : index
      %get3A_1487 = tpu.vector_load %arg4[%get3A_1484, %get3A_1485, %get3A_1486] {strides = array<i32>} : memref<16x16x256xf32, #tpu.memory_space<vmem>>, vector<1x1x16xf32>,
      %get3A_1488 = vector.shape_cast %get3A_1487 : vector<1x1x16xf32> to vector<16xf32>
      %get3A_1489 = arith.constant 10 : i32
      %get3A_1490 = arith.index_cast %add3A_155 : i32 to index
      %get3A_1491 = arith.index_cast %get3A_1489 : i32 to index
      %get3A_1492 = arith.constant 176 : index
      %get3A_1493 = tpu.vector_load %arg4[%get3A_1490, %get3A_1491, %get3A_1492] {strides = array<i32>} : memref<16x16x256xf32, #tpu.memory_space<vmem>>, vector<1x1x16xf32>,
      %get3A_1494 = vector.shape_cast %get3A_1493 : vector<1x1x16xf32> to vector<16xf32>
      %get3A_1495 = arith.constant 11 : i32
      %get3A_1496 = arith.index_cast %add3A_155 : i32 to index
      %get3A_1497 = arith.index_cast %get3A_1495 : i32 to index
      %get3A_1498 = arith.constant 176 : index
      %get3A_1499 = tpu.vector_load %arg4[%get3A_1496, %get3A_1497, %get3A_1498] {strides = array<i32>} : memref<16x16x256xf32, #tpu.memory_space<vmem>>, vector<1x1x16xf32>,
      %get3A_1500 = vector.shape_cast %get3A_1499 : vector<1x1x16xf32> to vector<16xf32>
      %get3A_1501 = arith.constant 12 : i32
      %get3A_1502 = arith.index_cast %add3A_155 : i32 to index
      %get3A_1503 = arith.index_cast %get3A_1501 : i32 to index
      %get3A_1504 = arith.constant 176 : index
      %get3A_1505 = tpu.vector_load %arg4[%get3A_1502, %get3A_1503, %get3A_1504] {strides = array<i32>} : memref<16x16x256xf32, #tpu.memory_space<vmem>>, vector<1x1x16xf32>,
      %get3A_1506 = vector.shape_cast %get3A_1505 : vector<1x1x16xf32> to vector<16xf32>
      %get3A_1507 = arith.constant 13 : i32
      %get3A_1508 = arith.index_cast %add3A_155 : i32 to index
      %get3A_1509 = arith.index_cast %get3A_1507 : i32 to index
      %get3A_1510 = arith.constant 176 : index
      %get3A_1511 = tpu.vector_load %arg4[%get3A_1508, %get3A_1509, %get3A_1510] {strides = array<i32>} : memref<16x16x256xf32, #tpu.memory_space<vmem>>, vector<1x1x16xf32>,
      %get3A_1512 = vector.shape_cast %get3A_1511 : vector<1x1x16xf32> to vector<16xf32>
      %get3A_1513 = arith.constant 14 : i32
      %get3A_1514 = arith.index_cast %add3A_155 : i32 to index
      %get3A_1515 = arith.index_cast %get3A_1513 : i32 to index
      %get3A_1516 = arith.constant 176 : index
      %get3A_1517 = tpu.vector_load %arg4[%get3A_1514, %get3A_1515, %get3A_1516] {strides = array<i32>} : memref<16x16x256xf32, #tpu.memory_space<vmem>>, vector<1x1x16xf32>,
      %get3A_1518 = vector.shape_cast %get3A_1517 : vector<1x1x16xf32> to vector<16xf32>
      %get3A_1519 = arith.constant 15 : i32
      %get3A_1520 = arith.index_cast %add3A_155 : i32 to index
      %get3A_1521 = arith.index_cast %get3A_1519 : i32 to index
      %get3A_1522 = arith.constant 176 : index
      %get3A_1523 = tpu.vector_load %arg4[%get3A_1520, %get3A_1521, %get3A_1522] {strides = array<i32>} : memref<16x16x256xf32, #tpu.memory_space<vmem>>, vector<1x1x16xf32>,
      %get3A_1524 = vector.shape_cast %get3A_1523 : vector<1x1x16xf32> to vector<16xf32>
      %max3A_1525 = arith.maximumf %get3A_1434, %get3A_1440 : vector<16xf32>
      %max3A_1526 = arith.maximumf %get3A_1446, %get3A_1452 : vector<16xf32>
      %max3A_1527 = arith.maximumf %get3A_1458, %get3A_1464 : vector<16xf32>
      %max3A_1528 = arith.maximumf %get3A_1470, %get3A_1476 : vector<16xf32>
      %max3A_1529 = arith.maximumf %get3A_1482, %get3A_1488 : vector<16xf32>
      %max3A_1530 = arith.maximumf %get3A_1494, %get3A_1500 : vector<16xf32>
      %max3A_1531 = arith.maximumf %get3A_1506, %get3A_1512 : vector<16xf32>
      %max3A_1532 = arith.maximumf %get3A_1518, %get3A_1524 : vector<16xf32>
      %max3A_1533 = arith.maximumf %max3A_1525, %max3A_1526 : vector<16xf32>
      %max3A_1534 = arith.maximumf %max3A_1527, %max3A_1528 : vector<16xf32>
      %max3A_1535 = arith.maximumf %max3A_1529, %max3A_1530 : vector<16xf32>
      %max3A_1536 = arith.maximumf %max3A_1531, %max3A_1532 : vector<16xf32>
      %max3A_1537 = arith.maximumf %max3A_1533, %max3A_1534 : vector<16xf32>
      %max3A_1538 = arith.maximumf %max3A_1535, %max3A_1536 : vector<16xf32>
      %max3A_1539 = arith.maximumf %max3A_1537, %max3A_1538 : vector<16xf32>
      %swap3A_1540 = arith.index_cast %add3A_155 : i32 to index
      %swap3A_1541 = arith.constant 176 : index
      %swap3A_1542 = tpu.vector_load %arg5[%swap3A_1540, %swap3A_1541] {strides = array<i32>} : memref<16x256xf32, #tpu.memory_space<vmem>>, vector<1x16xf32>,
      %swap3A_1543 = vector.shape_cast %swap3A_1542 : vector<1x16xf32> to vector<16xf32>
      %swap3A_1544 = vector.shape_cast %max3A_1539 : vector<16xf32> to vector<1x16xf32>
      tpu.vector_store %arg5[%swap3A_1540, %swap3A_1541], %swap3A_1544 {strides = array<i32>} : memref<16x256xf32, #tpu.memory_space<vmem>>, vector<1x16xf32>,
      %get3A_1545 = arith.constant 0 : i32
      %get3A_1546 = arith.index_cast %add3A_155 : i32 to index
      %get3A_1547 = arith.index_cast %get3A_1545 : i32 to index
      %get3A_1548 = arith.constant 192 : index
      %get3A_1549 = tpu.vector_load %arg4[%get3A_1546, %get3A_1547, %get3A_1548] {strides = array<i32>} : memref<16x16x256xf32, #tpu.memory_space<vmem>>, vector<1x1x16xf32>,
      %get3A_1550 = vector.shape_cast %get3A_1549 : vector<1x1x16xf32> to vector<16xf32>
      %get3A_1551 = arith.constant 1 : i32
      %get3A_1552 = arith.index_cast %add3A_155 : i32 to index
      %get3A_1553 = arith.index_cast %get3A_1551 : i32 to index
      %get3A_1554 = arith.constant 192 : index
      %get3A_1555 = tpu.vector_load %arg4[%get3A_1552, %get3A_1553, %get3A_1554] {strides = array<i32>} : memref<16x16x256xf32, #tpu.memory_space<vmem>>, vector<1x1x16xf32>,
      %get3A_1556 = vector.shape_cast %get3A_1555 : vector<1x1x16xf32> to vector<16xf32>
      %get3A_1557 = arith.constant 2 : i32
      %get3A_1558 = arith.index_cast %add3A_155 : i32 to index
      %get3A_1559 = arith.index_cast %get3A_1557 : i32 to index
      %get3A_1560 = arith.constant 192 : index
      %get3A_1561 = tpu.vector_load %arg4[%get3A_1558, %get3A_1559, %get3A_1560] {strides = array<i32>} : memref<16x16x256xf32, #tpu.memory_space<vmem>>, vector<1x1x16xf32>,
      %get3A_1562 = vector.shape_cast %get3A_1561 : vector<1x1x16xf32> to vector<16xf32>
      %get3A_1563 = arith.constant 3 : i32
      %get3A_1564 = arith.index_cast %add3A_155 : i32 to index
      %get3A_1565 = arith.index_cast %get3A_1563 : i32 to index
      %get3A_1566 = arith.constant 192 : index
      %get3A_1567 = tpu.vector_load %arg4[%get3A_1564, %get3A_1565, %get3A_1566] {strides = array<i32>} : memref<16x16x256xf32, #tpu.memory_space<vmem>>, vector<1x1x16xf32>,
      %get3A_1568 = vector.shape_cast %get3A_1567 : vector<1x1x16xf32> to vector<16xf32>
      %get3A_1569 = arith.constant 4 : i32
      %get3A_1570 = arith.index_cast %add3A_155 : i32 to index
      %get3A_1571 = arith.index_cast %get3A_1569 : i32 to index
      %get3A_1572 = arith.constant 192 : index
      %get3A_1573 = tpu.vector_load %arg4[%get3A_1570, %get3A_1571, %get3A_1572] {strides = array<i32>} : memref<16x16x256xf32, #tpu.memory_space<vmem>>, vector<1x1x16xf32>,
      %get3A_1574 = vector.shape_cast %get3A_1573 : vector<1x1x16xf32> to vector<16xf32>
      %get3A_1575 = arith.constant 5 : i32
      %get3A_1576 = arith.index_cast %add3A_155 : i32 to index
      %get3A_1577 = arith.index_cast %get3A_1575 : i32 to index
      %get3A_1578 = arith.constant 192 : index
      %get3A_1579 = tpu.vector_load %arg4[%get3A_1576, %get3A_1577, %get3A_1578] {strides = array<i32>} : memref<16x16x256xf32, #tpu.memory_space<vmem>>, vector<1x1x16xf32>,
      %get3A_1580 = vector.shape_cast %get3A_1579 : vector<1x1x16xf32> to vector<16xf32>
      %get3A_1581 = arith.constant 6 : i32
      %get3A_1582 = arith.index_cast %add3A_155 : i32 to index
      %get3A_1583 = arith.index_cast %get3A_1581 : i32 to index
      %get3A_1584 = arith.constant 192 : index
      %get3A_1585 = tpu.vector_load %arg4[%get3A_1582, %get3A_1583, %get3A_1584] {strides = array<i32>} : memref<16x16x256xf32, #tpu.memory_space<vmem>>, vector<1x1x16xf32>,
      %get3A_1586 = vector.shape_cast %get3A_1585 : vector<1x1x16xf32> to vector<16xf32>
      %get3A_1587 = arith.constant 7 : i32
      %get3A_1588 = arith.index_cast %add3A_155 : i32 to index
      %get3A_1589 = arith.index_cast %get3A_1587 : i32 to index
      %get3A_1590 = arith.constant 192 : index
      %get3A_1591 = tpu.vector_load %arg4[%get3A_1588, %get3A_1589, %get3A_1590] {strides = array<i32>} : memref<16x16x256xf32, #tpu.memory_space<vmem>>, vector<1x1x16xf32>,
      %get3A_1592 = vector.shape_cast %get3A_1591 : vector<1x1x16xf32> to vector<16xf32>
      %get3A_1593 = arith.constant 8 : i32
      %get3A_1594 = arith.index_cast %add3A_155 : i32 to index
      %get3A_1595 = arith.index_cast %get3A_1593 : i32 to index
      %get3A_1596 = arith.constant 192 : index
      %get3A_1597 = tpu.vector_load %arg4[%get3A_1594, %get3A_1595, %get3A_1596] {strides = array<i32>} : memref<16x16x256xf32, #tpu.memory_space<vmem>>, vector<1x1x16xf32>,
      %get3A_1598 = vector.shape_cast %get3A_1597 : vector<1x1x16xf32> to vector<16xf32>
      %get3A_1599 = arith.constant 9 : i32
      %get3A_1600 = arith.index_cast %add3A_155 : i32 to index
      %get3A_1601 = arith.index_cast %get3A_1599 : i32 to index
      %get3A_1602 = arith.constant 192 : index
      %get3A_1603 = tpu.vector_load %arg4[%get3A_1600, %get3A_1601, %get3A_1602] {strides = array<i32>} : memref<16x16x256xf32, #tpu.memory_space<vmem>>, vector<1x1x16xf32>,
      %get3A_1604 = vector.shape_cast %get3A_1603 : vector<1x1x16xf32> to vector<16xf32>
      %get3A_1605 = arith.constant 10 : i32
      %get3A_1606 = arith.index_cast %add3A_155 : i32 to index
      %get3A_1607 = arith.index_cast %get3A_1605 : i32 to index
      %get3A_1608 = arith.constant 192 : index
      %get3A_1609 = tpu.vector_load %arg4[%get3A_1606, %get3A_1607, %get3A_1608] {strides = array<i32>} : memref<16x16x256xf32, #tpu.memory_space<vmem>>, vector<1x1x16xf32>,
      %get3A_1610 = vector.shape_cast %get3A_1609 : vector<1x1x16xf32> to vector<16xf32>
      %get3A_1611 = arith.constant 11 : i32
      %get3A_1612 = arith.index_cast %add3A_155 : i32 to index
      %get3A_1613 = arith.index_cast %get3A_1611 : i32 to index
      %get3A_1614 = arith.constant 192 : index
      %get3A_1615 = tpu.vector_load %arg4[%get3A_1612, %get3A_1613, %get3A_1614] {strides = array<i32>} : memref<16x16x256xf32, #tpu.memory_space<vmem>>, vector<1x1x16xf32>,
      %get3A_1616 = vector.shape_cast %get3A_1615 : vector<1x1x16xf32> to vector<16xf32>
      %get3A_1617 = arith.constant 12 : i32
      %get3A_1618 = arith.index_cast %add3A_155 : i32 to index
      %get3A_1619 = arith.index_cast %get3A_1617 : i32 to index
      %get3A_1620 = arith.constant 192 : index
      %get3A_1621 = tpu.vector_load %arg4[%get3A_1618, %get3A_1619, %get3A_1620] {strides = array<i32>} : memref<16x16x256xf32, #tpu.memory_space<vmem>>, vector<1x1x16xf32>,
      %get3A_1622 = vector.shape_cast %get3A_1621 : vector<1x1x16xf32> to vector<16xf32>
      %get3A_1623 = arith.constant 13 : i32
      %get3A_1624 = arith.index_cast %add3A_155 : i32 to index
      %get3A_1625 = arith.index_cast %get3A_1623 : i32 to index
      %get3A_1626 = arith.constant 192 : index
      %get3A_1627 = tpu.vector_load %arg4[%get3A_1624, %get3A_1625, %get3A_1626] {strides = array<i32>} : memref<16x16x256xf32, #tpu.memory_space<vmem>>, vector<1x1x16xf32>,
      %get3A_1628 = vector.shape_cast %get3A_1627 : vector<1x1x16xf32> to vector<16xf32>
      %get3A_1629 = arith.constant 14 : i32
      %get3A_1630 = arith.index_cast %add3A_155 : i32 to index
      %get3A_1631 = arith.index_cast %get3A_1629 : i32 to index
      %get3A_1632 = arith.constant 192 : index
      %get3A_1633 = tpu.vector_load %arg4[%get3A_1630, %get3A_1631, %get3A_1632] {strides = array<i32>} : memref<16x16x256xf32, #tpu.memory_space<vmem>>, vector<1x1x16xf32>,
      %get3A_1634 = vector.shape_cast %get3A_1633 : vector<1x1x16xf32> to vector<16xf32>
      %get3A_1635 = arith.constant 15 : i32
      %get3A_1636 = arith.index_cast %add3A_155 : i32 to index
      %get3A_1637 = arith.index_cast %get3A_1635 : i32 to index
      %get3A_1638 = arith.constant 192 : index
      %get3A_1639 = tpu.vector_load %arg4[%get3A_1636, %get3A_1637, %get3A_1638] {strides = array<i32>} : memref<16x16x256xf32, #tpu.memory_space<vmem>>, vector<1x1x16xf32>,
      %get3A_1640 = vector.shape_cast %get3A_1639 : vector<1x1x16xf32> to vector<16xf32>
      %max3A_1641 = arith.maximumf %get3A_1550, %get3A_1556 : vector<16xf32>
      %max3A_1642 = arith.maximumf %get3A_1562, %get3A_1568 : vector<16xf32>
      %max3A_1643 = arith.maximumf %get3A_1574, %get3A_1580 : vector<16xf32>
      %max3A_1644 = arith.maximumf %get3A_1586, %get3A_1592 : vector<16xf32>
      %max3A_1645 = arith.maximumf %get3A_1598, %get3A_1604 : vector<16xf32>
      %max3A_1646 = arith.maximumf %get3A_1610, %get3A_1616 : vector<16xf32>
      %max3A_1647 = arith.maximumf %get3A_1622, %get3A_1628 : vector<16xf32>
      %max3A_1648 = arith.maximumf %get3A_1634, %get3A_1640 : vector<16xf32>
      %max3A_1649 = arith.maximumf %max3A_1641, %max3A_1642 : vector<16xf32>
      %max3A_1650 = arith.maximumf %max3A_1643, %max3A_1644 : vector<16xf32>
      %max3A_1651 = arith.maximumf %max3A_1645, %max3A_1646 : vector<16xf32>
      %max3A_1652 = arith.maximumf %max3A_1647, %max3A_1648 : vector<16xf32>
      %max3A_1653 = arith.maximumf %max3A_1649, %max3A_1650 : vector<16xf32>
      %max3A_1654 = arith.maximumf %max3A_1651, %max3A_1652 : vector<16xf32>
      %max3A_1655 = arith.maximumf %max3A_1653, %max3A_1654 : vector<16xf32>
      %swap3A_1656 = arith.index_cast %add3A_155 : i32 to index
      %swap3A_1657 = arith.constant 192 : index
      %swap3A_1658 = tpu.vector_load %arg5[%swap3A_1656, %swap3A_1657] {strides = array<i32>} : memref<16x256xf32, #tpu.memory_space<vmem>>, vector<1x16xf32>,
      %swap3A_1659 = vector.shape_cast %swap3A_1658 : vector<1x16xf32> to vector<16xf32>
      %swap3A_1660 = vector.shape_cast %max3A_1655 : vector<16xf32> to vector<1x16xf32>
      tpu.vector_store %arg5[%swap3A_1656, %swap3A_1657], %swap3A_1660 {strides = array<i32>} : memref<16x256xf32, #tpu.memory_space<vmem>>, vector<1x16xf32>,
      %get3A_1661 = arith.constant 0 : i32
      %get3A_1662 = arith.index_cast %add3A_155 : i32 to index
      %get3A_1663 = arith.index_cast %get3A_1661 : i32 to index
      %get3A_1664 = arith.constant 208 : index
      %get3A_1665 = tpu.vector_load %arg4[%get3A_1662, %get3A_1663, %get3A_1664] {strides = array<i32>} : memref<16x16x256xf32, #tpu.memory_space<vmem>>, vector<1x1x16xf32>,
      %get3A_1666 = vector.shape_cast %get3A_1665 : vector<1x1x16xf32> to vector<16xf32>
      %get3A_1667 = arith.constant 1 : i32
      %get3A_1668 = arith.index_cast %add3A_155 : i32 to index
      %get3A_1669 = arith.index_cast %get3A_1667 : i32 to index
      %get3A_1670 = arith.constant 208 : index
      %get3A_1671 = tpu.vector_load %arg4[%get3A_1668, %get3A_1669, %get3A_1670] {strides = array<i32>} : memref<16x16x256xf32, #tpu.memory_space<vmem>>, vector<1x1x16xf32>,
      %get3A_1672 = vector.shape_cast %get3A_1671 : vector<1x1x16xf32> to vector<16xf32>
      %get3A_1673 = arith.constant 2 : i32
      %get3A_1674 = arith.index_cast %add3A_155 : i32 to index
      %get3A_1675 = arith.index_cast %get3A_1673 : i32 to index
      %get3A_1676 = arith.constant 208 : index
      %get3A_1677 = tpu.vector_load %arg4[%get3A_1674, %get3A_1675, %get3A_1676] {strides = array<i32>} : memref<16x16x256xf32, #tpu.memory_space<vmem>>, vector<1x1x16xf32>,
      %get3A_1678 = vector.shape_cast %get3A_1677 : vector<1x1x16xf32> to vector<16xf32>
      %get3A_1679 = arith.constant 3 : i32
      %get3A_1680 = arith.index_cast %add3A_155 : i32 to index
      %get3A_1681 = arith.index_cast %get3A_1679 : i32 to index
      %get3A_1682 = arith.constant 208 : index
      %get3A_1683 = tpu.vector_load %arg4[%get3A_1680, %get3A_1681, %get3A_1682] {strides = array<i32>} : memref<16x16x256xf32, #tpu.memory_space<vmem>>, vector<1x1x16xf32>,
      %get3A_1684 = vector.shape_cast %get3A_1683 : vector<1x1x16xf32> to vector<16xf32>
      %get3A_1685 = arith.constant 4 : i32
      %get3A_1686 = arith.index_cast %add3A_155 : i32 to index
      %get3A_1687 = arith.index_cast %get3A_1685 : i32 to index
      %get3A_1688 = arith.constant 208 : index
      %get3A_1689 = tpu.vector_load %arg4[%get3A_1686, %get3A_1687, %get3A_1688] {strides = array<i32>} : memref<16x16x256xf32, #tpu.memory_space<vmem>>, vector<1x1x16xf32>,
      %get3A_1690 = vector.shape_cast %get3A_1689 : vector<1x1x16xf32> to vector<16xf32>
      %get3A_1691 = arith.constant 5 : i32
      %get3A_1692 = arith.index_cast %add3A_155 : i32 to index
      %get3A_1693 = arith.index_cast %get3A_1691 : i32 to index
      %get3A_1694 = arith.constant 208 : index
      %get3A_1695 = tpu.vector_load %arg4[%get3A_1692, %get3A_1693, %get3A_1694] {strides = array<i32>} : memref<16x16x256xf32, #tpu.memory_space<vmem>>, vector<1x1x16xf32>,
      %get3A_1696 = vector.shape_cast %get3A_1695 : vector<1x1x16xf32> to vector<16xf32>
      %get3A_1697 = arith.constant 6 : i32
      %get3A_1698 = arith.index_cast %add3A_155 : i32 to index
      %get3A_1699 = arith.index_cast %get3A_1697 : i32 to index
      %get3A_1700 = arith.constant 208 : index
      %get3A_1701 = tpu.vector_load %arg4[%get3A_1698, %get3A_1699, %get3A_1700] {strides = array<i32>} : memref<16x16x256xf32, #tpu.memory_space<vmem>>, vector<1x1x16xf32>,
      %get3A_1702 = vector.shape_cast %get3A_1701 : vector<1x1x16xf32> to vector<16xf32>
      %get3A_1703 = arith.constant 7 : i32
      %get3A_1704 = arith.index_cast %add3A_155 : i32 to index
      %get3A_1705 = arith.index_cast %get3A_1703 : i32 to index
      %get3A_1706 = arith.constant 208 : index
      %get3A_1707 = tpu.vector_load %arg4[%get3A_1704, %get3A_1705, %get3A_1706] {strides = array<i32>} : memref<16x16x256xf32, #tpu.memory_space<vmem>>, vector<1x1x16xf32>,
      %get3A_1708 = vector.shape_cast %get3A_1707 : vector<1x1x16xf32> to vector<16xf32>
      %get3A_1709 = arith.constant 8 : i32
      %get3A_1710 = arith.index_cast %add3A_155 : i32 to index
      %get3A_1711 = arith.index_cast %get3A_1709 : i32 to index
      %get3A_1712 = arith.constant 208 : index
      %get3A_1713 = tpu.vector_load %arg4[%get3A_1710, %get3A_1711, %get3A_1712] {strides = array<i32>} : memref<16x16x256xf32, #tpu.memory_space<vmem>>, vector<1x1x16xf32>,
      %get3A_1714 = vector.shape_cast %get3A_1713 : vector<1x1x16xf32> to vector<16xf32>
      %get3A_1715 = arith.constant 9 : i32
      %get3A_1716 = arith.index_cast %add3A_155 : i32 to index
      %get3A_1717 = arith.index_cast %get3A_1715 : i32 to index
      %get3A_1718 = arith.constant 208 : index
      %get3A_1719 = tpu.vector_load %arg4[%get3A_1716, %get3A_1717, %get3A_1718] {strides = array<i32>} : memref<16x16x256xf32, #tpu.memory_space<vmem>>, vector<1x1x16xf32>,
      %get3A_1720 = vector.shape_cast %get3A_1719 : vector<1x1x16xf32> to vector<16xf32>
      %get3A_1721 = arith.constant 10 : i32
      %get3A_1722 = arith.index_cast %add3A_155 : i32 to index
      %get3A_1723 = arith.index_cast %get3A_1721 : i32 to index
      %get3A_1724 = arith.constant 208 : index
      %get3A_1725 = tpu.vector_load %arg4[%get3A_1722, %get3A_1723, %get3A_1724] {strides = array<i32>} : memref<16x16x256xf32, #tpu.memory_space<vmem>>, vector<1x1x16xf32>,
      %get3A_1726 = vector.shape_cast %get3A_1725 : vector<1x1x16xf32> to vector<16xf32>
      %get3A_1727 = arith.constant 11 : i32
      %get3A_1728 = arith.index_cast %add3A_155 : i32 to index
      %get3A_1729 = arith.index_cast %get3A_1727 : i32 to index
      %get3A_1730 = arith.constant 208 : index
      %get3A_1731 = tpu.vector_load %arg4[%get3A_1728, %get3A_1729, %get3A_1730] {strides = array<i32>} : memref<16x16x256xf32, #tpu.memory_space<vmem>>, vector<1x1x16xf32>,
      %get3A_1732 = vector.shape_cast %get3A_1731 : vector<1x1x16xf32> to vector<16xf32>
      %get3A_1733 = arith.constant 12 : i32
      %get3A_1734 = arith.index_cast %add3A_155 : i32 to index
      %get3A_1735 = arith.index_cast %get3A_1733 : i32 to index
      %get3A_1736 = arith.constant 208 : index
      %get3A_1737 = tpu.vector_load %arg4[%get3A_1734, %get3A_1735, %get3A_1736] {strides = array<i32>} : memref<16x16x256xf32, #tpu.memory_space<vmem>>, vector<1x1x16xf32>,
      %get3A_1738 = vector.shape_cast %get3A_1737 : vector<1x1x16xf32> to vector<16xf32>
      %get3A_1739 = arith.constant 13 : i32
      %get3A_1740 = arith.index_cast %add3A_155 : i32 to index
      %get3A_1741 = arith.index_cast %get3A_1739 : i32 to index
      %get3A_1742 = arith.constant 208 : index
      %get3A_1743 = tpu.vector_load %arg4[%get3A_1740, %get3A_1741, %get3A_1742] {strides = array<i32>} : memref<16x16x256xf32, #tpu.memory_space<vmem>>, vector<1x1x16xf32>,
      %get3A_1744 = vector.shape_cast %get3A_1743 : vector<1x1x16xf32> to vector<16xf32>
      %get3A_1745 = arith.constant 14 : i32
      %get3A_1746 = arith.index_cast %add3A_155 : i32 to index
      %get3A_1747 = arith.index_cast %get3A_1745 : i32 to index
      %get3A_1748 = arith.constant 208 : index
      %get3A_1749 = tpu.vector_load %arg4[%get3A_1746, %get3A_1747, %get3A_1748] {strides = array<i32>} : memref<16x16x256xf32, #tpu.memory_space<vmem>>, vector<1x1x16xf32>,
      %get3A_1750 = vector.shape_cast %get3A_1749 : vector<1x1x16xf32> to vector<16xf32>
      %get3A_1751 = arith.constant 15 : i32
      %get3A_1752 = arith.index_cast %add3A_155 : i32 to index
      %get3A_1753 = arith.index_cast %get3A_1751 : i32 to index
      %get3A_1754 = arith.constant 208 : index
      %get3A_1755 = tpu.vector_load %arg4[%get3A_1752, %get3A_1753, %get3A_1754] {strides = array<i32>} : memref<16x16x256xf32, #tpu.memory_space<vmem>>, vector<1x1x16xf32>,
      %get3A_1756 = vector.shape_cast %get3A_1755 : vector<1x1x16xf32> to vector<16xf32>
      %max3A_1757 = arith.maximumf %get3A_1666, %get3A_1672 : vector<16xf32>
      %max3A_1758 = arith.maximumf %get3A_1678, %get3A_1684 : vector<16xf32>
      %max3A_1759 = arith.maximumf %get3A_1690, %get3A_1696 : vector<16xf32>
      %max3A_1760 = arith.maximumf %get3A_1702, %get3A_1708 : vector<16xf32>
      %max3A_1761 = arith.maximumf %get3A_1714, %get3A_1720 : vector<16xf32>
      %max3A_1762 = arith.maximumf %get3A_1726, %get3A_1732 : vector<16xf32>
      %max3A_1763 = arith.maximumf %get3A_1738, %get3A_1744 : vector<16xf32>
      %max3A_1764 = arith.maximumf %get3A_1750, %get3A_1756 : vector<16xf32>
      %max3A_1765 = arith.maximumf %max3A_1757, %max3A_1758 : vector<16xf32>
      %max3A_1766 = arith.maximumf %max3A_1759, %max3A_1760 : vector<16xf32>
      %max3A_1767 = arith.maximumf %max3A_1761, %max3A_1762 : vector<16xf32>
      %max3A_1768 = arith.maximumf %max3A_1763, %max3A_1764 : vector<16xf32>
      %max3A_1769 = arith.maximumf %max3A_1765, %max3A_1766 : vector<16xf32>
      %max3A_1770 = arith.maximumf %max3A_1767, %max3A_1768 : vector<16xf32>
      %max3A_1771 = arith.maximumf %max3A_1769, %max3A_1770 : vector<16xf32>
      %swap3A_1772 = arith.index_cast %add3A_155 : i32 to index
      %swap3A_1773 = arith.constant 208 : index
      %swap3A_1774 = tpu.vector_load %arg5[%swap3A_1772, %swap3A_1773] {strides = array<i32>} : memref<16x256xf32, #tpu.memory_space<vmem>>, vector<1x16xf32>,
      %swap3A_1775 = vector.shape_cast %swap3A_1774 : vector<1x16xf32> to vector<16xf32>
      %swap3A_1776 = vector.shape_cast %max3A_1771 : vector<16xf32> to vector<1x16xf32>
      tpu.vector_store %arg5[%swap3A_1772, %swap3A_1773], %swap3A_1776 {strides = array<i32>} : memref<16x256xf32, #tpu.memory_space<vmem>>, vector<1x16xf32>,
      %get3A_1777 = arith.constant 0 : i32
      %get3A_1778 = arith.index_cast %add3A_155 : i32 to index
      %get3A_1779 = arith.index_cast %get3A_1777 : i32 to index
      %get3A_1780 = arith.constant 224 : index
      %get3A_1781 = tpu.vector_load %arg4[%get3A_1778, %get3A_1779, %get3A_1780] {strides = array<i32>} : memref<16x16x256xf32, #tpu.memory_space<vmem>>, vector<1x1x16xf32>,
      %get3A_1782 = vector.shape_cast %get3A_1781 : vector<1x1x16xf32> to vector<16xf32>
      %get3A_1783 = arith.constant 1 : i32
      %get3A_1784 = arith.index_cast %add3A_155 : i32 to index
      %get3A_1785 = arith.index_cast %get3A_1783 : i32 to index
      %get3A_1786 = arith.constant 224 : index
      %get3A_1787 = tpu.vector_load %arg4[%get3A_1784, %get3A_1785, %get3A_1786] {strides = array<i32>} : memref<16x16x256xf32, #tpu.memory_space<vmem>>, vector<1x1x16xf32>,
      %get3A_1788 = vector.shape_cast %get3A_1787 : vector<1x1x16xf32> to vector<16xf32>
      %get3A_1789 = arith.constant 2 : i32
      %get3A_1790 = arith.index_cast %add3A_155 : i32 to index
      %get3A_1791 = arith.index_cast %get3A_1789 : i32 to index
      %get3A_1792 = arith.constant 224 : index
      %get3A_1793 = tpu.vector_load %arg4[%get3A_1790, %get3A_1791, %get3A_1792] {strides = array<i32>} : memref<16x16x256xf32, #tpu.memory_space<vmem>>, vector<1x1x16xf32>,
      %get3A_1794 = vector.shape_cast %get3A_1793 : vector<1x1x16xf32> to vector<16xf32>
      %get3A_1795 = arith.constant 3 : i32
      %get3A_1796 = arith.index_cast %add3A_155 : i32 to index
      %get3A_1797 = arith.index_cast %get3A_1795 : i32 to index
      %get3A_1798 = arith.constant 224 : index
      %get3A_1799 = tpu.vector_load %arg4[%get3A_1796, %get3A_1797, %get3A_1798] {strides = array<i32>} : memref<16x16x256xf32, #tpu.memory_space<vmem>>, vector<1x1x16xf32>,
      %get3A_1800 = vector.shape_cast %get3A_1799 : vector<1x1x16xf32> to vector<16xf32>
      %get3A_1801 = arith.constant 4 : i32
      %get3A_1802 = arith.index_cast %add3A_155 : i32 to index
      %get3A_1803 = arith.index_cast %get3A_1801 : i32 to index
      %get3A_1804 = arith.constant 224 : index
      %get3A_1805 = tpu.vector_load %arg4[%get3A_1802, %get3A_1803, %get3A_1804] {strides = array<i32>} : memref<16x16x256xf32, #tpu.memory_space<vmem>>, vector<1x1x16xf32>,
      %get3A_1806 = vector.shape_cast %get3A_1805 : vector<1x1x16xf32> to vector<16xf32>
      %get3A_1807 = arith.constant 5 : i32
      %get3A_1808 = arith.index_cast %add3A_155 : i32 to index
      %get3A_1809 = arith.index_cast %get3A_1807 : i32 to index
      %get3A_1810 = arith.constant 224 : index
      %get3A_1811 = tpu.vector_load %arg4[%get3A_1808, %get3A_1809, %get3A_1810] {strides = array<i32>} : memref<16x16x256xf32, #tpu.memory_space<vmem>>, vector<1x1x16xf32>,
      %get3A_1812 = vector.shape_cast %get3A_1811 : vector<1x1x16xf32> to vector<16xf32>
      %get3A_1813 = arith.constant 6 : i32
      %get3A_1814 = arith.index_cast %add3A_155 : i32 to index
      %get3A_1815 = arith.index_cast %get3A_1813 : i32 to index
      %get3A_1816 = arith.constant 224 : index
      %get3A_1817 = tpu.vector_load %arg4[%get3A_1814, %get3A_1815, %get3A_1816] {strides = array<i32>} : memref<16x16x256xf32, #tpu.memory_space<vmem>>, vector<1x1x16xf32>,
      %get3A_1818 = vector.shape_cast %get3A_1817 : vector<1x1x16xf32> to vector<16xf32>
      %get3A_1819 = arith.constant 7 : i32
      %get3A_1820 = arith.index_cast %add3A_155 : i32 to index
      %get3A_1821 = arith.index_cast %get3A_1819 : i32 to index
      %get3A_1822 = arith.constant 224 : index
      %get3A_1823 = tpu.vector_load %arg4[%get3A_1820, %get3A_1821, %get3A_1822] {strides = array<i32>} : memref<16x16x256xf32, #tpu.memory_space<vmem>>, vector<1x1x16xf32>,
      %get3A_1824 = vector.shape_cast %get3A_1823 : vector<1x1x16xf32> to vector<16xf32>
      %get3A_1825 = arith.constant 8 : i32
      %get3A_1826 = arith.index_cast %add3A_155 : i32 to index
      %get3A_1827 = arith.index_cast %get3A_1825 : i32 to index
      %get3A_1828 = arith.constant 224 : index
      %get3A_1829 = tpu.vector_load %arg4[%get3A_1826, %get3A_1827, %get3A_1828] {strides = array<i32>} : memref<16x16x256xf32, #tpu.memory_space<vmem>>, vector<1x1x16xf32>,
      %get3A_1830 = vector.shape_cast %get3A_1829 : vector<1x1x16xf32> to vector<16xf32>
      %get3A_1831 = arith.constant 9 : i32
      %get3A_1832 = arith.index_cast %add3A_155 : i32 to index
      %get3A_1833 = arith.index_cast %get3A_1831 : i32 to index
      %get3A_1834 = arith.constant 224 : index
      %get3A_1835 = tpu.vector_load %arg4[%get3A_1832, %get3A_1833, %get3A_1834] {strides = array<i32>} : memref<16x16x256xf32, #tpu.memory_space<vmem>>, vector<1x1x16xf32>,
      %get3A_1836 = vector.shape_cast %get3A_1835 : vector<1x1x16xf32> to vector<16xf32>
      %get3A_1837 = arith.constant 10 : i32
      %get3A_1838 = arith.index_cast %add3A_155 : i32 to index
      %get3A_1839 = arith.index_cast %get3A_1837 : i32 to index
      %get3A_1840 = arith.constant 224 : index
      %get3A_1841 = tpu.vector_load %arg4[%get3A_1838, %get3A_1839, %get3A_1840] {strides = array<i32>} : memref<16x16x256xf32, #tpu.memory_space<vmem>>, vector<1x1x16xf32>,
      %get3A_1842 = vector.shape_cast %get3A_1841 : vector<1x1x16xf32> to vector<16xf32>
      %get3A_1843 = arith.constant 11 : i32
      %get3A_1844 = arith.index_cast %add3A_155 : i32 to index
      %get3A_1845 = arith.index_cast %get3A_1843 : i32 to index
      %get3A_1846 = arith.constant 224 : index
      %get3A_1847 = tpu.vector_load %arg4[%get3A_1844, %get3A_1845, %get3A_1846] {strides = array<i32>} : memref<16x16x256xf32, #tpu.memory_space<vmem>>, vector<1x1x16xf32>,
      %get3A_1848 = vector.shape_cast %get3A_1847 : vector<1x1x16xf32> to vector<16xf32>
      %get3A_1849 = arith.constant 12 : i32
      %get3A_1850 = arith.index_cast %add3A_155 : i32 to index
      %get3A_1851 = arith.index_cast %get3A_1849 : i32 to index
      %get3A_1852 = arith.constant 224 : index
      %get3A_1853 = tpu.vector_load %arg4[%get3A_1850, %get3A_1851, %get3A_1852] {strides = array<i32>} : memref<16x16x256xf32, #tpu.memory_space<vmem>>, vector<1x1x16xf32>,
      %get3A_1854 = vector.shape_cast %get3A_1853 : vector<1x1x16xf32> to vector<16xf32>
      %get3A_1855 = arith.constant 13 : i32
      %get3A_1856 = arith.index_cast %add3A_155 : i32 to index
      %get3A_1857 = arith.index_cast %get3A_1855 : i32 to index
      %get3A_1858 = arith.constant 224 : index
      %get3A_1859 = tpu.vector_load %arg4[%get3A_1856, %get3A_1857, %get3A_1858] {strides = array<i32>} : memref<16x16x256xf32, #tpu.memory_space<vmem>>, vector<1x1x16xf32>,
      %get3A_1860 = vector.shape_cast %get3A_1859 : vector<1x1x16xf32> to vector<16xf32>
      %get3A_1861 = arith.constant 14 : i32
      %get3A_1862 = arith.index_cast %add3A_155 : i32 to index
      %get3A_1863 = arith.index_cast %get3A_1861 : i32 to index
      %get3A_1864 = arith.constant 224 : index
      %get3A_1865 = tpu.vector_load %arg4[%get3A_1862, %get3A_1863, %get3A_1864] {strides = array<i32>} : memref<16x16x256xf32, #tpu.memory_space<vmem>>, vector<1x1x16xf32>,
      %get3A_1866 = vector.shape_cast %get3A_1865 : vector<1x1x16xf32> to vector<16xf32>
      %get3A_1867 = arith.constant 15 : i32
      %get3A_1868 = arith.index_cast %add3A_155 : i32 to index
      %get3A_1869 = arith.index_cast %get3A_1867 : i32 to index
      %get3A_1870 = arith.constant 224 : index
      %get3A_1871 = tpu.vector_load %arg4[%get3A_1868, %get3A_1869, %get3A_1870] {strides = array<i32>} : memref<16x16x256xf32, #tpu.memory_space<vmem>>, vector<1x1x16xf32>,
      %get3A_1872 = vector.shape_cast %get3A_1871 : vector<1x1x16xf32> to vector<16xf32>
      %max3A_1873 = arith.maximumf %get3A_1782, %get3A_1788 : vector<16xf32>
      %max3A_1874 = arith.maximumf %get3A_1794, %get3A_1800 : vector<16xf32>
      %max3A_1875 = arith.maximumf %get3A_1806, %get3A_1812 : vector<16xf32>
      %max3A_1876 = arith.maximumf %get3A_1818, %get3A_1824 : vector<16xf32>
      %max3A_1877 = arith.maximumf %get3A_1830, %get3A_1836 : vector<16xf32>
      %max3A_1878 = arith.maximumf %get3A_1842, %get3A_1848 : vector<16xf32>
      %max3A_1879 = arith.maximumf %get3A_1854, %get3A_1860 : vector<16xf32>
      %max3A_1880 = arith.maximumf %get3A_1866, %get3A_1872 : vector<16xf32>
      %max3A_1881 = arith.maximumf %max3A_1873, %max3A_1874 : vector<16xf32>
      %max3A_1882 = arith.maximumf %max3A_1875, %max3A_1876 : vector<16xf32>
      %max3A_1883 = arith.maximumf %max3A_1877, %max3A_1878 : vector<16xf32>
      %max3A_1884 = arith.maximumf %max3A_1879, %max3A_1880 : vector<16xf32>
      %max3A_1885 = arith.maximumf %max3A_1881, %max3A_1882 : vector<16xf32>
      %max3A_1886 = arith.maximumf %max3A_1883, %max3A_1884 : vector<16xf32>
      %max3A_1887 = arith.maximumf %max3A_1885, %max3A_1886 : vector<16xf32>
      %swap3A_1888 = arith.index_cast %add3A_155 : i32 to index
      %swap3A_1889 = arith.constant 224 : index
      %swap3A_1890 = tpu.vector_load %arg5[%swap3A_1888, %swap3A_1889] {strides = array<i32>} : memref<16x256xf32, #tpu.memory_space<vmem>>, vector<1x16xf32>,
      %swap3A_1891 = vector.shape_cast %swap3A_1890 : vector<1x16xf32> to vector<16xf32>
      %swap3A_1892 = vector.shape_cast %max3A_1887 : vector<16xf32> to vector<1x16xf32>
      tpu.vector_store %arg5[%swap3A_1888, %swap3A_1889], %swap3A_1892 {strides = array<i32>} : memref<16x256xf32, #tpu.memory_space<vmem>>, vector<1x16xf32>,
      %get3A_1893 = arith.constant 0 : i32
      %get3A_1894 = arith.index_cast %add3A_155 : i32 to index
      %get3A_1895 = arith.index_cast %get3A_1893 : i32 to index
      %get3A_1896 = arith.constant 240 : index
      %get3A_1897 = tpu.vector_load %arg4[%get3A_1894, %get3A_1895, %get3A_1896] {strides = array<i32>} : memref<16x16x256xf32, #tpu.memory_space<vmem>>, vector<1x1x16xf32>,
      %get3A_1898 = vector.shape_cast %get3A_1897 : vector<1x1x16xf32> to vector<16xf32>
      %get3A_1899 = arith.constant 1 : i32
      %get3A_1900 = arith.index_cast %add3A_155 : i32 to index
      %get3A_1901 = arith.index_cast %get3A_1899 : i32 to index
      %get3A_1902 = arith.constant 240 : index
      %get3A_1903 = tpu.vector_load %arg4[%get3A_1900, %get3A_1901, %get3A_1902] {strides = array<i32>} : memref<16x16x256xf32, #tpu.memory_space<vmem>>, vector<1x1x16xf32>,
      %get3A_1904 = vector.shape_cast %get3A_1903 : vector<1x1x16xf32> to vector<16xf32>
      %get3A_1905 = arith.constant 2 : i32
      %get3A_1906 = arith.index_cast %add3A_155 : i32 to index
      %get3A_1907 = arith.index_cast %get3A_1905 : i32 to index
      %get3A_1908 = arith.constant 240 : index
      %get3A_1909 = tpu.vector_load %arg4[%get3A_1906, %get3A_1907, %get3A_1908] {strides = array<i32>} : memref<16x16x256xf32, #tpu.memory_space<vmem>>, vector<1x1x16xf32>,
      %get3A_1910 = vector.shape_cast %get3A_1909 : vector<1x1x16xf32> to vector<16xf32>
      %get3A_1911 = arith.constant 3 : i32
      %get3A_1912 = arith.index_cast %add3A_155 : i32 to index
      %get3A_1913 = arith.index_cast %get3A_1911 : i32 to index
      %get3A_1914 = arith.constant 240 : index
      %get3A_1915 = tpu.vector_load %arg4[%get3A_1912, %get3A_1913, %get3A_1914] {strides = array<i32>} : memref<16x16x256xf32, #tpu.memory_space<vmem>>, vector<1x1x16xf32>,
      %get3A_1916 = vector.shape_cast %get3A_1915 : vector<1x1x16xf32> to vector<16xf32>
      %get3A_1917 = arith.constant 4 : i32
      %get3A_1918 = arith.index_cast %add3A_155 : i32 to index
      %get3A_1919 = arith.index_cast %get3A_1917 : i32 to index
      %get3A_1920 = arith.constant 240 : index
      %get3A_1921 = tpu.vector_load %arg4[%get3A_1918, %get3A_1919, %get3A_1920] {strides = array<i32>} : memref<16x16x256xf32, #tpu.memory_space<vmem>>, vector<1x1x16xf32>,
      %get3A_1922 = vector.shape_cast %get3A_1921 : vector<1x1x16xf32> to vector<16xf32>
      %get3A_1923 = arith.constant 5 : i32
      %get3A_1924 = arith.index_cast %add3A_155 : i32 to index
      %get3A_1925 = arith.index_cast %get3A_1923 : i32 to index
      %get3A_1926 = arith.constant 240 : index
      %get3A_1927 = tpu.vector_load %arg4[%get3A_1924, %get3A_1925, %get3A_1926] {strides = array<i32>} : memref<16x16x256xf32, #tpu.memory_space<vmem>>, vector<1x1x16xf32>,
      %get3A_1928 = vector.shape_cast %get3A_1927 : vector<1x1x16xf32> to vector<16xf32>
      %get3A_1929 = arith.constant 6 : i32
      %get3A_1930 = arith.index_cast %add3A_155 : i32 to index
      %get3A_1931 = arith.index_cast %get3A_1929 : i32 to index
      %get3A_1932 = arith.constant 240 : index
      %get3A_1933 = tpu.vector_load %arg4[%get3A_1930, %get3A_1931, %get3A_1932] {strides = array<i32>} : memref<16x16x256xf32, #tpu.memory_space<vmem>>, vector<1x1x16xf32>,
      %get3A_1934 = vector.shape_cast %get3A_1933 : vector<1x1x16xf32> to vector<16xf32>
      %get3A_1935 = arith.constant 7 : i32
      %get3A_1936 = arith.index_cast %add3A_155 : i32 to index
      %get3A_1937 = arith.index_cast %get3A_1935 : i32 to index
      %get3A_1938 = arith.constant 240 : index
      %get3A_1939 = tpu.vector_load %arg4[%get3A_1936, %get3A_1937, %get3A_1938] {strides = array<i32>} : memref<16x16x256xf32, #tpu.memory_space<vmem>>, vector<1x1x16xf32>,
      %get3A_1940 = vector.shape_cast %get3A_1939 : vector<1x1x16xf32> to vector<16xf32>
      %get3A_1941 = arith.constant 8 : i32
      %get3A_1942 = arith.index_cast %add3A_155 : i32 to index
      %get3A_1943 = arith.index_cast %get3A_1941 : i32 to index
      %get3A_1944 = arith.constant 240 : index
      %get3A_1945 = tpu.vector_load %arg4[%get3A_1942, %get3A_1943, %get3A_1944] {strides = array<i32>} : memref<16x16x256xf32, #tpu.memory_space<vmem>>, vector<1x1x16xf32>,
      %get3A_1946 = vector.shape_cast %get3A_1945 : vector<1x1x16xf32> to vector<16xf32>
      %get3A_1947 = arith.constant 9 : i32
      %get3A_1948 = arith.index_cast %add3A_155 : i32 to index
      %get3A_1949 = arith.index_cast %get3A_1947 : i32 to index
      %get3A_1950 = arith.constant 240 : index
      %get3A_1951 = tpu.vector_load %arg4[%get3A_1948, %get3A_1949, %get3A_1950] {strides = array<i32>} : memref<16x16x256xf32, #tpu.memory_space<vmem>>, vector<1x1x16xf32>,
      %get3A_1952 = vector.shape_cast %get3A_1951 : vector<1x1x16xf32> to vector<16xf32>
      %get3A_1953 = arith.constant 10 : i32
      %get3A_1954 = arith.index_cast %add3A_155 : i32 to index
      %get3A_1955 = arith.index_cast %get3A_1953 : i32 to index
      %get3A_1956 = arith.constant 240 : index
      %get3A_1957 = tpu.vector_load %arg4[%get3A_1954, %get3A_1955, %get3A_1956] {strides = array<i32>} : memref<16x16x256xf32, #tpu.memory_space<vmem>>, vector<1x1x16xf32>,
      %get3A_1958 = vector.shape_cast %get3A_1957 : vector<1x1x16xf32> to vector<16xf32>
      %get3A_1959 = arith.constant 11 : i32
      %get3A_1960 = arith.index_cast %add3A_155 : i32 to index
      %get3A_1961 = arith.index_cast %get3A_1959 : i32 to index
      %get3A_1962 = arith.constant 240 : index
      %get3A_1963 = tpu.vector_load %arg4[%get3A_1960, %get3A_1961, %get3A_1962] {strides = array<i32>} : memref<16x16x256xf32, #tpu.memory_space<vmem>>, vector<1x1x16xf32>,
      %get3A_1964 = vector.shape_cast %get3A_1963 : vector<1x1x16xf32> to vector<16xf32>
      %get3A_1965 = arith.constant 12 : i32
      %get3A_1966 = arith.index_cast %add3A_155 : i32 to index
      %get3A_1967 = arith.index_cast %get3A_1965 : i32 to index
      %get3A_1968 = arith.constant 240 : index
      %get3A_1969 = tpu.vector_load %arg4[%get3A_1966, %get3A_1967, %get3A_1968] {strides = array<i32>} : memref<16x16x256xf32, #tpu.memory_space<vmem>>, vector<1x1x16xf32>,
      %get3A_1970 = vector.shape_cast %get3A_1969 : vector<1x1x16xf32> to vector<16xf32>
      %get3A_1971 = arith.constant 13 : i32
      %get3A_1972 = arith.index_cast %add3A_155 : i32 to index
      %get3A_1973 = arith.index_cast %get3A_1971 : i32 to index
      %get3A_1974 = arith.constant 240 : index
      %get3A_1975 = tpu.vector_load %arg4[%get3A_1972, %get3A_1973, %get3A_1974] {strides = array<i32>} : memref<16x16x256xf32, #tpu.memory_space<vmem>>, vector<1x1x16xf32>,
      %get3A_1976 = vector.shape_cast %get3A_1975 : vector<1x1x16xf32> to vector<16xf32>
      %get3A_1977 = arith.constant 14 : i32
      %get3A_1978 = arith.index_cast %add3A_155 : i32 to index
      %get3A_1979 = arith.index_cast %get3A_1977 : i32 to index
      %get3A_1980 = arith.constant 240 : index
      %get3A_1981 = tpu.vector_load %arg4[%get3A_1978, %get3A_1979, %get3A_1980] {strides = array<i32>} : memref<16x16x256xf32, #tpu.memory_space<vmem>>, vector<1x1x16xf32>,
      %get3A_1982 = vector.shape_cast %get3A_1981 : vector<1x1x16xf32> to vector<16xf32>
      %get3A_1983 = arith.constant 15 : i32
      %get3A_1984 = arith.index_cast %add3A_155 : i32 to index
      %get3A_1985 = arith.index_cast %get3A_1983 : i32 to index
      %get3A_1986 = arith.constant 240 : index
      %get3A_1987 = tpu.vector_load %arg4[%get3A_1984, %get3A_1985, %get3A_1986] {strides = array<i32>} : memref<16x16x256xf32, #tpu.memory_space<vmem>>, vector<1x1x16xf32>,
      %get3A_1988 = vector.shape_cast %get3A_1987 : vector<1x1x16xf32> to vector<16xf32>
      %max3A_1989 = arith.maximumf %get3A_1898, %get3A_1904 : vector<16xf32>
      %max3A_1990 = arith.maximumf %get3A_1910, %get3A_1916 : vector<16xf32>
      %max3A_1991 = arith.maximumf %get3A_1922, %get3A_1928 : vector<16xf32>
      %max3A_1992 = arith.maximumf %get3A_1934, %get3A_1940 : vector<16xf32>
      %max3A_1993 = arith.maximumf %get3A_1946, %get3A_1952 : vector<16xf32>
      %max3A_1994 = arith.maximumf %get3A_1958, %get3A_1964 : vector<16xf32>
      %max3A_1995 = arith.maximumf %get3A_1970, %get3A_1976 : vector<16xf32>
      %max3A_1996 = arith.maximumf %get3A_1982, %get3A_1988 : vector<16xf32>
      %max3A_1997 = arith.maximumf %max3A_1989, %max3A_1990 : vector<16xf32>
      %max3A_1998 = arith.maximumf %max3A_1991, %max3A_1992 : vector<16xf32>
      %max3A_1999 = arith.maximumf %max3A_1993, %max3A_1994 : vector<16xf32>
      %max3A_2000 = arith.maximumf %max3A_1995, %max3A_1996 : vector<16xf32>
      %max3A_2001 = arith.maximumf %max3A_1997, %max3A_1998 : vector<16xf32>
      %max3A_2002 = arith.maximumf %max3A_1999, %max3A_2000 : vector<16xf32>
      %max3A_2003 = arith.maximumf %max3A_2001, %max3A_2002 : vector<16xf32>
      %swap3A_2004 = arith.index_cast %add3A_155 : i32 to index
      %swap3A_2005 = arith.constant 240 : index
      %swap3A_2006 = tpu.vector_load %arg5[%swap3A_2004, %swap3A_2005] {strides = array<i32>} : memref<16x256xf32, #tpu.memory_space<vmem>>, vector<1x16xf32>,
      %swap3A_2007 = vector.shape_cast %swap3A_2006 : vector<1x16xf32> to vector<16xf32>
      %swap3A_2008 = vector.shape_cast %max3A_2003 : vector<16xf32> to vector<1x16xf32>
      tpu.vector_store %arg5[%swap3A_2004, %swap3A_2005], %swap3A_2008 {strides = array<i32>} : memref<16x256xf32, #tpu.memory_space<vmem>>, vector<1x16xf32>,
    }
    %scan3A_69 = arith.constant 8 : i32
    %add3A_70 = arith.addi %min3A_3, %mul3A_25 : i32
    %mul3A_71 = arith.constant 8 : i32
    %mul3A_72 = arith.muli %add3A_70, %mul3A_71 : i32
    %dma_start3A_73 = arith.constant 0 : i32
    %dma_start3A_74 = arith.constant 0 : i32
    %dma_start3A_75 = tpu.memref_slice %arg5[%dma_start3A_73, %dma_start3A_74] : memref<16x256xf32, #tpu.memory_space<vmem>> -> memref<8x256xf32, #tpu.memory_space<vmem>>
    %dma_start3A_76 = arith.constant 0 : i32
    %dma_start3A_77 = tpu.memref_slice %arg3[%mul3A_72, %dma_start3A_76] : memref<400x256xf32, #tpu.memory_space<hbm>> -> memref<8x256xf32, #tpu.memory_space<hbm>>
    %dma_start3A_78 = arith.constant 0 : i32
    %dma_start3A_79 = tpu.memref_slice %arg3[%mul3A_72, %dma_start3A_78] : memref<400x256xf32, #tpu.memory_space<hbm>> -> memref<8x256xf32, #tpu.memory_space<hbm>>
    %dma_start3A_80 = arith.constant 0 : i32
    %dma_start3A_81 = arith.constant 0 : i32
    %dma_start3A_82 = tpu.memref_slice %arg5[%dma_start3A_80, %dma_start3A_81] : memref<16x256xf32, #tpu.memory_space<vmem>> -> memref<8x256xf32, #tpu.memory_space<vmem>>
    tpu.enqueue_dma source(%dma_start3A_82 : memref<8x256xf32, #tpu.memory_space<vmem>>) target(%dma_start3A_79 : memref<8x256xf32, #tpu.memory_space<hbm>>) target_semaphore(%arg8 : memref<!tpu.dma_semaphore, #tpu.memory_space<semaphore_mem>>)
    %lt3A = arith.constant 0 : i32
    %lt3A_83 = arith.cmpi slt, %scan3A_23, %lt3A : i32
    %or3A = arith.constant false
    %or3A_84 = arith.ori %lt3A_83, %or3A : i1
    %convert_element_type3A_85 = arith.extui %or3A_84 : i1 to i32
    %cond3A_86 = arith.constant 0 : i32
    %cond3A_87 = arith.cmpi ne, %convert_element_type3A_85, %cond3A_86 : i32
    scf.if %cond3A_87 {
      %add3A_153 = arith.constant 2 : i32
      %add3A_154 = arith.addi %mul3A_25, %add3A_153 : i32
      %add3A_155 = arith.addi %min3A_3, %add3A_154 : i32
      %mul3A_156 = arith.constant 8 : i32
      %mul3A_157 = arith.muli %add3A_155, %mul3A_156 : i32
      %add3A_158 = arith.constant 9600 : i32
      %add3A_159 = arith.addi %add3A_158, %mul3A_157 : i32
      %dma_start3A_160 = arith.constant 0 : i32
      %dma_start3A_161 = arith.constant 0 : i32
      %dma_start3A_162 = arith.constant 0 : i32
      %dma_start3A_163 = tpu.memref_slice %arg4[%dma_start3A_160, %dma_start3A_161, %dma_start3A_162] : memref<16x16x256xf32, #tpu.memory_space<vmem>> -> memref<8x16x256xf32, #tpu.memory_space<vmem>>
      %dma_start3A_164 = arith.constant 0 : i32
      %dma_start3A_165 = arith.constant 0 : i32
      %dma_start3A_166 = tpu.memref_slice %arg2[%add3A_159, %dma_start3A_164, %dma_start3A_165] : memref<10000x16x256xf32, #tpu.memory_space<hbm>> -> memref<8x16x256xf32, #tpu.memory_space<hbm>>
      %dma_start3A_167 = arith.constant 0 : i32
      %dma_start3A_168 = arith.constant 0 : i32
      %dma_start3A_169 = arith.constant 0 : i32
      %dma_start3A_170 = tpu.memref_slice %arg4[%dma_start3A_167, %dma_start3A_168, %dma_start3A_169] : memref<16x16x256xf32, #tpu.memory_space<vmem>> -> memref<8x16x256xf32, #tpu.memory_space<vmem>>
      %dma_start3A_171 = arith.constant 0 : i32
      %dma_start3A_172 = arith.constant 0 : i32
      %dma_start3A_173 = tpu.memref_slice %arg2[%add3A_159, %dma_start3A_171, %dma_start3A_172] : memref<10000x16x256xf32, #tpu.memory_space<hbm>> -> memref<8x16x256xf32, #tpu.memory_space<hbm>>
      tpu.enqueue_dma source(%dma_start3A_173 : memref<8x16x256xf32, #tpu.memory_space<hbm>>) target(%dma_start3A_170 : memref<8x16x256xf32, #tpu.memory_space<vmem>>) target_semaphore(%arg6 : memref<!tpu.dma_semaphore, #tpu.memory_space<semaphore_mem>>)
    } else {
    }
    %dma_wait3A_88 = arith.constant 8 : i32
    %dma_wait3A_89 = arith.constant 0 : i32
    %dma_wait3A_90 = arith.constant 0 : i32
    %dma_wait3A_91 = tpu.memref_slice %arg4[%dma_wait3A_88, %dma_wait3A_89, %dma_wait3A_90] : memref<16x16x256xf32, #tpu.memory_space<vmem>> -> memref<8x16x256xf32, #tpu.memory_space<vmem>>
    %dma_wait3A_92 = arith.constant 0 : i32
    %dma_wait3A_93 = arith.constant 0 : i32
    %dma_wait3A_94 = arith.constant 0 : i32
    %dma_wait3A_95 = tpu.memref_slice %arg2[%dma_wait3A_92, %dma_wait3A_93, %dma_wait3A_94] : memref<10000x16x256xf32, #tpu.memory_space<hbm>> -> memref<8x16x256xf32, #tpu.memory_space<hbm>>
    %dma_wait3A_96 = arith.constant 8 : i32
    %dma_wait3A_97 = arith.constant 0 : i32
    %dma_wait3A_98 = arith.constant 0 : i32
    %dma_wait3A_99 = tpu.memref_slice %arg4[%dma_wait3A_96, %dma_wait3A_97, %dma_wait3A_98] : memref<16x16x256xf32, #tpu.memory_space<vmem>> -> memref<8x16x256xf32, #tpu.memory_space<vmem>>
    %dma_wait3A_100 = arith.constant 0 : i32
    %dma_wait3A_101 = arith.constant 0 : i32
    %dma_wait3A_102 = arith.constant 0 : i32
    %dma_wait3A_103 = tpu.memref_slice %arg2[%dma_wait3A_100, %dma_wait3A_101, %dma_wait3A_102] : memref<10000x16x256xf32, #tpu.memory_space<hbm>> -> memref<8x16x256xf32, #tpu.memory_space<hbm>>
    tpu.wait_dma2 semaphore(%arg7 : memref<!tpu.dma_semaphore, #tpu.memory_space<semaphore_mem>>) src(%dma_wait3A_103 : memref<8x16x256xf32, #tpu.memory_space<hbm>>) dst(%dma_wait3A_99 : memref<8x16x256xf32, #tpu.memory_space<vmem>>)
    %ge3A_104 = arith.constant 1 : i32
    %ge3A_105 = arith.cmpi sge, %scan3A_23, %ge3A_104 : i32
    %convert_element_type3A_106 = arith.extui %ge3A_105 : i1 to i32
    %cond3A_107 = arith.constant 0 : i32
    %cond3A_108 = arith.cmpi ne, %convert_element_type3A_106, %cond3A_107 : i32
    scf.if %cond3A_108 {
      %dma_wait3A_153 = arith.constant 8 : i32
      %dma_wait3A_154 = arith.constant 0 : i32
      %dma_wait3A_155 = tpu.memref_slice %arg5[%dma_wait3A_153, %dma_wait3A_154] : memref<16x256xf32, #tpu.memory_space<vmem>> -> memref<8x256xf32, #tpu.memory_space<vmem>>
      %dma_wait3A_156 = arith.constant 0 : i32
      %dma_wait3A_157 = arith.constant 0 : i32
      %dma_wait3A_158 = tpu.memref_slice %arg3[%dma_wait3A_156, %dma_wait3A_157] : memref<400x256xf32, #tpu.memory_space<hbm>> -> memref<8x256xf32, #tpu.memory_space<hbm>>
      %dma_wait3A_159 = arith.constant 0 : i32
      %dma_wait3A_160 = arith.constant 0 : i32
      %dma_wait3A_161 = tpu.memref_slice %arg3[%dma_wait3A_159, %dma_wait3A_160] : memref<400x256xf32, #tpu.memory_space<hbm>> -> memref<8x256xf32, #tpu.memory_space<hbm>>
      %dma_wait3A_162 = arith.constant 8 : i32
      %dma_wait3A_163 = arith.constant 0 : i32
      %dma_wait3A_164 = tpu.memref_slice %arg5[%dma_wait3A_162, %dma_wait3A_163] : memref<16x256xf32, #tpu.memory_space<vmem>> -> memref<8x256xf32, #tpu.memory_space<vmem>>
      tpu.wait_dma2 semaphore(%arg9 : memref<!tpu.dma_semaphore, #tpu.memory_space<semaphore_mem>>) src(%dma_wait3A_164 : memref<8x256xf32, #tpu.memory_space<vmem>>) dst(%dma_wait3A_161 : memref<8x256xf32, #tpu.memory_space<hbm>>)
    } else {
    }
    %scan3A_109 = arith.constant 0 : i32
    %scan3A_110 = arith.constant 0 : i32
    %scan3A_111 = arith.constant 8 : i32
    %scan3A_112 = arith.addi %scan3A_110, %scan3A_111 : i32
    %scan3A_113 = arith.constant 1 : i32
    scf.for %scan3A_153 = %scan3A_110 to %scan3A_112 step %scan3A_113  : i32 {
      %add3A_154 = arith.constant 8 : i32
      %add3A_155 = arith.addi %add3A_154, %scan3A_153 : i32
      %get3A = arith.constant 0 : i32
      %get3A_156 = arith.index_cast %add3A_155 : i32 to index
      %get3A_157 = arith.index_cast %get3A : i32 to index
      %get3A_158 = arith.constant 0 : index
      %get3A_159 = tpu.vector_load %arg4[%get3A_156, %get3A_157, %get3A_158] {strides = array<i32>} : memref<16x16x256xf32, #tpu.memory_space<vmem>>, vector<1x1x16xf32>,
      %get3A_160 = vector.shape_cast %get3A_159 : vector<1x1x16xf32> to vector<16xf32>
      %get3A_161 = arith.constant 1 : i32
      %get3A_162 = arith.index_cast %add3A_155 : i32 to index
      %get3A_163 = arith.index_cast %get3A_161 : i32 to index
      %get3A_164 = arith.constant 0 : index
      %get3A_165 = tpu.vector_load %arg4[%get3A_162, %get3A_163, %get3A_164] {strides = array<i32>} : memref<16x16x256xf32, #tpu.memory_space<vmem>>, vector<1x1x16xf32>,
      %get3A_166 = vector.shape_cast %get3A_165 : vector<1x1x16xf32> to vector<16xf32>
      %get3A_167 = arith.constant 2 : i32
      %get3A_168 = arith.index_cast %add3A_155 : i32 to index
      %get3A_169 = arith.index_cast %get3A_167 : i32 to index
      %get3A_170 = arith.constant 0 : index
      %get3A_171 = tpu.vector_load %arg4[%get3A_168, %get3A_169, %get3A_170] {strides = array<i32>} : memref<16x16x256xf32, #tpu.memory_space<vmem>>, vector<1x1x16xf32>,
      %get3A_172 = vector.shape_cast %get3A_171 : vector<1x1x16xf32> to vector<16xf32>
      %get3A_173 = arith.constant 3 : i32
      %get3A_174 = arith.index_cast %add3A_155 : i32 to index
      %get3A_175 = arith.index_cast %get3A_173 : i32 to index
      %get3A_176 = arith.constant 0 : index
      %get3A_177 = tpu.vector_load %arg4[%get3A_174, %get3A_175, %get3A_176] {strides = array<i32>} : memref<16x16x256xf32, #tpu.memory_space<vmem>>, vector<1x1x16xf32>,
      %get3A_178 = vector.shape_cast %get3A_177 : vector<1x1x16xf32> to vector<16xf32>
      %get3A_179 = arith.constant 4 : i32
      %get3A_180 = arith.index_cast %add3A_155 : i32 to index
      %get3A_181 = arith.index_cast %get3A_179 : i32 to index
      %get3A_182 = arith.constant 0 : index
      %get3A_183 = tpu.vector_load %arg4[%get3A_180, %get3A_181, %get3A_182] {strides = array<i32>} : memref<16x16x256xf32, #tpu.memory_space<vmem>>, vector<1x1x16xf32>,
      %get3A_184 = vector.shape_cast %get3A_183 : vector<1x1x16xf32> to vector<16xf32>
      %get3A_185 = arith.constant 5 : i32
      %get3A_186 = arith.index_cast %add3A_155 : i32 to index
      %get3A_187 = arith.index_cast %get3A_185 : i32 to index
      %get3A_188 = arith.constant 0 : index
      %get3A_189 = tpu.vector_load %arg4[%get3A_186, %get3A_187, %get3A_188] {strides = array<i32>} : memref<16x16x256xf32, #tpu.memory_space<vmem>>, vector<1x1x16xf32>,
      %get3A_190 = vector.shape_cast %get3A_189 : vector<1x1x16xf32> to vector<16xf32>
      %get3A_191 = arith.constant 6 : i32
      %get3A_192 = arith.index_cast %add3A_155 : i32 to index
      %get3A_193 = arith.index_cast %get3A_191 : i32 to index
      %get3A_194 = arith.constant 0 : index
      %get3A_195 = tpu.vector_load %arg4[%get3A_192, %get3A_193, %get3A_194] {strides = array<i32>} : memref<16x16x256xf32, #tpu.memory_space<vmem>>, vector<1x1x16xf32>,
      %get3A_196 = vector.shape_cast %get3A_195 : vector<1x1x16xf32> to vector<16xf32>
      %get3A_197 = arith.constant 7 : i32
      %get3A_198 = arith.index_cast %add3A_155 : i32 to index
      %get3A_199 = arith.index_cast %get3A_197 : i32 to index
      %get3A_200 = arith.constant 0 : index
      %get3A_201 = tpu.vector_load %arg4[%get3A_198, %get3A_199, %get3A_200] {strides = array<i32>} : memref<16x16x256xf32, #tpu.memory_space<vmem>>, vector<1x1x16xf32>,
      %get3A_202 = vector.shape_cast %get3A_201 : vector<1x1x16xf32> to vector<16xf32>
      %get3A_203 = arith.constant 8 : i32
      %get3A_204 = arith.index_cast %add3A_155 : i32 to index
      %get3A_205 = arith.index_cast %get3A_203 : i32 to index
      %get3A_206 = arith.constant 0 : index
      %get3A_207 = tpu.vector_load %arg4[%get3A_204, %get3A_205, %get3A_206] {strides = array<i32>} : memref<16x16x256xf32, #tpu.memory_space<vmem>>, vector<1x1x16xf32>,
      %get3A_208 = vector.shape_cast %get3A_207 : vector<1x1x16xf32> to vector<16xf32>
      %get3A_209 = arith.constant 9 : i32
      %get3A_210 = arith.index_cast %add3A_155 : i32 to index
      %get3A_211 = arith.index_cast %get3A_209 : i32 to index
      %get3A_212 = arith.constant 0 : index
      %get3A_213 = tpu.vector_load %arg4[%get3A_210, %get3A_211, %get3A_212] {strides = array<i32>} : memref<16x16x256xf32, #tpu.memory_space<vmem>>, vector<1x1x16xf32>,
      %get3A_214 = vector.shape_cast %get3A_213 : vector<1x1x16xf32> to vector<16xf32>
      %get3A_215 = arith.constant 10 : i32
      %get3A_216 = arith.index_cast %add3A_155 : i32 to index
      %get3A_217 = arith.index_cast %get3A_215 : i32 to index
      %get3A_218 = arith.constant 0 : index
      %get3A_219 = tpu.vector_load %arg4[%get3A_216, %get3A_217, %get3A_218] {strides = array<i32>} : memref<16x16x256xf32, #tpu.memory_space<vmem>>, vector<1x1x16xf32>,
      %get3A_220 = vector.shape_cast %get3A_219 : vector<1x1x16xf32> to vector<16xf32>
      %get3A_221 = arith.constant 11 : i32
      %get3A_222 = arith.index_cast %add3A_155 : i32 to index
      %get3A_223 = arith.index_cast %get3A_221 : i32 to index
      %get3A_224 = arith.constant 0 : index
      %get3A_225 = tpu.vector_load %arg4[%get3A_222, %get3A_223, %get3A_224] {strides = array<i32>} : memref<16x16x256xf32, #tpu.memory_space<vmem>>, vector<1x1x16xf32>,
      %get3A_226 = vector.shape_cast %get3A_225 : vector<1x1x16xf32> to vector<16xf32>
      %get3A_227 = arith.constant 12 : i32
      %get3A_228 = arith.index_cast %add3A_155 : i32 to index
      %get3A_229 = arith.index_cast %get3A_227 : i32 to index
      %get3A_230 = arith.constant 0 : index
      %get3A_231 = tpu.vector_load %arg4[%get3A_228, %get3A_229, %get3A_230] {strides = array<i32>} : memref<16x16x256xf32, #tpu.memory_space<vmem>>, vector<1x1x16xf32>,
      %get3A_232 = vector.shape_cast %get3A_231 : vector<1x1x16xf32> to vector<16xf32>
      %get3A_233 = arith.constant 13 : i32
      %get3A_234 = arith.index_cast %add3A_155 : i32 to index
      %get3A_235 = arith.index_cast %get3A_233 : i32 to index
      %get3A_236 = arith.constant 0 : index
      %get3A_237 = tpu.vector_load %arg4[%get3A_234, %get3A_235, %get3A_236] {strides = array<i32>} : memref<16x16x256xf32, #tpu.memory_space<vmem>>, vector<1x1x16xf32>,
      %get3A_238 = vector.shape_cast %get3A_237 : vector<1x1x16xf32> to vector<16xf32>
      %get3A_239 = arith.constant 14 : i32
      %get3A_240 = arith.index_cast %add3A_155 : i32 to index
      %get3A_241 = arith.index_cast %get3A_239 : i32 to index
      %get3A_242 = arith.constant 0 : index
      %get3A_243 = tpu.vector_load %arg4[%get3A_240, %get3A_241, %get3A_242] {strides = array<i32>} : memref<16x16x256xf32, #tpu.memory_space<vmem>>, vector<1x1x16xf32>,
      %get3A_244 = vector.shape_cast %get3A_243 : vector<1x1x16xf32> to vector<16xf32>
      %get3A_245 = arith.constant 15 : i32
      %get3A_246 = arith.index_cast %add3A_155 : i32 to index
      %get3A_247 = arith.index_cast %get3A_245 : i32 to index
      %get3A_248 = arith.constant 0 : index
      %get3A_249 = tpu.vector_load %arg4[%get3A_246, %get3A_247, %get3A_248] {strides = array<i32>} : memref<16x16x256xf32, #tpu.memory_space<vmem>>, vector<1x1x16xf32>,
      %get3A_250 = vector.shape_cast %get3A_249 : vector<1x1x16xf32> to vector<16xf32>
      %max3A = arith.maximumf %get3A_160, %get3A_166 : vector<16xf32>
      %max3A_251 = arith.maximumf %get3A_172, %get3A_178 : vector<16xf32>
      %max3A_252 = arith.maximumf %get3A_184, %get3A_190 : vector<16xf32>
      %max3A_253 = arith.maximumf %get3A_196, %get3A_202 : vector<16xf32>
      %max3A_254 = arith.maximumf %get3A_208, %get3A_214 : vector<16xf32>
      %max3A_255 = arith.maximumf %get3A_220, %get3A_226 : vector<16xf32>
      %max3A_256 = arith.maximumf %get3A_232, %get3A_238 : vector<16xf32>
      %max3A_257 = arith.maximumf %get3A_244, %get3A_250 : vector<16xf32>
      %max3A_258 = arith.maximumf %max3A, %max3A_251 : vector<16xf32>
      %max3A_259 = arith.maximumf %max3A_252, %max3A_253 : vector<16xf32>
      %max3A_260 = arith.maximumf %max3A_254, %max3A_255 : vector<16xf32>
      %max3A_261 = arith.maximumf %max3A_256, %max3A_257 : vector<16xf32>
      %max3A_262 = arith.maximumf %max3A_258, %max3A_259 : vector<16xf32>
      %max3A_263 = arith.maximumf %max3A_260, %max3A_261 : vector<16xf32>
      %max3A_264 = arith.maximumf %max3A_262, %max3A_263 : vector<16xf32>
      %swap3A = arith.index_cast %add3A_155 : i32 to index
      %swap3A_265 = arith.constant 0 : index
      %swap3A_266 = tpu.vector_load %arg5[%swap3A, %swap3A_265] {strides = array<i32>} : memref<16x256xf32, #tpu.memory_space<vmem>>, vector<1x16xf32>,
      %swap3A_267 = vector.shape_cast %swap3A_266 : vector<1x16xf32> to vector<16xf32>
      %swap3A_268 = vector.shape_cast %max3A_264 : vector<16xf32> to vector<1x16xf32>
      tpu.vector_store %arg5[%swap3A, %swap3A_265], %swap3A_268 {strides = array<i32>} : memref<16x256xf32, #tpu.memory_space<vmem>>, vector<1x16xf32>,
      %get3A_269 = arith.constant 0 : i32
      %get3A_270 = arith.index_cast %add3A_155 : i32 to index
      %get3A_271 = arith.index_cast %get3A_269 : i32 to index
      %get3A_272 = arith.constant 16 : index
      %get3A_273 = tpu.vector_load %arg4[%get3A_270, %get3A_271, %get3A_272] {strides = array<i32>} : memref<16x16x256xf32, #tpu.memory_space<vmem>>, vector<1x1x16xf32>,
      %get3A_274 = vector.shape_cast %get3A_273 : vector<1x1x16xf32> to vector<16xf32>
      %get3A_275 = arith.constant 1 : i32
      %get3A_276 = arith.index_cast %add3A_155 : i32 to index
      %get3A_277 = arith.index_cast %get3A_275 : i32 to index
      %get3A_278 = arith.constant 16 : index
      %get3A_279 = tpu.vector_load %arg4[%get3A_276, %get3A_277, %get3A_278] {strides = array<i32>} : memref<16x16x256xf32, #tpu.memory_space<vmem>>, vector<1x1x16xf32>,
      %get3A_280 = vector.shape_cast %get3A_279 : vector<1x1x16xf32> to vector<16xf32>
      %get3A_281 = arith.constant 2 : i32
      %get3A_282 = arith.index_cast %add3A_155 : i32 to index
      %get3A_283 = arith.index_cast %get3A_281 : i32 to index
      %get3A_284 = arith.constant 16 : index
      %get3A_285 = tpu.vector_load %arg4[%get3A_282, %get3A_283, %get3A_284] {strides = array<i32>} : memref<16x16x256xf32, #tpu.memory_space<vmem>>, vector<1x1x16xf32>,
      %get3A_286 = vector.shape_cast %get3A_285 : vector<1x1x16xf32> to vector<16xf32>
      %get3A_287 = arith.constant 3 : i32
      %get3A_288 = arith.index_cast %add3A_155 : i32 to index
      %get3A_289 = arith.index_cast %get3A_287 : i32 to index
      %get3A_290 = arith.constant 16 : index
      %get3A_291 = tpu.vector_load %arg4[%get3A_288, %get3A_289, %get3A_290] {strides = array<i32>} : memref<16x16x256xf32, #tpu.memory_space<vmem>>, vector<1x1x16xf32>,
      %get3A_292 = vector.shape_cast %get3A_291 : vector<1x1x16xf32> to vector<16xf32>
      %get3A_293 = arith.constant 4 : i32
      %get3A_294 = arith.index_cast %add3A_155 : i32 to index
      %get3A_295 = arith.index_cast %get3A_293 : i32 to index
      %get3A_296 = arith.constant 16 : index
      %get3A_297 = tpu.vector_load %arg4[%get3A_294, %get3A_295, %get3A_296] {strides = array<i32>} : memref<16x16x256xf32, #tpu.memory_space<vmem>>, vector<1x1x16xf32>,
      %get3A_298 = vector.shape_cast %get3A_297 : vector<1x1x16xf32> to vector<16xf32>
      %get3A_299 = arith.constant 5 : i32
      %get3A_300 = arith.index_cast %add3A_155 : i32 to index
      %get3A_301 = arith.index_cast %get3A_299 : i32 to index
      %get3A_302 = arith.constant 16 : index
      %get3A_303 = tpu.vector_load %arg4[%get3A_300, %get3A_301, %get3A_302] {strides = array<i32>} : memref<16x16x256xf32, #tpu.memory_space<vmem>>, vector<1x1x16xf32>,
      %get3A_304 = vector.shape_cast %get3A_303 : vector<1x1x16xf32> to vector<16xf32>
      %get3A_305 = arith.constant 6 : i32
      %get3A_306 = arith.index_cast %add3A_155 : i32 to index
      %get3A_307 = arith.index_cast %get3A_305 : i32 to index
      %get3A_308 = arith.constant 16 : index
      %get3A_309 = tpu.vector_load %arg4[%get3A_306, %get3A_307, %get3A_308] {strides = array<i32>} : memref<16x16x256xf32, #tpu.memory_space<vmem>>, vector<1x1x16xf32>,
      %get3A_310 = vector.shape_cast %get3A_309 : vector<1x1x16xf32> to vector<16xf32>
      %get3A_311 = arith.constant 7 : i32
      %get3A_312 = arith.index_cast %add3A_155 : i32 to index
      %get3A_313 = arith.index_cast %get3A_311 : i32 to index
      %get3A_314 = arith.constant 16 : index
      %get3A_315 = tpu.vector_load %arg4[%get3A_312, %get3A_313, %get3A_314] {strides = array<i32>} : memref<16x16x256xf32, #tpu.memory_space<vmem>>, vector<1x1x16xf32>,
      %get3A_316 = vector.shape_cast %get3A_315 : vector<1x1x16xf32> to vector<16xf32>
      %get3A_317 = arith.constant 8 : i32
      %get3A_318 = arith.index_cast %add3A_155 : i32 to index
      %get3A_319 = arith.index_cast %get3A_317 : i32 to index
      %get3A_320 = arith.constant 16 : index
      %get3A_321 = tpu.vector_load %arg4[%get3A_318, %get3A_319, %get3A_320] {strides = array<i32>} : memref<16x16x256xf32, #tpu.memory_space<vmem>>, vector<1x1x16xf32>,
      %get3A_322 = vector.shape_cast %get3A_321 : vector<1x1x16xf32> to vector<16xf32>
      %get3A_323 = arith.constant 9 : i32
      %get3A_324 = arith.index_cast %add3A_155 : i32 to index
      %get3A_325 = arith.index_cast %get3A_323 : i32 to index
      %get3A_326 = arith.constant 16 : index
      %get3A_327 = tpu.vector_load %arg4[%get3A_324, %get3A_325, %get3A_326] {strides = array<i32>} : memref<16x16x256xf32, #tpu.memory_space<vmem>>, vector<1x1x16xf32>,
      %get3A_328 = vector.shape_cast %get3A_327 : vector<1x1x16xf32> to vector<16xf32>
      %get3A_329 = arith.constant 10 : i32
      %get3A_330 = arith.index_cast %add3A_155 : i32 to index
      %get3A_331 = arith.index_cast %get3A_329 : i32 to index
      %get3A_332 = arith.constant 16 : index
      %get3A_333 = tpu.vector_load %arg4[%get3A_330, %get3A_331, %get3A_332] {strides = array<i32>} : memref<16x16x256xf32, #tpu.memory_space<vmem>>, vector<1x1x16xf32>,
      %get3A_334 = vector.shape_cast %get3A_333 : vector<1x1x16xf32> to vector<16xf32>
      %get3A_335 = arith.constant 11 : i32
      %get3A_336 = arith.index_cast %add3A_155 : i32 to index
      %get3A_337 = arith.index_cast %get3A_335 : i32 to index
      %get3A_338 = arith.constant 16 : index
      %get3A_339 = tpu.vector_load %arg4[%get3A_336, %get3A_337, %get3A_338] {strides = array<i32>} : memref<16x16x256xf32, #tpu.memory_space<vmem>>, vector<1x1x16xf32>,
      %get3A_340 = vector.shape_cast %get3A_339 : vector<1x1x16xf32> to vector<16xf32>
      %get3A_341 = arith.constant 12 : i32
      %get3A_342 = arith.index_cast %add3A_155 : i32 to index
      %get3A_343 = arith.index_cast %get3A_341 : i32 to index
      %get3A_344 = arith.constant 16 : index
      %get3A_345 = tpu.vector_load %arg4[%get3A_342, %get3A_343, %get3A_344] {strides = array<i32>} : memref<16x16x256xf32, #tpu.memory_space<vmem>>, vector<1x1x16xf32>,
      %get3A_346 = vector.shape_cast %get3A_345 : vector<1x1x16xf32> to vector<16xf32>
      %get3A_347 = arith.constant 13 : i32
      %get3A_348 = arith.index_cast %add3A_155 : i32 to index
      %get3A_349 = arith.index_cast %get3A_347 : i32 to index
      %get3A_350 = arith.constant 16 : index
      %get3A_351 = tpu.vector_load %arg4[%get3A_348, %get3A_349, %get3A_350] {strides = array<i32>} : memref<16x16x256xf32, #tpu.memory_space<vmem>>, vector<1x1x16xf32>,
      %get3A_352 = vector.shape_cast %get3A_351 : vector<1x1x16xf32> to vector<16xf32>
      %get3A_353 = arith.constant 14 : i32
      %get3A_354 = arith.index_cast %add3A_155 : i32 to index
      %get3A_355 = arith.index_cast %get3A_353 : i32 to index
      %get3A_356 = arith.constant 16 : index
      %get3A_357 = tpu.vector_load %arg4[%get3A_354, %get3A_355, %get3A_356] {strides = array<i32>} : memref<16x16x256xf32, #tpu.memory_space<vmem>>, vector<1x1x16xf32>,
      %get3A_358 = vector.shape_cast %get3A_357 : vector<1x1x16xf32> to vector<16xf32>
      %get3A_359 = arith.constant 15 : i32
      %get3A_360 = arith.index_cast %add3A_155 : i32 to index
      %get3A_361 = arith.index_cast %get3A_359 : i32 to index
      %get3A_362 = arith.constant 16 : index
      %get3A_363 = tpu.vector_load %arg4[%get3A_360, %get3A_361, %get3A_362] {strides = array<i32>} : memref<16x16x256xf32, #tpu.memory_space<vmem>>, vector<1x1x16xf32>,
      %get3A_364 = vector.shape_cast %get3A_363 : vector<1x1x16xf32> to vector<16xf32>
      %max3A_365 = arith.maximumf %get3A_274, %get3A_280 : vector<16xf32>
      %max3A_366 = arith.maximumf %get3A_286, %get3A_292 : vector<16xf32>
      %max3A_367 = arith.maximumf %get3A_298, %get3A_304 : vector<16xf32>
      %max3A_368 = arith.maximumf %get3A_310, %get3A_316 : vector<16xf32>
      %max3A_369 = arith.maximumf %get3A_322, %get3A_328 : vector<16xf32>
      %max3A_370 = arith.maximumf %get3A_334, %get3A_340 : vector<16xf32>
      %max3A_371 = arith.maximumf %get3A_346, %get3A_352 : vector<16xf32>
      %max3A_372 = arith.maximumf %get3A_358, %get3A_364 : vector<16xf32>
      %max3A_373 = arith.maximumf %max3A_365, %max3A_366 : vector<16xf32>
      %max3A_374 = arith.maximumf %max3A_367, %max3A_368 : vector<16xf32>
      %max3A_375 = arith.maximumf %max3A_369, %max3A_370 : vector<16xf32>
      %max3A_376 = arith.maximumf %max3A_371, %max3A_372 : vector<16xf32>
      %max3A_377 = arith.maximumf %max3A_373, %max3A_374 : vector<16xf32>
      %max3A_378 = arith.maximumf %max3A_375, %max3A_376 : vector<16xf32>
      %max3A_379 = arith.maximumf %max3A_377, %max3A_378 : vector<16xf32>
      %swap3A_380 = arith.index_cast %add3A_155 : i32 to index
      %swap3A_381 = arith.constant 16 : index
      %swap3A_382 = tpu.vector_load %arg5[%swap3A_380, %swap3A_381] {strides = array<i32>} : memref<16x256xf32, #tpu.memory_space<vmem>>, vector<1x16xf32>,
      %swap3A_383 = vector.shape_cast %swap3A_382 : vector<1x16xf32> to vector<16xf32>
      %swap3A_384 = vector.shape_cast %max3A_379 : vector<16xf32> to vector<1x16xf32>
      tpu.vector_store %arg5[%swap3A_380, %swap3A_381], %swap3A_384 {strides = array<i32>} : memref<16x256xf32, #tpu.memory_space<vmem>>, vector<1x16xf32>,
      %get3A_385 = arith.constant 0 : i32
      %get3A_386 = arith.index_cast %add3A_155 : i32 to index
      %get3A_387 = arith.index_cast %get3A_385 : i32 to index
      %get3A_388 = arith.constant 32 : index
      %get3A_389 = tpu.vector_load %arg4[%get3A_386, %get3A_387, %get3A_388] {strides = array<i32>} : memref<16x16x256xf32, #tpu.memory_space<vmem>>, vector<1x1x16xf32>,
      %get3A_390 = vector.shape_cast %get3A_389 : vector<1x1x16xf32> to vector<16xf32>
      %get3A_391 = arith.constant 1 : i32
      %get3A_392 = arith.index_cast %add3A_155 : i32 to index
      %get3A_393 = arith.index_cast %get3A_391 : i32 to index
      %get3A_394 = arith.constant 32 : index
      %get3A_395 = tpu.vector_load %arg4[%get3A_392, %get3A_393, %get3A_394] {strides = array<i32>} : memref<16x16x256xf32, #tpu.memory_space<vmem>>, vector<1x1x16xf32>,
      %get3A_396 = vector.shape_cast %get3A_395 : vector<1x1x16xf32> to vector<16xf32>
      %get3A_397 = arith.constant 2 : i32
      %get3A_398 = arith.index_cast %add3A_155 : i32 to index
      %get3A_399 = arith.index_cast %get3A_397 : i32 to index
      %get3A_400 = arith.constant 32 : index
      %get3A_401 = tpu.vector_load %arg4[%get3A_398, %get3A_399, %get3A_400] {strides = array<i32>} : memref<16x16x256xf32, #tpu.memory_space<vmem>>, vector<1x1x16xf32>,
      %get3A_402 = vector.shape_cast %get3A_401 : vector<1x1x16xf32> to vector<16xf32>
      %get3A_403 = arith.constant 3 : i32
      %get3A_404 = arith.index_cast %add3A_155 : i32 to index
      %get3A_405 = arith.index_cast %get3A_403 : i32 to index
      %get3A_406 = arith.constant 32 : index
      %get3A_407 = tpu.vector_load %arg4[%get3A_404, %get3A_405, %get3A_406] {strides = array<i32>} : memref<16x16x256xf32, #tpu.memory_space<vmem>>, vector<1x1x16xf32>,
      %get3A_408 = vector.shape_cast %get3A_407 : vector<1x1x16xf32> to vector<16xf32>
      %get3A_409 = arith.constant 4 : i32
      %get3A_410 = arith.index_cast %add3A_155 : i32 to index
      %get3A_411 = arith.index_cast %get3A_409 : i32 to index
      %get3A_412 = arith.constant 32 : index
      %get3A_413 = tpu.vector_load %arg4[%get3A_410, %get3A_411, %get3A_412] {strides = array<i32>} : memref<16x16x256xf32, #tpu.memory_space<vmem>>, vector<1x1x16xf32>,
      %get3A_414 = vector.shape_cast %get3A_413 : vector<1x1x16xf32> to vector<16xf32>
      %get3A_415 = arith.constant 5 : i32
      %get3A_416 = arith.index_cast %add3A_155 : i32 to index
      %get3A_417 = arith.index_cast %get3A_415 : i32 to index
      %get3A_418 = arith.constant 32 : index
      %get3A_419 = tpu.vector_load %arg4[%get3A_416, %get3A_417, %get3A_418] {strides = array<i32>} : memref<16x16x256xf32, #tpu.memory_space<vmem>>, vector<1x1x16xf32>,
      %get3A_420 = vector.shape_cast %get3A_419 : vector<1x1x16xf32> to vector<16xf32>
      %get3A_421 = arith.constant 6 : i32
      %get3A_422 = arith.index_cast %add3A_155 : i32 to index
      %get3A_423 = arith.index_cast %get3A_421 : i32 to index
      %get3A_424 = arith.constant 32 : index
      %get3A_425 = tpu.vector_load %arg4[%get3A_422, %get3A_423, %get3A_424] {strides = array<i32>} : memref<16x16x256xf32, #tpu.memory_space<vmem>>, vector<1x1x16xf32>,
      %get3A_426 = vector.shape_cast %get3A_425 : vector<1x1x16xf32> to vector<16xf32>
      %get3A_427 = arith.constant 7 : i32
      %get3A_428 = arith.index_cast %add3A_155 : i32 to index
      %get3A_429 = arith.index_cast %get3A_427 : i32 to index
      %get3A_430 = arith.constant 32 : index
      %get3A_431 = tpu.vector_load %arg4[%get3A_428, %get3A_429, %get3A_430] {strides = array<i32>} : memref<16x16x256xf32, #tpu.memory_space<vmem>>, vector<1x1x16xf32>,
      %get3A_432 = vector.shape_cast %get3A_431 : vector<1x1x16xf32> to vector<16xf32>
      %get3A_433 = arith.constant 8 : i32
      %get3A_434 = arith.index_cast %add3A_155 : i32 to index
      %get3A_435 = arith.index_cast %get3A_433 : i32 to index
      %get3A_436 = arith.constant 32 : index
      %get3A_437 = tpu.vector_load %arg4[%get3A_434, %get3A_435, %get3A_436] {strides = array<i32>} : memref<16x16x256xf32, #tpu.memory_space<vmem>>, vector<1x1x16xf32>,
      %get3A_438 = vector.shape_cast %get3A_437 : vector<1x1x16xf32> to vector<16xf32>
      %get3A_439 = arith.constant 9 : i32
      %get3A_440 = arith.index_cast %add3A_155 : i32 to index
      %get3A_441 = arith.index_cast %get3A_439 : i32 to index
      %get3A_442 = arith.constant 32 : index
      %get3A_443 = tpu.vector_load %arg4[%get3A_440, %get3A_441, %get3A_442] {strides = array<i32>} : memref<16x16x256xf32, #tpu.memory_space<vmem>>, vector<1x1x16xf32>,
      %get3A_444 = vector.shape_cast %get3A_443 : vector<1x1x16xf32> to vector<16xf32>
      %get3A_445 = arith.constant 10 : i32
      %get3A_446 = arith.index_cast %add3A_155 : i32 to index
      %get3A_447 = arith.index_cast %get3A_445 : i32 to index
      %get3A_448 = arith.constant 32 : index
      %get3A_449 = tpu.vector_load %arg4[%get3A_446, %get3A_447, %get3A_448] {strides = array<i32>} : memref<16x16x256xf32, #tpu.memory_space<vmem>>, vector<1x1x16xf32>,
      %get3A_450 = vector.shape_cast %get3A_449 : vector<1x1x16xf32> to vector<16xf32>
      %get3A_451 = arith.constant 11 : i32
      %get3A_452 = arith.index_cast %add3A_155 : i32 to index
      %get3A_453 = arith.index_cast %get3A_451 : i32 to index
      %get3A_454 = arith.constant 32 : index
      %get3A_455 = tpu.vector_load %arg4[%get3A_452, %get3A_453, %get3A_454] {strides = array<i32>} : memref<16x16x256xf32, #tpu.memory_space<vmem>>, vector<1x1x16xf32>,
      %get3A_456 = vector.shape_cast %get3A_455 : vector<1x1x16xf32> to vector<16xf32>
      %get3A_457 = arith.constant 12 : i32
      %get3A_458 = arith.index_cast %add3A_155 : i32 to index
      %get3A_459 = arith.index_cast %get3A_457 : i32 to index
      %get3A_460 = arith.constant 32 : index
      %get3A_461 = tpu.vector_load %arg4[%get3A_458, %get3A_459, %get3A_460] {strides = array<i32>} : memref<16x16x256xf32, #tpu.memory_space<vmem>>, vector<1x1x16xf32>,
      %get3A_462 = vector.shape_cast %get3A_461 : vector<1x1x16xf32> to vector<16xf32>
      %get3A_463 = arith.constant 13 : i32
      %get3A_464 = arith.index_cast %add3A_155 : i32 to index
      %get3A_465 = arith.index_cast %get3A_463 : i32 to index
      %get3A_466 = arith.constant 32 : index
      %get3A_467 = tpu.vector_load %arg4[%get3A_464, %get3A_465, %get3A_466] {strides = array<i32>} : memref<16x16x256xf32, #tpu.memory_space<vmem>>, vector<1x1x16xf32>,
      %get3A_468 = vector.shape_cast %get3A_467 : vector<1x1x16xf32> to vector<16xf32>
      %get3A_469 = arith.constant 14 : i32
      %get3A_470 = arith.index_cast %add3A_155 : i32 to index
      %get3A_471 = arith.index_cast %get3A_469 : i32 to index
      %get3A_472 = arith.constant 32 : index
      %get3A_473 = tpu.vector_load %arg4[%get3A_470, %get3A_471, %get3A_472] {strides = array<i32>} : memref<16x16x256xf32, #tpu.memory_space<vmem>>, vector<1x1x16xf32>,
      %get3A_474 = vector.shape_cast %get3A_473 : vector<1x1x16xf32> to vector<16xf32>
      %get3A_475 = arith.constant 15 : i32
      %get3A_476 = arith.index_cast %add3A_155 : i32 to index
      %get3A_477 = arith.index_cast %get3A_475 : i32 to index
      %get3A_478 = arith.constant 32 : index
      %get3A_479 = tpu.vector_load %arg4[%get3A_476, %get3A_477, %get3A_478] {strides = array<i32>} : memref<16x16x256xf32, #tpu.memory_space<vmem>>, vector<1x1x16xf32>,
      %get3A_480 = vector.shape_cast %get3A_479 : vector<1x1x16xf32> to vector<16xf32>
      %max3A_481 = arith.maximumf %get3A_390, %get3A_396 : vector<16xf32>
      %max3A_482 = arith.maximumf %get3A_402, %get3A_408 : vector<16xf32>
      %max3A_483 = arith.maximumf %get3A_414, %get3A_420 : vector<16xf32>
      %max3A_484 = arith.maximumf %get3A_426, %get3A_432 : vector<16xf32>
      %max3A_485 = arith.maximumf %get3A_438, %get3A_444 : vector<16xf32>
      %max3A_486 = arith.maximumf %get3A_450, %get3A_456 : vector<16xf32>
      %max3A_487 = arith.maximumf %get3A_462, %get3A_468 : vector<16xf32>
      %max3A_488 = arith.maximumf %get3A_474, %get3A_480 : vector<16xf32>
      %max3A_489 = arith.maximumf %max3A_481, %max3A_482 : vector<16xf32>
      %max3A_490 = arith.maximumf %max3A_483, %max3A_484 : vector<16xf32>
      %max3A_491 = arith.maximumf %max3A_485, %max3A_486 : vector<16xf32>
      %max3A_492 = arith.maximumf %max3A_487, %max3A_488 : vector<16xf32>
      %max3A_493 = arith.maximumf %max3A_489, %max3A_490 : vector<16xf32>
      %max3A_494 = arith.maximumf %max3A_491, %max3A_492 : vector<16xf32>
      %max3A_495 = arith.maximumf %max3A_493, %max3A_494 : vector<16xf32>
      %swap3A_496 = arith.index_cast %add3A_155 : i32 to index
      %swap3A_497 = arith.constant 32 : index
      %swap3A_498 = tpu.vector_load %arg5[%swap3A_496, %swap3A_497] {strides = array<i32>} : memref<16x256xf32, #tpu.memory_space<vmem>>, vector<1x16xf32>,
      %swap3A_499 = vector.shape_cast %swap3A_498 : vector<1x16xf32> to vector<16xf32>
      %swap3A_500 = vector.shape_cast %max3A_495 : vector<16xf32> to vector<1x16xf32>
      tpu.vector_store %arg5[%swap3A_496, %swap3A_497], %swap3A_500 {strides = array<i32>} : memref<16x256xf32, #tpu.memory_space<vmem>>, vector<1x16xf32>,
      %get3A_501 = arith.constant 0 : i32
      %get3A_502 = arith.index_cast %add3A_155 : i32 to index
      %get3A_503 = arith.index_cast %get3A_501 : i32 to index
      %get3A_504 = arith.constant 48 : index
      %get3A_505 = tpu.vector_load %arg4[%get3A_502, %get3A_503, %get3A_504] {strides = array<i32>} : memref<16x16x256xf32, #tpu.memory_space<vmem>>, vector<1x1x16xf32>,
      %get3A_506 = vector.shape_cast %get3A_505 : vector<1x1x16xf32> to vector<16xf32>
      %get3A_507 = arith.constant 1 : i32
      %get3A_508 = arith.index_cast %add3A_155 : i32 to index
      %get3A_509 = arith.index_cast %get3A_507 : i32 to index
      %get3A_510 = arith.constant 48 : index
      %get3A_511 = tpu.vector_load %arg4[%get3A_508, %get3A_509, %get3A_510] {strides = array<i32>} : memref<16x16x256xf32, #tpu.memory_space<vmem>>, vector<1x1x16xf32>,
      %get3A_512 = vector.shape_cast %get3A_511 : vector<1x1x16xf32> to vector<16xf32>
      %get3A_513 = arith.constant 2 : i32
      %get3A_514 = arith.index_cast %add3A_155 : i32 to index
      %get3A_515 = arith.index_cast %get3A_513 : i32 to index
      %get3A_516 = arith.constant 48 : index
      %get3A_517 = tpu.vector_load %arg4[%get3A_514, %get3A_515, %get3A_516] {strides = array<i32>} : memref<16x16x256xf32, #tpu.memory_space<vmem>>, vector<1x1x16xf32>,
      %get3A_518 = vector.shape_cast %get3A_517 : vector<1x1x16xf32> to vector<16xf32>
      %get3A_519 = arith.constant 3 : i32
      %get3A_520 = arith.index_cast %add3A_155 : i32 to index
      %get3A_521 = arith.index_cast %get3A_519 : i32 to index
      %get3A_522 = arith.constant 48 : index
      %get3A_523 = tpu.vector_load %arg4[%get3A_520, %get3A_521, %get3A_522] {strides = array<i32>} : memref<16x16x256xf32, #tpu.memory_space<vmem>>, vector<1x1x16xf32>,
      %get3A_524 = vector.shape_cast %get3A_523 : vector<1x1x16xf32> to vector<16xf32>
      %get3A_525 = arith.constant 4 : i32
      %get3A_526 = arith.index_cast %add3A_155 : i32 to index
      %get3A_527 = arith.index_cast %get3A_525 : i32 to index
      %get3A_528 = arith.constant 48 : index
      %get3A_529 = tpu.vector_load %arg4[%get3A_526, %get3A_527, %get3A_528] {strides = array<i32>} : memref<16x16x256xf32, #tpu.memory_space<vmem>>, vector<1x1x16xf32>,
      %get3A_530 = vector.shape_cast %get3A_529 : vector<1x1x16xf32> to vector<16xf32>
      %get3A_531 = arith.constant 5 : i32
      %get3A_532 = arith.index_cast %add3A_155 : i32 to index
      %get3A_533 = arith.index_cast %get3A_531 : i32 to index
      %get3A_534 = arith.constant 48 : index
      %get3A_535 = tpu.vector_load %arg4[%get3A_532, %get3A_533, %get3A_534] {strides = array<i32>} : memref<16x16x256xf32, #tpu.memory_space<vmem>>, vector<1x1x16xf32>,
      %get3A_536 = vector.shape_cast %get3A_535 : vector<1x1x16xf32> to vector<16xf32>
      %get3A_537 = arith.constant 6 : i32
      %get3A_538 = arith.index_cast %add3A_155 : i32 to index
      %get3A_539 = arith.index_cast %get3A_537 : i32 to index
      %get3A_540 = arith.constant 48 : index
      %get3A_541 = tpu.vector_load %arg4[%get3A_538, %get3A_539, %get3A_540] {strides = array<i32>} : memref<16x16x256xf32, #tpu.memory_space<vmem>>, vector<1x1x16xf32>,
      %get3A_542 = vector.shape_cast %get3A_541 : vector<1x1x16xf32> to vector<16xf32>
      %get3A_543 = arith.constant 7 : i32
      %get3A_544 = arith.index_cast %add3A_155 : i32 to index
      %get3A_545 = arith.index_cast %get3A_543 : i32 to index
      %get3A_546 = arith.constant 48 : index
      %get3A_547 = tpu.vector_load %arg4[%get3A_544, %get3A_545, %get3A_546] {strides = array<i32>} : memref<16x16x256xf32, #tpu.memory_space<vmem>>, vector<1x1x16xf32>,
      %get3A_548 = vector.shape_cast %get3A_547 : vector<1x1x16xf32> to vector<16xf32>
      %get3A_549 = arith.constant 8 : i32
      %get3A_550 = arith.index_cast %add3A_155 : i32 to index
      %get3A_551 = arith.index_cast %get3A_549 : i32 to index
      %get3A_552 = arith.constant 48 : index
      %get3A_553 = tpu.vector_load %arg4[%get3A_550, %get3A_551, %get3A_552] {strides = array<i32>} : memref<16x16x256xf32, #tpu.memory_space<vmem>>, vector<1x1x16xf32>,
      %get3A_554 = vector.shape_cast %get3A_553 : vector<1x1x16xf32> to vector<16xf32>
      %get3A_555 = arith.constant 9 : i32
      %get3A_556 = arith.index_cast %add3A_155 : i32 to index
      %get3A_557 = arith.index_cast %get3A_555 : i32 to index
      %get3A_558 = arith.constant 48 : index
      %get3A_559 = tpu.vector_load %arg4[%get3A_556, %get3A_557, %get3A_558] {strides = array<i32>} : memref<16x16x256xf32, #tpu.memory_space<vmem>>, vector<1x1x16xf32>,
      %get3A_560 = vector.shape_cast %get3A_559 : vector<1x1x16xf32> to vector<16xf32>
      %get3A_561 = arith.constant 10 : i32
      %get3A_562 = arith.index_cast %add3A_155 : i32 to index
      %get3A_563 = arith.index_cast %get3A_561 : i32 to index
      %get3A_564 = arith.constant 48 : index
      %get3A_565 = tpu.vector_load %arg4[%get3A_562, %get3A_563, %get3A_564] {strides = array<i32>} : memref<16x16x256xf32, #tpu.memory_space<vmem>>, vector<1x1x16xf32>,
      %get3A_566 = vector.shape_cast %get3A_565 : vector<1x1x16xf32> to vector<16xf32>
      %get3A_567 = arith.constant 11 : i32
      %get3A_568 = arith.index_cast %add3A_155 : i32 to index
      %get3A_569 = arith.index_cast %get3A_567 : i32 to index
      %get3A_570 = arith.constant 48 : index
      %get3A_571 = tpu.vector_load %arg4[%get3A_568, %get3A_569, %get3A_570] {strides = array<i32>} : memref<16x16x256xf32, #tpu.memory_space<vmem>>, vector<1x1x16xf32>,
      %get3A_572 = vector.shape_cast %get3A_571 : vector<1x1x16xf32> to vector<16xf32>
      %get3A_573 = arith.constant 12 : i32
      %get3A_574 = arith.index_cast %add3A_155 : i32 to index
      %get3A_575 = arith.index_cast %get3A_573 : i32 to index
      %get3A_576 = arith.constant 48 : index
      %get3A_577 = tpu.vector_load %arg4[%get3A_574, %get3A_575, %get3A_576] {strides = array<i32>} : memref<16x16x256xf32, #tpu.memory_space<vmem>>, vector<1x1x16xf32>,
      %get3A_578 = vector.shape_cast %get3A_577 : vector<1x1x16xf32> to vector<16xf32>
      %get3A_579 = arith.constant 13 : i32
      %get3A_580 = arith.index_cast %add3A_155 : i32 to index
      %get3A_581 = arith.index_cast %get3A_579 : i32 to index
      %get3A_582 = arith.constant 48 : index
      %get3A_583 = tpu.vector_load %arg4[%get3A_580, %get3A_581, %get3A_582] {strides = array<i32>} : memref<16x16x256xf32, #tpu.memory_space<vmem>>, vector<1x1x16xf32>,
      %get3A_584 = vector.shape_cast %get3A_583 : vector<1x1x16xf32> to vector<16xf32>
      %get3A_585 = arith.constant 14 : i32
      %get3A_586 = arith.index_cast %add3A_155 : i32 to index
      %get3A_587 = arith.index_cast %get3A_585 : i32 to index
      %get3A_588 = arith.constant 48 : index
      %get3A_589 = tpu.vector_load %arg4[%get3A_586, %get3A_587, %get3A_588] {strides = array<i32>} : memref<16x16x256xf32, #tpu.memory_space<vmem>>, vector<1x1x16xf32>,
      %get3A_590 = vector.shape_cast %get3A_589 : vector<1x1x16xf32> to vector<16xf32>
      %get3A_591 = arith.constant 15 : i32
      %get3A_592 = arith.index_cast %add3A_155 : i32 to index
      %get3A_593 = arith.index_cast %get3A_591 : i32 to index
      %get3A_594 = arith.constant 48 : index
      %get3A_595 = tpu.vector_load %arg4[%get3A_592, %get3A_593, %get3A_594] {strides = array<i32>} : memref<16x16x256xf32, #tpu.memory_space<vmem>>, vector<1x1x16xf32>,
      %get3A_596 = vector.shape_cast %get3A_595 : vector<1x1x16xf32> to vector<16xf32>
      %max3A_597 = arith.maximumf %get3A_506, %get3A_512 : vector<16xf32>
      %max3A_598 = arith.maximumf %get3A_518, %get3A_524 : vector<16xf32>
      %max3A_599 = arith.maximumf %get3A_530, %get3A_536 : vector<16xf32>
      %max3A_600 = arith.maximumf %get3A_542, %get3A_548 : vector<16xf32>
      %max3A_601 = arith.maximumf %get3A_554, %get3A_560 : vector<16xf32>
      %max3A_602 = arith.maximumf %get3A_566, %get3A_572 : vector<16xf32>
      %max3A_603 = arith.maximumf %get3A_578, %get3A_584 : vector<16xf32>
      %max3A_604 = arith.maximumf %get3A_590, %get3A_596 : vector<16xf32>
      %max3A_605 = arith.maximumf %max3A_597, %max3A_598 : vector<16xf32>
      %max3A_606 = arith.maximumf %max3A_599, %max3A_600 : vector<16xf32>
      %max3A_607 = arith.maximumf %max3A_601, %max3A_602 : vector<16xf32>
      %max3A_608 = arith.maximumf %max3A_603, %max3A_604 : vector<16xf32>
      %max3A_609 = arith.maximumf %max3A_605, %max3A_606 : vector<16xf32>
      %max3A_610 = arith.maximumf %max3A_607, %max3A_608 : vector<16xf32>
      %max3A_611 = arith.maximumf %max3A_609, %max3A_610 : vector<16xf32>
      %swap3A_612 = arith.index_cast %add3A_155 : i32 to index
      %swap3A_613 = arith.constant 48 : index
      %swap3A_614 = tpu.vector_load %arg5[%swap3A_612, %swap3A_613] {strides = array<i32>} : memref<16x256xf32, #tpu.memory_space<vmem>>, vector<1x16xf32>,
      %swap3A_615 = vector.shape_cast %swap3A_614 : vector<1x16xf32> to vector<16xf32>
      %swap3A_616 = vector.shape_cast %max3A_611 : vector<16xf32> to vector<1x16xf32>
      tpu.vector_store %arg5[%swap3A_612, %swap3A_613], %swap3A_616 {strides = array<i32>} : memref<16x256xf32, #tpu.memory_space<vmem>>, vector<1x16xf32>,
      %get3A_617 = arith.constant 0 : i32
      %get3A_618 = arith.index_cast %add3A_155 : i32 to index
      %get3A_619 = arith.index_cast %get3A_617 : i32 to index
      %get3A_620 = arith.constant 64 : index
      %get3A_621 = tpu.vector_load %arg4[%get3A_618, %get3A_619, %get3A_620] {strides = array<i32>} : memref<16x16x256xf32, #tpu.memory_space<vmem>>, vector<1x1x16xf32>,
      %get3A_622 = vector.shape_cast %get3A_621 : vector<1x1x16xf32> to vector<16xf32>
      %get3A_623 = arith.constant 1 : i32
      %get3A_624 = arith.index_cast %add3A_155 : i32 to index
      %get3A_625 = arith.index_cast %get3A_623 : i32 to index
      %get3A_626 = arith.constant 64 : index
      %get3A_627 = tpu.vector_load %arg4[%get3A_624, %get3A_625, %get3A_626] {strides = array<i32>} : memref<16x16x256xf32, #tpu.memory_space<vmem>>, vector<1x1x16xf32>,
      %get3A_628 = vector.shape_cast %get3A_627 : vector<1x1x16xf32> to vector<16xf32>
      %get3A_629 = arith.constant 2 : i32
      %get3A_630 = arith.index_cast %add3A_155 : i32 to index
      %get3A_631 = arith.index_cast %get3A_629 : i32 to index
      %get3A_632 = arith.constant 64 : index
      %get3A_633 = tpu.vector_load %arg4[%get3A_630, %get3A_631, %get3A_632] {strides = array<i32>} : memref<16x16x256xf32, #tpu.memory_space<vmem>>, vector<1x1x16xf32>,
      %get3A_634 = vector.shape_cast %get3A_633 : vector<1x1x16xf32> to vector<16xf32>
      %get3A_635 = arith.constant 3 : i32
      %get3A_636 = arith.index_cast %add3A_155 : i32 to index
      %get3A_637 = arith.index_cast %get3A_635 : i32 to index
      %get3A_638 = arith.constant 64 : index
      %get3A_639 = tpu.vector_load %arg4[%get3A_636, %get3A_637, %get3A_638] {strides = array<i32>} : memref<16x16x256xf32, #tpu.memory_space<vmem>>, vector<1x1x16xf32>,
      %get3A_640 = vector.shape_cast %get3A_639 : vector<1x1x16xf32> to vector<16xf32>
      %get3A_641 = arith.constant 4 : i32
      %get3A_642 = arith.index_cast %add3A_155 : i32 to index
      %get3A_643 = arith.index_cast %get3A_641 : i32 to index
      %get3A_644 = arith.constant 64 : index
      %get3A_645 = tpu.vector_load %arg4[%get3A_642, %get3A_643, %get3A_644] {strides = array<i32>} : memref<16x16x256xf32, #tpu.memory_space<vmem>>, vector<1x1x16xf32>,
      %get3A_646 = vector.shape_cast %get3A_645 : vector<1x1x16xf32> to vector<16xf32>
      %get3A_647 = arith.constant 5 : i32
      %get3A_648 = arith.index_cast %add3A_155 : i32 to index
      %get3A_649 = arith.index_cast %get3A_647 : i32 to index
      %get3A_650 = arith.constant 64 : index
      %get3A_651 = tpu.vector_load %arg4[%get3A_648, %get3A_649, %get3A_650] {strides = array<i32>} : memref<16x16x256xf32, #tpu.memory_space<vmem>>, vector<1x1x16xf32>,
      %get3A_652 = vector.shape_cast %get3A_651 : vector<1x1x16xf32> to vector<16xf32>
      %get3A_653 = arith.constant 6 : i32
      %get3A_654 = arith.index_cast %add3A_155 : i32 to index
      %get3A_655 = arith.index_cast %get3A_653 : i32 to index
      %get3A_656 = arith.constant 64 : index
      %get3A_657 = tpu.vector_load %arg4[%get3A_654, %get3A_655, %get3A_656] {strides = array<i32>} : memref<16x16x256xf32, #tpu.memory_space<vmem>>, vector<1x1x16xf32>,
      %get3A_658 = vector.shape_cast %get3A_657 : vector<1x1x16xf32> to vector<16xf32>
      %get3A_659 = arith.constant 7 : i32
      %get3A_660 = arith.index_cast %add3A_155 : i32 to index
      %get3A_661 = arith.index_cast %get3A_659 : i32 to index
      %get3A_662 = arith.constant 64 : index
      %get3A_663 = tpu.vector_load %arg4[%get3A_660, %get3A_661, %get3A_662] {strides = array<i32>} : memref<16x16x256xf32, #tpu.memory_space<vmem>>, vector<1x1x16xf32>,
      %get3A_664 = vector.shape_cast %get3A_663 : vector<1x1x16xf32> to vector<16xf32>
      %get3A_665 = arith.constant 8 : i32
      %get3A_666 = arith.index_cast %add3A_155 : i32 to index
      %get3A_667 = arith.index_cast %get3A_665 : i32 to index
      %get3A_668 = arith.constant 64 : index
      %get3A_669 = tpu.vector_load %arg4[%get3A_666, %get3A_667, %get3A_668] {strides = array<i32>} : memref<16x16x256xf32, #tpu.memory_space<vmem>>, vector<1x1x16xf32>,
      %get3A_670 = vector.shape_cast %get3A_669 : vector<1x1x16xf32> to vector<16xf32>
      %get3A_671 = arith.constant 9 : i32
      %get3A_672 = arith.index_cast %add3A_155 : i32 to index
      %get3A_673 = arith.index_cast %get3A_671 : i32 to index
      %get3A_674 = arith.constant 64 : index
      %get3A_675 = tpu.vector_load %arg4[%get3A_672, %get3A_673, %get3A_674] {strides = array<i32>} : memref<16x16x256xf32, #tpu.memory_space<vmem>>, vector<1x1x16xf32>,
      %get3A_676 = vector.shape_cast %get3A_675 : vector<1x1x16xf32> to vector<16xf32>
      %get3A_677 = arith.constant 10 : i32
      %get3A_678 = arith.index_cast %add3A_155 : i32 to index
      %get3A_679 = arith.index_cast %get3A_677 : i32 to index
      %get3A_680 = arith.constant 64 : index
      %get3A_681 = tpu.vector_load %arg4[%get3A_678, %get3A_679, %get3A_680] {strides = array<i32>} : memref<16x16x256xf32, #tpu.memory_space<vmem>>, vector<1x1x16xf32>,
      %get3A_682 = vector.shape_cast %get3A_681 : vector<1x1x16xf32> to vector<16xf32>
      %get3A_683 = arith.constant 11 : i32
      %get3A_684 = arith.index_cast %add3A_155 : i32 to index
      %get3A_685 = arith.index_cast %get3A_683 : i32 to index
      %get3A_686 = arith.constant 64 : index
      %get3A_687 = tpu.vector_load %arg4[%get3A_684, %get3A_685, %get3A_686] {strides = array<i32>} : memref<16x16x256xf32, #tpu.memory_space<vmem>>, vector<1x1x16xf32>,
      %get3A_688 = vector.shape_cast %get3A_687 : vector<1x1x16xf32> to vector<16xf32>
      %get3A_689 = arith.constant 12 : i32
      %get3A_690 = arith.index_cast %add3A_155 : i32 to index
      %get3A_691 = arith.index_cast %get3A_689 : i32 to index
      %get3A_692 = arith.constant 64 : index
      %get3A_693 = tpu.vector_load %arg4[%get3A_690, %get3A_691, %get3A_692] {strides = array<i32>} : memref<16x16x256xf32, #tpu.memory_space<vmem>>, vector<1x1x16xf32>,
      %get3A_694 = vector.shape_cast %get3A_693 : vector<1x1x16xf32> to vector<16xf32>
      %get3A_695 = arith.constant 13 : i32
      %get3A_696 = arith.index_cast %add3A_155 : i32 to index
      %get3A_697 = arith.index_cast %get3A_695 : i32 to index
      %get3A_698 = arith.constant 64 : index
      %get3A_699 = tpu.vector_load %arg4[%get3A_696, %get3A_697, %get3A_698] {strides = array<i32>} : memref<16x16x256xf32, #tpu.memory_space<vmem>>, vector<1x1x16xf32>,
      %get3A_700 = vector.shape_cast %get3A_699 : vector<1x1x16xf32> to vector<16xf32>
      %get3A_701 = arith.constant 14 : i32
      %get3A_702 = arith.index_cast %add3A_155 : i32 to index
      %get3A_703 = arith.index_cast %get3A_701 : i32 to index
      %get3A_704 = arith.constant 64 : index
      %get3A_705 = tpu.vector_load %arg4[%get3A_702, %get3A_703, %get3A_704] {strides = array<i32>} : memref<16x16x256xf32, #tpu.memory_space<vmem>>, vector<1x1x16xf32>,
      %get3A_706 = vector.shape_cast %get3A_705 : vector<1x1x16xf32> to vector<16xf32>
      %get3A_707 = arith.constant 15 : i32
      %get3A_708 = arith.index_cast %add3A_155 : i32 to index
      %get3A_709 = arith.index_cast %get3A_707 : i32 to index
      %get3A_710 = arith.constant 64 : index
      %get3A_711 = tpu.vector_load %arg4[%get3A_708, %get3A_709, %get3A_710] {strides = array<i32>} : memref<16x16x256xf32, #tpu.memory_space<vmem>>, vector<1x1x16xf32>,
      %get3A_712 = vector.shape_cast %get3A_711 : vector<1x1x16xf32> to vector<16xf32>
      %max3A_713 = arith.maximumf %get3A_622, %get3A_628 : vector<16xf32>
      %max3A_714 = arith.maximumf %get3A_634, %get3A_640 : vector<16xf32>
      %max3A_715 = arith.maximumf %get3A_646, %get3A_652 : vector<16xf32>
      %max3A_716 = arith.maximumf %get3A_658, %get3A_664 : vector<16xf32>
      %max3A_717 = arith.maximumf %get3A_670, %get3A_676 : vector<16xf32>
      %max3A_718 = arith.maximumf %get3A_682, %get3A_688 : vector<16xf32>
      %max3A_719 = arith.maximumf %get3A_694, %get3A_700 : vector<16xf32>
      %max3A_720 = arith.maximumf %get3A_706, %get3A_712 : vector<16xf32>
      %max3A_721 = arith.maximumf %max3A_713, %max3A_714 : vector<16xf32>
      %max3A_722 = arith.maximumf %max3A_715, %max3A_716 : vector<16xf32>
      %max3A_723 = arith.maximumf %max3A_717, %max3A_718 : vector<16xf32>
      %max3A_724 = arith.maximumf %max3A_719, %max3A_720 : vector<16xf32>
      %max3A_725 = arith.maximumf %max3A_721, %max3A_722 : vector<16xf32>
      %max3A_726 = arith.maximumf %max3A_723, %max3A_724 : vector<16xf32>
      %max3A_727 = arith.maximumf %max3A_725, %max3A_726 : vector<16xf32>
      %swap3A_728 = arith.index_cast %add3A_155 : i32 to index
      %swap3A_729 = arith.constant 64 : index
      %swap3A_730 = tpu.vector_load %arg5[%swap3A_728, %swap3A_729] {strides = array<i32>} : memref<16x256xf32, #tpu.memory_space<vmem>>, vector<1x16xf32>,
      %swap3A_731 = vector.shape_cast %swap3A_730 : vector<1x16xf32> to vector<16xf32>
      %swap3A_732 = vector.shape_cast %max3A_727 : vector<16xf32> to vector<1x16xf32>
      tpu.vector_store %arg5[%swap3A_728, %swap3A_729], %swap3A_732 {strides = array<i32>} : memref<16x256xf32, #tpu.memory_space<vmem>>, vector<1x16xf32>,
      %get3A_733 = arith.constant 0 : i32
      %get3A_734 = arith.index_cast %add3A_155 : i32 to index
      %get3A_735 = arith.index_cast %get3A_733 : i32 to index
      %get3A_736 = arith.constant 80 : index
      %get3A_737 = tpu.vector_load %arg4[%get3A_734, %get3A_735, %get3A_736] {strides = array<i32>} : memref<16x16x256xf32, #tpu.memory_space<vmem>>, vector<1x1x16xf32>,
      %get3A_738 = vector.shape_cast %get3A_737 : vector<1x1x16xf32> to vector<16xf32>
      %get3A_739 = arith.constant 1 : i32
      %get3A_740 = arith.index_cast %add3A_155 : i32 to index
      %get3A_741 = arith.index_cast %get3A_739 : i32 to index
      %get3A_742 = arith.constant 80 : index
      %get3A_743 = tpu.vector_load %arg4[%get3A_740, %get3A_741, %get3A_742] {strides = array<i32>} : memref<16x16x256xf32, #tpu.memory_space<vmem>>, vector<1x1x16xf32>,
      %get3A_744 = vector.shape_cast %get3A_743 : vector<1x1x16xf32> to vector<16xf32>
      %get3A_745 = arith.constant 2 : i32
      %get3A_746 = arith.index_cast %add3A_155 : i32 to index
      %get3A_747 = arith.index_cast %get3A_745 : i32 to index
      %get3A_748 = arith.constant 80 : index
      %get3A_749 = tpu.vector_load %arg4[%get3A_746, %get3A_747, %get3A_748] {strides = array<i32>} : memref<16x16x256xf32, #tpu.memory_space<vmem>>, vector<1x1x16xf32>,
      %get3A_750 = vector.shape_cast %get3A_749 : vector<1x1x16xf32> to vector<16xf32>
      %get3A_751 = arith.constant 3 : i32
      %get3A_752 = arith.index_cast %add3A_155 : i32 to index
      %get3A_753 = arith.index_cast %get3A_751 : i32 to index
      %get3A_754 = arith.constant 80 : index
      %get3A_755 = tpu.vector_load %arg4[%get3A_752, %get3A_753, %get3A_754] {strides = array<i32>} : memref<16x16x256xf32, #tpu.memory_space<vmem>>, vector<1x1x16xf32>,
      %get3A_756 = vector.shape_cast %get3A_755 : vector<1x1x16xf32> to vector<16xf32>
      %get3A_757 = arith.constant 4 : i32
      %get3A_758 = arith.index_cast %add3A_155 : i32 to index
      %get3A_759 = arith.index_cast %get3A_757 : i32 to index
      %get3A_760 = arith.constant 80 : index
      %get3A_761 = tpu.vector_load %arg4[%get3A_758, %get3A_759, %get3A_760] {strides = array<i32>} : memref<16x16x256xf32, #tpu.memory_space<vmem>>, vector<1x1x16xf32>,
      %get3A_762 = vector.shape_cast %get3A_761 : vector<1x1x16xf32> to vector<16xf32>
      %get3A_763 = arith.constant 5 : i32
      %get3A_764 = arith.index_cast %add3A_155 : i32 to index
      %get3A_765 = arith.index_cast %get3A_763 : i32 to index
      %get3A_766 = arith.constant 80 : index
      %get3A_767 = tpu.vector_load %arg4[%get3A_764, %get3A_765, %get3A_766] {strides = array<i32>} : memref<16x16x256xf32, #tpu.memory_space<vmem>>, vector<1x1x16xf32>,
      %get3A_768 = vector.shape_cast %get3A_767 : vector<1x1x16xf32> to vector<16xf32>
      %get3A_769 = arith.constant 6 : i32
      %get3A_770 = arith.index_cast %add3A_155 : i32 to index
      %get3A_771 = arith.index_cast %get3A_769 : i32 to index
      %get3A_772 = arith.constant 80 : index
      %get3A_773 = tpu.vector_load %arg4[%get3A_770, %get3A_771, %get3A_772] {strides = array<i32>} : memref<16x16x256xf32, #tpu.memory_space<vmem>>, vector<1x1x16xf32>,
      %get3A_774 = vector.shape_cast %get3A_773 : vector<1x1x16xf32> to vector<16xf32>
      %get3A_775 = arith.constant 7 : i32
      %get3A_776 = arith.index_cast %add3A_155 : i32 to index
      %get3A_777 = arith.index_cast %get3A_775 : i32 to index
      %get3A_778 = arith.constant 80 : index
      %get3A_779 = tpu.vector_load %arg4[%get3A_776, %get3A_777, %get3A_778] {strides = array<i32>} : memref<16x16x256xf32, #tpu.memory_space<vmem>>, vector<1x1x16xf32>,
      %get3A_780 = vector.shape_cast %get3A_779 : vector<1x1x16xf32> to vector<16xf32>
      %get3A_781 = arith.constant 8 : i32
      %get3A_782 = arith.index_cast %add3A_155 : i32 to index
      %get3A_783 = arith.index_cast %get3A_781 : i32 to index
      %get3A_784 = arith.constant 80 : index
      %get3A_785 = tpu.vector_load %arg4[%get3A_782, %get3A_783, %get3A_784] {strides = array<i32>} : memref<16x16x256xf32, #tpu.memory_space<vmem>>, vector<1x1x16xf32>,
      %get3A_786 = vector.shape_cast %get3A_785 : vector<1x1x16xf32> to vector<16xf32>
      %get3A_787 = arith.constant 9 : i32
      %get3A_788 = arith.index_cast %add3A_155 : i32 to index
      %get3A_789 = arith.index_cast %get3A_787 : i32 to index
      %get3A_790 = arith.constant 80 : index
      %get3A_791 = tpu.vector_load %arg4[%get3A_788, %get3A_789, %get3A_790] {strides = array<i32>} : memref<16x16x256xf32, #tpu.memory_space<vmem>>, vector<1x1x16xf32>,
      %get3A_792 = vector.shape_cast %get3A_791 : vector<1x1x16xf32> to vector<16xf32>
      %get3A_793 = arith.constant 10 : i32
      %get3A_794 = arith.index_cast %add3A_155 : i32 to index
      %get3A_795 = arith.index_cast %get3A_793 : i32 to index
      %get3A_796 = arith.constant 80 : index
      %get3A_797 = tpu.vector_load %arg4[%get3A_794, %get3A_795, %get3A_796] {strides = array<i32>} : memref<16x16x256xf32, #tpu.memory_space<vmem>>, vector<1x1x16xf32>,
      %get3A_798 = vector.shape_cast %get3A_797 : vector<1x1x16xf32> to vector<16xf32>
      %get3A_799 = arith.constant 11 : i32
      %get3A_800 = arith.index_cast %add3A_155 : i32 to index
      %get3A_801 = arith.index_cast %get3A_799 : i32 to index
      %get3A_802 = arith.constant 80 : index
      %get3A_803 = tpu.vector_load %arg4[%get3A_800, %get3A_801, %get3A_802] {strides = array<i32>} : memref<16x16x256xf32, #tpu.memory_space<vmem>>, vector<1x1x16xf32>,
      %get3A_804 = vector.shape_cast %get3A_803 : vector<1x1x16xf32> to vector<16xf32>
      %get3A_805 = arith.constant 12 : i32
      %get3A_806 = arith.index_cast %add3A_155 : i32 to index
      %get3A_807 = arith.index_cast %get3A_805 : i32 to index
      %get3A_808 = arith.constant 80 : index
      %get3A_809 = tpu.vector_load %arg4[%get3A_806, %get3A_807, %get3A_808] {strides = array<i32>} : memref<16x16x256xf32, #tpu.memory_space<vmem>>, vector<1x1x16xf32>,
      %get3A_810 = vector.shape_cast %get3A_809 : vector<1x1x16xf32> to vector<16xf32>
      %get3A_811 = arith.constant 13 : i32
      %get3A_812 = arith.index_cast %add3A_155 : i32 to index
      %get3A_813 = arith.index_cast %get3A_811 : i32 to index
      %get3A_814 = arith.constant 80 : index
      %get3A_815 = tpu.vector_load %arg4[%get3A_812, %get3A_813, %get3A_814] {strides = array<i32>} : memref<16x16x256xf32, #tpu.memory_space<vmem>>, vector<1x1x16xf32>,
      %get3A_816 = vector.shape_cast %get3A_815 : vector<1x1x16xf32> to vector<16xf32>
      %get3A_817 = arith.constant 14 : i32
      %get3A_818 = arith.index_cast %add3A_155 : i32 to index
      %get3A_819 = arith.index_cast %get3A_817 : i32 to index
      %get3A_820 = arith.constant 80 : index
      %get3A_821 = tpu.vector_load %arg4[%get3A_818, %get3A_819, %get3A_820] {strides = array<i32>} : memref<16x16x256xf32, #tpu.memory_space<vmem>>, vector<1x1x16xf32>,
      %get3A_822 = vector.shape_cast %get3A_821 : vector<1x1x16xf32> to vector<16xf32>
      %get3A_823 = arith.constant 15 : i32
      %get3A_824 = arith.index_cast %add3A_155 : i32 to index
      %get3A_825 = arith.index_cast %get3A_823 : i32 to index
      %get3A_826 = arith.constant 80 : index
      %get3A_827 = tpu.vector_load %arg4[%get3A_824, %get3A_825, %get3A_826] {strides = array<i32>} : memref<16x16x256xf32, #tpu.memory_space<vmem>>, vector<1x1x16xf32>,
      %get3A_828 = vector.shape_cast %get3A_827 : vector<1x1x16xf32> to vector<16xf32>
      %max3A_829 = arith.maximumf %get3A_738, %get3A_744 : vector<16xf32>
      %max3A_830 = arith.maximumf %get3A_750, %get3A_756 : vector<16xf32>
      %max3A_831 = arith.maximumf %get3A_762, %get3A_768 : vector<16xf32>
      %max3A_832 = arith.maximumf %get3A_774, %get3A_780 : vector<16xf32>
      %max3A_833 = arith.maximumf %get3A_786, %get3A_792 : vector<16xf32>
      %max3A_834 = arith.maximumf %get3A_798, %get3A_804 : vector<16xf32>
      %max3A_835 = arith.maximumf %get3A_810, %get3A_816 : vector<16xf32>
      %max3A_836 = arith.maximumf %get3A_822, %get3A_828 : vector<16xf32>
      %max3A_837 = arith.maximumf %max3A_829, %max3A_830 : vector<16xf32>
      %max3A_838 = arith.maximumf %max3A_831, %max3A_832 : vector<16xf32>
      %max3A_839 = arith.maximumf %max3A_833, %max3A_834 : vector<16xf32>
      %max3A_840 = arith.maximumf %max3A_835, %max3A_836 : vector<16xf32>
      %max3A_841 = arith.maximumf %max3A_837, %max3A_838 : vector<16xf32>
      %max3A_842 = arith.maximumf %max3A_839, %max3A_840 : vector<16xf32>
      %max3A_843 = arith.maximumf %max3A_841, %max3A_842 : vector<16xf32>
      %swap3A_844 = arith.index_cast %add3A_155 : i32 to index
      %swap3A_845 = arith.constant 80 : index
      %swap3A_846 = tpu.vector_load %arg5[%swap3A_844, %swap3A_845] {strides = array<i32>} : memref<16x256xf32, #tpu.memory_space<vmem>>, vector<1x16xf32>,
      %swap3A_847 = vector.shape_cast %swap3A_846 : vector<1x16xf32> to vector<16xf32>
      %swap3A_848 = vector.shape_cast %max3A_843 : vector<16xf32> to vector<1x16xf32>
      tpu.vector_store %arg5[%swap3A_844, %swap3A_845], %swap3A_848 {strides = array<i32>} : memref<16x256xf32, #tpu.memory_space<vmem>>, vector<1x16xf32>,
      %get3A_849 = arith.constant 0 : i32
      %get3A_850 = arith.index_cast %add3A_155 : i32 to index
      %get3A_851 = arith.index_cast %get3A_849 : i32 to index
      %get3A_852 = arith.constant 96 : index
      %get3A_853 = tpu.vector_load %arg4[%get3A_850, %get3A_851, %get3A_852] {strides = array<i32>} : memref<16x16x256xf32, #tpu.memory_space<vmem>>, vector<1x1x16xf32>,
      %get3A_854 = vector.shape_cast %get3A_853 : vector<1x1x16xf32> to vector<16xf32>
      %get3A_855 = arith.constant 1 : i32
      %get3A_856 = arith.index_cast %add3A_155 : i32 to index
      %get3A_857 = arith.index_cast %get3A_855 : i32 to index
      %get3A_858 = arith.constant 96 : index
      %get3A_859 = tpu.vector_load %arg4[%get3A_856, %get3A_857, %get3A_858] {strides = array<i32>} : memref<16x16x256xf32, #tpu.memory_space<vmem>>, vector<1x1x16xf32>,
      %get3A_860 = vector.shape_cast %get3A_859 : vector<1x1x16xf32> to vector<16xf32>
      %get3A_861 = arith.constant 2 : i32
      %get3A_862 = arith.index_cast %add3A_155 : i32 to index
      %get3A_863 = arith.index_cast %get3A_861 : i32 to index
      %get3A_864 = arith.constant 96 : index
      %get3A_865 = tpu.vector_load %arg4[%get3A_862, %get3A_863, %get3A_864] {strides = array<i32>} : memref<16x16x256xf32, #tpu.memory_space<vmem>>, vector<1x1x16xf32>,
      %get3A_866 = vector.shape_cast %get3A_865 : vector<1x1x16xf32> to vector<16xf32>
      %get3A_867 = arith.constant 3 : i32
      %get3A_868 = arith.index_cast %add3A_155 : i32 to index
      %get3A_869 = arith.index_cast %get3A_867 : i32 to index
      %get3A_870 = arith.constant 96 : index
      %get3A_871 = tpu.vector_load %arg4[%get3A_868, %get3A_869, %get3A_870] {strides = array<i32>} : memref<16x16x256xf32, #tpu.memory_space<vmem>>, vector<1x1x16xf32>,
      %get3A_872 = vector.shape_cast %get3A_871 : vector<1x1x16xf32> to vector<16xf32>
      %get3A_873 = arith.constant 4 : i32
      %get3A_874 = arith.index_cast %add3A_155 : i32 to index
      %get3A_875 = arith.index_cast %get3A_873 : i32 to index
      %get3A_876 = arith.constant 96 : index
      %get3A_877 = tpu.vector_load %arg4[%get3A_874, %get3A_875, %get3A_876] {strides = array<i32>} : memref<16x16x256xf32, #tpu.memory_space<vmem>>, vector<1x1x16xf32>,
      %get3A_878 = vector.shape_cast %get3A_877 : vector<1x1x16xf32> to vector<16xf32>
      %get3A_879 = arith.constant 5 : i32
      %get3A_880 = arith.index_cast %add3A_155 : i32 to index
      %get3A_881 = arith.index_cast %get3A_879 : i32 to index
      %get3A_882 = arith.constant 96 : index
      %get3A_883 = tpu.vector_load %arg4[%get3A_880, %get3A_881, %get3A_882] {strides = array<i32>} : memref<16x16x256xf32, #tpu.memory_space<vmem>>, vector<1x1x16xf32>,
      %get3A_884 = vector.shape_cast %get3A_883 : vector<1x1x16xf32> to vector<16xf32>
      %get3A_885 = arith.constant 6 : i32
      %get3A_886 = arith.index_cast %add3A_155 : i32 to index
      %get3A_887 = arith.index_cast %get3A_885 : i32 to index
      %get3A_888 = arith.constant 96 : index
      %get3A_889 = tpu.vector_load %arg4[%get3A_886, %get3A_887, %get3A_888] {strides = array<i32>} : memref<16x16x256xf32, #tpu.memory_space<vmem>>, vector<1x1x16xf32>,
      %get3A_890 = vector.shape_cast %get3A_889 : vector<1x1x16xf32> to vector<16xf32>
      %get3A_891 = arith.constant 7 : i32
      %get3A_892 = arith.index_cast %add3A_155 : i32 to index
      %get3A_893 = arith.index_cast %get3A_891 : i32 to index
      %get3A_894 = arith.constant 96 : index
      %get3A_895 = tpu.vector_load %arg4[%get3A_892, %get3A_893, %get3A_894] {strides = array<i32>} : memref<16x16x256xf32, #tpu.memory_space<vmem>>, vector<1x1x16xf32>,
      %get3A_896 = vector.shape_cast %get3A_895 : vector<1x1x16xf32> to vector<16xf32>
      %get3A_897 = arith.constant 8 : i32
      %get3A_898 = arith.index_cast %add3A_155 : i32 to index
      %get3A_899 = arith.index_cast %get3A_897 : i32 to index
      %get3A_900 = arith.constant 96 : index
      %get3A_901 = tpu.vector_load %arg4[%get3A_898, %get3A_899, %get3A_900] {strides = array<i32>} : memref<16x16x256xf32, #tpu.memory_space<vmem>>, vector<1x1x16xf32>,
      %get3A_902 = vector.shape_cast %get3A_901 : vector<1x1x16xf32> to vector<16xf32>
      %get3A_903 = arith.constant 9 : i32
      %get3A_904 = arith.index_cast %add3A_155 : i32 to index
      %get3A_905 = arith.index_cast %get3A_903 : i32 to index
      %get3A_906 = arith.constant 96 : index
      %get3A_907 = tpu.vector_load %arg4[%get3A_904, %get3A_905, %get3A_906] {strides = array<i32>} : memref<16x16x256xf32, #tpu.memory_space<vmem>>, vector<1x1x16xf32>,
      %get3A_908 = vector.shape_cast %get3A_907 : vector<1x1x16xf32> to vector<16xf32>
      %get3A_909 = arith.constant 10 : i32
      %get3A_910 = arith.index_cast %add3A_155 : i32 to index
      %get3A_911 = arith.index_cast %get3A_909 : i32 to index
      %get3A_912 = arith.constant 96 : index
      %get3A_913 = tpu.vector_load %arg4[%get3A_910, %get3A_911, %get3A_912] {strides = array<i32>} : memref<16x16x256xf32, #tpu.memory_space<vmem>>, vector<1x1x16xf32>,
      %get3A_914 = vector.shape_cast %get3A_913 : vector<1x1x16xf32> to vector<16xf32>
      %get3A_915 = arith.constant 11 : i32
      %get3A_916 = arith.index_cast %add3A_155 : i32 to index
      %get3A_917 = arith.index_cast %get3A_915 : i32 to index
      %get3A_918 = arith.constant 96 : index
      %get3A_919 = tpu.vector_load %arg4[%get3A_916, %get3A_917, %get3A_918] {strides = array<i32>} : memref<16x16x256xf32, #tpu.memory_space<vmem>>, vector<1x1x16xf32>,
      %get3A_920 = vector.shape_cast %get3A_919 : vector<1x1x16xf32> to vector<16xf32>
      %get3A_921 = arith.constant 12 : i32
      %get3A_922 = arith.index_cast %add3A_155 : i32 to index
      %get3A_923 = arith.index_cast %get3A_921 : i32 to index
      %get3A_924 = arith.constant 96 : index
      %get3A_925 = tpu.vector_load %arg4[%get3A_922, %get3A_923, %get3A_924] {strides = array<i32>} : memref<16x16x256xf32, #tpu.memory_space<vmem>>, vector<1x1x16xf32>,
      %get3A_926 = vector.shape_cast %get3A_925 : vector<1x1x16xf32> to vector<16xf32>
      %get3A_927 = arith.constant 13 : i32
      %get3A_928 = arith.index_cast %add3A_155 : i32 to index
      %get3A_929 = arith.index_cast %get3A_927 : i32 to index
      %get3A_930 = arith.constant 96 : index
      %get3A_931 = tpu.vector_load %arg4[%get3A_928, %get3A_929, %get3A_930] {strides = array<i32>} : memref<16x16x256xf32, #tpu.memory_space<vmem>>, vector<1x1x16xf32>,
      %get3A_932 = vector.shape_cast %get3A_931 : vector<1x1x16xf32> to vector<16xf32>
      %get3A_933 = arith.constant 14 : i32
      %get3A_934 = arith.index_cast %add3A_155 : i32 to index
      %get3A_935 = arith.index_cast %get3A_933 : i32 to index
      %get3A_936 = arith.constant 96 : index
      %get3A_937 = tpu.vector_load %arg4[%get3A_934, %get3A_935, %get3A_936] {strides = array<i32>} : memref<16x16x256xf32, #tpu.memory_space<vmem>>, vector<1x1x16xf32>,
      %get3A_938 = vector.shape_cast %get3A_937 : vector<1x1x16xf32> to vector<16xf32>
      %get3A_939 = arith.constant 15 : i32
      %get3A_940 = arith.index_cast %add3A_155 : i32 to index
      %get3A_941 = arith.index_cast %get3A_939 : i32 to index
      %get3A_942 = arith.constant 96 : index
      %get3A_943 = tpu.vector_load %arg4[%get3A_940, %get3A_941, %get3A_942] {strides = array<i32>} : memref<16x16x256xf32, #tpu.memory_space<vmem>>, vector<1x1x16xf32>,
      %get3A_944 = vector.shape_cast %get3A_943 : vector<1x1x16xf32> to vector<16xf32>
      %max3A_945 = arith.maximumf %get3A_854, %get3A_860 : vector<16xf32>
      %max3A_946 = arith.maximumf %get3A_866, %get3A_872 : vector<16xf32>
      %max3A_947 = arith.maximumf %get3A_878, %get3A_884 : vector<16xf32>
      %max3A_948 = arith.maximumf %get3A_890, %get3A_896 : vector<16xf32>
      %max3A_949 = arith.maximumf %get3A_902, %get3A_908 : vector<16xf32>
      %max3A_950 = arith.maximumf %get3A_914, %get3A_920 : vector<16xf32>
      %max3A_951 = arith.maximumf %get3A_926, %get3A_932 : vector<16xf32>
      %max3A_952 = arith.maximumf %get3A_938, %get3A_944 : vector<16xf32>
      %max3A_953 = arith.maximumf %max3A_945, %max3A_946 : vector<16xf32>
      %max3A_954 = arith.maximumf %max3A_947, %max3A_948 : vector<16xf32>
      %max3A_955 = arith.maximumf %max3A_949, %max3A_950 : vector<16xf32>
      %max3A_956 = arith.maximumf %max3A_951, %max3A_952 : vector<16xf32>
      %max3A_957 = arith.maximumf %max3A_953, %max3A_954 : vector<16xf32>
      %max3A_958 = arith.maximumf %max3A_955, %max3A_956 : vector<16xf32>
      %max3A_959 = arith.maximumf %max3A_957, %max3A_958 : vector<16xf32>
      %swap3A_960 = arith.index_cast %add3A_155 : i32 to index
      %swap3A_961 = arith.constant 96 : index
      %swap3A_962 = tpu.vector_load %arg5[%swap3A_960, %swap3A_961] {strides = array<i32>} : memref<16x256xf32, #tpu.memory_space<vmem>>, vector<1x16xf32>,
      %swap3A_963 = vector.shape_cast %swap3A_962 : vector<1x16xf32> to vector<16xf32>
      %swap3A_964 = vector.shape_cast %max3A_959 : vector<16xf32> to vector<1x16xf32>
      tpu.vector_store %arg5[%swap3A_960, %swap3A_961], %swap3A_964 {strides = array<i32>} : memref<16x256xf32, #tpu.memory_space<vmem>>, vector<1x16xf32>,
      %get3A_965 = arith.constant 0 : i32
      %get3A_966 = arith.index_cast %add3A_155 : i32 to index
      %get3A_967 = arith.index_cast %get3A_965 : i32 to index
      %get3A_968 = arith.constant 112 : index
      %get3A_969 = tpu.vector_load %arg4[%get3A_966, %get3A_967, %get3A_968] {strides = array<i32>} : memref<16x16x256xf32, #tpu.memory_space<vmem>>, vector<1x1x16xf32>,
      %get3A_970 = vector.shape_cast %get3A_969 : vector<1x1x16xf32> to vector<16xf32>
      %get3A_971 = arith.constant 1 : i32
      %get3A_972 = arith.index_cast %add3A_155 : i32 to index
      %get3A_973 = arith.index_cast %get3A_971 : i32 to index
      %get3A_974 = arith.constant 112 : index
      %get3A_975 = tpu.vector_load %arg4[%get3A_972, %get3A_973, %get3A_974] {strides = array<i32>} : memref<16x16x256xf32, #tpu.memory_space<vmem>>, vector<1x1x16xf32>,
      %get3A_976 = vector.shape_cast %get3A_975 : vector<1x1x16xf32> to vector<16xf32>
      %get3A_977 = arith.constant 2 : i32
      %get3A_978 = arith.index_cast %add3A_155 : i32 to index
      %get3A_979 = arith.index_cast %get3A_977 : i32 to index
      %get3A_980 = arith.constant 112 : index
      %get3A_981 = tpu.vector_load %arg4[%get3A_978, %get3A_979, %get3A_980] {strides = array<i32>} : memref<16x16x256xf32, #tpu.memory_space<vmem>>, vector<1x1x16xf32>,
      %get3A_982 = vector.shape_cast %get3A_981 : vector<1x1x16xf32> to vector<16xf32>
      %get3A_983 = arith.constant 3 : i32
      %get3A_984 = arith.index_cast %add3A_155 : i32 to index
      %get3A_985 = arith.index_cast %get3A_983 : i32 to index
      %get3A_986 = arith.constant 112 : index
      %get3A_987 = tpu.vector_load %arg4[%get3A_984, %get3A_985, %get3A_986] {strides = array<i32>} : memref<16x16x256xf32, #tpu.memory_space<vmem>>, vector<1x1x16xf32>,
      %get3A_988 = vector.shape_cast %get3A_987 : vector<1x1x16xf32> to vector<16xf32>
      %get3A_989 = arith.constant 4 : i32
      %get3A_990 = arith.index_cast %add3A_155 : i32 to index
      %get3A_991 = arith.index_cast %get3A_989 : i32 to index
      %get3A_992 = arith.constant 112 : index
      %get3A_993 = tpu.vector_load %arg4[%get3A_990, %get3A_991, %get3A_992] {strides = array<i32>} : memref<16x16x256xf32, #tpu.memory_space<vmem>>, vector<1x1x16xf32>,
      %get3A_994 = vector.shape_cast %get3A_993 : vector<1x1x16xf32> to vector<16xf32>
      %get3A_995 = arith.constant 5 : i32
      %get3A_996 = arith.index_cast %add3A_155 : i32 to index
      %get3A_997 = arith.index_cast %get3A_995 : i32 to index
      %get3A_998 = arith.constant 112 : index
      %get3A_999 = tpu.vector_load %arg4[%get3A_996, %get3A_997, %get3A_998] {strides = array<i32>} : memref<16x16x256xf32, #tpu.memory_space<vmem>>, vector<1x1x16xf32>,
      %get3A_1000 = vector.shape_cast %get3A_999 : vector<1x1x16xf32> to vector<16xf32>
      %get3A_1001 = arith.constant 6 : i32
      %get3A_1002 = arith.index_cast %add3A_155 : i32 to index
      %get3A_1003 = arith.index_cast %get3A_1001 : i32 to index
      %get3A_1004 = arith.constant 112 : index
      %get3A_1005 = tpu.vector_load %arg4[%get3A_1002, %get3A_1003, %get3A_1004] {strides = array<i32>} : memref<16x16x256xf32, #tpu.memory_space<vmem>>, vector<1x1x16xf32>,
      %get3A_1006 = vector.shape_cast %get3A_1005 : vector<1x1x16xf32> to vector<16xf32>
      %get3A_1007 = arith.constant 7 : i32
      %get3A_1008 = arith.index_cast %add3A_155 : i32 to index
      %get3A_1009 = arith.index_cast %get3A_1007 : i32 to index
      %get3A_1010 = arith.constant 112 : index
      %get3A_1011 = tpu.vector_load %arg4[%get3A_1008, %get3A_1009, %get3A_1010] {strides = array<i32>} : memref<16x16x256xf32, #tpu.memory_space<vmem>>, vector<1x1x16xf32>,
      %get3A_1012 = vector.shape_cast %get3A_1011 : vector<1x1x16xf32> to vector<16xf32>
      %get3A_1013 = arith.constant 8 : i32
      %get3A_1014 = arith.index_cast %add3A_155 : i32 to index
      %get3A_1015 = arith.index_cast %get3A_1013 : i32 to index
      %get3A_1016 = arith.constant 112 : index
      %get3A_1017 = tpu.vector_load %arg4[%get3A_1014, %get3A_1015, %get3A_1016] {strides = array<i32>} : memref<16x16x256xf32, #tpu.memory_space<vmem>>, vector<1x1x16xf32>,
      %get3A_1018 = vector.shape_cast %get3A_1017 : vector<1x1x16xf32> to vector<16xf32>
      %get3A_1019 = arith.constant 9 : i32
      %get3A_1020 = arith.index_cast %add3A_155 : i32 to index
      %get3A_1021 = arith.index_cast %get3A_1019 : i32 to index
      %get3A_1022 = arith.constant 112 : index
      %get3A_1023 = tpu.vector_load %arg4[%get3A_1020, %get3A_1021, %get3A_1022] {strides = array<i32>} : memref<16x16x256xf32, #tpu.memory_space<vmem>>, vector<1x1x16xf32>,
      %get3A_1024 = vector.shape_cast %get3A_1023 : vector<1x1x16xf32> to vector<16xf32>
      %get3A_1025 = arith.constant 10 : i32
      %get3A_1026 = arith.index_cast %add3A_155 : i32 to index
      %get3A_1027 = arith.index_cast %get3A_1025 : i32 to index
      %get3A_1028 = arith.constant 112 : index
      %get3A_1029 = tpu.vector_load %arg4[%get3A_1026, %get3A_1027, %get3A_1028] {strides = array<i32>} : memref<16x16x256xf32, #tpu.memory_space<vmem>>, vector<1x1x16xf32>,
      %get3A_1030 = vector.shape_cast %get3A_1029 : vector<1x1x16xf32> to vector<16xf32>
      %get3A_1031 = arith.constant 11 : i32
      %get3A_1032 = arith.index_cast %add3A_155 : i32 to index
      %get3A_1033 = arith.index_cast %get3A_1031 : i32 to index
      %get3A_1034 = arith.constant 112 : index
      %get3A_1035 = tpu.vector_load %arg4[%get3A_1032, %get3A_1033, %get3A_1034] {strides = array<i32>} : memref<16x16x256xf32, #tpu.memory_space<vmem>>, vector<1x1x16xf32>,
      %get3A_1036 = vector.shape_cast %get3A_1035 : vector<1x1x16xf32> to vector<16xf32>
      %get3A_1037 = arith.constant 12 : i32
      %get3A_1038 = arith.index_cast %add3A_155 : i32 to index
      %get3A_1039 = arith.index_cast %get3A_1037 : i32 to index
      %get3A_1040 = arith.constant 112 : index
      %get3A_1041 = tpu.vector_load %arg4[%get3A_1038, %get3A_1039, %get3A_1040] {strides = array<i32>} : memref<16x16x256xf32, #tpu.memory_space<vmem>>, vector<1x1x16xf32>,
      %get3A_1042 = vector.shape_cast %get3A_1041 : vector<1x1x16xf32> to vector<16xf32>
      %get3A_1043 = arith.constant 13 : i32
      %get3A_1044 = arith.index_cast %add3A_155 : i32 to index
      %get3A_1045 = arith.index_cast %get3A_1043 : i32 to index
      %get3A_1046 = arith.constant 112 : index
      %get3A_1047 = tpu.vector_load %arg4[%get3A_1044, %get3A_1045, %get3A_1046] {strides = array<i32>} : memref<16x16x256xf32, #tpu.memory_space<vmem>>, vector<1x1x16xf32>,
      %get3A_1048 = vector.shape_cast %get3A_1047 : vector<1x1x16xf32> to vector<16xf32>
      %get3A_1049 = arith.constant 14 : i32
      %get3A_1050 = arith.index_cast %add3A_155 : i32 to index
      %get3A_1051 = arith.index_cast %get3A_1049 : i32 to index
      %get3A_1052 = arith.constant 112 : index
      %get3A_1053 = tpu.vector_load %arg4[%get3A_1050, %get3A_1051, %get3A_1052] {strides = array<i32>} : memref<16x16x256xf32, #tpu.memory_space<vmem>>, vector<1x1x16xf32>,
      %get3A_1054 = vector.shape_cast %get3A_1053 : vector<1x1x16xf32> to vector<16xf32>
      %get3A_1055 = arith.constant 15 : i32
      %get3A_1056 = arith.index_cast %add3A_155 : i32 to index
      %get3A_1057 = arith.index_cast %get3A_1055 : i32 to index
      %get3A_1058 = arith.constant 112 : index
      %get3A_1059 = tpu.vector_load %arg4[%get3A_1056, %get3A_1057, %get3A_1058] {strides = array<i32>} : memref<16x16x256xf32, #tpu.memory_space<vmem>>, vector<1x1x16xf32>,
      %get3A_1060 = vector.shape_cast %get3A_1059 : vector<1x1x16xf32> to vector<16xf32>
      %max3A_1061 = arith.maximumf %get3A_970, %get3A_976 : vector<16xf32>
      %max3A_1062 = arith.maximumf %get3A_982, %get3A_988 : vector<16xf32>
      %max3A_1063 = arith.maximumf %get3A_994, %get3A_1000 : vector<16xf32>
      %max3A_1064 = arith.maximumf %get3A_1006, %get3A_1012 : vector<16xf32>
      %max3A_1065 = arith.maximumf %get3A_1018, %get3A_1024 : vector<16xf32>
      %max3A_1066 = arith.maximumf %get3A_1030, %get3A_1036 : vector<16xf32>
      %max3A_1067 = arith.maximumf %get3A_1042, %get3A_1048 : vector<16xf32>
      %max3A_1068 = arith.maximumf %get3A_1054, %get3A_1060 : vector<16xf32>
      %max3A_1069 = arith.maximumf %max3A_1061, %max3A_1062 : vector<16xf32>
      %max3A_1070 = arith.maximumf %max3A_1063, %max3A_1064 : vector<16xf32>
      %max3A_1071 = arith.maximumf %max3A_1065, %max3A_1066 : vector<16xf32>
      %max3A_1072 = arith.maximumf %max3A_1067, %max3A_1068 : vector<16xf32>
      %max3A_1073 = arith.maximumf %max3A_1069, %max3A_1070 : vector<16xf32>
      %max3A_1074 = arith.maximumf %max3A_1071, %max3A_1072 : vector<16xf32>
      %max3A_1075 = arith.maximumf %max3A_1073, %max3A_1074 : vector<16xf32>
      %swap3A_1076 = arith.index_cast %add3A_155 : i32 to index
      %swap3A_1077 = arith.constant 112 : index
      %swap3A_1078 = tpu.vector_load %arg5[%swap3A_1076, %swap3A_1077] {strides = array<i32>} : memref<16x256xf32, #tpu.memory_space<vmem>>, vector<1x16xf32>,
      %swap3A_1079 = vector.shape_cast %swap3A_1078 : vector<1x16xf32> to vector<16xf32>
      %swap3A_1080 = vector.shape_cast %max3A_1075 : vector<16xf32> to vector<1x16xf32>
      tpu.vector_store %arg5[%swap3A_1076, %swap3A_1077], %swap3A_1080 {strides = array<i32>} : memref<16x256xf32, #tpu.memory_space<vmem>>, vector<1x16xf32>,
      %get3A_1081 = arith.constant 0 : i32
      %get3A_1082 = arith.index_cast %add3A_155 : i32 to index
      %get3A_1083 = arith.index_cast %get3A_1081 : i32 to index
      %get3A_1084 = arith.constant 128 : index
      %get3A_1085 = tpu.vector_load %arg4[%get3A_1082, %get3A_1083, %get3A_1084] {strides = array<i32>} : memref<16x16x256xf32, #tpu.memory_space<vmem>>, vector<1x1x16xf32>,
      %get3A_1086 = vector.shape_cast %get3A_1085 : vector<1x1x16xf32> to vector<16xf32>
      %get3A_1087 = arith.constant 1 : i32
      %get3A_1088 = arith.index_cast %add3A_155 : i32 to index
      %get3A_1089 = arith.index_cast %get3A_1087 : i32 to index
      %get3A_1090 = arith.constant 128 : index
      %get3A_1091 = tpu.vector_load %arg4[%get3A_1088, %get3A_1089, %get3A_1090] {strides = array<i32>} : memref<16x16x256xf32, #tpu.memory_space<vmem>>, vector<1x1x16xf32>,
      %get3A_1092 = vector.shape_cast %get3A_1091 : vector<1x1x16xf32> to vector<16xf32>
      %get3A_1093 = arith.constant 2 : i32
      %get3A_1094 = arith.index_cast %add3A_155 : i32 to index
      %get3A_1095 = arith.index_cast %get3A_1093 : i32 to index
      %get3A_1096 = arith.constant 128 : index
      %get3A_1097 = tpu.vector_load %arg4[%get3A_1094, %get3A_1095, %get3A_1096] {strides = array<i32>} : memref<16x16x256xf32, #tpu.memory_space<vmem>>, vector<1x1x16xf32>,
      %get3A_1098 = vector.shape_cast %get3A_1097 : vector<1x1x16xf32> to vector<16xf32>
      %get3A_1099 = arith.constant 3 : i32
      %get3A_1100 = arith.index_cast %add3A_155 : i32 to index
      %get3A_1101 = arith.index_cast %get3A_1099 : i32 to index
      %get3A_1102 = arith.constant 128 : index
      %get3A_1103 = tpu.vector_load %arg4[%get3A_1100, %get3A_1101, %get3A_1102] {strides = array<i32>} : memref<16x16x256xf32, #tpu.memory_space<vmem>>, vector<1x1x16xf32>,
      %get3A_1104 = vector.shape_cast %get3A_1103 : vector<1x1x16xf32> to vector<16xf32>
      %get3A_1105 = arith.constant 4 : i32
      %get3A_1106 = arith.index_cast %add3A_155 : i32 to index
      %get3A_1107 = arith.index_cast %get3A_1105 : i32 to index
      %get3A_1108 = arith.constant 128 : index
      %get3A_1109 = tpu.vector_load %arg4[%get3A_1106, %get3A_1107, %get3A_1108] {strides = array<i32>} : memref<16x16x256xf32, #tpu.memory_space<vmem>>, vector<1x1x16xf32>,
      %get3A_1110 = vector.shape_cast %get3A_1109 : vector<1x1x16xf32> to vector<16xf32>
      %get3A_1111 = arith.constant 5 : i32
      %get3A_1112 = arith.index_cast %add3A_155 : i32 to index
      %get3A_1113 = arith.index_cast %get3A_1111 : i32 to index
      %get3A_1114 = arith.constant 128 : index
      %get3A_1115 = tpu.vector_load %arg4[%get3A_1112, %get3A_1113, %get3A_1114] {strides = array<i32>} : memref<16x16x256xf32, #tpu.memory_space<vmem>>, vector<1x1x16xf32>,
      %get3A_1116 = vector.shape_cast %get3A_1115 : vector<1x1x16xf32> to vector<16xf32>
      %get3A_1117 = arith.constant 6 : i32
      %get3A_1118 = arith.index_cast %add3A_155 : i32 to index
      %get3A_1119 = arith.index_cast %get3A_1117 : i32 to index
      %get3A_1120 = arith.constant 128 : index
      %get3A_1121 = tpu.vector_load %arg4[%get3A_1118, %get3A_1119, %get3A_1120] {strides = array<i32>} : memref<16x16x256xf32, #tpu.memory_space<vmem>>, vector<1x1x16xf32>,
      %get3A_1122 = vector.shape_cast %get3A_1121 : vector<1x1x16xf32> to vector<16xf32>
      %get3A_1123 = arith.constant 7 : i32
      %get3A_1124 = arith.index_cast %add3A_155 : i32 to index
      %get3A_1125 = arith.index_cast %get3A_1123 : i32 to index
      %get3A_1126 = arith.constant 128 : index
      %get3A_1127 = tpu.vector_load %arg4[%get3A_1124, %get3A_1125, %get3A_1126] {strides = array<i32>} : memref<16x16x256xf32, #tpu.memory_space<vmem>>, vector<1x1x16xf32>,
      %get3A_1128 = vector.shape_cast %get3A_1127 : vector<1x1x16xf32> to vector<16xf32>
      %get3A_1129 = arith.constant 8 : i32
      %get3A_1130 = arith.index_cast %add3A_155 : i32 to index
      %get3A_1131 = arith.index_cast %get3A_1129 : i32 to index
      %get3A_1132 = arith.constant 128 : index
      %get3A_1133 = tpu.vector_load %arg4[%get3A_1130, %get3A_1131, %get3A_1132] {strides = array<i32>} : memref<16x16x256xf32, #tpu.memory_space<vmem>>, vector<1x1x16xf32>,
      %get3A_1134 = vector.shape_cast %get3A_1133 : vector<1x1x16xf32> to vector<16xf32>
      %get3A_1135 = arith.constant 9 : i32
      %get3A_1136 = arith.index_cast %add3A_155 : i32 to index
      %get3A_1137 = arith.index_cast %get3A_1135 : i32 to index
      %get3A_1138 = arith.constant 128 : index
      %get3A_1139 = tpu.vector_load %arg4[%get3A_1136, %get3A_1137, %get3A_1138] {strides = array<i32>} : memref<16x16x256xf32, #tpu.memory_space<vmem>>, vector<1x1x16xf32>,
      %get3A_1140 = vector.shape_cast %get3A_1139 : vector<1x1x16xf32> to vector<16xf32>
      %get3A_1141 = arith.constant 10 : i32
      %get3A_1142 = arith.index_cast %add3A_155 : i32 to index
      %get3A_1143 = arith.index_cast %get3A_1141 : i32 to index
      %get3A_1144 = arith.constant 128 : index
      %get3A_1145 = tpu.vector_load %arg4[%get3A_1142, %get3A_1143, %get3A_1144] {strides = array<i32>} : memref<16x16x256xf32, #tpu.memory_space<vmem>>, vector<1x1x16xf32>,
      %get3A_1146 = vector.shape_cast %get3A_1145 : vector<1x1x16xf32> to vector<16xf32>
      %get3A_1147 = arith.constant 11 : i32
      %get3A_1148 = arith.index_cast %add3A_155 : i32 to index
      %get3A_1149 = arith.index_cast %get3A_1147 : i32 to index
      %get3A_1150 = arith.constant 128 : index
      %get3A_1151 = tpu.vector_load %arg4[%get3A_1148, %get3A_1149, %get3A_1150] {strides = array<i32>} : memref<16x16x256xf32, #tpu.memory_space<vmem>>, vector<1x1x16xf32>,
      %get3A_1152 = vector.shape_cast %get3A_1151 : vector<1x1x16xf32> to vector<16xf32>
      %get3A_1153 = arith.constant 12 : i32
      %get3A_1154 = arith.index_cast %add3A_155 : i32 to index
      %get3A_1155 = arith.index_cast %get3A_1153 : i32 to index
      %get3A_1156 = arith.constant 128 : index
      %get3A_1157 = tpu.vector_load %arg4[%get3A_1154, %get3A_1155, %get3A_1156] {strides = array<i32>} : memref<16x16x256xf32, #tpu.memory_space<vmem>>, vector<1x1x16xf32>,
      %get3A_1158 = vector.shape_cast %get3A_1157 : vector<1x1x16xf32> to vector<16xf32>
      %get3A_1159 = arith.constant 13 : i32
      %get3A_1160 = arith.index_cast %add3A_155 : i32 to index
      %get3A_1161 = arith.index_cast %get3A_1159 : i32 to index
      %get3A_1162 = arith.constant 128 : index
      %get3A_1163 = tpu.vector_load %arg4[%get3A_1160, %get3A_1161, %get3A_1162] {strides = array<i32>} : memref<16x16x256xf32, #tpu.memory_space<vmem>>, vector<1x1x16xf32>,
      %get3A_1164 = vector.shape_cast %get3A_1163 : vector<1x1x16xf32> to vector<16xf32>
      %get3A_1165 = arith.constant 14 : i32
      %get3A_1166 = arith.index_cast %add3A_155 : i32 to index
      %get3A_1167 = arith.index_cast %get3A_1165 : i32 to index
      %get3A_1168 = arith.constant 128 : index
      %get3A_1169 = tpu.vector_load %arg4[%get3A_1166, %get3A_1167, %get3A_1168] {strides = array<i32>} : memref<16x16x256xf32, #tpu.memory_space<vmem>>, vector<1x1x16xf32>,
      %get3A_1170 = vector.shape_cast %get3A_1169 : vector<1x1x16xf32> to vector<16xf32>
      %get3A_1171 = arith.constant 15 : i32
      %get3A_1172 = arith.index_cast %add3A_155 : i32 to index
      %get3A_1173 = arith.index_cast %get3A_1171 : i32 to index
      %get3A_1174 = arith.constant 128 : index
      %get3A_1175 = tpu.vector_load %arg4[%get3A_1172, %get3A_1173, %get3A_1174] {strides = array<i32>} : memref<16x16x256xf32, #tpu.memory_space<vmem>>, vector<1x1x16xf32>,
      %get3A_1176 = vector.shape_cast %get3A_1175 : vector<1x1x16xf32> to vector<16xf32>
      %max3A_1177 = arith.maximumf %get3A_1086, %get3A_1092 : vector<16xf32>
      %max3A_1178 = arith.maximumf %get3A_1098, %get3A_1104 : vector<16xf32>
      %max3A_1179 = arith.maximumf %get3A_1110, %get3A_1116 : vector<16xf32>
      %max3A_1180 = arith.maximumf %get3A_1122, %get3A_1128 : vector<16xf32>
      %max3A_1181 = arith.maximumf %get3A_1134, %get3A_1140 : vector<16xf32>
      %max3A_1182 = arith.maximumf %get3A_1146, %get3A_1152 : vector<16xf32>
      %max3A_1183 = arith.maximumf %get3A_1158, %get3A_1164 : vector<16xf32>
      %max3A_1184 = arith.maximumf %get3A_1170, %get3A_1176 : vector<16xf32>
      %max3A_1185 = arith.maximumf %max3A_1177, %max3A_1178 : vector<16xf32>
      %max3A_1186 = arith.maximumf %max3A_1179, %max3A_1180 : vector<16xf32>
      %max3A_1187 = arith.maximumf %max3A_1181, %max3A_1182 : vector<16xf32>
      %max3A_1188 = arith.maximumf %max3A_1183, %max3A_1184 : vector<16xf32>
      %max3A_1189 = arith.maximumf %max3A_1185, %max3A_1186 : vector<16xf32>
      %max3A_1190 = arith.maximumf %max3A_1187, %max3A_1188 : vector<16xf32>
      %max3A_1191 = arith.maximumf %max3A_1189, %max3A_1190 : vector<16xf32>
      %swap3A_1192 = arith.index_cast %add3A_155 : i32 to index
      %swap3A_1193 = arith.constant 128 : index
      %swap3A_1194 = tpu.vector_load %arg5[%swap3A_1192, %swap3A_1193] {strides = array<i32>} : memref<16x256xf32, #tpu.memory_space<vmem>>, vector<1x16xf32>,
      %swap3A_1195 = vector.shape_cast %swap3A_1194 : vector<1x16xf32> to vector<16xf32>
      %swap3A_1196 = vector.shape_cast %max3A_1191 : vector<16xf32> to vector<1x16xf32>
      tpu.vector_store %arg5[%swap3A_1192, %swap3A_1193], %swap3A_1196 {strides = array<i32>} : memref<16x256xf32, #tpu.memory_space<vmem>>, vector<1x16xf32>,
      %get3A_1197 = arith.constant 0 : i32
      %get3A_1198 = arith.index_cast %add3A_155 : i32 to index
      %get3A_1199 = arith.index_cast %get3A_1197 : i32 to index
      %get3A_1200 = arith.constant 144 : index
      %get3A_1201 = tpu.vector_load %arg4[%get3A_1198, %get3A_1199, %get3A_1200] {strides = array<i32>} : memref<16x16x256xf32, #tpu.memory_space<vmem>>, vector<1x1x16xf32>,
      %get3A_1202 = vector.shape_cast %get3A_1201 : vector<1x1x16xf32> to vector<16xf32>
      %get3A_1203 = arith.constant 1 : i32
      %get3A_1204 = arith.index_cast %add3A_155 : i32 to index
      %get3A_1205 = arith.index_cast %get3A_1203 : i32 to index
      %get3A_1206 = arith.constant 144 : index
      %get3A_1207 = tpu.vector_load %arg4[%get3A_1204, %get3A_1205, %get3A_1206] {strides = array<i32>} : memref<16x16x256xf32, #tpu.memory_space<vmem>>, vector<1x1x16xf32>,
      %get3A_1208 = vector.shape_cast %get3A_1207 : vector<1x1x16xf32> to vector<16xf32>
      %get3A_1209 = arith.constant 2 : i32
      %get3A_1210 = arith.index_cast %add3A_155 : i32 to index
      %get3A_1211 = arith.index_cast %get3A_1209 : i32 to index
      %get3A_1212 = arith.constant 144 : index
      %get3A_1213 = tpu.vector_load %arg4[%get3A_1210, %get3A_1211, %get3A_1212] {strides = array<i32>} : memref<16x16x256xf32, #tpu.memory_space<vmem>>, vector<1x1x16xf32>,
      %get3A_1214 = vector.shape_cast %get3A_1213 : vector<1x1x16xf32> to vector<16xf32>
      %get3A_1215 = arith.constant 3 : i32
      %get3A_1216 = arith.index_cast %add3A_155 : i32 to index
      %get3A_1217 = arith.index_cast %get3A_1215 : i32 to index
      %get3A_1218 = arith.constant 144 : index
      %get3A_1219 = tpu.vector_load %arg4[%get3A_1216, %get3A_1217, %get3A_1218] {strides = array<i32>} : memref<16x16x256xf32, #tpu.memory_space<vmem>>, vector<1x1x16xf32>,
      %get3A_1220 = vector.shape_cast %get3A_1219 : vector<1x1x16xf32> to vector<16xf32>
      %get3A_1221 = arith.constant 4 : i32
      %get3A_1222 = arith.index_cast %add3A_155 : i32 to index
      %get3A_1223 = arith.index_cast %get3A_1221 : i32 to index
      %get3A_1224 = arith.constant 144 : index
      %get3A_1225 = tpu.vector_load %arg4[%get3A_1222, %get3A_1223, %get3A_1224] {strides = array<i32>} : memref<16x16x256xf32, #tpu.memory_space<vmem>>, vector<1x1x16xf32>,
      %get3A_1226 = vector.shape_cast %get3A_1225 : vector<1x1x16xf32> to vector<16xf32>
      %get3A_1227 = arith.constant 5 : i32
      %get3A_1228 = arith.index_cast %add3A_155 : i32 to index
      %get3A_1229 = arith.index_cast %get3A_1227 : i32 to index
      %get3A_1230 = arith.constant 144 : index
      %get3A_1231 = tpu.vector_load %arg4[%get3A_1228, %get3A_1229, %get3A_1230] {strides = array<i32>} : memref<16x16x256xf32, #tpu.memory_space<vmem>>, vector<1x1x16xf32>,
      %get3A_1232 = vector.shape_cast %get3A_1231 : vector<1x1x16xf32> to vector<16xf32>
      %get3A_1233 = arith.constant 6 : i32
      %get3A_1234 = arith.index_cast %add3A_155 : i32 to index
      %get3A_1235 = arith.index_cast %get3A_1233 : i32 to index
      %get3A_1236 = arith.constant 144 : index
      %get3A_1237 = tpu.vector_load %arg4[%get3A_1234, %get3A_1235, %get3A_1236] {strides = array<i32>} : memref<16x16x256xf32, #tpu.memory_space<vmem>>, vector<1x1x16xf32>,
      %get3A_1238 = vector.shape_cast %get3A_1237 : vector<1x1x16xf32> to vector<16xf32>
      %get3A_1239 = arith.constant 7 : i32
      %get3A_1240 = arith.index_cast %add3A_155 : i32 to index
      %get3A_1241 = arith.index_cast %get3A_1239 : i32 to index
      %get3A_1242 = arith.constant 144 : index
      %get3A_1243 = tpu.vector_load %arg4[%get3A_1240, %get3A_1241, %get3A_1242] {strides = array<i32>} : memref<16x16x256xf32, #tpu.memory_space<vmem>>, vector<1x1x16xf32>,
      %get3A_1244 = vector.shape_cast %get3A_1243 : vector<1x1x16xf32> to vector<16xf32>
      %get3A_1245 = arith.constant 8 : i32
      %get3A_1246 = arith.index_cast %add3A_155 : i32 to index
      %get3A_1247 = arith.index_cast %get3A_1245 : i32 to index
      %get3A_1248 = arith.constant 144 : index
      %get3A_1249 = tpu.vector_load %arg4[%get3A_1246, %get3A_1247, %get3A_1248] {strides = array<i32>} : memref<16x16x256xf32, #tpu.memory_space<vmem>>, vector<1x1x16xf32>,
      %get3A_1250 = vector.shape_cast %get3A_1249 : vector<1x1x16xf32> to vector<16xf32>
      %get3A_1251 = arith.constant 9 : i32
      %get3A_1252 = arith.index_cast %add3A_155 : i32 to index
      %get3A_1253 = arith.index_cast %get3A_1251 : i32 to index
      %get3A_1254 = arith.constant 144 : index
      %get3A_1255 = tpu.vector_load %arg4[%get3A_1252, %get3A_1253, %get3A_1254] {strides = array<i32>} : memref<16x16x256xf32, #tpu.memory_space<vmem>>, vector<1x1x16xf32>,
      %get3A_1256 = vector.shape_cast %get3A_1255 : vector<1x1x16xf32> to vector<16xf32>
      %get3A_1257 = arith.constant 10 : i32
      %get3A_1258 = arith.index_cast %add3A_155 : i32 to index
      %get3A_1259 = arith.index_cast %get3A_1257 : i32 to index
      %get3A_1260 = arith.constant 144 : index
      %get3A_1261 = tpu.vector_load %arg4[%get3A_1258, %get3A_1259, %get3A_1260] {strides = array<i32>} : memref<16x16x256xf32, #tpu.memory_space<vmem>>, vector<1x1x16xf32>,
      %get3A_1262 = vector.shape_cast %get3A_1261 : vector<1x1x16xf32> to vector<16xf32>
      %get3A_1263 = arith.constant 11 : i32
      %get3A_1264 = arith.index_cast %add3A_155 : i32 to index
      %get3A_1265 = arith.index_cast %get3A_1263 : i32 to index
      %get3A_1266 = arith.constant 144 : index
      %get3A_1267 = tpu.vector_load %arg4[%get3A_1264, %get3A_1265, %get3A_1266] {strides = array<i32>} : memref<16x16x256xf32, #tpu.memory_space<vmem>>, vector<1x1x16xf32>,
      %get3A_1268 = vector.shape_cast %get3A_1267 : vector<1x1x16xf32> to vector<16xf32>
      %get3A_1269 = arith.constant 12 : i32
      %get3A_1270 = arith.index_cast %add3A_155 : i32 to index
      %get3A_1271 = arith.index_cast %get3A_1269 : i32 to index
      %get3A_1272 = arith.constant 144 : index
      %get3A_1273 = tpu.vector_load %arg4[%get3A_1270, %get3A_1271, %get3A_1272] {strides = array<i32>} : memref<16x16x256xf32, #tpu.memory_space<vmem>>, vector<1x1x16xf32>,
      %get3A_1274 = vector.shape_cast %get3A_1273 : vector<1x1x16xf32> to vector<16xf32>
      %get3A_1275 = arith.constant 13 : i32
      %get3A_1276 = arith.index_cast %add3A_155 : i32 to index
      %get3A_1277 = arith.index_cast %get3A_1275 : i32 to index
      %get3A_1278 = arith.constant 144 : index
      %get3A_1279 = tpu.vector_load %arg4[%get3A_1276, %get3A_1277, %get3A_1278] {strides = array<i32>} : memref<16x16x256xf32, #tpu.memory_space<vmem>>, vector<1x1x16xf32>,
      %get3A_1280 = vector.shape_cast %get3A_1279 : vector<1x1x16xf32> to vector<16xf32>
      %get3A_1281 = arith.constant 14 : i32
      %get3A_1282 = arith.index_cast %add3A_155 : i32 to index
      %get3A_1283 = arith.index_cast %get3A_1281 : i32 to index
      %get3A_1284 = arith.constant 144 : index
      %get3A_1285 = tpu.vector_load %arg4[%get3A_1282, %get3A_1283, %get3A_1284] {strides = array<i32>} : memref<16x16x256xf32, #tpu.memory_space<vmem>>, vector<1x1x16xf32>,
      %get3A_1286 = vector.shape_cast %get3A_1285 : vector<1x1x16xf32> to vector<16xf32>
      %get3A_1287 = arith.constant 15 : i32
      %get3A_1288 = arith.index_cast %add3A_155 : i32 to index
      %get3A_1289 = arith.index_cast %get3A_1287 : i32 to index
      %get3A_1290 = arith.constant 144 : index
      %get3A_1291 = tpu.vector_load %arg4[%get3A_1288, %get3A_1289, %get3A_1290] {strides = array<i32>} : memref<16x16x256xf32, #tpu.memory_space<vmem>>, vector<1x1x16xf32>,
      %get3A_1292 = vector.shape_cast %get3A_1291 : vector<1x1x16xf32> to vector<16xf32>
      %max3A_1293 = arith.maximumf %get3A_1202, %get3A_1208 : vector<16xf32>
      %max3A_1294 = arith.maximumf %get3A_1214, %get3A_1220 : vector<16xf32>
      %max3A_1295 = arith.maximumf %get3A_1226, %get3A_1232 : vector<16xf32>
      %max3A_1296 = arith.maximumf %get3A_1238, %get3A_1244 : vector<16xf32>
      %max3A_1297 = arith.maximumf %get3A_1250, %get3A_1256 : vector<16xf32>
      %max3A_1298 = arith.maximumf %get3A_1262, %get3A_1268 : vector<16xf32>
      %max3A_1299 = arith.maximumf %get3A_1274, %get3A_1280 : vector<16xf32>
      %max3A_1300 = arith.maximumf %get3A_1286, %get3A_1292 : vector<16xf32>
      %max3A_1301 = arith.maximumf %max3A_1293, %max3A_1294 : vector<16xf32>
      %max3A_1302 = arith.maximumf %max3A_1295, %max3A_1296 : vector<16xf32>
      %max3A_1303 = arith.maximumf %max3A_1297, %max3A_1298 : vector<16xf32>
      %max3A_1304 = arith.maximumf %max3A_1299, %max3A_1300 : vector<16xf32>
      %max3A_1305 = arith.maximumf %max3A_1301, %max3A_1302 : vector<16xf32>
      %max3A_1306 = arith.maximumf %max3A_1303, %max3A_1304 : vector<16xf32>
      %max3A_1307 = arith.maximumf %max3A_1305, %max3A_1306 : vector<16xf32>
      %swap3A_1308 = arith.index_cast %add3A_155 : i32 to index
      %swap3A_1309 = arith.constant 144 : index
      %swap3A_1310 = tpu.vector_load %arg5[%swap3A_1308, %swap3A_1309] {strides = array<i32>} : memref<16x256xf32, #tpu.memory_space<vmem>>, vector<1x16xf32>,
      %swap3A_1311 = vector.shape_cast %swap3A_1310 : vector<1x16xf32> to vector<16xf32>
      %swap3A_1312 = vector.shape_cast %max3A_1307 : vector<16xf32> to vector<1x16xf32>
      tpu.vector_store %arg5[%swap3A_1308, %swap3A_1309], %swap3A_1312 {strides = array<i32>} : memref<16x256xf32, #tpu.memory_space<vmem>>, vector<1x16xf32>,
      %get3A_1313 = arith.constant 0 : i32
      %get3A_1314 = arith.index_cast %add3A_155 : i32 to index
      %get3A_1315 = arith.index_cast %get3A_1313 : i32 to index
      %get3A_1316 = arith.constant 160 : index
      %get3A_1317 = tpu.vector_load %arg4[%get3A_1314, %get3A_1315, %get3A_1316] {strides = array<i32>} : memref<16x16x256xf32, #tpu.memory_space<vmem>>, vector<1x1x16xf32>,
      %get3A_1318 = vector.shape_cast %get3A_1317 : vector<1x1x16xf32> to vector<16xf32>
      %get3A_1319 = arith.constant 1 : i32
      %get3A_1320 = arith.index_cast %add3A_155 : i32 to index
      %get3A_1321 = arith.index_cast %get3A_1319 : i32 to index
      %get3A_1322 = arith.constant 160 : index
      %get3A_1323 = tpu.vector_load %arg4[%get3A_1320, %get3A_1321, %get3A_1322] {strides = array<i32>} : memref<16x16x256xf32, #tpu.memory_space<vmem>>, vector<1x1x16xf32>,
      %get3A_1324 = vector.shape_cast %get3A_1323 : vector<1x1x16xf32> to vector<16xf32>
      %get3A_1325 = arith.constant 2 : i32
      %get3A_1326 = arith.index_cast %add3A_155 : i32 to index
      %get3A_1327 = arith.index_cast %get3A_1325 : i32 to index
      %get3A_1328 = arith.constant 160 : index
      %get3A_1329 = tpu.vector_load %arg4[%get3A_1326, %get3A_1327, %get3A_1328] {strides = array<i32>} : memref<16x16x256xf32, #tpu.memory_space<vmem>>, vector<1x1x16xf32>,
      %get3A_1330 = vector.shape_cast %get3A_1329 : vector<1x1x16xf32> to vector<16xf32>
      %get3A_1331 = arith.constant 3 : i32
      %get3A_1332 = arith.index_cast %add3A_155 : i32 to index
      %get3A_1333 = arith.index_cast %get3A_1331 : i32 to index
      %get3A_1334 = arith.constant 160 : index
      %get3A_1335 = tpu.vector_load %arg4[%get3A_1332, %get3A_1333, %get3A_1334] {strides = array<i32>} : memref<16x16x256xf32, #tpu.memory_space<vmem>>, vector<1x1x16xf32>,
      %get3A_1336 = vector.shape_cast %get3A_1335 : vector<1x1x16xf32> to vector<16xf32>
      %get3A_1337 = arith.constant 4 : i32
      %get3A_1338 = arith.index_cast %add3A_155 : i32 to index
      %get3A_1339 = arith.index_cast %get3A_1337 : i32 to index
      %get3A_1340 = arith.constant 160 : index
      %get3A_1341 = tpu.vector_load %arg4[%get3A_1338, %get3A_1339, %get3A_1340] {strides = array<i32>} : memref<16x16x256xf32, #tpu.memory_space<vmem>>, vector<1x1x16xf32>,
      %get3A_1342 = vector.shape_cast %get3A_1341 : vector<1x1x16xf32> to vector<16xf32>
      %get3A_1343 = arith.constant 5 : i32
      %get3A_1344 = arith.index_cast %add3A_155 : i32 to index
      %get3A_1345 = arith.index_cast %get3A_1343 : i32 to index
      %get3A_1346 = arith.constant 160 : index
      %get3A_1347 = tpu.vector_load %arg4[%get3A_1344, %get3A_1345, %get3A_1346] {strides = array<i32>} : memref<16x16x256xf32, #tpu.memory_space<vmem>>, vector<1x1x16xf32>,
      %get3A_1348 = vector.shape_cast %get3A_1347 : vector<1x1x16xf32> to vector<16xf32>
      %get3A_1349 = arith.constant 6 : i32
      %get3A_1350 = arith.index_cast %add3A_155 : i32 to index
      %get3A_1351 = arith.index_cast %get3A_1349 : i32 to index
      %get3A_1352 = arith.constant 160 : index
      %get3A_1353 = tpu.vector_load %arg4[%get3A_1350, %get3A_1351, %get3A_1352] {strides = array<i32>} : memref<16x16x256xf32, #tpu.memory_space<vmem>>, vector<1x1x16xf32>,
      %get3A_1354 = vector.shape_cast %get3A_1353 : vector<1x1x16xf32> to vector<16xf32>
      %get3A_1355 = arith.constant 7 : i32
      %get3A_1356 = arith.index_cast %add3A_155 : i32 to index
      %get3A_1357 = arith.index_cast %get3A_1355 : i32 to index
      %get3A_1358 = arith.constant 160 : index
      %get3A_1359 = tpu.vector_load %arg4[%get3A_1356, %get3A_1357, %get3A_1358] {strides = array<i32>} : memref<16x16x256xf32, #tpu.memory_space<vmem>>, vector<1x1x16xf32>,
      %get3A_1360 = vector.shape_cast %get3A_1359 : vector<1x1x16xf32> to vector<16xf32>
      %get3A_1361 = arith.constant 8 : i32
      %get3A_1362 = arith.index_cast %add3A_155 : i32 to index
      %get3A_1363 = arith.index_cast %get3A_1361 : i32 to index
      %get3A_1364 = arith.constant 160 : index
      %get3A_1365 = tpu.vector_load %arg4[%get3A_1362, %get3A_1363, %get3A_1364] {strides = array<i32>} : memref<16x16x256xf32, #tpu.memory_space<vmem>>, vector<1x1x16xf32>,
      %get3A_1366 = vector.shape_cast %get3A_1365 : vector<1x1x16xf32> to vector<16xf32>
      %get3A_1367 = arith.constant 9 : i32
      %get3A_1368 = arith.index_cast %add3A_155 : i32 to index
      %get3A_1369 = arith.index_cast %get3A_1367 : i32 to index
      %get3A_1370 = arith.constant 160 : index
      %get3A_1371 = tpu.vector_load %arg4[%get3A_1368, %get3A_1369, %get3A_1370] {strides = array<i32>} : memref<16x16x256xf32, #tpu.memory_space<vmem>>, vector<1x1x16xf32>,
      %get3A_1372 = vector.shape_cast %get3A_1371 : vector<1x1x16xf32> to vector<16xf32>
      %get3A_1373 = arith.constant 10 : i32
      %get3A_1374 = arith.index_cast %add3A_155 : i32 to index
      %get3A_1375 = arith.index_cast %get3A_1373 : i32 to index
      %get3A_1376 = arith.constant 160 : index
      %get3A_1377 = tpu.vector_load %arg4[%get3A_1374, %get3A_1375, %get3A_1376] {strides = array<i32>} : memref<16x16x256xf32, #tpu.memory_space<vmem>>, vector<1x1x16xf32>,
      %get3A_1378 = vector.shape_cast %get3A_1377 : vector<1x1x16xf32> to vector<16xf32>
      %get3A_1379 = arith.constant 11 : i32
      %get3A_1380 = arith.index_cast %add3A_155 : i32 to index
      %get3A_1381 = arith.index_cast %get3A_1379 : i32 to index
      %get3A_1382 = arith.constant 160 : index
      %get3A_1383 = tpu.vector_load %arg4[%get3A_1380, %get3A_1381, %get3A_1382] {strides = array<i32>} : memref<16x16x256xf32, #tpu.memory_space<vmem>>, vector<1x1x16xf32>,
      %get3A_1384 = vector.shape_cast %get3A_1383 : vector<1x1x16xf32> to vector<16xf32>
      %get3A_1385 = arith.constant 12 : i32
      %get3A_1386 = arith.index_cast %add3A_155 : i32 to index
      %get3A_1387 = arith.index_cast %get3A_1385 : i32 to index
      %get3A_1388 = arith.constant 160 : index
      %get3A_1389 = tpu.vector_load %arg4[%get3A_1386, %get3A_1387, %get3A_1388] {strides = array<i32>} : memref<16x16x256xf32, #tpu.memory_space<vmem>>, vector<1x1x16xf32>,
      %get3A_1390 = vector.shape_cast %get3A_1389 : vector<1x1x16xf32> to vector<16xf32>
      %get3A_1391 = arith.constant 13 : i32
      %get3A_1392 = arith.index_cast %add3A_155 : i32 to index
      %get3A_1393 = arith.index_cast %get3A_1391 : i32 to index
      %get3A_1394 = arith.constant 160 : index
      %get3A_1395 = tpu.vector_load %arg4[%get3A_1392, %get3A_1393, %get3A_1394] {strides = array<i32>} : memref<16x16x256xf32, #tpu.memory_space<vmem>>, vector<1x1x16xf32>,
      %get3A_1396 = vector.shape_cast %get3A_1395 : vector<1x1x16xf32> to vector<16xf32>
      %get3A_1397 = arith.constant 14 : i32
      %get3A_1398 = arith.index_cast %add3A_155 : i32 to index
      %get3A_1399 = arith.index_cast %get3A_1397 : i32 to index
      %get3A_1400 = arith.constant 160 : index
      %get3A_1401 = tpu.vector_load %arg4[%get3A_1398, %get3A_1399, %get3A_1400] {strides = array<i32>} : memref<16x16x256xf32, #tpu.memory_space<vmem>>, vector<1x1x16xf32>,
      %get3A_1402 = vector.shape_cast %get3A_1401 : vector<1x1x16xf32> to vector<16xf32>
      %get3A_1403 = arith.constant 15 : i32
      %get3A_1404 = arith.index_cast %add3A_155 : i32 to index
      %get3A_1405 = arith.index_cast %get3A_1403 : i32 to index
      %get3A_1406 = arith.constant 160 : index
      %get3A_1407 = tpu.vector_load %arg4[%get3A_1404, %get3A_1405, %get3A_1406] {strides = array<i32>} : memref<16x16x256xf32, #tpu.memory_space<vmem>>, vector<1x1x16xf32>,
      %get3A_1408 = vector.shape_cast %get3A_1407 : vector<1x1x16xf32> to vector<16xf32>
      %max3A_1409 = arith.maximumf %get3A_1318, %get3A_1324 : vector<16xf32>
      %max3A_1410 = arith.maximumf %get3A_1330, %get3A_1336 : vector<16xf32>
      %max3A_1411 = arith.maximumf %get3A_1342, %get3A_1348 : vector<16xf32>
      %max3A_1412 = arith.maximumf %get3A_1354, %get3A_1360 : vector<16xf32>
      %max3A_1413 = arith.maximumf %get3A_1366, %get3A_1372 : vector<16xf32>
      %max3A_1414 = arith.maximumf %get3A_1378, %get3A_1384 : vector<16xf32>
      %max3A_1415 = arith.maximumf %get3A_1390, %get3A_1396 : vector<16xf32>
      %max3A_1416 = arith.maximumf %get3A_1402, %get3A_1408 : vector<16xf32>
      %max3A_1417 = arith.maximumf %max3A_1409, %max3A_1410 : vector<16xf32>
      %max3A_1418 = arith.maximumf %max3A_1411, %max3A_1412 : vector<16xf32>
      %max3A_1419 = arith.maximumf %max3A_1413, %max3A_1414 : vector<16xf32>
      %max3A_1420 = arith.maximumf %max3A_1415, %max3A_1416 : vector<16xf32>
      %max3A_1421 = arith.maximumf %max3A_1417, %max3A_1418 : vector<16xf32>
      %max3A_1422 = arith.maximumf %max3A_1419, %max3A_1420 : vector<16xf32>
      %max3A_1423 = arith.maximumf %max3A_1421, %max3A_1422 : vector<16xf32>
      %swap3A_1424 = arith.index_cast %add3A_155 : i32 to index
      %swap3A_1425 = arith.constant 160 : index
      %swap3A_1426 = tpu.vector_load %arg5[%swap3A_1424, %swap3A_1425] {strides = array<i32>} : memref<16x256xf32, #tpu.memory_space<vmem>>, vector<1x16xf32>,
      %swap3A_1427 = vector.shape_cast %swap3A_1426 : vector<1x16xf32> to vector<16xf32>
      %swap3A_1428 = vector.shape_cast %max3A_1423 : vector<16xf32> to vector<1x16xf32>
      tpu.vector_store %arg5[%swap3A_1424, %swap3A_1425], %swap3A_1428 {strides = array<i32>} : memref<16x256xf32, #tpu.memory_space<vmem>>, vector<1x16xf32>,
      %get3A_1429 = arith.constant 0 : i32
      %get3A_1430 = arith.index_cast %add3A_155 : i32 to index
      %get3A_1431 = arith.index_cast %get3A_1429 : i32 to index
      %get3A_1432 = arith.constant 176 : index
      %get3A_1433 = tpu.vector_load %arg4[%get3A_1430, %get3A_1431, %get3A_1432] {strides = array<i32>} : memref<16x16x256xf32, #tpu.memory_space<vmem>>, vector<1x1x16xf32>,
      %get3A_1434 = vector.shape_cast %get3A_1433 : vector<1x1x16xf32> to vector<16xf32>
      %get3A_1435 = arith.constant 1 : i32
      %get3A_1436 = arith.index_cast %add3A_155 : i32 to index
      %get3A_1437 = arith.index_cast %get3A_1435 : i32 to index
      %get3A_1438 = arith.constant 176 : index
      %get3A_1439 = tpu.vector_load %arg4[%get3A_1436, %get3A_1437, %get3A_1438] {strides = array<i32>} : memref<16x16x256xf32, #tpu.memory_space<vmem>>, vector<1x1x16xf32>,
      %get3A_1440 = vector.shape_cast %get3A_1439 : vector<1x1x16xf32> to vector<16xf32>
      %get3A_1441 = arith.constant 2 : i32
      %get3A_1442 = arith.index_cast %add3A_155 : i32 to index
      %get3A_1443 = arith.index_cast %get3A_1441 : i32 to index
      %get3A_1444 = arith.constant 176 : index
      %get3A_1445 = tpu.vector_load %arg4[%get3A_1442, %get3A_1443, %get3A_1444] {strides = array<i32>} : memref<16x16x256xf32, #tpu.memory_space<vmem>>, vector<1x1x16xf32>,
      %get3A_1446 = vector.shape_cast %get3A_1445 : vector<1x1x16xf32> to vector<16xf32>
      %get3A_1447 = arith.constant 3 : i32
      %get3A_1448 = arith.index_cast %add3A_155 : i32 to index
      %get3A_1449 = arith.index_cast %get3A_1447 : i32 to index
      %get3A_1450 = arith.constant 176 : index
      %get3A_1451 = tpu.vector_load %arg4[%get3A_1448, %get3A_1449, %get3A_1450] {strides = array<i32>} : memref<16x16x256xf32, #tpu.memory_space<vmem>>, vector<1x1x16xf32>,
      %get3A_1452 = vector.shape_cast %get3A_1451 : vector<1x1x16xf32> to vector<16xf32>
      %get3A_1453 = arith.constant 4 : i32
      %get3A_1454 = arith.index_cast %add3A_155 : i32 to index
      %get3A_1455 = arith.index_cast %get3A_1453 : i32 to index
      %get3A_1456 = arith.constant 176 : index
      %get3A_1457 = tpu.vector_load %arg4[%get3A_1454, %get3A_1455, %get3A_1456] {strides = array<i32>} : memref<16x16x256xf32, #tpu.memory_space<vmem>>, vector<1x1x16xf32>,
      %get3A_1458 = vector.shape_cast %get3A_1457 : vector<1x1x16xf32> to vector<16xf32>
      %get3A_1459 = arith.constant 5 : i32
      %get3A_1460 = arith.index_cast %add3A_155 : i32 to index
      %get3A_1461 = arith.index_cast %get3A_1459 : i32 to index
      %get3A_1462 = arith.constant 176 : index
      %get3A_1463 = tpu.vector_load %arg4[%get3A_1460, %get3A_1461, %get3A_1462] {strides = array<i32>} : memref<16x16x256xf32, #tpu.memory_space<vmem>>, vector<1x1x16xf32>,
      %get3A_1464 = vector.shape_cast %get3A_1463 : vector<1x1x16xf32> to vector<16xf32>
      %get3A_1465 = arith.constant 6 : i32
      %get3A_1466 = arith.index_cast %add3A_155 : i32 to index
      %get3A_1467 = arith.index_cast %get3A_1465 : i32 to index
      %get3A_1468 = arith.constant 176 : index
      %get3A_1469 = tpu.vector_load %arg4[%get3A_1466, %get3A_1467, %get3A_1468] {strides = array<i32>} : memref<16x16x256xf32, #tpu.memory_space<vmem>>, vector<1x1x16xf32>,
      %get3A_1470 = vector.shape_cast %get3A_1469 : vector<1x1x16xf32> to vector<16xf32>
      %get3A_1471 = arith.constant 7 : i32
      %get3A_1472 = arith.index_cast %add3A_155 : i32 to index
      %get3A_1473 = arith.index_cast %get3A_1471 : i32 to index
      %get3A_1474 = arith.constant 176 : index
      %get3A_1475 = tpu.vector_load %arg4[%get3A_1472, %get3A_1473, %get3A_1474] {strides = array<i32>} : memref<16x16x256xf32, #tpu.memory_space<vmem>>, vector<1x1x16xf32>,
      %get3A_1476 = vector.shape_cast %get3A_1475 : vector<1x1x16xf32> to vector<16xf32>
      %get3A_1477 = arith.constant 8 : i32
      %get3A_1478 = arith.index_cast %add3A_155 : i32 to index
      %get3A_1479 = arith.index_cast %get3A_1477 : i32 to index
      %get3A_1480 = arith.constant 176 : index
      %get3A_1481 = tpu.vector_load %arg4[%get3A_1478, %get3A_1479, %get3A_1480] {strides = array<i32>} : memref<16x16x256xf32, #tpu.memory_space<vmem>>, vector<1x1x16xf32>,
      %get3A_1482 = vector.shape_cast %get3A_1481 : vector<1x1x16xf32> to vector<16xf32>
      %get3A_1483 = arith.constant 9 : i32
      %get3A_1484 = arith.index_cast %add3A_155 : i32 to index
      %get3A_1485 = arith.index_cast %get3A_1483 : i32 to index
      %get3A_1486 = arith.constant 176 : index
      %get3A_1487 = tpu.vector_load %arg4[%get3A_1484, %get3A_1485, %get3A_1486] {strides = array<i32>} : memref<16x16x256xf32, #tpu.memory_space<vmem>>, vector<1x1x16xf32>,
      %get3A_1488 = vector.shape_cast %get3A_1487 : vector<1x1x16xf32> to vector<16xf32>
      %get3A_1489 = arith.constant 10 : i32
      %get3A_1490 = arith.index_cast %add3A_155 : i32 to index
      %get3A_1491 = arith.index_cast %get3A_1489 : i32 to index
      %get3A_1492 = arith.constant 176 : index
      %get3A_1493 = tpu.vector_load %arg4[%get3A_1490, %get3A_1491, %get3A_1492] {strides = array<i32>} : memref<16x16x256xf32, #tpu.memory_space<vmem>>, vector<1x1x16xf32>,
      %get3A_1494 = vector.shape_cast %get3A_1493 : vector<1x1x16xf32> to vector<16xf32>
      %get3A_1495 = arith.constant 11 : i32
      %get3A_1496 = arith.index_cast %add3A_155 : i32 to index
      %get3A_1497 = arith.index_cast %get3A_1495 : i32 to index
      %get3A_1498 = arith.constant 176 : index
      %get3A_1499 = tpu.vector_load %arg4[%get3A_1496, %get3A_1497, %get3A_1498] {strides = array<i32>} : memref<16x16x256xf32, #tpu.memory_space<vmem>>, vector<1x1x16xf32>,
      %get3A_1500 = vector.shape_cast %get3A_1499 : vector<1x1x16xf32> to vector<16xf32>
      %get3A_1501 = arith.constant 12 : i32
      %get3A_1502 = arith.index_cast %add3A_155 : i32 to index
      %get3A_1503 = arith.index_cast %get3A_1501 : i32 to index
      %get3A_1504 = arith.constant 176 : index
      %get3A_1505 = tpu.vector_load %arg4[%get3A_1502, %get3A_1503, %get3A_1504] {strides = array<i32>} : memref<16x16x256xf32, #tpu.memory_space<vmem>>, vector<1x1x16xf32>,
      %get3A_1506 = vector.shape_cast %get3A_1505 : vector<1x1x16xf32> to vector<16xf32>
      %get3A_1507 = arith.constant 13 : i32
      %get3A_1508 = arith.index_cast %add3A_155 : i32 to index
      %get3A_1509 = arith.index_cast %get3A_1507 : i32 to index
      %get3A_1510 = arith.constant 176 : index
      %get3A_1511 = tpu.vector_load %arg4[%get3A_1508, %get3A_1509, %get3A_1510] {strides = array<i32>} : memref<16x16x256xf32, #tpu.memory_space<vmem>>, vector<1x1x16xf32>,
      %get3A_1512 = vector.shape_cast %get3A_1511 : vector<1x1x16xf32> to vector<16xf32>
      %get3A_1513 = arith.constant 14 : i32
      %get3A_1514 = arith.index_cast %add3A_155 : i32 to index
      %get3A_1515 = arith.index_cast %get3A_1513 : i32 to index
      %get3A_1516 = arith.constant 176 : index
      %get3A_1517 = tpu.vector_load %arg4[%get3A_1514, %get3A_1515, %get3A_1516] {strides = array<i32>} : memref<16x16x256xf32, #tpu.memory_space<vmem>>, vector<1x1x16xf32>,
      %get3A_1518 = vector.shape_cast %get3A_1517 : vector<1x1x16xf32> to vector<16xf32>
      %get3A_1519 = arith.constant 15 : i32
      %get3A_1520 = arith.index_cast %add3A_155 : i32 to index
      %get3A_1521 = arith.index_cast %get3A_1519 : i32 to index
      %get3A_1522 = arith.constant 176 : index
      %get3A_1523 = tpu.vector_load %arg4[%get3A_1520, %get3A_1521, %get3A_1522] {strides = array<i32>} : memref<16x16x256xf32, #tpu.memory_space<vmem>>, vector<1x1x16xf32>,
      %get3A_1524 = vector.shape_cast %get3A_1523 : vector<1x1x16xf32> to vector<16xf32>
      %max3A_1525 = arith.maximumf %get3A_1434, %get3A_1440 : vector<16xf32>
      %max3A_1526 = arith.maximumf %get3A_1446, %get3A_1452 : vector<16xf32>
      %max3A_1527 = arith.maximumf %get3A_1458, %get3A_1464 : vector<16xf32>
      %max3A_1528 = arith.maximumf %get3A_1470, %get3A_1476 : vector<16xf32>
      %max3A_1529 = arith.maximumf %get3A_1482, %get3A_1488 : vector<16xf32>
      %max3A_1530 = arith.maximumf %get3A_1494, %get3A_1500 : vector<16xf32>
      %max3A_1531 = arith.maximumf %get3A_1506, %get3A_1512 : vector<16xf32>
      %max3A_1532 = arith.maximumf %get3A_1518, %get3A_1524 : vector<16xf32>
      %max3A_1533 = arith.maximumf %max3A_1525, %max3A_1526 : vector<16xf32>
      %max3A_1534 = arith.maximumf %max3A_1527, %max3A_1528 : vector<16xf32>
      %max3A_1535 = arith.maximumf %max3A_1529, %max3A_1530 : vector<16xf32>
      %max3A_1536 = arith.maximumf %max3A_1531, %max3A_1532 : vector<16xf32>
      %max3A_1537 = arith.maximumf %max3A_1533, %max3A_1534 : vector<16xf32>
      %max3A_1538 = arith.maximumf %max3A_1535, %max3A_1536 : vector<16xf32>
      %max3A_1539 = arith.maximumf %max3A_1537, %max3A_1538 : vector<16xf32>
      %swap3A_1540 = arith.index_cast %add3A_155 : i32 to index
      %swap3A_1541 = arith.constant 176 : index
      %swap3A_1542 = tpu.vector_load %arg5[%swap3A_1540, %swap3A_1541] {strides = array<i32>} : memref<16x256xf32, #tpu.memory_space<vmem>>, vector<1x16xf32>,
      %swap3A_1543 = vector.shape_cast %swap3A_1542 : vector<1x16xf32> to vector<16xf32>
      %swap3A_1544 = vector.shape_cast %max3A_1539 : vector<16xf32> to vector<1x16xf32>
      tpu.vector_store %arg5[%swap3A_1540, %swap3A_1541], %swap3A_1544 {strides = array<i32>} : memref<16x256xf32, #tpu.memory_space<vmem>>, vector<1x16xf32>,
      %get3A_1545 = arith.constant 0 : i32
      %get3A_1546 = arith.index_cast %add3A_155 : i32 to index
      %get3A_1547 = arith.index_cast %get3A_1545 : i32 to index
      %get3A_1548 = arith.constant 192 : index
      %get3A_1549 = tpu.vector_load %arg4[%get3A_1546, %get3A_1547, %get3A_1548] {strides = array<i32>} : memref<16x16x256xf32, #tpu.memory_space<vmem>>, vector<1x1x16xf32>,
      %get3A_1550 = vector.shape_cast %get3A_1549 : vector<1x1x16xf32> to vector<16xf32>
      %get3A_1551 = arith.constant 1 : i32
      %get3A_1552 = arith.index_cast %add3A_155 : i32 to index
      %get3A_1553 = arith.index_cast %get3A_1551 : i32 to index
      %get3A_1554 = arith.constant 192 : index
      %get3A_1555 = tpu.vector_load %arg4[%get3A_1552, %get3A_1553, %get3A_1554] {strides = array<i32>} : memref<16x16x256xf32, #tpu.memory_space<vmem>>, vector<1x1x16xf32>,
      %get3A_1556 = vector.shape_cast %get3A_1555 : vector<1x1x16xf32> to vector<16xf32>
      %get3A_1557 = arith.constant 2 : i32
      %get3A_1558 = arith.index_cast %add3A_155 : i32 to index
      %get3A_1559 = arith.index_cast %get3A_1557 : i32 to index
      %get3A_1560 = arith.constant 192 : index
      %get3A_1561 = tpu.vector_load %arg4[%get3A_1558, %get3A_1559, %get3A_1560] {strides = array<i32>} : memref<16x16x256xf32, #tpu.memory_space<vmem>>, vector<1x1x16xf32>,
      %get3A_1562 = vector.shape_cast %get3A_1561 : vector<1x1x16xf32> to vector<16xf32>
      %get3A_1563 = arith.constant 3 : i32
      %get3A_1564 = arith.index_cast %add3A_155 : i32 to index
      %get3A_1565 = arith.index_cast %get3A_1563 : i32 to index
      %get3A_1566 = arith.constant 192 : index
      %get3A_1567 = tpu.vector_load %arg4[%get3A_1564, %get3A_1565, %get3A_1566] {strides = array<i32>} : memref<16x16x256xf32, #tpu.memory_space<vmem>>, vector<1x1x16xf32>,
      %get3A_1568 = vector.shape_cast %get3A_1567 : vector<1x1x16xf32> to vector<16xf32>
      %get3A_1569 = arith.constant 4 : i32
      %get3A_1570 = arith.index_cast %add3A_155 : i32 to index
      %get3A_1571 = arith.index_cast %get3A_1569 : i32 to index
      %get3A_1572 = arith.constant 192 : index
      %get3A_1573 = tpu.vector_load %arg4[%get3A_1570, %get3A_1571, %get3A_1572] {strides = array<i32>} : memref<16x16x256xf32, #tpu.memory_space<vmem>>, vector<1x1x16xf32>,
      %get3A_1574 = vector.shape_cast %get3A_1573 : vector<1x1x16xf32> to vector<16xf32>
      %get3A_1575 = arith.constant 5 : i32
      %get3A_1576 = arith.index_cast %add3A_155 : i32 to index
      %get3A_1577 = arith.index_cast %get3A_1575 : i32 to index
      %get3A_1578 = arith.constant 192 : index
      %get3A_1579 = tpu.vector_load %arg4[%get3A_1576, %get3A_1577, %get3A_1578] {strides = array<i32>} : memref<16x16x256xf32, #tpu.memory_space<vmem>>, vector<1x1x16xf32>,
      %get3A_1580 = vector.shape_cast %get3A_1579 : vector<1x1x16xf32> to vector<16xf32>
      %get3A_1581 = arith.constant 6 : i32
      %get3A_1582 = arith.index_cast %add3A_155 : i32 to index
      %get3A_1583 = arith.index_cast %get3A_1581 : i32 to index
      %get3A_1584 = arith.constant 192 : index
      %get3A_1585 = tpu.vector_load %arg4[%get3A_1582, %get3A_1583, %get3A_1584] {strides = array<i32>} : memref<16x16x256xf32, #tpu.memory_space<vmem>>, vector<1x1x16xf32>,
      %get3A_1586 = vector.shape_cast %get3A_1585 : vector<1x1x16xf32> to vector<16xf32>
      %get3A_1587 = arith.constant 7 : i32
      %get3A_1588 = arith.index_cast %add3A_155 : i32 to index
      %get3A_1589 = arith.index_cast %get3A_1587 : i32 to index
      %get3A_1590 = arith.constant 192 : index
      %get3A_1591 = tpu.vector_load %arg4[%get3A_1588, %get3A_1589, %get3A_1590] {strides = array<i32>} : memref<16x16x256xf32, #tpu.memory_space<vmem>>, vector<1x1x16xf32>,
      %get3A_1592 = vector.shape_cast %get3A_1591 : vector<1x1x16xf32> to vector<16xf32>
      %get3A_1593 = arith.constant 8 : i32
      %get3A_1594 = arith.index_cast %add3A_155 : i32 to index
      %get3A_1595 = arith.index_cast %get3A_1593 : i32 to index
      %get3A_1596 = arith.constant 192 : index
      %get3A_1597 = tpu.vector_load %arg4[%get3A_1594, %get3A_1595, %get3A_1596] {strides = array<i32>} : memref<16x16x256xf32, #tpu.memory_space<vmem>>, vector<1x1x16xf32>,
      %get3A_1598 = vector.shape_cast %get3A_1597 : vector<1x1x16xf32> to vector<16xf32>
      %get3A_1599 = arith.constant 9 : i32
      %get3A_1600 = arith.index_cast %add3A_155 : i32 to index
      %get3A_1601 = arith.index_cast %get3A_1599 : i32 to index
      %get3A_1602 = arith.constant 192 : index
      %get3A_1603 = tpu.vector_load %arg4[%get3A_1600, %get3A_1601, %get3A_1602] {strides = array<i32>} : memref<16x16x256xf32, #tpu.memory_space<vmem>>, vector<1x1x16xf32>,
      %get3A_1604 = vector.shape_cast %get3A_1603 : vector<1x1x16xf32> to vector<16xf32>
      %get3A_1605 = arith.constant 10 : i32
      %get3A_1606 = arith.index_cast %add3A_155 : i32 to index
      %get3A_1607 = arith.index_cast %get3A_1605 : i32 to index
      %get3A_1608 = arith.constant 192 : index
      %get3A_1609 = tpu.vector_load %arg4[%get3A_1606, %get3A_1607, %get3A_1608] {strides = array<i32>} : memref<16x16x256xf32, #tpu.memory_space<vmem>>, vector<1x1x16xf32>,
      %get3A_1610 = vector.shape_cast %get3A_1609 : vector<1x1x16xf32> to vector<16xf32>
      %get3A_1611 = arith.constant 11 : i32
      %get3A_1612 = arith.index_cast %add3A_155 : i32 to index
      %get3A_1613 = arith.index_cast %get3A_1611 : i32 to index
      %get3A_1614 = arith.constant 192 : index
      %get3A_1615 = tpu.vector_load %arg4[%get3A_1612, %get3A_1613, %get3A_1614] {strides = array<i32>} : memref<16x16x256xf32, #tpu.memory_space<vmem>>, vector<1x1x16xf32>,
      %get3A_1616 = vector.shape_cast %get3A_1615 : vector<1x1x16xf32> to vector<16xf32>
      %get3A_1617 = arith.constant 12 : i32
      %get3A_1618 = arith.index_cast %add3A_155 : i32 to index
      %get3A_1619 = arith.index_cast %get3A_1617 : i32 to index
      %get3A_1620 = arith.constant 192 : index
      %get3A_1621 = tpu.vector_load %arg4[%get3A_1618, %get3A_1619, %get3A_1620] {strides = array<i32>} : memref<16x16x256xf32, #tpu.memory_space<vmem>>, vector<1x1x16xf32>,
      %get3A_1622 = vector.shape_cast %get3A_1621 : vector<1x1x16xf32> to vector<16xf32>
      %get3A_1623 = arith.constant 13 : i32
      %get3A_1624 = arith.index_cast %add3A_155 : i32 to index
      %get3A_1625 = arith.index_cast %get3A_1623 : i32 to index
      %get3A_1626 = arith.constant 192 : index
      %get3A_1627 = tpu.vector_load %arg4[%get3A_1624, %get3A_1625, %get3A_1626] {strides = array<i32>} : memref<16x16x256xf32, #tpu.memory_space<vmem>>, vector<1x1x16xf32>,
      %get3A_1628 = vector.shape_cast %get3A_1627 : vector<1x1x16xf32> to vector<16xf32>
      %get3A_1629 = arith.constant 14 : i32
      %get3A_1630 = arith.index_cast %add3A_155 : i32 to index
      %get3A_1631 = arith.index_cast %get3A_1629 : i32 to index
      %get3A_1632 = arith.constant 192 : index
      %get3A_1633 = tpu.vector_load %arg4[%get3A_1630, %get3A_1631, %get3A_1632] {strides = array<i32>} : memref<16x16x256xf32, #tpu.memory_space<vmem>>, vector<1x1x16xf32>,
      %get3A_1634 = vector.shape_cast %get3A_1633 : vector<1x1x16xf32> to vector<16xf32>
      %get3A_1635 = arith.constant 15 : i32
      %get3A_1636 = arith.index_cast %add3A_155 : i32 to index
      %get3A_1637 = arith.index_cast %get3A_1635 : i32 to index
      %get3A_1638 = arith.constant 192 : index
      %get3A_1639 = tpu.vector_load %arg4[%get3A_1636, %get3A_1637, %get3A_1638] {strides = array<i32>} : memref<16x16x256xf32, #tpu.memory_space<vmem>>, vector<1x1x16xf32>,
      %get3A_1640 = vector.shape_cast %get3A_1639 : vector<1x1x16xf32> to vector<16xf32>
      %max3A_1641 = arith.maximumf %get3A_1550, %get3A_1556 : vector<16xf32>
      %max3A_1642 = arith.maximumf %get3A_1562, %get3A_1568 : vector<16xf32>
      %max3A_1643 = arith.maximumf %get3A_1574, %get3A_1580 : vector<16xf32>
      %max3A_1644 = arith.maximumf %get3A_1586, %get3A_1592 : vector<16xf32>
      %max3A_1645 = arith.maximumf %get3A_1598, %get3A_1604 : vector<16xf32>
      %max3A_1646 = arith.maximumf %get3A_1610, %get3A_1616 : vector<16xf32>
      %max3A_1647 = arith.maximumf %get3A_1622, %get3A_1628 : vector<16xf32>
      %max3A_1648 = arith.maximumf %get3A_1634, %get3A_1640 : vector<16xf32>
      %max3A_1649 = arith.maximumf %max3A_1641, %max3A_1642 : vector<16xf32>
      %max3A_1650 = arith.maximumf %max3A_1643, %max3A_1644 : vector<16xf32>
      %max3A_1651 = arith.maximumf %max3A_1645, %max3A_1646 : vector<16xf32>
      %max3A_1652 = arith.maximumf %max3A_1647, %max3A_1648 : vector<16xf32>
      %max3A_1653 = arith.maximumf %max3A_1649, %max3A_1650 : vector<16xf32>
      %max3A_1654 = arith.maximumf %max3A_1651, %max3A_1652 : vector<16xf32>
      %max3A_1655 = arith.maximumf %max3A_1653, %max3A_1654 : vector<16xf32>
      %swap3A_1656 = arith.index_cast %add3A_155 : i32 to index
      %swap3A_1657 = arith.constant 192 : index
      %swap3A_1658 = tpu.vector_load %arg5[%swap3A_1656, %swap3A_1657] {strides = array<i32>} : memref<16x256xf32, #tpu.memory_space<vmem>>, vector<1x16xf32>,
      %swap3A_1659 = vector.shape_cast %swap3A_1658 : vector<1x16xf32> to vector<16xf32>
      %swap3A_1660 = vector.shape_cast %max3A_1655 : vector<16xf32> to vector<1x16xf32>
      tpu.vector_store %arg5[%swap3A_1656, %swap3A_1657], %swap3A_1660 {strides = array<i32>} : memref<16x256xf32, #tpu.memory_space<vmem>>, vector<1x16xf32>,
      %get3A_1661 = arith.constant 0 : i32
      %get3A_1662 = arith.index_cast %add3A_155 : i32 to index
      %get3A_1663 = arith.index_cast %get3A_1661 : i32 to index
      %get3A_1664 = arith.constant 208 : index
      %get3A_1665 = tpu.vector_load %arg4[%get3A_1662, %get3A_1663, %get3A_1664] {strides = array<i32>} : memref<16x16x256xf32, #tpu.memory_space<vmem>>, vector<1x1x16xf32>,
      %get3A_1666 = vector.shape_cast %get3A_1665 : vector<1x1x16xf32> to vector<16xf32>
      %get3A_1667 = arith.constant 1 : i32
      %get3A_1668 = arith.index_cast %add3A_155 : i32 to index
      %get3A_1669 = arith.index_cast %get3A_1667 : i32 to index
      %get3A_1670 = arith.constant 208 : index
      %get3A_1671 = tpu.vector_load %arg4[%get3A_1668, %get3A_1669, %get3A_1670] {strides = array<i32>} : memref<16x16x256xf32, #tpu.memory_space<vmem>>, vector<1x1x16xf32>,
      %get3A_1672 = vector.shape_cast %get3A_1671 : vector<1x1x16xf32> to vector<16xf32>
      %get3A_1673 = arith.constant 2 : i32
      %get3A_1674 = arith.index_cast %add3A_155 : i32 to index
      %get3A_1675 = arith.index_cast %get3A_1673 : i32 to index
      %get3A_1676 = arith.constant 208 : index
      %get3A_1677 = tpu.vector_load %arg4[%get3A_1674, %get3A_1675, %get3A_1676] {strides = array<i32>} : memref<16x16x256xf32, #tpu.memory_space<vmem>>, vector<1x1x16xf32>,
      %get3A_1678 = vector.shape_cast %get3A_1677 : vector<1x1x16xf32> to vector<16xf32>
      %get3A_1679 = arith.constant 3 : i32
      %get3A_1680 = arith.index_cast %add3A_155 : i32 to index
      %get3A_1681 = arith.index_cast %get3A_1679 : i32 to index
      %get3A_1682 = arith.constant 208 : index
      %get3A_1683 = tpu.vector_load %arg4[%get3A_1680, %get3A_1681, %get3A_1682] {strides = array<i32>} : memref<16x16x256xf32, #tpu.memory_space<vmem>>, vector<1x1x16xf32>,
      %get3A_1684 = vector.shape_cast %get3A_1683 : vector<1x1x16xf32> to vector<16xf32>
      %get3A_1685 = arith.constant 4 : i32
      %get3A_1686 = arith.index_cast %add3A_155 : i32 to index
      %get3A_1687 = arith.index_cast %get3A_1685 : i32 to index
      %get3A_1688 = arith.constant 208 : index
      %get3A_1689 = tpu.vector_load %arg4[%get3A_1686, %get3A_1687, %get3A_1688] {strides = array<i32>} : memref<16x16x256xf32, #tpu.memory_space<vmem>>, vector<1x1x16xf32>,
      %get3A_1690 = vector.shape_cast %get3A_1689 : vector<1x1x16xf32> to vector<16xf32>
      %get3A_1691 = arith.constant 5 : i32
      %get3A_1692 = arith.index_cast %add3A_155 : i32 to index
      %get3A_1693 = arith.index_cast %get3A_1691 : i32 to index
      %get3A_1694 = arith.constant 208 : index
      %get3A_1695 = tpu.vector_load %arg4[%get3A_1692, %get3A_1693, %get3A_1694] {strides = array<i32>} : memref<16x16x256xf32, #tpu.memory_space<vmem>>, vector<1x1x16xf32>,
      %get3A_1696 = vector.shape_cast %get3A_1695 : vector<1x1x16xf32> to vector<16xf32>
      %get3A_1697 = arith.constant 6 : i32
      %get3A_1698 = arith.index_cast %add3A_155 : i32 to index
      %get3A_1699 = arith.index_cast %get3A_1697 : i32 to index
      %get3A_1700 = arith.constant 208 : index
      %get3A_1701 = tpu.vector_load %arg4[%get3A_1698, %get3A_1699, %get3A_1700] {strides = array<i32>} : memref<16x16x256xf32, #tpu.memory_space<vmem>>, vector<1x1x16xf32>,
      %get3A_1702 = vector.shape_cast %get3A_1701 : vector<1x1x16xf32> to vector<16xf32>
      %get3A_1703 = arith.constant 7 : i32
      %get3A_1704 = arith.index_cast %add3A_155 : i32 to index
      %get3A_1705 = arith.index_cast %get3A_1703 : i32 to index
      %get3A_1706 = arith.constant 208 : index
      %get3A_1707 = tpu.vector_load %arg4[%get3A_1704, %get3A_1705, %get3A_1706] {strides = array<i32>} : memref<16x16x256xf32, #tpu.memory_space<vmem>>, vector<1x1x16xf32>,
      %get3A_1708 = vector.shape_cast %get3A_1707 : vector<1x1x16xf32> to vector<16xf32>
      %get3A_1709 = arith.constant 8 : i32
      %get3A_1710 = arith.index_cast %add3A_155 : i32 to index
      %get3A_1711 = arith.index_cast %get3A_1709 : i32 to index
      %get3A_1712 = arith.constant 208 : index
      %get3A_1713 = tpu.vector_load %arg4[%get3A_1710, %get3A_1711, %get3A_1712] {strides = array<i32>} : memref<16x16x256xf32, #tpu.memory_space<vmem>>, vector<1x1x16xf32>,
      %get3A_1714 = vector.shape_cast %get3A_1713 : vector<1x1x16xf32> to vector<16xf32>
      %get3A_1715 = arith.constant 9 : i32
      %get3A_1716 = arith.index_cast %add3A_155 : i32 to index
      %get3A_1717 = arith.index_cast %get3A_1715 : i32 to index
      %get3A_1718 = arith.constant 208 : index
      %get3A_1719 = tpu.vector_load %arg4[%get3A_1716, %get3A_1717, %get3A_1718] {strides = array<i32>} : memref<16x16x256xf32, #tpu.memory_space<vmem>>, vector<1x1x16xf32>,
      %get3A_1720 = vector.shape_cast %get3A_1719 : vector<1x1x16xf32> to vector<16xf32>
      %get3A_1721 = arith.constant 10 : i32
      %get3A_1722 = arith.index_cast %add3A_155 : i32 to index
      %get3A_1723 = arith.index_cast %get3A_1721 : i32 to index
      %get3A_1724 = arith.constant 208 : index
      %get3A_1725 = tpu.vector_load %arg4[%get3A_1722, %get3A_1723, %get3A_1724] {strides = array<i32>} : memref<16x16x256xf32, #tpu.memory_space<vmem>>, vector<1x1x16xf32>,
      %get3A_1726 = vector.shape_cast %get3A_1725 : vector<1x1x16xf32> to vector<16xf32>
      %get3A_1727 = arith.constant 11 : i32
      %get3A_1728 = arith.index_cast %add3A_155 : i32 to index
      %get3A_1729 = arith.index_cast %get3A_1727 : i32 to index
      %get3A_1730 = arith.constant 208 : index
      %get3A_1731 = tpu.vector_load %arg4[%get3A_1728, %get3A_1729, %get3A_1730] {strides = array<i32>} : memref<16x16x256xf32, #tpu.memory_space<vmem>>, vector<1x1x16xf32>,
      %get3A_1732 = vector.shape_cast %get3A_1731 : vector<1x1x16xf32> to vector<16xf32>
      %get3A_1733 = arith.constant 12 : i32
      %get3A_1734 = arith.index_cast %add3A_155 : i32 to index
      %get3A_1735 = arith.index_cast %get3A_1733 : i32 to index
      %get3A_1736 = arith.constant 208 : index
      %get3A_1737 = tpu.vector_load %arg4[%get3A_1734, %get3A_1735, %get3A_1736] {strides = array<i32>} : memref<16x16x256xf32, #tpu.memory_space<vmem>>, vector<1x1x16xf32>,
      %get3A_1738 = vector.shape_cast %get3A_1737 : vector<1x1x16xf32> to vector<16xf32>
      %get3A_1739 = arith.constant 13 : i32
      %get3A_1740 = arith.index_cast %add3A_155 : i32 to index
      %get3A_1741 = arith.index_cast %get3A_1739 : i32 to index
      %get3A_1742 = arith.constant 208 : index
      %get3A_1743 = tpu.vector_load %arg4[%get3A_1740, %get3A_1741, %get3A_1742] {strides = array<i32>} : memref<16x16x256xf32, #tpu.memory_space<vmem>>, vector<1x1x16xf32>,
      %get3A_1744 = vector.shape_cast %get3A_1743 : vector<1x1x16xf32> to vector<16xf32>
      %get3A_1745 = arith.constant 14 : i32
      %get3A_1746 = arith.index_cast %add3A_155 : i32 to index
      %get3A_1747 = arith.index_cast %get3A_1745 : i32 to index
      %get3A_1748 = arith.constant 208 : index
      %get3A_1749 = tpu.vector_load %arg4[%get3A_1746, %get3A_1747, %get3A_1748] {strides = array<i32>} : memref<16x16x256xf32, #tpu.memory_space<vmem>>, vector<1x1x16xf32>,
      %get3A_1750 = vector.shape_cast %get3A_1749 : vector<1x1x16xf32> to vector<16xf32>
      %get3A_1751 = arith.constant 15 : i32
      %get3A_1752 = arith.index_cast %add3A_155 : i32 to index
      %get3A_1753 = arith.index_cast %get3A_1751 : i32 to index
      %get3A_1754 = arith.constant 208 : index
      %get3A_1755 = tpu.vector_load %arg4[%get3A_1752, %get3A_1753, %get3A_1754] {strides = array<i32>} : memref<16x16x256xf32, #tpu.memory_space<vmem>>, vector<1x1x16xf32>,
      %get3A_1756 = vector.shape_cast %get3A_1755 : vector<1x1x16xf32> to vector<16xf32>
      %max3A_1757 = arith.maximumf %get3A_1666, %get3A_1672 : vector<16xf32>
      %max3A_1758 = arith.maximumf %get3A_1678, %get3A_1684 : vector<16xf32>
      %max3A_1759 = arith.maximumf %get3A_1690, %get3A_1696 : vector<16xf32>
      %max3A_1760 = arith.maximumf %get3A_1702, %get3A_1708 : vector<16xf32>
      %max3A_1761 = arith.maximumf %get3A_1714, %get3A_1720 : vector<16xf32>
      %max3A_1762 = arith.maximumf %get3A_1726, %get3A_1732 : vector<16xf32>
      %max3A_1763 = arith.maximumf %get3A_1738, %get3A_1744 : vector<16xf32>
      %max3A_1764 = arith.maximumf %get3A_1750, %get3A_1756 : vector<16xf32>
      %max3A_1765 = arith.maximumf %max3A_1757, %max3A_1758 : vector<16xf32>
      %max3A_1766 = arith.maximumf %max3A_1759, %max3A_1760 : vector<16xf32>
      %max3A_1767 = arith.maximumf %max3A_1761, %max3A_1762 : vector<16xf32>
      %max3A_1768 = arith.maximumf %max3A_1763, %max3A_1764 : vector<16xf32>
      %max3A_1769 = arith.maximumf %max3A_1765, %max3A_1766 : vector<16xf32>
      %max3A_1770 = arith.maximumf %max3A_1767, %max3A_1768 : vector<16xf32>
      %max3A_1771 = arith.maximumf %max3A_1769, %max3A_1770 : vector<16xf32>
      %swap3A_1772 = arith.index_cast %add3A_155 : i32 to index
      %swap3A_1773 = arith.constant 208 : index
      %swap3A_1774 = tpu.vector_load %arg5[%swap3A_1772, %swap3A_1773] {strides = array<i32>} : memref<16x256xf32, #tpu.memory_space<vmem>>, vector<1x16xf32>,
      %swap3A_1775 = vector.shape_cast %swap3A_1774 : vector<1x16xf32> to vector<16xf32>
      %swap3A_1776 = vector.shape_cast %max3A_1771 : vector<16xf32> to vector<1x16xf32>
      tpu.vector_store %arg5[%swap3A_1772, %swap3A_1773], %swap3A_1776 {strides = array<i32>} : memref<16x256xf32, #tpu.memory_space<vmem>>, vector<1x16xf32>,
      %get3A_1777 = arith.constant 0 : i32
      %get3A_1778 = arith.index_cast %add3A_155 : i32 to index
      %get3A_1779 = arith.index_cast %get3A_1777 : i32 to index
      %get3A_1780 = arith.constant 224 : index
      %get3A_1781 = tpu.vector_load %arg4[%get3A_1778, %get3A_1779, %get3A_1780] {strides = array<i32>} : memref<16x16x256xf32, #tpu.memory_space<vmem>>, vector<1x1x16xf32>,
      %get3A_1782 = vector.shape_cast %get3A_1781 : vector<1x1x16xf32> to vector<16xf32>
      %get3A_1783 = arith.constant 1 : i32
      %get3A_1784 = arith.index_cast %add3A_155 : i32 to index
      %get3A_1785 = arith.index_cast %get3A_1783 : i32 to index
      %get3A_1786 = arith.constant 224 : index
      %get3A_1787 = tpu.vector_load %arg4[%get3A_1784, %get3A_1785, %get3A_1786] {strides = array<i32>} : memref<16x16x256xf32, #tpu.memory_space<vmem>>, vector<1x1x16xf32>,
      %get3A_1788 = vector.shape_cast %get3A_1787 : vector<1x1x16xf32> to vector<16xf32>
      %get3A_1789 = arith.constant 2 : i32
      %get3A_1790 = arith.index_cast %add3A_155 : i32 to index
      %get3A_1791 = arith.index_cast %get3A_1789 : i32 to index
      %get3A_1792 = arith.constant 224 : index
      %get3A_1793 = tpu.vector_load %arg4[%get3A_1790, %get3A_1791, %get3A_1792] {strides = array<i32>} : memref<16x16x256xf32, #tpu.memory_space<vmem>>, vector<1x1x16xf32>,
      %get3A_1794 = vector.shape_cast %get3A_1793 : vector<1x1x16xf32> to vector<16xf32>
      %get3A_1795 = arith.constant 3 : i32
      %get3A_1796 = arith.index_cast %add3A_155 : i32 to index
      %get3A_1797 = arith.index_cast %get3A_1795 : i32 to index
      %get3A_1798 = arith.constant 224 : index
      %get3A_1799 = tpu.vector_load %arg4[%get3A_1796, %get3A_1797, %get3A_1798] {strides = array<i32>} : memref<16x16x256xf32, #tpu.memory_space<vmem>>, vector<1x1x16xf32>,
      %get3A_1800 = vector.shape_cast %get3A_1799 : vector<1x1x16xf32> to vector<16xf32>
      %get3A_1801 = arith.constant 4 : i32
      %get3A_1802 = arith.index_cast %add3A_155 : i32 to index
      %get3A_1803 = arith.index_cast %get3A_1801 : i32 to index
      %get3A_1804 = arith.constant 224 : index
      %get3A_1805 = tpu.vector_load %arg4[%get3A_1802, %get3A_1803, %get3A_1804] {strides = array<i32>} : memref<16x16x256xf32, #tpu.memory_space<vmem>>, vector<1x1x16xf32>,
      %get3A_1806 = vector.shape_cast %get3A_1805 : vector<1x1x16xf32> to vector<16xf32>
      %get3A_1807 = arith.constant 5 : i32
      %get3A_1808 = arith.index_cast %add3A_155 : i32 to index
      %get3A_1809 = arith.index_cast %get3A_1807 : i32 to index
      %get3A_1810 = arith.constant 224 : index
      %get3A_1811 = tpu.vector_load %arg4[%get3A_1808, %get3A_1809, %get3A_1810] {strides = array<i32>} : memref<16x16x256xf32, #tpu.memory_space<vmem>>, vector<1x1x16xf32>,
      %get3A_1812 = vector.shape_cast %get3A_1811 : vector<1x1x16xf32> to vector<16xf32>
      %get3A_1813 = arith.constant 6 : i32
      %get3A_1814 = arith.index_cast %add3A_155 : i32 to index
      %get3A_1815 = arith.index_cast %get3A_1813 : i32 to index
      %get3A_1816 = arith.constant 224 : index
      %get3A_1817 = tpu.vector_load %arg4[%get3A_1814, %get3A_1815, %get3A_1816] {strides = array<i32>} : memref<16x16x256xf32, #tpu.memory_space<vmem>>, vector<1x1x16xf32>,
      %get3A_1818 = vector.shape_cast %get3A_1817 : vector<1x1x16xf32> to vector<16xf32>
      %get3A_1819 = arith.constant 7 : i32
      %get3A_1820 = arith.index_cast %add3A_155 : i32 to index
      %get3A_1821 = arith.index_cast %get3A_1819 : i32 to index
      %get3A_1822 = arith.constant 224 : index
      %get3A_1823 = tpu.vector_load %arg4[%get3A_1820, %get3A_1821, %get3A_1822] {strides = array<i32>} : memref<16x16x256xf32, #tpu.memory_space<vmem>>, vector<1x1x16xf32>,
      %get3A_1824 = vector.shape_cast %get3A_1823 : vector<1x1x16xf32> to vector<16xf32>
      %get3A_1825 = arith.constant 8 : i32
      %get3A_1826 = arith.index_cast %add3A_155 : i32 to index
      %get3A_1827 = arith.index_cast %get3A_1825 : i32 to index
      %get3A_1828 = arith.constant 224 : index
      %get3A_1829 = tpu.vector_load %arg4[%get3A_1826, %get3A_1827, %get3A_1828] {strides = array<i32>} : memref<16x16x256xf32, #tpu.memory_space<vmem>>, vector<1x1x16xf32>,
      %get3A_1830 = vector.shape_cast %get3A_1829 : vector<1x1x16xf32> to vector<16xf32>
      %get3A_1831 = arith.constant 9 : i32
      %get3A_1832 = arith.index_cast %add3A_155 : i32 to index
      %get3A_1833 = arith.index_cast %get3A_1831 : i32 to index
      %get3A_1834 = arith.constant 224 : index
      %get3A_1835 = tpu.vector_load %arg4[%get3A_1832, %get3A_1833, %get3A_1834] {strides = array<i32>} : memref<16x16x256xf32, #tpu.memory_space<vmem>>, vector<1x1x16xf32>,
      %get3A_1836 = vector.shape_cast %get3A_1835 : vector<1x1x16xf32> to vector<16xf32>
      %get3A_1837 = arith.constant 10 : i32
      %get3A_1838 = arith.index_cast %add3A_155 : i32 to index
      %get3A_1839 = arith.index_cast %get3A_1837 : i32 to index
      %get3A_1840 = arith.constant 224 : index
      %get3A_1841 = tpu.vector_load %arg4[%get3A_1838, %get3A_1839, %get3A_1840] {strides = array<i32>} : memref<16x16x256xf32, #tpu.memory_space<vmem>>, vector<1x1x16xf32>,
      %get3A_1842 = vector.shape_cast %get3A_1841 : vector<1x1x16xf32> to vector<16xf32>
      %get3A_1843 = arith.constant 11 : i32
      %get3A_1844 = arith.index_cast %add3A_155 : i32 to index
      %get3A_1845 = arith.index_cast %get3A_1843 : i32 to index
      %get3A_1846 = arith.constant 224 : index
      %get3A_1847 = tpu.vector_load %arg4[%get3A_1844, %get3A_1845, %get3A_1846] {strides = array<i32>} : memref<16x16x256xf32, #tpu.memory_space<vmem>>, vector<1x1x16xf32>,
      %get3A_1848 = vector.shape_cast %get3A_1847 : vector<1x1x16xf32> to vector<16xf32>
      %get3A_1849 = arith.constant 12 : i32
      %get3A_1850 = arith.index_cast %add3A_155 : i32 to index
      %get3A_1851 = arith.index_cast %get3A_1849 : i32 to index
      %get3A_1852 = arith.constant 224 : index
      %get3A_1853 = tpu.vector_load %arg4[%get3A_1850, %get3A_1851, %get3A_1852] {strides = array<i32>} : memref<16x16x256xf32, #tpu.memory_space<vmem>>, vector<1x1x16xf32>,
      %get3A_1854 = vector.shape_cast %get3A_1853 : vector<1x1x16xf32> to vector<16xf32>
      %get3A_1855 = arith.constant 13 : i32
      %get3A_1856 = arith.index_cast %add3A_155 : i32 to index
      %get3A_1857 = arith.index_cast %get3A_1855 : i32 to index
      %get3A_1858 = arith.constant 224 : index
      %get3A_1859 = tpu.vector_load %arg4[%get3A_1856, %get3A_1857, %get3A_1858] {strides = array<i32>} : memref<16x16x256xf32, #tpu.memory_space<vmem>>, vector<1x1x16xf32>,
      %get3A_1860 = vector.shape_cast %get3A_1859 : vector<1x1x16xf32> to vector<16xf32>
      %get3A_1861 = arith.constant 14 : i32
      %get3A_1862 = arith.index_cast %add3A_155 : i32 to index
      %get3A_1863 = arith.index_cast %get3A_1861 : i32 to index
      %get3A_1864 = arith.constant 224 : index
      %get3A_1865 = tpu.vector_load %arg4[%get3A_1862, %get3A_1863, %get3A_1864] {strides = array<i32>} : memref<16x16x256xf32, #tpu.memory_space<vmem>>, vector<1x1x16xf32>,
      %get3A_1866 = vector.shape_cast %get3A_1865 : vector<1x1x16xf32> to vector<16xf32>
      %get3A_1867 = arith.constant 15 : i32
      %get3A_1868 = arith.index_cast %add3A_155 : i32 to index
      %get3A_1869 = arith.index_cast %get3A_1867 : i32 to index
      %get3A_1870 = arith.constant 224 : index
      %get3A_1871 = tpu.vector_load %arg4[%get3A_1868, %get3A_1869, %get3A_1870] {strides = array<i32>} : memref<16x16x256xf32, #tpu.memory_space<vmem>>, vector<1x1x16xf32>,
      %get3A_1872 = vector.shape_cast %get3A_1871 : vector<1x1x16xf32> to vector<16xf32>
      %max3A_1873 = arith.maximumf %get3A_1782, %get3A_1788 : vector<16xf32>
      %max3A_1874 = arith.maximumf %get3A_1794, %get3A_1800 : vector<16xf32>
      %max3A_1875 = arith.maximumf %get3A_1806, %get3A_1812 : vector<16xf32>
      %max3A_1876 = arith.maximumf %get3A_1818, %get3A_1824 : vector<16xf32>
      %max3A_1877 = arith.maximumf %get3A_1830, %get3A_1836 : vector<16xf32>
      %max3A_1878 = arith.maximumf %get3A_1842, %get3A_1848 : vector<16xf32>
      %max3A_1879 = arith.maximumf %get3A_1854, %get3A_1860 : vector<16xf32>
      %max3A_1880 = arith.maximumf %get3A_1866, %get3A_1872 : vector<16xf32>
      %max3A_1881 = arith.maximumf %max3A_1873, %max3A_1874 : vector<16xf32>
      %max3A_1882 = arith.maximumf %max3A_1875, %max3A_1876 : vector<16xf32>
      %max3A_1883 = arith.maximumf %max3A_1877, %max3A_1878 : vector<16xf32>
      %max3A_1884 = arith.maximumf %max3A_1879, %max3A_1880 : vector<16xf32>
      %max3A_1885 = arith.maximumf %max3A_1881, %max3A_1882 : vector<16xf32>
      %max3A_1886 = arith.maximumf %max3A_1883, %max3A_1884 : vector<16xf32>
      %max3A_1887 = arith.maximumf %max3A_1885, %max3A_1886 : vector<16xf32>
      %swap3A_1888 = arith.index_cast %add3A_155 : i32 to index
      %swap3A_1889 = arith.constant 224 : index
      %swap3A_1890 = tpu.vector_load %arg5[%swap3A_1888, %swap3A_1889] {strides = array<i32>} : memref<16x256xf32, #tpu.memory_space<vmem>>, vector<1x16xf32>,
      %swap3A_1891 = vector.shape_cast %swap3A_1890 : vector<1x16xf32> to vector<16xf32>
      %swap3A_1892 = vector.shape_cast %max3A_1887 : vector<16xf32> to vector<1x16xf32>
      tpu.vector_store %arg5[%swap3A_1888, %swap3A_1889], %swap3A_1892 {strides = array<i32>} : memref<16x256xf32, #tpu.memory_space<vmem>>, vector<1x16xf32>,
      %get3A_1893 = arith.constant 0 : i32
      %get3A_1894 = arith.index_cast %add3A_155 : i32 to index
      %get3A_1895 = arith.index_cast %get3A_1893 : i32 to index
      %get3A_1896 = arith.constant 240 : index
      %get3A_1897 = tpu.vector_load %arg4[%get3A_1894, %get3A_1895, %get3A_1896] {strides = array<i32>} : memref<16x16x256xf32, #tpu.memory_space<vmem>>, vector<1x1x16xf32>,
      %get3A_1898 = vector.shape_cast %get3A_1897 : vector<1x1x16xf32> to vector<16xf32>
      %get3A_1899 = arith.constant 1 : i32
      %get3A_1900 = arith.index_cast %add3A_155 : i32 to index
      %get3A_1901 = arith.index_cast %get3A_1899 : i32 to index
      %get3A_1902 = arith.constant 240 : index
      %get3A_1903 = tpu.vector_load %arg4[%get3A_1900, %get3A_1901, %get3A_1902] {strides = array<i32>} : memref<16x16x256xf32, #tpu.memory_space<vmem>>, vector<1x1x16xf32>,
      %get3A_1904 = vector.shape_cast %get3A_1903 : vector<1x1x16xf32> to vector<16xf32>
      %get3A_1905 = arith.constant 2 : i32
      %get3A_1906 = arith.index_cast %add3A_155 : i32 to index
      %get3A_1907 = arith.index_cast %get3A_1905 : i32 to index
      %get3A_1908 = arith.constant 240 : index
      %get3A_1909 = tpu.vector_load %arg4[%get3A_1906, %get3A_1907, %get3A_1908] {strides = array<i32>} : memref<16x16x256xf32, #tpu.memory_space<vmem>>, vector<1x1x16xf32>,
      %get3A_1910 = vector.shape_cast %get3A_1909 : vector<1x1x16xf32> to vector<16xf32>
      %get3A_1911 = arith.constant 3 : i32
      %get3A_1912 = arith.index_cast %add3A_155 : i32 to index
      %get3A_1913 = arith.index_cast %get3A_1911 : i32 to index
      %get3A_1914 = arith.constant 240 : index
      %get3A_1915 = tpu.vector_load %arg4[%get3A_1912, %get3A_1913, %get3A_1914] {strides = array<i32>} : memref<16x16x256xf32, #tpu.memory_space<vmem>>, vector<1x1x16xf32>,
      %get3A_1916 = vector.shape_cast %get3A_1915 : vector<1x1x16xf32> to vector<16xf32>
      %get3A_1917 = arith.constant 4 : i32
      %get3A_1918 = arith.index_cast %add3A_155 : i32 to index
      %get3A_1919 = arith.index_cast %get3A_1917 : i32 to index
      %get3A_1920 = arith.constant 240 : index
      %get3A_1921 = tpu.vector_load %arg4[%get3A_1918, %get3A_1919, %get3A_1920] {strides = array<i32>} : memref<16x16x256xf32, #tpu.memory_space<vmem>>, vector<1x1x16xf32>,
      %get3A_1922 = vector.shape_cast %get3A_1921 : vector<1x1x16xf32> to vector<16xf32>
      %get3A_1923 = arith.constant 5 : i32
      %get3A_1924 = arith.index_cast %add3A_155 : i32 to index
      %get3A_1925 = arith.index_cast %get3A_1923 : i32 to index
      %get3A_1926 = arith.constant 240 : index
      %get3A_1927 = tpu.vector_load %arg4[%get3A_1924, %get3A_1925, %get3A_1926] {strides = array<i32>} : memref<16x16x256xf32, #tpu.memory_space<vmem>>, vector<1x1x16xf32>,
      %get3A_1928 = vector.shape_cast %get3A_1927 : vector<1x1x16xf32> to vector<16xf32>
      %get3A_1929 = arith.constant 6 : i32
      %get3A_1930 = arith.index_cast %add3A_155 : i32 to index
      %get3A_1931 = arith.index_cast %get3A_1929 : i32 to index
      %get3A_1932 = arith.constant 240 : index
      %get3A_1933 = tpu.vector_load %arg4[%get3A_1930, %get3A_1931, %get3A_1932] {strides = array<i32>} : memref<16x16x256xf32, #tpu.memory_space<vmem>>, vector<1x1x16xf32>,
      %get3A_1934 = vector.shape_cast %get3A_1933 : vector<1x1x16xf32> to vector<16xf32>
      %get3A_1935 = arith.constant 7 : i32
      %get3A_1936 = arith.index_cast %add3A_155 : i32 to index
      %get3A_1937 = arith.index_cast %get3A_1935 : i32 to index
      %get3A_1938 = arith.constant 240 : index
      %get3A_1939 = tpu.vector_load %arg4[%get3A_1936, %get3A_1937, %get3A_1938] {strides = array<i32>} : memref<16x16x256xf32, #tpu.memory_space<vmem>>, vector<1x1x16xf32>,
      %get3A_1940 = vector.shape_cast %get3A_1939 : vector<1x1x16xf32> to vector<16xf32>
      %get3A_1941 = arith.constant 8 : i32
      %get3A_1942 = arith.index_cast %add3A_155 : i32 to index
      %get3A_1943 = arith.index_cast %get3A_1941 : i32 to index
      %get3A_1944 = arith.constant 240 : index
      %get3A_1945 = tpu.vector_load %arg4[%get3A_1942, %get3A_1943, %get3A_1944] {strides = array<i32>} : memref<16x16x256xf32, #tpu.memory_space<vmem>>, vector<1x1x16xf32>,
      %get3A_1946 = vector.shape_cast %get3A_1945 : vector<1x1x16xf32> to vector<16xf32>
      %get3A_1947 = arith.constant 9 : i32
      %get3A_1948 = arith.index_cast %add3A_155 : i32 to index
      %get3A_1949 = arith.index_cast %get3A_1947 : i32 to index
      %get3A_1950 = arith.constant 240 : index
      %get3A_1951 = tpu.vector_load %arg4[%get3A_1948, %get3A_1949, %get3A_1950] {strides = array<i32>} : memref<16x16x256xf32, #tpu.memory_space<vmem>>, vector<1x1x16xf32>,
      %get3A_1952 = vector.shape_cast %get3A_1951 : vector<1x1x16xf32> to vector<16xf32>
      %get3A_1953 = arith.constant 10 : i32
      %get3A_1954 = arith.index_cast %add3A_155 : i32 to index
      %get3A_1955 = arith.index_cast %get3A_1953 : i32 to index
      %get3A_1956 = arith.constant 240 : index
      %get3A_1957 = tpu.vector_load %arg4[%get3A_1954, %get3A_1955, %get3A_1956] {strides = array<i32>} : memref<16x16x256xf32, #tpu.memory_space<vmem>>, vector<1x1x16xf32>,
      %get3A_1958 = vector.shape_cast %get3A_1957 : vector<1x1x16xf32> to vector<16xf32>
      %get3A_1959 = arith.constant 11 : i32
      %get3A_1960 = arith.index_cast %add3A_155 : i32 to index
      %get3A_1961 = arith.index_cast %get3A_1959 : i32 to index
      %get3A_1962 = arith.constant 240 : index
      %get3A_1963 = tpu.vector_load %arg4[%get3A_1960, %get3A_1961, %get3A_1962] {strides = array<i32>} : memref<16x16x256xf32, #tpu.memory_space<vmem>>, vector<1x1x16xf32>,
      %get3A_1964 = vector.shape_cast %get3A_1963 : vector<1x1x16xf32> to vector<16xf32>
      %get3A_1965 = arith.constant 12 : i32
      %get3A_1966 = arith.index_cast %add3A_155 : i32 to index
      %get3A_1967 = arith.index_cast %get3A_1965 : i32 to index
      %get3A_1968 = arith.constant 240 : index
      %get3A_1969 = tpu.vector_load %arg4[%get3A_1966, %get3A_1967, %get3A_1968] {strides = array<i32>} : memref<16x16x256xf32, #tpu.memory_space<vmem>>, vector<1x1x16xf32>,
      %get3A_1970 = vector.shape_cast %get3A_1969 : vector<1x1x16xf32> to vector<16xf32>
      %get3A_1971 = arith.constant 13 : i32
      %get3A_1972 = arith.index_cast %add3A_155 : i32 to index
      %get3A_1973 = arith.index_cast %get3A_1971 : i32 to index
      %get3A_1974 = arith.constant 240 : index
      %get3A_1975 = tpu.vector_load %arg4[%get3A_1972, %get3A_1973, %get3A_1974] {strides = array<i32>} : memref<16x16x256xf32, #tpu.memory_space<vmem>>, vector<1x1x16xf32>,
      %get3A_1976 = vector.shape_cast %get3A_1975 : vector<1x1x16xf32> to vector<16xf32>
      %get3A_1977 = arith.constant 14 : i32
      %get3A_1978 = arith.index_cast %add3A_155 : i32 to index
      %get3A_1979 = arith.index_cast %get3A_1977 : i32 to index
      %get3A_1980 = arith.constant 240 : index
      %get3A_1981 = tpu.vector_load %arg4[%get3A_1978, %get3A_1979, %get3A_1980] {strides = array<i32>} : memref<16x16x256xf32, #tpu.memory_space<vmem>>, vector<1x1x16xf32>,
      %get3A_1982 = vector.shape_cast %get3A_1981 : vector<1x1x16xf32> to vector<16xf32>
      %get3A_1983 = arith.constant 15 : i32
      %get3A_1984 = arith.index_cast %add3A_155 : i32 to index
      %get3A_1985 = arith.index_cast %get3A_1983 : i32 to index
      %get3A_1986 = arith.constant 240 : index
      %get3A_1987 = tpu.vector_load %arg4[%get3A_1984, %get3A_1985, %get3A_1986] {strides = array<i32>} : memref<16x16x256xf32, #tpu.memory_space<vmem>>, vector<1x1x16xf32>,
      %get3A_1988 = vector.shape_cast %get3A_1987 : vector<1x1x16xf32> to vector<16xf32>
      %max3A_1989 = arith.maximumf %get3A_1898, %get3A_1904 : vector<16xf32>
      %max3A_1990 = arith.maximumf %get3A_1910, %get3A_1916 : vector<16xf32>
      %max3A_1991 = arith.maximumf %get3A_1922, %get3A_1928 : vector<16xf32>
      %max3A_1992 = arith.maximumf %get3A_1934, %get3A_1940 : vector<16xf32>
      %max3A_1993 = arith.maximumf %get3A_1946, %get3A_1952 : vector<16xf32>
      %max3A_1994 = arith.maximumf %get3A_1958, %get3A_1964 : vector<16xf32>
      %max3A_1995 = arith.maximumf %get3A_1970, %get3A_1976 : vector<16xf32>
      %max3A_1996 = arith.maximumf %get3A_1982, %get3A_1988 : vector<16xf32>
      %max3A_1997 = arith.maximumf %max3A_1989, %max3A_1990 : vector<16xf32>
      %max3A_1998 = arith.maximumf %max3A_1991, %max3A_1992 : vector<16xf32>
      %max3A_1999 = arith.maximumf %max3A_1993, %max3A_1994 : vector<16xf32>
      %max3A_2000 = arith.maximumf %max3A_1995, %max3A_1996 : vector<16xf32>
      %max3A_2001 = arith.maximumf %max3A_1997, %max3A_1998 : vector<16xf32>
      %max3A_2002 = arith.maximumf %max3A_1999, %max3A_2000 : vector<16xf32>
      %max3A_2003 = arith.maximumf %max3A_2001, %max3A_2002 : vector<16xf32>
      %swap3A_2004 = arith.index_cast %add3A_155 : i32 to index
      %swap3A_2005 = arith.constant 240 : index
      %swap3A_2006 = tpu.vector_load %arg5[%swap3A_2004, %swap3A_2005] {strides = array<i32>} : memref<16x256xf32, #tpu.memory_space<vmem>>, vector<1x16xf32>,
      %swap3A_2007 = vector.shape_cast %swap3A_2006 : vector<1x16xf32> to vector<16xf32>
      %swap3A_2008 = vector.shape_cast %max3A_2003 : vector<16xf32> to vector<1x16xf32>
      tpu.vector_store %arg5[%swap3A_2004, %swap3A_2005], %swap3A_2008 {strides = array<i32>} : memref<16x256xf32, #tpu.memory_space<vmem>>, vector<1x16xf32>,
    }
    %scan3A_114 = arith.constant 8 : i32
    %add3A_115 = arith.addi %min3A_3, %add3A_27 : i32
    %mul3A_116 = arith.constant 8 : i32
    %mul3A_117 = arith.muli %add3A_115, %mul3A_116 : i32
    %dma_start3A_118 = arith.constant 8 : i32
    %dma_start3A_119 = arith.constant 0 : i32
    %dma_start3A_120 = tpu.memref_slice %arg5[%dma_start3A_118, %dma_start3A_119] : memref<16x256xf32, #tpu.memory_space<vmem>> -> memref<8x256xf32, #tpu.memory_space<vmem>>
    %dma_start3A_121 = arith.constant 0 : i32
    %dma_start3A_122 = tpu.memref_slice %arg3[%mul3A_117, %dma_start3A_121] : memref<400x256xf32, #tpu.memory_space<hbm>> -> memref<8x256xf32, #tpu.memory_space<hbm>>
    %dma_start3A_123 = arith.constant 0 : i32
    %dma_start3A_124 = tpu.memref_slice %arg3[%mul3A_117, %dma_start3A_123] : memref<400x256xf32, #tpu.memory_space<hbm>> -> memref<8x256xf32, #tpu.memory_space<hbm>>
    %dma_start3A_125 = arith.constant 8 : i32
    %dma_start3A_126 = arith.constant 0 : i32
    %dma_start3A_127 = tpu.memref_slice %arg5[%dma_start3A_125, %dma_start3A_126] : memref<16x256xf32, #tpu.memory_space<vmem>> -> memref<8x256xf32, #tpu.memory_space<vmem>>
    tpu.enqueue_dma source(%dma_start3A_127 : memref<8x256xf32, #tpu.memory_space<vmem>>) target(%dma_start3A_124 : memref<8x256xf32, #tpu.memory_space<hbm>>) target_semaphore(%arg9 : memref<!tpu.dma_semaphore, #tpu.memory_space<semaphore_mem>>)
    %scan3A_128 = arith.constant 1 : i32
    %dma_wait3A_129 = arith.constant 0 : i32
    %dma_wait3A_130 = arith.constant 0 : i32
    %dma_wait3A_131 = tpu.memref_slice %arg5[%dma_wait3A_129, %dma_wait3A_130] : memref<16x256xf32, #tpu.memory_space<vmem>> -> memref<8x256xf32, #tpu.memory_space<vmem>>
    %dma_wait3A_132 = arith.constant 0 : i32
    %dma_wait3A_133 = arith.constant 0 : i32
    %dma_wait3A_134 = tpu.memref_slice %arg3[%dma_wait3A_132, %dma_wait3A_133] : memref<400x256xf32, #tpu.memory_space<hbm>> -> memref<8x256xf32, #tpu.memory_space<hbm>>
    %dma_wait3A_135 = arith.constant 0 : i32
    %dma_wait3A_136 = arith.constant 0 : i32
    %dma_wait3A_137 = tpu.memref_slice %arg3[%dma_wait3A_135, %dma_wait3A_136] : memref<400x256xf32, #tpu.memory_space<hbm>> -> memref<8x256xf32, #tpu.memory_space<hbm>>
    %dma_wait3A_138 = arith.constant 0 : i32
    %dma_wait3A_139 = arith.constant 0 : i32
    %dma_wait3A_140 = tpu.memref_slice %arg5[%dma_wait3A_138, %dma_wait3A_139] : memref<16x256xf32, #tpu.memory_space<vmem>> -> memref<8x256xf32, #tpu.memory_space<vmem>>
    tpu.wait_dma2 semaphore(%arg8 : memref<!tpu.dma_semaphore, #tpu.memory_space<semaphore_mem>>) src(%dma_wait3A_140 : memref<8x256xf32, #tpu.memory_space<vmem>>) dst(%dma_wait3A_137 : memref<8x256xf32, #tpu.memory_space<hbm>>)
    %dma_wait3A_141 = arith.constant 8 : i32
    %dma_wait3A_142 = arith.constant 0 : i32
    %dma_wait3A_143 = tpu.memref_slice %arg5[%dma_wait3A_141, %dma_wait3A_142] : memref<16x256xf32, #tpu.memory_space<vmem>> -> memref<8x256xf32, #tpu.memory_space<vmem>>
    %dma_wait3A_144 = arith.constant 0 : i32
    %dma_wait3A_145 = arith.constant 0 : i32
    %dma_wait3A_146 = tpu.memref_slice %arg3[%dma_wait3A_144, %dma_wait3A_145] : memref<400x256xf32, #tpu.memory_space<hbm>> -> memref<8x256xf32, #tpu.memory_space<hbm>>
    %dma_wait3A_147 = arith.constant 0 : i32
    %dma_wait3A_148 = arith.constant 0 : i32
    %dma_wait3A_149 = tpu.memref_slice %arg3[%dma_wait3A_147, %dma_wait3A_148] : memref<400x256xf32, #tpu.memory_space<hbm>> -> memref<8x256xf32, #tpu.memory_space<hbm>>
    %dma_wait3A_150 = arith.constant 8 : i32
    %dma_wait3A_151 = arith.constant 0 : i32
    %dma_wait3A_152 = tpu.memref_slice %arg5[%dma_wait3A_150, %dma_wait3A_151] : memref<16x256xf32, #tpu.memory_space<vmem>> -> memref<8x256xf32, #tpu.memory_space<vmem>>
    tpu.wait_dma2 semaphore(%arg9 : memref<!tpu.dma_semaphore, #tpu.memory_space<semaphore_mem>>) src(%dma_wait3A_152 : memref<8x256xf32, #tpu.memory_space<vmem>>) dst(%dma_wait3A_149 : memref<8x256xf32, #tpu.memory_space<hbm>>)
    return
  }
}

module attributes {stable_mosaic.version = 14 : i64} {
  func.func @_tc_body(%arg0: i32, %arg1: memref<400x16x256xf32, #tpu.memory_space<vmem>>, %arg2: memref<400x256xf32, #tpu.memory_space<vmem>>) attributes {dimension_semantics = [#tpu.dimension_semantics<arbitrary>], iteration_bounds = array<i64: 24>, scalar_prefetch = 0 : i64, scratch_operands = 0 : i64, tpu.core_type = #tpu.core_type<tc>, window_params = [{transform_indices = @transform_0, window_bounds = array<i64: 400, 16, 256>}, {transform_indices = @transform_1, window_bounds = array<i64: 400, 256>}]} {
    %get3A = arith.constant 0 : index
    %get3A_0 = arith.constant 0 : index
    %get3A_1 = arith.constant 0 : index
    %get3A_2 = vector.load %arg1[%get3A, %get3A_0, %get3A_1] : memref<400x16x256xf32, #tpu.memory_space<vmem>>, vector<400x16x256xf32>
    %reduce_max3A = arith.constant dense<0xFF800000> : vector<400x256xf32>
    %reduce_max3A_3 = vector.multi_reduction <maximumf>, %get3A_2, %reduce_max3A [1] : vector<400x16x256xf32> to vector<400x256xf32>
    %swap3A = arith.constant 0 : index
    %swap3A_4 = arith.constant 0 : index
    %swap3A_5 = vector.load %arg2[%swap3A, %swap3A_4] : memref<400x256xf32, #tpu.memory_space<vmem>>, vector<400x256xf32>
    tpu.vector_store %arg2[%swap3A, %swap3A_4], %reduce_max3A_3 {strides = array<i32>} : memref<400x256xf32, #tpu.memory_space<vmem>>, vector<400x256xf32>,
    return
  }
  func.func @transform_0(%arg0: i32) -> (i32, i32, i32) {
    %c0_i32 = arith.constant 0 : i32
    %c0_i32_0 = arith.constant 0 : i32
    %c0_i32_1 = arith.constant 0 : i32
    return %arg0, %c0_i32, %c0_i32_0 : i32, i32, i32
  }
  func.func @transform_1(%arg0: i32) -> (i32, i32) {
    %c0_i32 = arith.constant 0 : i32
    %c0_i32_0 = arith.constant 0 : i32
    return %arg0, %c0_i32 : i32, i32
  }
}

</mosaic_0001>

<sc_bundles>
// kernel: kernel.4.cloned.1.call-start
scs
__scs_entry_jumppad:
0x0: {  	(pc) =	sbr.rel $0x88, $3  }
0x1: {  	(tag) =	ssettag $0x0;
	lr =	simm.s32 $0x1  }
0x2: {  	[smem:$0x3FA0] =	sst lr;
	_ =	strace $0xD0000000  }
0x3: {  	_ = 	snop  }
0x4: {  	_ = 	snop  }
0x5: {  	_ = 	snop  }
0x6: {  	_ = 	snop  }
0x7: {  	_ = 	snop  }
__scs_overlays_trampoline_lowered:
0x8: {  	[smem:$0x3FAF] =	sst s0  }
0x9: {  	[smem:$0x3FB0] =	sst s1  }
0xa: {  	[smem:$0x3FB1] =	sst s2  }
0xb: {  	[smem:$0x3FB2] =	sst s3  }
0xc: {  	[smem:$0x3FB3] =	sst s4  }
0xd: {  	[smem:$0x3FB4] =	sst s5  }
0xe: {  	[smem:$0x3FB5] =	sst s6  }
0xf: {  	[smem:$0x3FB6] =	sst s7  }
0x10: {  	[smem:$0x3FB7] =	sst s8  }
0x11: {  	[smem:$0x3FB8] =	sst s9;
	s0 =	simm.s32 @!p0 $0x0  }
0x12: {  	s1 =	sld [smem:$0x3F9E];
	s0 =	simm.s32 @p0 $0x1  }
0x13: {  	[smem:$0x3FB9] =	sst s0;
	s0 =	simm.s32 @!p1 $0x0  }
0x14: {  	s2 =	sld [smem:$0x3F9D];
	s0 =	simm.s32 @p1 $0x1  }
0x15: {  	[smem:$0x3FBA] =	sst s0;
	s0 =	simm.s32 @!p2 $0x0  }
0x16: {  	s3 =	sld [smem:$0x3FDB];
	s0 =	simm.s32 @p2 $0x1  }
0x17: {  	s4 =	simm.s32 $0x1BF5;
	[smem:$0x3FBC] =	sst s0  }
0x18: {  	s0 =	sld [smem:$0x3F9F];
	_ =	swait.ge [sflag:s4], $0x0  }
0x19: {  	s7 =	sld [smem:$0x3FA0]  }
0x1a: {  	s8 =	sadd.s32 $0xFFFFE003, lr  }
0x1b: {  	s9 =	sadd.s32 $0xFFFFFEF7, lr;
	s5 =	simm.s32 $0xFFFFFFFF;
	p2 =	slt.u32 s8, $0xFFFFF086  }
0x1c: {  	p1 =	slt.u32 s9, $0xF7A;
	s5 =	simm.s32 @!p2 $0x0  }
0x1d: {  	s5 =	simm.s32 @p1 $0x1;
	p0 =	seq.s32 s7, s2  }
0x1e: {  	s7 =	smul.u32 @!p0 $0xF7A, s2;
	p2 =	seq.s32 @!p0 s5, $0x0  }
0x1f: {  	s9 =	smul.u32 $0xF7A, s1;
	s8 =	simm.s32 @!p0 $0x1BF5;
	p2 =	por !p2, p0  }
0x20: {  	[sflag:s8] =	ssyncset.s32 @!p0 $0xFFFFF086;
	s6 =	sadd.s32 @!p0 s3, s7;
	s7 =	simm.s32 @!p0 $0x108  }
0x21: {  	s3 =	sadd.s32 s3, s9;
	s6 =	sadd.s32 @!p0 $0x88, s6;
	s7 =	simm.s32 @p2 $0x1082  }
0x22: {  	[simem:s7], [sflag:s8] =	dma.local @!p0 [hbm:s6], $0xF7A  }
0x23: {  	s9 =	sor.u32 $0xD0000000, s2;
	s6 =	simm.s32 $0x108;
	_ =	swait.ge @!p0 [sflag:s8], $0x0  }
0x24: {  	s3 =	sadd.s32 $0x88, s3;
	s6 =	simm.s32 @!p1 $0x1082;
	[sflag:s4] =	ssyncset.s32 $0xFFFFF086  }
0x25: {  	[simem:s6], [sflag:s4] =	dma.local [hbm:s3], $0xF7A  }
0x26: {  	[smem:$0x3FA0] =	sst s1;
	(tag) =	ssettag s2;
	_ =	strace s9  }
0x27: {  	s1 =	sld [smem:$0x3FB0]  }
0x28: {  	s2 =	sld [smem:$0x3FB1]  }
0x29: {  	s4 =	sld [smem:$0x3FB3]  }
0x2a: {  	p0 =	seq.s32 s5, $0x0;
	s5 =	sld [smem:$0x3FB4]  }
0x2b: {  	s6 =	sld [smem:$0x3FB5]  }
0x2c: {  	s7 =	sld [smem:$0x3FB6]  }
0x2d: {  	s3 =	simm.s32 $0x108;
	s8 =	sld [smem:$0x3FB7]  }
0x2e: {  	s3 =	simm.s32 @!p0 $0x1082;
	s9 =	sld [smem:$0x3FB8]  }
0x2f: {  	lr =	sadd.s32 s0, s3;
	s0 =	sld [smem:$0x3FAF]  }
0x30: {  	s3 =	sld [smem:$0x3FB2]  }
0x31: {  	[smem:$0x3FBB] =	sst s10  }
0x32: {  	s10 =	sld [smem:$0x3FB9];
	_ =	sdelay $0x3  }
0x33: {  	p0 =	seq.s32 s10, $0x1;
	s10 =	sld [smem:$0x3FBB];
	_ =	sdelay $0x3  }
0x34: {  	[smem:$0x3FBB] =	sst s10  }
0x35: {  	s10 =	sld [smem:$0x3FBA];
	_ =	sdelay $0x3  }
0x36: {  	p1 =	seq.s32 s10, $0x1;
	s10 =	sld [smem:$0x3FBB];
	_ =	sdelay $0x3  }
0x37: {  	[smem:$0x3FBB] =	sst s10  }
0x38: {  	s10 =	sld [smem:$0x3FBC]  }
0x39: {  	_ = 	snop;
	(pc) =	sbr.ind lr, $3  }
0x3a: {  	_ = 	snop  }
0x3b: {  	_ = 	snop  }
0x3c: {  	p2 =	seq.s32 s10, $0x1;
	s10 =	sld [smem:$0x3FBB]  }
0x3d: {  	_ =	shalt  }
0x3e: {  	_ =	shalt  }
0x3f: {  	_ =	shalt  }
0x40: {  	_ =	shalt  }
0x41: {  	_ =	shalt  }
0x42: {  	_ =	shalt  }
0x43: {  	_ =	shalt  }
0x44: {  	_ =	shalt  }
0x45: {  	_ =	shalt  }
0x46: {  	_ =	shalt  }
0x47: {  	_ =	shalt  }
0x48: {  	_ =	shalt  }
0x49: {  	_ =	shalt  }
0x4a: {  	_ =	shalt  }
0x4b: {  	_ =	shalt  }
0x4c: {  	_ =	shalt  }
0x4d: {  	_ =	shalt  }
0x4e: {  	_ =	shalt  }
0x4f: {  	_ =	shalt  }
0x50: {  	_ =	shalt  }
0x51: {  	_ =	shalt  }
0x52: {  	_ =	shalt  }
0x53: {  	_ =	shalt  }
0x54: {  	_ =	shalt  }
0x55: {  	_ =	shalt  }
0x56: {  	_ =	shalt  }
0x57: {  	_ =	shalt  }
0x58: {  	_ =	shalt  }
0x59: {  	_ =	shalt  }
0x5a: {  	_ =	shalt  }
0x5b: {  	_ =	shalt  }
0x5c: {  	_ =	shalt  }
0x5d: {  	_ =	shalt  }
0x5e: {  	_ =	shalt  }
0x5f: {  	_ =	shalt  }
0x60: {  	_ =	shalt  }
0x61: {  	_ =	shalt  }
0x62: {  	_ =	shalt  }
0x63: {  	_ =	shalt  }
0x64: {  	_ =	shalt  }
0x65: {  	_ =	shalt  }
0x66: {  	_ =	shalt  }
0x67: {  	_ =	shalt  }
0x68: {  	_ =	shalt  }
0x69: {  	_ =	shalt  }
0x6a: {  	_ =	shalt  }
0x6b: {  	_ =	shalt  }
0x6c: {  	_ =	shalt  }
0x6d: {  	_ =	shalt  }
0x6e: {  	_ =	shalt  }
0x6f: {  	_ =	shalt  }
0x70: {  	_ =	shalt  }
0x71: {  	_ =	shalt  }
0x72: {  	_ =	shalt  }
0x73: {  	_ =	shalt  }
0x74: {  	_ =	shalt  }
0x75: {  	_ =	shalt  }
0x76: {  	_ =	shalt  }
0x77: {  	_ =	shalt  }
0x78: {  	_ =	shalt  }
0x79: {  	_ =	shalt  }
0x7a: {  	_ =	shalt  }
0x7b: {  	_ =	shalt  }
0x7c: {  	_ =	shalt  }
0x7d: {  	_ =	shalt  }
0x7e: {  	_ =	shalt  }
0x7f: {  	_ =	shalt  }
0x80: {  	_ =	shalt  }
0x81: {  	_ =	shalt  }
0x82: {  	_ =	shalt  }
0x83: {  	_ =	shalt  }
0x84: {  	_ =	shalt  }
0x85: {  	_ =	shalt  }
0x86: {  	_ =	shalt  }
0x87: {  	_ =	shalt  }
.Lfunc_end0:
.L_simem_size_0:
called_computation_lowered:
.L_overlay_start_0:
0x88: {  	s2 =	sld [smem:$0x3FD9]  }
0x89: {  	s3 =	sld [smem:$0x3FFE];
	_ =	sdelay $0x1  }
0x8a: {  	s1 =	srdreg.scid  }
0x8b: {  	s0 =	sand.u32 $0x1, s1  }
0x8c: {  	s17 =	sshll.u32 s0, $0xA;
	s2 =	sadd.s32 s3, s2  }
0x8d: {  	s2 =	sadd.s32 s2, s17  }
0x8e: {  	[smem:$0x3FC7] =	sst s2  }
0x8f: {  	_ = 	snop  }
0x90: {  	s2 =	sld [smem:$0x3FC9];
	(tm) =	ssettm $0x1  }
0x91: {  	s18 =	sld [smem:$0x3FFB];
	_ =	sdelay $0x3  }
0x92: {  	_ =	strace s18  }
0x93: {  	s3 =	sld [smem:$0x3FFC];
	_ =	sdelay $0x3  }
0x94: {  	_ =	strace s3  }
0x95: {  	s3 =	sld [smem:$0x3FFD];
	_ =	sdelay $0x3  }
0x96: {  	_ =	strace s3  }
0x97: {  	_ =	strace $0x8FFFFFFF  }
0x98: {  	s19 =	sld [smem:$0x3FDB];
	_ =	sdelay $0x1  }
0x99: {  	s4 =	simm.s32 $_scs_section_size  }
0x9a: {  	s5 =	simm.s32 $_size__tile_overlayer_lowered;
	s6 =	simm.s32 $_tile_overlayer_lowered  }
0x9b: {  	s22 =	simm.s32 $0x1BFF;
	s21 =	sshll.u32 s6, $0x1;
	s3 =	sadd.s32 s4, s19  }
0x9c: {  	s7 =	simm.s32 $0x0;
	s20 =	sshll.u32 s5, $0x1;
	s5 =	sadd.s32 s21, s3  }
0x9d: {  	[timem:s7], [sflag:s22] =	dma.local [hbm:s5], s20  }
0x9e: {  	_ =	swait.ge [sflag:s22], s20  }
0x9f: {  	s4 =	ssub.s32 $0x0, s20;
	[sflag:s22] =	ssyncset.done $0x0  }
0xa0: {  	[sflag:s22] =	ssyncadd.s32 s4;
	_ =	sdelay $0x1  }
0xa1: {  	s23 =	simm.s32 $0x1B8B  }
0xa2: {  	_ =	swait.ge [sflag:s23], $0x1  }
0xa3: {  	[sflag:s23] =	ssyncset.done $0x0  }
0xa4: {  	s25 =	simm.s32 $0x1B8E;
	s24 =	sld [smem:$0x3FFE];
	[sflag:s23] =	ssyncadd.s32 $0xFFFFFFFF  }
0xa5: {  	s26 =	simm.s32 $execute0_lowered;
	[smem:$0x3FD2] =	sst s25  }
0xa6: {  	s5 =	sshll.u32 s26, $0x1;
	_ =	strace $0x80000046;
	[dreg:$0x1] =	wrdreg $0xFFFFFFFF  }
0xa7: {  	s28 =	simm.s32 $_size_execute0_lowered;
	s3 =	sadd.s32 s3, s5;
	[dreg:$0x0] =	wrdreg $0x0  }
0xa8: {  	s5 =	sshll.u32 s28, $0x1;
	[dreg:$0x2] =	wrdreg s3  }
0xa9: {  	[dreg:$0x3] =	wrdreg s5  }
0xaa: {  	[dreg:$0x4] =	wrdreg $0xC0  }
0xab: {  	_ =	task [dreg:s7], $0x5FFFF  }
0xac: {  	[dreg:$0x1] =	wrdreg $0xFFFFFFFF  }
0xad: {  	[dreg:$0x0] =	wrdreg $0x60  }
0xae: {  	[dreg:$0x2] =	wrdreg s2  }
0xaf: {  	[dreg:$0x3] =	wrdreg s24  }
0xb0: {  	[dreg:$0x4] =	wrdreg $0x9  }
0xb1: {  	_ =	task.clear_ibuf [dreg:s7], $0x5FFFF;
	_ =	strace $0x90000046  }
0xb2: {  	s29 =	simm.s32 $0x9;
	_ =	strace $0x80000048  }
0xb3: {  	_ =	swait.ge [sflag:s29], $0x1  }
0xb4: {  	[sflag:s29] =	ssyncadd.s32 $0xFFFFFFFF  }
0xb5: {  	_ =	strace $0x90000048  }
0xb6: {  	_ =	sfence  }
0xb7: {  	s30 =	sld [smem:$0x0];
	_ =	sdelay $0x2  }
0xb8: {  	s31 =	sshll.u32 s1, $0xD;
	s1 =	sshrl.u32 s1, $0x2  }
0xb9: {  	s3 =	sand.u32 $0x4000, s31;
	s1 =	sadd.s32 s1, s30  }
0xba: {  	s0 =	sor.u32 s3, s0;
	s1 =	sshll.u32 s1, $0x11  }
0xbb: {  	s0 =	sor.u32 s1, s0  }
0xbc: {  	s0 =	sadd.s32 $0x8F2B, s0  }
0xbd: {  	[sflag:s0] =	ssyncadd.remote.s32 $0x1  }
0xbe: {  	_ =	sfence.sel $0xFFFF  }
0xbf: {  	[dreg:$0x0] =	wrdreg $0xFFFFFFFF;
	(pc) =	sbr.abs _section_cstart, $3  }
0xc0: {  	[dreg:$0x1] =	wrdreg $0xFFFFFFFF  }
0xc1: {  	_ =	task.clear_ibuf [dreg:s7], $0x2FFFF;
	_ =	strace $0x9FFFFFFF  }
0xc2: {  	(tm) =	ssettm $0x7FFFFFFF  }
0xc3: {  	_ =	shalt  }
tec
execute0_lowered:
.L_overlay_start_1:
0x0: {  	(tag) =	ssettag $0x1  }
0x1: {  	s1 =	srdreg.scid  }
0x2: {  	s3 =	rddreg [dreg:$0x0];
	s0 =	stileid.u32  }
0x3: {  	s5 =	rddreg [dreg:$0x1];
	s2 =	simm.s32 $0x0;
	s9 =	simm.s32 $0x1  }
0x4: {  	s10 =	simm.s32 $0x10000;
	s11 =	simm.s32 $0x2;
	s12 =	simm.s32 $0x10800  }
0x5: {  	s13 =	simm.s32 $0x3;
	s14 =	simm.s32 $0x4;
	s4 =	sand.u32 $0x1, s1  }
0x6: {  	s6 =	sshll.u32 s0, $0x2;
	s1 =	rddreg [dreg:$0x2];
	s7 =	sshll.u32 s4, $0x1  }
0x7: {  	s15 =	simm.s32 $0x0;
	[smem:$0x7FF] =	sst s2;
	s6 =	sor.u32 s7, s6  }
0x8: {  	_ =	strace $0x80000047;
	s4 =	ssub.s32 $0x2, s4;
	s6 =	smin.u32 s6, $0x30  }
0x9: {  	s8 =	sshrl.u32 s4, $0x1;
	s31 =	sshll.u32 s6, $0xC;
	s6 =	sshll.u32 s6, $0x8  }
0xa: {  	s8 =	ssub.s32 s4, s8;
	s7 =	sadd.s32 s31, s3;
	s6 =	sadd.s32 s6, s5  }
0xb: {  	s3 =	sadd.s32 $0x4B0000, s7;
	s4 =	sadd.s32 $0x4B1000, s7;
	s5 =	sadd.s32 $0x400, s6  }
0xc: {  	s6 =	sadd.s32 $0x500, s6;
	s7 =	smax.u32 s8, $0x1;
	s8 =	simm.s32 $0x8000  }
.LBB2_1:
0xd: {  	[tilespmem:s2], [sflag:$0x1] =	stream.linear.gather [hbm4b:s3+s2], $0x8000, $0x38;
	[tilespmem:$0x11000] =	vst v63  }
0xe: {  	_ = 	snop  }
0xf: {  	[tilespmem:s8], [sflag:$0x2] =	stream.linear.gather [hbm4b:s4+s2], $0x8000, $0x38;
	[tilespmem:$0x11000] =	vst v63  }
0x10: {  	_ =	swait.ge [sflag:s9], $0x8000  }
0x11: {  	[sflag:s9] =	ssyncset.done $0x0  }
0x12: {  	s16 =	simm.s32 $0x0;
	[sflag:s9] =	ssyncadd.s32 $0xFFFF8000  }
.LBB2_2:
0x13: {  	s17 =	sshll.u32 s16, $0xC  }
0x14: {  	s17 =	sand.u32 $0x3FFFF000, s17  }
0x15: {  	v0 =	vld [tilespmem:s17+$0x0]  }
0x16: {  	v1 =	vld [tilespmem:s17+$0x80]  }
0x17: {  	v2 =	vld [tilespmem:s17+$0x100]  }
0x18: {  	v3 =	vld [tilespmem:s17+$0x180]  }
0x19: {  	v4 =	vld [tilespmem:s17+$0x200]  }
0x1a: {  	v5 =	vld [tilespmem:s17+$0x280]  }
0x1b: {  	v6 =	vld [tilespmem:s17+$0x300]  }
0x1c: {  	v7 =	vld [tilespmem:s17+$0x380]  }
0x1d: {  	v8 =	vld [tilespmem:s17+$0x800]  }
0x1e: {  	v9 =	vld [tilespmem:s17+$0x880]  }
0x1f: {  	v10 =	vld [tilespmem:s17+$0x900]  }
0x20: {  	v11 =	vld [tilespmem:s17+$0x980]  }
0x21: {  	v12 =	vld [tilespmem:s17+$0xA00]  }
0x22: {  	v13 =	vld [tilespmem:s17+$0xA80]  }
0x23: {  	v14 =	vld [tilespmem:s17+$0xB00]  }
0x24: {  	v15 =	vld [tilespmem:s17+$0xB80];
	_ =	sdelay $0x2  }
0x25: {  	v0 =	vmax.f32 v0, v1;
	v61 =	vmax.f32 v2, v3;
	v62 =	vmax.f32 v4, v5  }
0x26: {  	v63 =	vmax.f32 v6, v7;
	v9 =	vmax.f32 v8, v9;
	v11 =	vmax.f32 v10, v11  }
0x27: {  	v13 =	vmax.f32 v12, v13;
	v15 =	vmax.f32 v14, v15;
	v0 =	vmax.f32 v0, v61  }
0x28: {  	v16 =	vmax.f32 v62, v63;
	v17 =	vmax.f32 v9, v11;
	v18 =	vmax.f32 v13, v15  }
0x29: {  	s18 =	sshll.u32 s16, $0x7;
	v0 =	vmax.f32 v0, v16;
	v19 =	vmax.f32 v17, v18  }
0x2a: {  	s18 =	sand.u32 $0x3FFFFF80, s18;
	v0 =	vmax.f32 v0, v19  }
0x2b: {  	[tilespmem:s18+$0x10000] =	vst v0  }
0x2c: {  	v0 =	vld [tilespmem:s17+$0x10]  }
0x2d: {  	v20 =	vld [tilespmem:s17+$0x90]  }
0x2e: {  	v21 =	vld [tilespmem:s17+$0x110]  }
0x2f: {  	v22 =	vld [tilespmem:s17+$0x190]  }
0x30: {  	v23 =	vld [tilespmem:s17+$0x210]  }
0x31: {  	v24 =	vld [tilespmem:s17+$0x290]  }
0x32: {  	v25 =	vld [tilespmem:s17+$0x310]  }
0x33: {  	v26 =	vld [tilespmem:s17+$0x390]  }
0x34: {  	v27 =	vld [tilespmem:s17+$0x810]  }
0x35: {  	v28 =	vld [tilespmem:s17+$0x890]  }
0x36: {  	v29 =	vld [tilespmem:s17+$0x910]  }
0x37: {  	v30 =	vld [tilespmem:s17+$0x990]  }
0x38: {  	v31 =	vld [tilespmem:s17+$0xA10]  }
0x39: {  	v32 =	vld [tilespmem:s17+$0xA90]  }
0x3a: {  	v33 =	vld [tilespmem:s17+$0xB10]  }
0x3b: {  	v34 =	vld [tilespmem:s17+$0xB90];
	_ =	sdelay $0x2  }
0x3c: {  	v0 =	vmax.f32 v0, v20;
	v35 =	vmax.f32 v21, v22;
	v36 =	vmax.f32 v23, v24  }
0x3d: {  	v37 =	vmax.f32 v25, v26;
	v38 =	vmax.f32 v27, v28;
	v39 =	vmax.f32 v29, v30  }
0x3e: {  	v40 =	vmax.f32 v31, v32;
	v41 =	vmax.f32 v33, v34;
	v0 =	vmax.f32 v0, v35  }
0x3f: {  	v42 =	vmax.f32 v36, v37;
	v43 =	vmax.f32 v38, v39;
	v44 =	vmax.f32 v40, v41  }
0x40: {  	v0 =	vmax.f32 v0, v42;
	v45 =	vmax.f32 v43, v44  }
0x41: {  	v0 =	vmax.f32 v0, v45  }
0x42: {  	[tilespmem:s18+$0x10010] =	vst v0  }
0x43: {  	v0 =	vld [tilespmem:s17+$0x20]  }
0x44: {  	v46 =	vld [tilespmem:s17+$0xA0]  }
0x45: {  	v47 =	vld [tilespmem:s17+$0x120]  }
0x46: {  	v48 =	vld [tilespmem:s17+$0x1A0]  }
0x47: {  	v49 =	vld [tilespmem:s17+$0x220]  }
0x48: {  	v50 =	vld [tilespmem:s17+$0x2A0]  }
0x49: {  	v51 =	vld [tilespmem:s17+$0x320]  }
0x4a: {  	v52 =	vld [tilespmem:s17+$0x3A0]  }
0x4b: {  	v53 =	vld [tilespmem:s17+$0x820]  }
0x4c: {  	v54 =	vld [tilespmem:s17+$0x8A0]  }
0x4d: {  	v55 =	vld [tilespmem:s17+$0x920]  }
0x4e: {  	v56 =	vld [tilespmem:s17+$0x9A0]  }
0x4f: {  	v57 =	vld [tilespmem:s17+$0xA20]  }
0x50: {  	v58 =	vld [tilespmem:s17+$0xAA0]  }
0x51: {  	v59 =	vld [tilespmem:s17+$0xB20]  }
0x52: {  	v60 =	vld [tilespmem:s17+$0xBA0];
	_ =	sdelay $0x2  }
0x53: {  	v0 =	vmax.f32 v0, v46;
	v61 =	vmax.f32 v47, v48;
	v62 =	vmax.f32 v49, v50  }
0x54: {  	v63 =	vmax.f32 v51, v52;
	v9 =	vmax.f32 v53, v54;
	v11 =	vmax.f32 v55, v56  }
0x55: {  	v13 =	vmax.f32 v57, v58;
	v15 =	vmax.f32 v59, v60;
	v0 =	vmax.f32 v0, v61  }
0x56: {  	v16 =	vmax.f32 v62, v63;
	v17 =	vmax.f32 v9, v11;
	v18 =	vmax.f32 v13, v15  }
0x57: {  	v0 =	vmax.f32 v0, v16;
	v19 =	vmax.f32 v17, v18  }
0x58: {  	v0 =	vmax.f32 v0, v19  }
0x59: {  	[tilespmem:s18+$0x10020] =	vst v0  }
0x5a: {  	v0 =	vld [tilespmem:s17+$0x30]  }
0x5b: {  	v20 =	vld [tilespmem:s17+$0xB0]  }
0x5c: {  	v21 =	vld [tilespmem:s17+$0x130]  }
0x5d: {  	v22 =	vld [tilespmem:s17+$0x1B0]  }
0x5e: {  	v23 =	vld [tilespmem:s17+$0x230]  }
0x5f: {  	v24 =	vld [tilespmem:s17+$0x2B0]  }
0x60: {  	v25 =	vld [tilespmem:s17+$0x330]  }
0x61: {  	v26 =	vld [tilespmem:s17+$0x3B0]  }
0x62: {  	v27 =	vld [tilespmem:s17+$0x830]  }
0x63: {  	v28 =	vld [tilespmem:s17+$0x8B0]  }
0x64: {  	v29 =	vld [tilespmem:s17+$0x930]  }
0x65: {  	v30 =	vld [tilespmem:s17+$0x9B0]  }
0x66: {  	v31 =	vld [tilespmem:s17+$0xA30]  }
0x67: {  	v32 =	vld [tilespmem:s17+$0xAB0]  }
0x68: {  	v33 =	vld [tilespmem:s17+$0xB30]  }
0x69: {  	v34 =	vld [tilespmem:s17+$0xBB0];
	_ =	sdelay $0x2  }
0x6a: {  	v0 =	vmax.f32 v0, v20;
	v35 =	vmax.f32 v21, v22;
	v36 =	vmax.f32 v23, v24  }
0x6b: {  	v37 =	vmax.f32 v25, v26;
	v38 =	vmax.f32 v27, v28;
	v39 =	vmax.f32 v29, v30  }
0x6c: {  	v40 =	vmax.f32 v31, v32;
	v41 =	vmax.f32 v33, v34;
	v0 =	vmax.f32 v0, v35  }
0x6d: {  	v42 =	vmax.f32 v36, v37;
	v43 =	vmax.f32 v38, v39;
	v44 =	vmax.f32 v40, v41  }
0x6e: {  	v0 =	vmax.f32 v0, v42;
	v45 =	vmax.f32 v43, v44  }
0x6f: {  	v0 =	vmax.f32 v0, v45  }
0x70: {  	[tilespmem:s18+$0x10030] =	vst v0  }
0x71: {  	v0 =	vld [tilespmem:s17+$0x40]  }
0x72: {  	v46 =	vld [tilespmem:s17+$0xC0]  }
0x73: {  	v47 =	vld [tilespmem:s17+$0x140]  }
0x74: {  	v48 =	vld [tilespmem:s17+$0x1C0]  }
0x75: {  	v49 =	vld [tilespmem:s17+$0x240]  }
0x76: {  	v50 =	vld [tilespmem:s17+$0x2C0]  }
0x77: {  	v51 =	vld [tilespmem:s17+$0x340]  }
0x78: {  	v52 =	vld [tilespmem:s17+$0x3C0]  }
0x79: {  	v53 =	vld [tilespmem:s17+$0x840]  }
0x7a: {  	v54 =	vld [tilespmem:s17+$0x8C0]  }
0x7b: {  	v55 =	vld [tilespmem:s17+$0x940]  }
0x7c: {  	v56 =	vld [tilespmem:s17+$0x9C0]  }
0x7d: {  	v57 =	vld [tilespmem:s17+$0xA40]  }
0x7e: {  	v58 =	vld [tilespmem:s17+$0xAC0]  }
0x7f: {  	v59 =	vld [tilespmem:s17+$0xB40]  }
0x80: {  	v60 =	vld [tilespmem:s17+$0xBC0];
	_ =	sdelay $0x2  }
0x81: {  	v0 =	vmax.f32 v0, v46;
	v61 =	vmax.f32 v47, v48;
	v62 =	vmax.f32 v49, v50  }
0x82: {  	v63 =	vmax.f32 v51, v52;
	v9 =	vmax.f32 v53, v54;
	v11 =	vmax.f32 v55, v56  }
0x83: {  	v13 =	vmax.f32 v57, v58;
	v15 =	vmax.f32 v59, v60;
	v0 =	vmax.f32 v0, v61  }
0x84: {  	v16 =	vmax.f32 v62, v63;
	v17 =	vmax.f32 v9, v11;
	v18 =	vmax.f32 v13, v15  }
0x85: {  	v0 =	vmax.f32 v0, v16;
	v19 =	vmax.f32 v17, v18  }
0x86: {  	v0 =	vmax.f32 v0, v19  }
0x87: {  	[tilespmem:s18+$0x10040] =	vst v0  }
0x88: {  	v0 =	vld [tilespmem:s17+$0x50]  }
0x89: {  	v20 =	vld [tilespmem:s17+$0xD0]  }
0x8a: {  	v21 =	vld [tilespmem:s17+$0x150]  }
0x8b: {  	v22 =	vld [tilespmem:s17+$0x1D0]  }
0x8c: {  	v23 =	vld [tilespmem:s17+$0x250]  }
0x8d: {  	v24 =	vld [tilespmem:s17+$0x2D0]  }
0x8e: {  	v25 =	vld [tilespmem:s17+$0x350]  }
0x8f: {  	v26 =	vld [tilespmem:s17+$0x3D0]  }
0x90: {  	v27 =	vld [tilespmem:s17+$0x850]  }
0x91: {  	v28 =	vld [tilespmem:s17+$0x8D0]  }
0x92: {  	v29 =	vld [tilespmem:s17+$0x950]  }
0x93: {  	v30 =	vld [tilespmem:s17+$0x9D0]  }
0x94: {  	v31 =	vld [tilespmem:s17+$0xA50]  }
0x95: {  	v32 =	vld [tilespmem:s17+$0xAD0]  }
0x96: {  	v33 =	vld [tilespmem:s17+$0xB50]  }
0x97: {  	v34 =	vld [tilespmem:s17+$0xBD0];
	_ =	sdelay $0x2  }
0x98: {  	v0 =	vmax.f32 v0, v20;
	v35 =	vmax.f32 v21, v22;
	v36 =	vmax.f32 v23, v24  }
0x99: {  	v37 =	vmax.f32 v25, v26;
	v38 =	vmax.f32 v27, v28;
	v39 =	vmax.f32 v29, v30  }
0x9a: {  	v40 =	vmax.f32 v31, v32;
	v41 =	vmax.f32 v33, v34;
	v0 =	vmax.f32 v0, v35  }
0x9b: {  	v42 =	vmax.f32 v36, v37;
	v43 =	vmax.f32 v38, v39;
	v44 =	vmax.f32 v40, v41  }
0x9c: {  	v0 =	vmax.f32 v0, v42;
	v45 =	vmax.f32 v43, v44  }
0x9d: {  	v0 =	vmax.f32 v0, v45  }
0x9e: {  	[tilespmem:s18+$0x10050] =	vst v0  }
0x9f: {  	v0 =	vld [tilespmem:s17+$0x60]  }
0xa0: {  	v46 =	vld [tilespmem:s17+$0xE0]  }
0xa1: {  	v47 =	vld [tilespmem:s17+$0x160]  }
0xa2: {  	v48 =	vld [tilespmem:s17+$0x1E0]  }
0xa3: {  	v49 =	vld [tilespmem:s17+$0x260]  }
0xa4: {  	v50 =	vld [tilespmem:s17+$0x2E0]  }
0xa5: {  	v51 =	vld [tilespmem:s17+$0x360]  }
0xa6: {  	v52 =	vld [tilespmem:s17+$0x3E0]  }
0xa7: {  	v53 =	vld [tilespmem:s17+$0x860]  }
0xa8: {  	v54 =	vld [tilespmem:s17+$0x8E0]  }
0xa9: {  	v55 =	vld [tilespmem:s17+$0x960]  }
0xaa: {  	v56 =	vld [tilespmem:s17+$0x9E0]  }
0xab: {  	v57 =	vld [tilespmem:s17+$0xA60]  }
0xac: {  	v58 =	vld [tilespmem:s17+$0xAE0]  }
0xad: {  	v59 =	vld [tilespmem:s17+$0xB60]  }
0xae: {  	v60 =	vld [tilespmem:s17+$0xBE0];
	_ =	sdelay $0x2  }
0xaf: {  	v0 =	vmax.f32 v0, v46;
	v61 =	vmax.f32 v47, v48;
	v62 =	vmax.f32 v49, v50  }
0xb0: {  	v63 =	vmax.f32 v51, v52;
	v9 =	vmax.f32 v53, v54;
	v11 =	vmax.f32 v55, v56  }
0xb1: {  	v13 =	vmax.f32 v57, v58;
	v15 =	vmax.f32 v59, v60;
	v0 =	vmax.f32 v0, v61  }
0xb2: {  	v16 =	vmax.f32 v62, v63;
	v17 =	vmax.f32 v9, v11;
	v18 =	vmax.f32 v13, v15  }
0xb3: {  	v0 =	vmax.f32 v0, v16;
	v19 =	vmax.f32 v17, v18  }
0xb4: {  	v0 =	vmax.f32 v0, v19  }
0xb5: {  	[tilespmem:s18+$0x10060] =	vst v0  }
0xb6: {  	v0 =	vld [tilespmem:s17+$0x70]  }
0xb7: {  	v20 =	vld [tilespmem:s17+$0xF0]  }
0xb8: {  	v21 =	vld [tilespmem:s17+$0x170]  }
0xb9: {  	v22 =	vld [tilespmem:s17+$0x1F0]  }
0xba: {  	v23 =	vld [tilespmem:s17+$0x270]  }
0xbb: {  	v24 =	vld [tilespmem:s17+$0x2F0]  }
0xbc: {  	v25 =	vld [tilespmem:s17+$0x370]  }
0xbd: {  	v26 =	vld [tilespmem:s17+$0x3F0]  }
0xbe: {  	v27 =	vld [tilespmem:s17+$0x870]  }
0xbf: {  	v28 =	vld [tilespmem:s17+$0x8F0]  }
0xc0: {  	v29 =	vld [tilespmem:s17+$0x970]  }
0xc1: {  	v30 =	vld [tilespmem:s17+$0x9F0]  }
0xc2: {  	v31 =	vld [tilespmem:s17+$0xA70]  }
0xc3: {  	v32 =	vld [tilespmem:s17+$0xAF0]  }
0xc4: {  	v33 =	vld [tilespmem:s17+$0xB70]  }
0xc5: {  	v34 =	vld [tilespmem:s17+$0xBF0];
	_ =	sdelay $0x2  }
0xc6: {  	v0 =	vmax.f32 v0, v20;
	v35 =	vmax.f32 v21, v22;
	v36 =	vmax.f32 v23, v24  }
0xc7: {  	v37 =	vmax.f32 v25, v26;
	v38 =	vmax.f32 v27, v28;
	v39 =	vmax.f32 v29, v30  }
0xc8: {  	v40 =	vmax.f32 v31, v32;
	v41 =	vmax.f32 v33, v34;
	v0 =	vmax.f32 v0, v35  }
0xc9: {  	v42 =	vmax.f32 v36, v37;
	v43 =	vmax.f32 v38, v39;
	v44 =	vmax.f32 v40, v41  }
0xca: {  	v0 =	vmax.f32 v0, v42;
	v45 =	vmax.f32 v43, v44  }
0xcb: {  	v0 =	vmax.f32 v0, v45  }
0xcc: {  	[tilespmem:s18+$0x10070] =	vst v0  }
0xcd: {  	v0 =	vld [tilespmem:s17+$0x400]  }
0xce: {  	v46 =	vld [tilespmem:s17+$0x480]  }
0xcf: {  	v47 =	vld [tilespmem:s17+$0x500]  }
0xd0: {  	v48 =	vld [tilespmem:s17+$0x580]  }
0xd1: {  	v49 =	vld [tilespmem:s17+$0x600]  }
0xd2: {  	v50 =	vld [tilespmem:s17+$0x680]  }
0xd3: {  	v51 =	vld [tilespmem:s17+$0x700]  }
0xd4: {  	v52 =	vld [tilespmem:s17+$0x780]  }
0xd5: {  	v53 =	vld [tilespmem:s17+$0xC00]  }
0xd6: {  	v54 =	vld [tilespmem:s17+$0xC80]  }
0xd7: {  	v55 =	vld [tilespmem:s17+$0xD00]  }
0xd8: {  	v56 =	vld [tilespmem:s17+$0xD80]  }
0xd9: {  	v57 =	vld [tilespmem:s17+$0xE00]  }
0xda: {  	v58 =	vld [tilespmem:s17+$0xE80]  }
0xdb: {  	v59 =	vld [tilespmem:s17+$0xF00]  }
0xdc: {  	v60 =	vld [tilespmem:s17+$0xF80];
	_ =	sdelay $0x2  }
0xdd: {  	v0 =	vmax.f32 v0, v46;
	v61 =	vmax.f32 v47, v48;
	v62 =	vmax.f32 v49, v50  }
0xde: {  	v63 =	vmax.f32 v51, v52;
	v9 =	vmax.f32 v53, v54;
	v11 =	vmax.f32 v55, v56  }
0xdf: {  	v16 =	vmax.f32 v57, v58;
	v17 =	vmax.f32 v59, v60;
	v0 =	vmax.f32 v0, v61  }
0xe0: {  	v18 =	vmax.f32 v62, v63;
	v19 =	vmax.f32 v9, v11;
	v20 =	vmax.f32 v16, v17  }
0xe1: {  	v0 =	vmax.f32 v0, v18;
	v21 =	vmax.f32 v19, v20  }
0xe2: {  	v0 =	vmax.f32 v0, v21  }
0xe3: {  	[tilespmem:s18+$0x10400] =	vst v0  }
0xe4: {  	v0 =	vld [tilespmem:s17+$0x410]  }
0xe5: {  	v22 =	vld [tilespmem:s17+$0x490]  }
0xe6: {  	v23 =	vld [tilespmem:s17+$0x510]  }
0xe7: {  	v24 =	vld [tilespmem:s17+$0x590]  }
0xe8: {  	v25 =	vld [tilespmem:s17+$0x610]  }
0xe9: {  	v26 =	vld [tilespmem:s17+$0x690]  }
0xea: {  	v27 =	vld [tilespmem:s17+$0x710]  }
0xeb: {  	v28 =	vld [tilespmem:s17+$0x790]  }
0xec: {  	v29 =	vld [tilespmem:s17+$0xC10]  }
0xed: {  	v30 =	vld [tilespmem:s17+$0xC90]  }
0xee: {  	v31 =	vld [tilespmem:s17+$0xD10]  }
0xef: {  	v32 =	vld [tilespmem:s17+$0xD90]  }
0xf0: {  	v33 =	vld [tilespmem:s17+$0xE10]  }
0xf1: {  	v34 =	vld [tilespmem:s17+$0xE90]  }
0xf2: {  	v35 =	vld [tilespmem:s17+$0xF10]  }
0xf3: {  	v36 =	vld [tilespmem:s17+$0xF90];
	_ =	sdelay $0x2  }
0xf4: {  	v0 =	vmax.f32 v0, v22;
	v37 =	vmax.f32 v23, v24;
	v38 =	vmax.f32 v25, v26  }
0xf5: {  	v39 =	vmax.f32 v27, v28;
	v40 =	vmax.f32 v29, v30;
	v41 =	vmax.f32 v31, v32  }
0xf6: {  	v42 =	vmax.f32 v33, v34;
	v43 =	vmax.f32 v35, v36;
	v0 =	vmax.f32 v0, v37  }
0xf7: {  	v44 =	vmax.f32 v38, v39;
	v45 =	vmax.f32 v40, v41;
	v46 =	vmax.f32 v42, v43  }
0xf8: {  	v0 =	vmax.f32 v0, v44;
	v47 =	vmax.f32 v45, v46  }
0xf9: {  	v0 =	vmax.f32 v0, v47  }
0xfa: {  	[tilespmem:s18+$0x10410] =	vst v0  }
0xfb: {  	v0 =	vld [tilespmem:s17+$0x420]  }
0xfc: {  	v48 =	vld [tilespmem:s17+$0x4A0]  }
0xfd: {  	v49 =	vld [tilespmem:s17+$0x520]  }
0xfe: {  	v50 =	vld [tilespmem:s17+$0x5A0]  }
0xff: {  	v51 =	vld [tilespmem:s17+$0x620]  }
0x100: {  	v52 =	vld [tilespmem:s17+$0x6A0]  }
0x101: {  	v53 =	vld [tilespmem:s17+$0x720]  }
0x102: {  	v54 =	vld [tilespmem:s17+$0x7A0]  }
0x103: {  	v55 =	vld [tilespmem:s17+$0xC20]  }
0x104: {  	v56 =	vld [tilespmem:s17+$0xCA0]  }
0x105: {  	v57 =	vld [tilespmem:s17+$0xD20]  }
0x106: {  	v58 =	vld [tilespmem:s17+$0xDA0]  }
0x107: {  	v59 =	vld [tilespmem:s17+$0xE20]  }
0x108: {  	v60 =	vld [tilespmem:s17+$0xEA0]  }
0x109: {  	v61 =	vld [tilespmem:s17+$0xF20]  }
0x10a: {  	v62 =	vld [tilespmem:s17+$0xFA0];
	_ =	sdelay $0x2  }
0x10b: {  	v0 =	vmax.f32 v0, v48;
	v63 =	vmax.f32 v49, v50;
	v16 =	vmax.f32 v51, v52  }
0x10c: {  	v17 =	vmax.f32 v53, v54;
	v18 =	vmax.f32 v55, v56;
	v19 =	vmax.f32 v57, v58  }
0x10d: {  	v20 =	vmax.f32 v59, v60;
	v21 =	vmax.f32 v61, v62;
	v0 =	vmax.f32 v0, v63  }
0x10e: {  	v22 =	vmax.f32 v16, v17;
	v23 =	vmax.f32 v18, v19;
	v24 =	vmax.f32 v20, v21  }
0x10f: {  	v0 =	vmax.f32 v0, v22;
	v25 =	vmax.f32 v23, v24  }
0x110: {  	v0 =	vmax.f32 v0, v25  }
0x111: {  	[tilespmem:s18+$0x10420] =	vst v0  }
0x112: {  	v0 =	vld [tilespmem:s17+$0x430]  }
0x113: {  	v26 =	vld [tilespmem:s17+$0x4B0]  }
0x114: {  	v27 =	vld [tilespmem:s17+$0x530]  }
0x115: {  	v28 =	vld [tilespmem:s17+$0x5B0]  }
0x116: {  	v29 =	vld [tilespmem:s17+$0x630]  }
0x117: {  	v30 =	vld [tilespmem:s17+$0x6B0]  }
0x118: {  	v31 =	vld [tilespmem:s17+$0x730]  }
0x119: {  	v32 =	vld [tilespmem:s17+$0x7B0]  }
0x11a: {  	v33 =	vld [tilespmem:s17+$0xC30]  }
0x11b: {  	v34 =	vld [tilespmem:s17+$0xCB0]  }
0x11c: {  	v35 =	vld [tilespmem:s17+$0xD30]  }
0x11d: {  	v36 =	vld [tilespmem:s17+$0xDB0]  }
0x11e: {  	v37 =	vld [tilespmem:s17+$0xE30]  }
0x11f: {  	v38 =	vld [tilespmem:s17+$0xEB0]  }
0x120: {  	v39 =	vld [tilespmem:s17+$0xF30]  }
0x121: {  	v40 =	vld [tilespmem:s17+$0xFB0];
	_ =	sdelay $0x2  }
0x122: {  	v0 =	vmax.f32 v0, v26;
	v41 =	vmax.f32 v27, v28;
	v42 =	vmax.f32 v29, v30  }
0x123: {  	v43 =	vmax.f32 v31, v32;
	v44 =	vmax.f32 v33, v34;
	v45 =	vmax.f32 v35, v36  }
0x124: {  	v46 =	vmax.f32 v37, v38;
	v47 =	vmax.f32 v39, v40;
	v0 =	vmax.f32 v0, v41  }
0x125: {  	v48 =	vmax.f32 v42, v43;
	v49 =	vmax.f32 v44, v45;
	v50 =	vmax.f32 v46, v47  }
0x126: {  	v0 =	vmax.f32 v0, v48;
	v51 =	vmax.f32 v49, v50  }
0x127: {  	v0 =	vmax.f32 v0, v51  }
0x128: {  	[tilespmem:s18+$0x10430] =	vst v0  }
0x129: {  	v0 =	vld [tilespmem:s17+$0x440]  }
0x12a: {  	v52 =	vld [tilespmem:s17+$0x4C0]  }
0x12b: {  	v53 =	vld [tilespmem:s17+$0x540]  }
0x12c: {  	v54 =	vld [tilespmem:s17+$0x5C0]  }
0x12d: {  	v55 =	vld [tilespmem:s17+$0x640]  }
0x12e: {  	v56 =	vld [tilespmem:s17+$0x6C0]  }
0x12f: {  	v57 =	vld [tilespmem:s17+$0x740]  }
0x130: {  	v58 =	vld [tilespmem:s17+$0x7C0]  }
0x131: {  	v59 =	vld [tilespmem:s17+$0xC40]  }
0x132: {  	v60 =	vld [tilespmem:s17+$0xCC0]  }
0x133: {  	v61 =	vld [tilespmem:s17+$0xD40]  }
0x134: {  	v62 =	vld [tilespmem:s17+$0xDC0]  }
0x135: {  	v63 =	vld [tilespmem:s17+$0xE40]  }
0x136: {  	v18 =	vld [tilespmem:s17+$0xEC0]  }
0x137: {  	v19 =	vld [tilespmem:s17+$0xF40]  }
0x138: {  	v20 =	vld [tilespmem:s17+$0xFC0];
	_ =	sdelay $0x2  }
0x139: {  	v0 =	vmax.f32 v0, v52;
	v21 =	vmax.f32 v53, v54;
	v22 =	vmax.f32 v55, v56  }
0x13a: {  	v23 =	vmax.f32 v57, v58;
	v24 =	vmax.f32 v59, v60;
	v25 =	vmax.f32 v61, v62  }
0x13b: {  	v26 =	vmax.f32 v63, v18;
	v27 =	vmax.f32 v19, v20;
	v0 =	vmax.f32 v0, v21  }
0x13c: {  	v28 =	vmax.f32 v22, v23;
	v29 =	vmax.f32 v24, v25;
	v30 =	vmax.f32 v26, v27  }
0x13d: {  	v0 =	vmax.f32 v0, v28;
	v31 =	vmax.f32 v29, v30  }
0x13e: {  	v0 =	vmax.f32 v0, v31  }
0x13f: {  	[tilespmem:s18+$0x10440] =	vst v0  }
0x140: {  	v0 =	vld [tilespmem:s17+$0x450]  }
0x141: {  	v32 =	vld [tilespmem:s17+$0x4D0]  }
0x142: {  	v33 =	vld [tilespmem:s17+$0x550]  }
0x143: {  	v34 =	vld [tilespmem:s17+$0x5D0]  }
0x144: {  	v35 =	vld [tilespmem:s17+$0x650]  }
0x145: {  	v36 =	vld [tilespmem:s17+$0x6D0]  }
0x146: {  	v37 =	vld [tilespmem:s17+$0x750]  }
0x147: {  	v38 =	vld [tilespmem:s17+$0x7D0]  }
0x148: {  	v39 =	vld [tilespmem:s17+$0xC50]  }
0x149: {  	v40 =	vld [tilespmem:s17+$0xCD0]  }
0x14a: {  	v41 =	vld [tilespmem:s17+$0xD50]  }
0x14b: {  	v42 =	vld [tilespmem:s17+$0xDD0]  }
0x14c: {  	v43 =	vld [tilespmem:s17+$0xE50]  }
0x14d: {  	v44 =	vld [tilespmem:s17+$0xED0]  }
0x14e: {  	v45 =	vld [tilespmem:s17+$0xF50]  }
0x14f: {  	v46 =	vld [tilespmem:s17+$0xFD0];
	_ =	sdelay $0x2  }
0x150: {  	v0 =	vmax.f32 v0, v32;
	v47 =	vmax.f32 v33, v34;
	v48 =	vmax.f32 v35, v36  }
0x151: {  	v49 =	vmax.f32 v37, v38;
	v50 =	vmax.f32 v39, v40;
	v51 =	vmax.f32 v41, v42  }
0x152: {  	v52 =	vmax.f32 v43, v44;
	v53 =	vmax.f32 v45, v46;
	v0 =	vmax.f32 v0, v47  }
0x153: {  	v54 =	vmax.f32 v48, v49;
	v55 =	vmax.f32 v50, v51;
	v56 =	vmax.f32 v52, v53  }
0x154: {  	v0 =	vmax.f32 v0, v54;
	v57 =	vmax.f32 v55, v56  }
0x155: {  	v0 =	vmax.f32 v0, v57  }
0x156: {  	[tilespmem:s18+$0x10450] =	vst v0  }
0x157: {  	v0 =	vld [tilespmem:s17+$0x460]  }
0x158: {  	v58 =	vld [tilespmem:s17+$0x4E0]  }
0x159: {  	v59 =	vld [tilespmem:s17+$0x560]  }
0x15a: {  	v60 =	vld [tilespmem:s17+$0x5E0]  }
0x15b: {  	v61 =	vld [tilespmem:s17+$0x660]  }
0x15c: {  	v62 =	vld [tilespmem:s17+$0x6E0]  }
0x15d: {  	v63 =	vld [tilespmem:s17+$0x760]  }
0x15e: {  	v18 =	vld [tilespmem:s17+$0x7E0]  }
0x15f: {  	v19 =	vld [tilespmem:s17+$0xC60]  }
0x160: {  	v20 =	vld [tilespmem:s17+$0xCE0]  }
0x161: {  	v21 =	vld [tilespmem:s17+$0xD60]  }
0x162: {  	v22 =	vld [tilespmem:s17+$0xDE0]  }
0x163: {  	v23 =	vld [tilespmem:s17+$0xE60]  }
0x164: {  	v24 =	vld [tilespmem:s17+$0xEE0]  }
0x165: {  	v25 =	vld [tilespmem:s17+$0xF60]  }
0x166: {  	v26 =	vld [tilespmem:s17+$0xFE0];
	_ =	sdelay $0x2  }
0x167: {  	v0 =	vmax.f32 v0, v58;
	v27 =	vmax.f32 v59, v60;
	v28 =	vmax.f32 v61, v62  }
0x168: {  	v29 =	vmax.f32 v63, v18;
	v30 =	vmax.f32 v19, v20;
	v31 =	vmax.f32 v21, v22  }
0x169: {  	v32 =	vmax.f32 v23, v24;
	v33 =	vmax.f32 v25, v26;
	v0 =	vmax.f32 v0, v27  }
0x16a: {  	v34 =	vmax.f32 v28, v29;
	v35 =	vmax.f32 v30, v31;
	v36 =	vmax.f32 v32, v33  }
0x16b: {  	v0 =	vmax.f32 v0, v34;
	v37 =	vmax.f32 v35, v36  }
0x16c: {  	v0 =	vmax.f32 v0, v37  }
0x16d: {  	[tilespmem:s18+$0x10460] =	vst v0  }
0x16e: {  	v0 =	vld [tilespmem:s17+$0x470]  }
0x16f: {  	v38 =	vld [tilespmem:s17+$0x4F0]  }
0x170: {  	v39 =	vld [tilespmem:s17+$0x570]  }
0x171: {  	v40 =	vld [tilespmem:s17+$0x5F0]  }
0x172: {  	v41 =	vld [tilespmem:s17+$0x670]  }
0x173: {  	v42 =	vld [tilespmem:s17+$0x6F0]  }
0x174: {  	v43 =	vld [tilespmem:s17+$0x770]  }
0x175: {  	v44 =	vld [tilespmem:s17+$0x7F0]  }
0x176: {  	v45 =	vld [tilespmem:s17+$0xC70]  }
0x177: {  	v46 =	vld [tilespmem:s17+$0xCF0]  }
0x178: {  	v47 =	vld [tilespmem:s17+$0xD70]  }
0x179: {  	v48 =	vld [tilespmem:s17+$0xDF0]  }
0x17a: {  	v49 =	vld [tilespmem:s17+$0xE70]  }
0x17b: {  	v50 =	vld [tilespmem:s17+$0xEF0]  }
0x17c: {  	v51 =	vld [tilespmem:s17+$0xF70]  }
0x17d: {  	v52 =	vld [tilespmem:s17+$0xFF0];
	_ =	sdelay $0x2  }
0x17e: {  	v0 =	vmax.f32 v0, v38;
	v53 =	vmax.f32 v39, v40;
	v54 =	vmax.f32 v41, v42  }
0x17f: {  	p0 =	sne.s32 s16, $0x7;
	v55 =	vmax.f32 v43, v44;
	v56 =	vmax.f32 v45, v46;
	v57 =	vmax.f32 v47, v48  }
.Ltmp0:
0x180: {  	v58 =	vmax.f32 v49, v50;
	v59 =	vmax.f32 v51, v52;
	v0 =	vmax.f32 v0, v53;
	(pc) =	sbr.rel @p0 .LBB2_2-.Ltmp0, $4  }
0x181: {  	v60 =	vmax.f32 v54, v55;
	v61 =	vmax.f32 v56, v57;
	v62 =	vmax.f32 v58, v59  }
0x182: {  	v0 =	vmax.f32 v0, v60;
	v63 =	vmax.f32 v61, v62  }
0x183: {  	v0 =	vmax.f32 v0, v63  }
0x184: {  	s16 =	sadd.s32 $0x1, s16;
	[tilespmem:s18+$0x10470] =	vst v0  }
0x185: {  	s16 =	simm.s32 $0x0  }
0x186: {  	[hbm4b:s5+s16] =	stream.linear.scatter [tilespmem:s10], [sflag:$0x3], $0x800, $0x38;
	[tilespmem:$0x11000] =	vst v63  }
0x187: {  	_ =	swait.ge [sflag:s11], $0x8000  }
0x188: {  	[sflag:s11] =	ssyncset.done $0x0  }
0x189: {  	[sflag:s11] =	ssyncadd.s32 $0xFFFF8000  }
.LBB2_4:
0x18a: {  	s17 =	sshll.u32 s16, $0xC  }
0x18b: {  	s17 =	sand.u32 $0x3FFFF000, s17  }
0x18c: {  	v0 =	vld [tilespmem:s17+$0x8000]  }
0x18d: {  	v1 =	vld [tilespmem:s17+$0x8080]  }
0x18e: {  	v2 =	vld [tilespmem:s17+$0x8100]  }
0x18f: {  	v3 =	vld [tilespmem:s17+$0x8180]  }
0x190: {  	v4 =	vld [tilespmem:s17+$0x8200]  }
0x191: {  	v5 =	vld [tilespmem:s17+$0x8280]  }
0x192: {  	v6 =	vld [tilespmem:s17+$0x8300]  }
0x193: {  	v7 =	vld [tilespmem:s17+$0x8380]  }
0x194: {  	v8 =	vld [tilespmem:s17+$0x8800]  }
0x195: {  	v9 =	vld [tilespmem:s17+$0x8880]  }
0x196: {  	v10 =	vld [tilespmem:s17+$0x8900]  }
0x197: {  	v11 =	vld [tilespmem:s17+$0x8980]  }
0x198: {  	v12 =	vld [tilespmem:s17+$0x8A00]  }
0x199: {  	v13 =	vld [tilespmem:s17+$0x8A80]  }
0x19a: {  	v14 =	vld [tilespmem:s17+$0x8B00]  }
0x19b: {  	v15 =	vld [tilespmem:s17+$0x8B80];
	_ =	sdelay $0x2  }
0x19c: {  	v0 =	vmax.f32 v0, v1;
	v61 =	vmax.f32 v2, v3;
	v62 =	vmax.f32 v4, v5  }
0x19d: {  	v63 =	vmax.f32 v6, v7;
	v9 =	vmax.f32 v8, v9;
	v11 =	vmax.f32 v10, v11  }
0x19e: {  	v13 =	vmax.f32 v12, v13;
	v15 =	vmax.f32 v14, v15;
	v0 =	vmax.f32 v0, v61  }
0x19f: {  	v16 =	vmax.f32 v62, v63;
	v17 =	vmax.f32 v9, v11;
	v18 =	vmax.f32 v13, v15  }
0x1a0: {  	s18 =	sshll.u32 s16, $0x7;
	v0 =	vmax.f32 v0, v16;
	v19 =	vmax.f32 v17, v18  }
0x1a1: {  	s18 =	sand.u32 $0x3FFFFF80, s18;
	v0 =	vmax.f32 v0, v19  }
0x1a2: {  	[tilespmem:s18+$0x10800] =	vst v0  }
0x1a3: {  	v0 =	vld [tilespmem:s17+$0x8010]  }
0x1a4: {  	v20 =	vld [tilespmem:s17+$0x8090]  }
0x1a5: {  	v21 =	vld [tilespmem:s17+$0x8110]  }
0x1a6: {  	v22 =	vld [tilespmem:s17+$0x8190]  }
0x1a7: {  	v23 =	vld [tilespmem:s17+$0x8210]  }
0x1a8: {  	v24 =	vld [tilespmem:s17+$0x8290]  }
0x1a9: {  	v25 =	vld [tilespmem:s17+$0x8310]  }
0x1aa: {  	v26 =	vld [tilespmem:s17+$0x8390]  }
0x1ab: {  	v27 =	vld [tilespmem:s17+$0x8810]  }
0x1ac: {  	v28 =	vld [tilespmem:s17+$0x8890]  }
0x1ad: {  	v29 =	vld [tilespmem:s17+$0x8910]  }
0x1ae: {  	v30 =	vld [tilespmem:s17+$0x8990]  }
0x1af: {  	v31 =	vld [tilespmem:s17+$0x8A10]  }
0x1b0: {  	v32 =	vld [tilespmem:s17+$0x8A90]  }
0x1b1: {  	v33 =	vld [tilespmem:s17+$0x8B10]  }
0x1b2: {  	v34 =	vld [tilespmem:s17+$0x8B90];
	_ =	sdelay $0x2  }
0x1b3: {  	v0 =	vmax.f32 v0, v20;
	v35 =	vmax.f32 v21, v22;
	v36 =	vmax.f32 v23, v24  }
0x1b4: {  	v37 =	vmax.f32 v25, v26;
	v38 =	vmax.f32 v27, v28;
	v39 =	vmax.f32 v29, v30  }
0x1b5: {  	v40 =	vmax.f32 v31, v32;
	v41 =	vmax.f32 v33, v34;
	v0 =	vmax.f32 v0, v35  }
0x1b6: {  	v42 =	vmax.f32 v36, v37;
	v43 =	vmax.f32 v38, v39;
	v44 =	vmax.f32 v40, v41  }
0x1b7: {  	v0 =	vmax.f32 v0, v42;
	v45 =	vmax.f32 v43, v44  }
0x1b8: {  	v0 =	vmax.f32 v0, v45  }
0x1b9: {  	[tilespmem:s18+$0x10810] =	vst v0  }
0x1ba: {  	v0 =	vld [tilespmem:s17+$0x8020]  }
0x1bb: {  	v46 =	vld [tilespmem:s17+$0x80A0]  }
0x1bc: {  	v47 =	vld [tilespmem:s17+$0x8120]  }
0x1bd: {  	v48 =	vld [tilespmem:s17+$0x81A0]  }
0x1be: {  	v49 =	vld [tilespmem:s17+$0x8220]  }
0x1bf: {  	v50 =	vld [tilespmem:s17+$0x82A0]  }
0x1c0: {  	v51 =	vld [tilespmem:s17+$0x8320]  }
0x1c1: {  	v52 =	vld [tilespmem:s17+$0x83A0]  }
0x1c2: {  	v53 =	vld [tilespmem:s17+$0x8820]  }
0x1c3: {  	v54 =	vld [tilespmem:s17+$0x88A0]  }
0x1c4: {  	v55 =	vld [tilespmem:s17+$0x8920]  }
0x1c5: {  	v56 =	vld [tilespmem:s17+$0x89A0]  }
0x1c6: {  	v57 =	vld [tilespmem:s17+$0x8A20]  }
0x1c7: {  	v58 =	vld [tilespmem:s17+$0x8AA0]  }
0x1c8: {  	v59 =	vld [tilespmem:s17+$0x8B20]  }
0x1c9: {  	v60 =	vld [tilespmem:s17+$0x8BA0];
	_ =	sdelay $0x2  }
0x1ca: {  	v0 =	vmax.f32 v0, v46;
	v61 =	vmax.f32 v47, v48;
	v62 =	vmax.f32 v49, v50  }
0x1cb: {  	v63 =	vmax.f32 v51, v52;
	v9 =	vmax.f32 v53, v54;
	v11 =	vmax.f32 v55, v56  }
0x1cc: {  	v13 =	vmax.f32 v57, v58;
	v15 =	vmax.f32 v59, v60;
	v0 =	vmax.f32 v0, v61  }
0x1cd: {  	v16 =	vmax.f32 v62, v63;
	v17 =	vmax.f32 v9, v11;
	v18 =	vmax.f32 v13, v15  }
0x1ce: {  	v0 =	vmax.f32 v0, v16;
	v19 =	vmax.f32 v17, v18  }
0x1cf: {  	v0 =	vmax.f32 v0, v19  }
0x1d0: {  	[tilespmem:s18+$0x10820] =	vst v0  }
0x1d1: {  	v0 =	vld [tilespmem:s17+$0x8030]  }
0x1d2: {  	v20 =	vld [tilespmem:s17+$0x80B0]  }
0x1d3: {  	v21 =	vld [tilespmem:s17+$0x8130]  }
0x1d4: {  	v22 =	vld [tilespmem:s17+$0x81B0]  }
0x1d5: {  	v23 =	vld [tilespmem:s17+$0x8230]  }
0x1d6: {  	v24 =	vld [tilespmem:s17+$0x82B0]  }
0x1d7: {  	v25 =	vld [tilespmem:s17+$0x8330]  }
0x1d8: {  	v26 =	vld [tilespmem:s17+$0x83B0]  }
0x1d9: {  	v27 =	vld [tilespmem:s17+$0x8830]  }
0x1da: {  	v28 =	vld [tilespmem:s17+$0x88B0]  }
0x1db: {  	v29 =	vld [tilespmem:s17+$0x8930]  }
0x1dc: {  	v30 =	vld [tilespmem:s17+$0x89B0]  }
0x1dd: {  	v31 =	vld [tilespmem:s17+$0x8A30]  }
0x1de: {  	v32 =	vld [tilespmem:s17+$0x8AB0]  }
0x1df: {  	v33 =	vld [tilespmem:s17+$0x8B30]  }
0x1e0: {  	v34 =	vld [tilespmem:s17+$0x8BB0];
	_ =	sdelay $0x2  }
0x1e1: {  	v0 =	vmax.f32 v0, v20;
	v35 =	vmax.f32 v21, v22;
	v36 =	vmax.f32 v23, v24  }
0x1e2: {  	v37 =	vmax.f32 v25, v26;
	v38 =	vmax.f32 v27, v28;
	v39 =	vmax.f32 v29, v30  }
0x1e3: {  	v40 =	vmax.f32 v31, v32;
	v41 =	vmax.f32 v33, v34;
	v0 =	vmax.f32 v0, v35  }
0x1e4: {  	v42 =	vmax.f32 v36, v37;
	v43 =	vmax.f32 v38, v39;
	v44 =	vmax.f32 v40, v41  }
0x1e5: {  	v0 =	vmax.f32 v0, v42;
	v45 =	vmax.f32 v43, v44  }
0x1e6: {  	v0 =	vmax.f32 v0, v45  }
0x1e7: {  	[tilespmem:s18+$0x10830] =	vst v0  }
0x1e8: {  	v0 =	vld [tilespmem:s17+$0x8040]  }
0x1e9: {  	v46 =	vld [tilespmem:s17+$0x80C0]  }
0x1ea: {  	v47 =	vld [tilespmem:s17+$0x8140]  }
0x1eb: {  	v48 =	vld [tilespmem:s17+$0x81C0]  }
0x1ec: {  	v49 =	vld [tilespmem:s17+$0x8240]  }
0x1ed: {  	v50 =	vld [tilespmem:s17+$0x82C0]  }
0x1ee: {  	v51 =	vld [tilespmem:s17+$0x8340]  }
0x1ef: {  	v52 =	vld [tilespmem:s17+$0x83C0]  }
0x1f0: {  	v53 =	vld [tilespmem:s17+$0x8840]  }
0x1f1: {  	v54 =	vld [tilespmem:s17+$0x88C0]  }
0x1f2: {  	v55 =	vld [tilespmem:s17+$0x8940]  }
0x1f3: {  	v56 =	vld [tilespmem:s17+$0x89C0]  }
0x1f4: {  	v57 =	vld [tilespmem:s17+$0x8A40]  }
0x1f5: {  	v58 =	vld [tilespmem:s17+$0x8AC0]  }
0x1f6: {  	v59 =	vld [tilespmem:s17+$0x8B40]  }
0x1f7: {  	v60 =	vld [tilespmem:s17+$0x8BC0];
	_ =	sdelay $0x2  }
0x1f8: {  	v0 =	vmax.f32 v0, v46;
	v61 =	vmax.f32 v47, v48;
	v62 =	vmax.f32 v49, v50  }
0x1f9: {  	v63 =	vmax.f32 v51, v52;
	v9 =	vmax.f32 v53, v54;
	v11 =	vmax.f32 v55, v56  }
0x1fa: {  	v13 =	vmax.f32 v57, v58;
	v15 =	vmax.f32 v59, v60;
	v0 =	vmax.f32 v0, v61  }
0x1fb: {  	v16 =	vmax.f32 v62, v63;
	v17 =	vmax.f32 v9, v11;
	v18 =	vmax.f32 v13, v15  }
0x1fc: {  	v0 =	vmax.f32 v0, v16;
	v19 =	vmax.f32 v17, v18  }
0x1fd: {  	v0 =	vmax.f32 v0, v19  }
0x1fe: {  	[tilespmem:s18+$0x10840] =	vst v0  }
0x1ff: {  	v0 =	vld [tilespmem:s17+$0x8050]  }
0x200: {  	v20 =	vld [tilespmem:s17+$0x80D0]  }
0x201: {  	v21 =	vld [tilespmem:s17+$0x8150]  }
0x202: {  	v22 =	vld [tilespmem:s17+$0x81D0]  }
0x203: {  	v23 =	vld [tilespmem:s17+$0x8250]  }
0x204: {  	v24 =	vld [tilespmem:s17+$0x82D0]  }
0x205: {  	v25 =	vld [tilespmem:s17+$0x8350]  }
0x206: {  	v26 =	vld [tilespmem:s17+$0x83D0]  }
0x207: {  	v27 =	vld [tilespmem:s17+$0x8850]  }
0x208: {  	v28 =	vld [tilespmem:s17+$0x88D0]  }
0x209: {  	v29 =	vld [tilespmem:s17+$0x8950]  }
0x20a: {  	v30 =	vld [tilespmem:s17+$0x89D0]  }
0x20b: {  	v31 =	vld [tilespmem:s17+$0x8A50]  }
0x20c: {  	v32 =	vld [tilespmem:s17+$0x8AD0]  }
0x20d: {  	v33 =	vld [tilespmem:s17+$0x8B50]  }
0x20e: {  	v34 =	vld [tilespmem:s17+$0x8BD0];
	_ =	sdelay $0x2  }
0x20f: {  	v0 =	vmax.f32 v0, v20;
	v35 =	vmax.f32 v21, v22;
	v36 =	vmax.f32 v23, v24  }
0x210: {  	v37 =	vmax.f32 v25, v26;
	v38 =	vmax.f32 v27, v28;
	v39 =	vmax.f32 v29, v30  }
0x211: {  	v40 =	vmax.f32 v31, v32;
	v41 =	vmax.f32 v33, v34;
	v0 =	vmax.f32 v0, v35  }
0x212: {  	v42 =	vmax.f32 v36, v37;
	v43 =	vmax.f32 v38, v39;
	v44 =	vmax.f32 v40, v41  }
0x213: {  	v0 =	vmax.f32 v0, v42;
	v45 =	vmax.f32 v43, v44  }
0x214: {  	v0 =	vmax.f32 v0, v45  }
0x215: {  	[tilespmem:s18+$0x10850] =	vst v0  }
0x216: {  	v0 =	vld [tilespmem:s17+$0x8060]  }
0x217: {  	v46 =	vld [tilespmem:s17+$0x80E0]  }
0x218: {  	v47 =	vld [tilespmem:s17+$0x8160]  }
0x219: {  	v48 =	vld [tilespmem:s17+$0x81E0]  }
0x21a: {  	v49 =	vld [tilespmem:s17+$0x8260]  }
0x21b: {  	v50 =	vld [tilespmem:s17+$0x82E0]  }
0x21c: {  	v51 =	vld [tilespmem:s17+$0x8360]  }
0x21d: {  	v52 =	vld [tilespmem:s17+$0x83E0]  }
0x21e: {  	v53 =	vld [tilespmem:s17+$0x8860]  }
0x21f: {  	v54 =	vld [tilespmem:s17+$0x88E0]  }
0x220: {  	v55 =	vld [tilespmem:s17+$0x8960]  }
0x221: {  	v56 =	vld [tilespmem:s17+$0x89E0]  }
0x222: {  	v57 =	vld [tilespmem:s17+$0x8A60]  }
0x223: {  	v58 =	vld [tilespmem:s17+$0x8AE0]  }
0x224: {  	v59 =	vld [tilespmem:s17+$0x8B60]  }
0x225: {  	v60 =	vld [tilespmem:s17+$0x8BE0];
	_ =	sdelay $0x2  }
0x226: {  	v0 =	vmax.f32 v0, v46;
	v61 =	vmax.f32 v47, v48;
	v62 =	vmax.f32 v49, v50  }
0x227: {  	v63 =	vmax.f32 v51, v52;
	v9 =	vmax.f32 v53, v54;
	v11 =	vmax.f32 v55, v56  }
0x228: {  	v13 =	vmax.f32 v57, v58;
	v15 =	vmax.f32 v59, v60;
	v0 =	vmax.f32 v0, v61  }
0x229: {  	v16 =	vmax.f32 v62, v63;
	v17 =	vmax.f32 v9, v11;
	v18 =	vmax.f32 v13, v15  }
0x22a: {  	v0 =	vmax.f32 v0, v16;
	v19 =	vmax.f32 v17, v18  }
0x22b: {  	v0 =	vmax.f32 v0, v19  }
0x22c: {  	[tilespmem:s18+$0x10860] =	vst v0  }
0x22d: {  	v0 =	vld [tilespmem:s17+$0x8070]  }
0x22e: {  	v20 =	vld [tilespmem:s17+$0x80F0]  }
0x22f: {  	v21 =	vld [tilespmem:s17+$0x8170]  }
0x230: {  	v22 =	vld [tilespmem:s17+$0x81F0]  }
0x231: {  	v23 =	vld [tilespmem:s17+$0x8270]  }
0x232: {  	v24 =	vld [tilespmem:s17+$0x82F0]  }
0x233: {  	v25 =	vld [tilespmem:s17+$0x8370]  }
0x234: {  	v26 =	vld [tilespmem:s17+$0x83F0]  }
0x235: {  	v27 =	vld [tilespmem:s17+$0x8870]  }
0x236: {  	v28 =	vld [tilespmem:s17+$0x88F0]  }
0x237: {  	v29 =	vld [tilespmem:s17+$0x8970]  }
0x238: {  	v30 =	vld [tilespmem:s17+$0x89F0]  }
0x239: {  	v31 =	vld [tilespmem:s17+$0x8A70]  }
0x23a: {  	v32 =	vld [tilespmem:s17+$0x8AF0]  }
0x23b: {  	v33 =	vld [tilespmem:s17+$0x8B70]  }
0x23c: {  	v34 =	vld [tilespmem:s17+$0x8BF0];
	_ =	sdelay $0x2  }
0x23d: {  	v0 =	vmax.f32 v0, v20;
	v35 =	vmax.f32 v21, v22;
	v36 =	vmax.f32 v23, v24  }
0x23e: {  	v37 =	vmax.f32 v25, v26;
	v38 =	vmax.f32 v27, v28;
	v39 =	vmax.f32 v29, v30  }
0x23f: {  	v40 =	vmax.f32 v31, v32;
	v41 =	vmax.f32 v33, v34;
	v0 =	vmax.f32 v0, v35  }
0x240: {  	v42 =	vmax.f32 v36, v37;
	v43 =	vmax.f32 v38, v39;
	v44 =	vmax.f32 v40, v41  }
0x241: {  	v0 =	vmax.f32 v0, v42;
	v45 =	vmax.f32 v43, v44  }
0x242: {  	v0 =	vmax.f32 v0, v45  }
0x243: {  	[tilespmem:s18+$0x10870] =	vst v0  }
0x244: {  	v0 =	vld [tilespmem:s17+$0x8400]  }
0x245: {  	v46 =	vld [tilespmem:s17+$0x8480]  }
0x246: {  	v47 =	vld [tilespmem:s17+$0x8500]  }
0x247: {  	v48 =	vld [tilespmem:s17+$0x8580]  }
0x248: {  	v49 =	vld [tilespmem:s17+$0x8600]  }
0x249: {  	v50 =	vld [tilespmem:s17+$0x8680]  }
0x24a: {  	v51 =	vld [tilespmem:s17+$0x8700]  }
0x24b: {  	v52 =	vld [tilespmem:s17+$0x8780]  }
0x24c: {  	v53 =	vld [tilespmem:s17+$0x8C00]  }
0x24d: {  	v54 =	vld [tilespmem:s17+$0x8C80]  }
0x24e: {  	v55 =	vld [tilespmem:s17+$0x8D00]  }
0x24f: {  	v56 =	vld [tilespmem:s17+$0x8D80]  }
0x250: {  	v57 =	vld [tilespmem:s17+$0x8E00]  }
0x251: {  	v58 =	vld [tilespmem:s17+$0x8E80]  }
0x252: {  	v59 =	vld [tilespmem:s17+$0x8F00]  }
0x253: {  	v60 =	vld [tilespmem:s17+$0x8F80];
	_ =	sdelay $0x2  }
0x254: {  	v0 =	vmax.f32 v0, v46;
	v61 =	vmax.f32 v47, v48;
	v62 =	vmax.f32 v49, v50  }
0x255: {  	v63 =	vmax.f32 v51, v52;
	v9 =	vmax.f32 v53, v54;
	v11 =	vmax.f32 v55, v56  }
0x256: {  	v16 =	vmax.f32 v57, v58;
	v17 =	vmax.f32 v59, v60;
	v0 =	vmax.f32 v0, v61  }
0x257: {  	v18 =	vmax.f32 v62, v63;
	v19 =	vmax.f32 v9, v11;
	v20 =	vmax.f32 v16, v17  }
0x258: {  	v0 =	vmax.f32 v0, v18;
	v21 =	vmax.f32 v19, v20  }
0x259: {  	v0 =	vmax.f32 v0, v21  }
0x25a: {  	[tilespmem:s18+$0x10C00] =	vst v0  }
0x25b: {  	v0 =	vld [tilespmem:s17+$0x8410]  }
0x25c: {  	v22 =	vld [tilespmem:s17+$0x8490]  }
0x25d: {  	v23 =	vld [tilespmem:s17+$0x8510]  }
0x25e: {  	v24 =	vld [tilespmem:s17+$0x8590]  }
0x25f: {  	v25 =	vld [tilespmem:s17+$0x8610]  }
0x260: {  	v26 =	vld [tilespmem:s17+$0x8690]  }
0x261: {  	v27 =	vld [tilespmem:s17+$0x8710]  }
0x262: {  	v28 =	vld [tilespmem:s17+$0x8790]  }
0x263: {  	v29 =	vld [tilespmem:s17+$0x8C10]  }
0x264: {  	v30 =	vld [tilespmem:s17+$0x8C90]  }
0x265: {  	v31 =	vld [tilespmem:s17+$0x8D10]  }
0x266: {  	v32 =	vld [tilespmem:s17+$0x8D90]  }
0x267: {  	v33 =	vld [tilespmem:s17+$0x8E10]  }
0x268: {  	v34 =	vld [tilespmem:s17+$0x8E90]  }
0x269: {  	v35 =	vld [tilespmem:s17+$0x8F10]  }
0x26a: {  	v36 =	vld [tilespmem:s17+$0x8F90];
	_ =	sdelay $0x2  }
0x26b: {  	v0 =	vmax.f32 v0, v22;
	v37 =	vmax.f32 v23, v24;
	v38 =	vmax.f32 v25, v26  }
0x26c: {  	v39 =	vmax.f32 v27, v28;
	v40 =	vmax.f32 v29, v30;
	v41 =	vmax.f32 v31, v32  }
0x26d: {  	v42 =	vmax.f32 v33, v34;
	v43 =	vmax.f32 v35, v36;
	v0 =	vmax.f32 v0, v37  }
0x26e: {  	v44 =	vmax.f32 v38, v39;
	v45 =	vmax.f32 v40, v41;
	v46 =	vmax.f32 v42, v43  }
0x26f: {  	v0 =	vmax.f32 v0, v44;
	v47 =	vmax.f32 v45, v46  }
0x270: {  	v0 =	vmax.f32 v0, v47  }
0x271: {  	[tilespmem:s18+$0x10C10] =	vst v0  }
0x272: {  	v0 =	vld [tilespmem:s17+$0x8420]  }
0x273: {  	v48 =	vld [tilespmem:s17+$0x84A0]  }
0x274: {  	v49 =	vld [tilespmem:s17+$0x8520]  }
0x275: {  	v50 =	vld [tilespmem:s17+$0x85A0]  }
0x276: {  	v51 =	vld [tilespmem:s17+$0x8620]  }
0x277: {  	v52 =	vld [tilespmem:s17+$0x86A0]  }
0x278: {  	v53 =	vld [tilespmem:s17+$0x8720]  }
0x279: {  	v54 =	vld [tilespmem:s17+$0x87A0]  }
0x27a: {  	v55 =	vld [tilespmem:s17+$0x8C20]  }
0x27b: {  	v56 =	vld [tilespmem:s17+$0x8CA0]  }
0x27c: {  	v57 =	vld [tilespmem:s17+$0x8D20]  }
0x27d: {  	v58 =	vld [tilespmem:s17+$0x8DA0]  }
0x27e: {  	v59 =	vld [tilespmem:s17+$0x8E20]  }
0x27f: {  	v60 =	vld [tilespmem:s17+$0x8EA0]  }
0x280: {  	v61 =	vld [tilespmem:s17+$0x8F20]  }
0x281: {  	v62 =	vld [tilespmem:s17+$0x8FA0];
	_ =	sdelay $0x2  }
0x282: {  	v0 =	vmax.f32 v0, v48;
	v63 =	vmax.f32 v49, v50;
	v16 =	vmax.f32 v51, v52  }
0x283: {  	v17 =	vmax.f32 v53, v54;
	v18 =	vmax.f32 v55, v56;
	v19 =	vmax.f32 v57, v58  }
0x284: {  	v20 =	vmax.f32 v59, v60;
	v21 =	vmax.f32 v61, v62;
	v0 =	vmax.f32 v0, v63  }
0x285: {  	v22 =	vmax.f32 v16, v17;
	v23 =	vmax.f32 v18, v19;
	v24 =	vmax.f32 v20, v21  }
0x286: {  	v0 =	vmax.f32 v0, v22;
	v25 =	vmax.f32 v23, v24  }
0x287: {  	v0 =	vmax.f32 v0, v25  }
0x288: {  	[tilespmem:s18+$0x10C20] =	vst v0  }
0x289: {  	v0 =	vld [tilespmem:s17+$0x8430]  }
0x28a: {  	v26 =	vld [tilespmem:s17+$0x84B0]  }
0x28b: {  	v27 =	vld [tilespmem:s17+$0x8530]  }
0x28c: {  	v28 =	vld [tilespmem:s17+$0x85B0]  }
0x28d: {  	v29 =	vld [tilespmem:s17+$0x8630]  }
0x28e: {  	v30 =	vld [tilespmem:s17+$0x86B0]  }
0x28f: {  	v31 =	vld [tilespmem:s17+$0x8730]  }
0x290: {  	v32 =	vld [tilespmem:s17+$0x87B0]  }
0x291: {  	v33 =	vld [tilespmem:s17+$0x8C30]  }
0x292: {  	v34 =	vld [tilespmem:s17+$0x8CB0]  }
0x293: {  	v35 =	vld [tilespmem:s17+$0x8D30]  }
0x294: {  	v36 =	vld [tilespmem:s17+$0x8DB0]  }
0x295: {  	v37 =	vld [tilespmem:s17+$0x8E30]  }
0x296: {  	v38 =	vld [tilespmem:s17+$0x8EB0]  }
0x297: {  	v39 =	vld [tilespmem:s17+$0x8F30]  }
0x298: {  	v40 =	vld [tilespmem:s17+$0x8FB0];
	_ =	sdelay $0x2  }
0x299: {  	v0 =	vmax.f32 v0, v26;
	v41 =	vmax.f32 v27, v28;
	v42 =	vmax.f32 v29, v30  }
0x29a: {  	v43 =	vmax.f32 v31, v32;
	v44 =	vmax.f32 v33, v34;
	v45 =	vmax.f32 v35, v36  }
0x29b: {  	v46 =	vmax.f32 v37, v38;
	v47 =	vmax.f32 v39, v40;
	v0 =	vmax.f32 v0, v41  }
0x29c: {  	v48 =	vmax.f32 v42, v43;
	v49 =	vmax.f32 v44, v45;
	v50 =	vmax.f32 v46, v47  }
0x29d: {  	v0 =	vmax.f32 v0, v48;
	v51 =	vmax.f32 v49, v50  }
0x29e: {  	v0 =	vmax.f32 v0, v51  }
0x29f: {  	[tilespmem:s18+$0x10C30] =	vst v0  }
0x2a0: {  	v0 =	vld [tilespmem:s17+$0x8440]  }
0x2a1: {  	v52 =	vld [tilespmem:s17+$0x84C0]  }
0x2a2: {  	v53 =	vld [tilespmem:s17+$0x8540]  }
0x2a3: {  	v54 =	vld [tilespmem:s17+$0x85C0]  }
0x2a4: {  	v55 =	vld [tilespmem:s17+$0x8640]  }
0x2a5: {  	v56 =	vld [tilespmem:s17+$0x86C0]  }
0x2a6: {  	v57 =	vld [tilespmem:s17+$0x8740]  }
0x2a7: {  	v58 =	vld [tilespmem:s17+$0x87C0]  }
0x2a8: {  	v59 =	vld [tilespmem:s17+$0x8C40]  }
0x2a9: {  	v60 =	vld [tilespmem:s17+$0x8CC0]  }
0x2aa: {  	v61 =	vld [tilespmem:s17+$0x8D40]  }
0x2ab: {  	v62 =	vld [tilespmem:s17+$0x8DC0]  }
0x2ac: {  	v63 =	vld [tilespmem:s17+$0x8E40]  }
0x2ad: {  	v18 =	vld [tilespmem:s17+$0x8EC0]  }
0x2ae: {  	v19 =	vld [tilespmem:s17+$0x8F40]  }
0x2af: {  	v20 =	vld [tilespmem:s17+$0x8FC0];
	_ =	sdelay $0x2  }
0x2b0: {  	v0 =	vmax.f32 v0, v52;
	v21 =	vmax.f32 v53, v54;
	v22 =	vmax.f32 v55, v56  }
0x2b1: {  	v23 =	vmax.f32 v57, v58;
	v24 =	vmax.f32 v59, v60;
	v25 =	vmax.f32 v61, v62  }
0x2b2: {  	v26 =	vmax.f32 v63, v18;
	v27 =	vmax.f32 v19, v20;
	v0 =	vmax.f32 v0, v21  }
0x2b3: {  	v28 =	vmax.f32 v22, v23;
	v29 =	vmax.f32 v24, v25;
	v30 =	vmax.f32 v26, v27  }
0x2b4: {  	v0 =	vmax.f32 v0, v28;
	v31 =	vmax.f32 v29, v30  }
0x2b5: {  	v0 =	vmax.f32 v0, v31  }
0x2b6: {  	[tilespmem:s18+$0x10C40] =	vst v0  }
0x2b7: {  	v0 =	vld [tilespmem:s17+$0x8450]  }
0x2b8: {  	v32 =	vld [tilespmem:s17+$0x84D0]  }
0x2b9: {  	v33 =	vld [tilespmem:s17+$0x8550]  }
0x2ba: {  	v34 =	vld [tilespmem:s17+$0x85D0]  }
0x2bb: {  	v35 =	vld [tilespmem:s17+$0x8650]  }
0x2bc: {  	v36 =	vld [tilespmem:s17+$0x86D0]  }
0x2bd: {  	v37 =	vld [tilespmem:s17+$0x8750]  }
0x2be: {  	v38 =	vld [tilespmem:s17+$0x87D0]  }
0x2bf: {  	v39 =	vld [tilespmem:s17+$0x8C50]  }
0x2c0: {  	v40 =	vld [tilespmem:s17+$0x8CD0]  }
0x2c1: {  	v41 =	vld [tilespmem:s17+$0x8D50]  }
0x2c2: {  	v42 =	vld [tilespmem:s17+$0x8DD0]  }
0x2c3: {  	v43 =	vld [tilespmem:s17+$0x8E50]  }
0x2c4: {  	v44 =	vld [tilespmem:s17+$0x8ED0]  }
0x2c5: {  	v45 =	vld [tilespmem:s17+$0x8F50]  }
0x2c6: {  	v46 =	vld [tilespmem:s17+$0x8FD0];
	_ =	sdelay $0x2  }
0x2c7: {  	v0 =	vmax.f32 v0, v32;
	v47 =	vmax.f32 v33, v34;
	v48 =	vmax.f32 v35, v36  }
0x2c8: {  	v49 =	vmax.f32 v37, v38;
	v50 =	vmax.f32 v39, v40;
	v51 =	vmax.f32 v41, v42  }
0x2c9: {  	v52 =	vmax.f32 v43, v44;
	v53 =	vmax.f32 v45, v46;
	v0 =	vmax.f32 v0, v47  }
0x2ca: {  	v54 =	vmax.f32 v48, v49;
	v55 =	vmax.f32 v50, v51;
	v56 =	vmax.f32 v52, v53  }
0x2cb: {  	v0 =	vmax.f32 v0, v54;
	v57 =	vmax.f32 v55, v56  }
0x2cc: {  	v0 =	vmax.f32 v0, v57  }
0x2cd: {  	[tilespmem:s18+$0x10C50] =	vst v0  }
0x2ce: {  	v0 =	vld [tilespmem:s17+$0x8460]  }
0x2cf: {  	v58 =	vld [tilespmem:s17+$0x84E0]  }
0x2d0: {  	v59 =	vld [tilespmem:s17+$0x8560]  }
0x2d1: {  	v60 =	vld [tilespmem:s17+$0x85E0]  }
0x2d2: {  	v61 =	vld [tilespmem:s17+$0x8660]  }
0x2d3: {  	v62 =	vld [tilespmem:s17+$0x86E0]  }
0x2d4: {  	v63 =	vld [tilespmem:s17+$0x8760]  }
0x2d5: {  	v18 =	vld [tilespmem:s17+$0x87E0]  }
0x2d6: {  	v19 =	vld [tilespmem:s17+$0x8C60]  }
0x2d7: {  	v20 =	vld [tilespmem:s17+$0x8CE0]  }
0x2d8: {  	v21 =	vld [tilespmem:s17+$0x8D60]  }
0x2d9: {  	v22 =	vld [tilespmem:s17+$0x8DE0]  }
0x2da: {  	v23 =	vld [tilespmem:s17+$0x8E60]  }
0x2db: {  	v24 =	vld [tilespmem:s17+$0x8EE0]  }
0x2dc: {  	v25 =	vld [tilespmem:s17+$0x8F60]  }
0x2dd: {  	v26 =	vld [tilespmem:s17+$0x8FE0];
	_ =	sdelay $0x2  }
0x2de: {  	v0 =	vmax.f32 v0, v58;
	v27 =	vmax.f32 v59, v60;
	v28 =	vmax.f32 v61, v62  }
0x2df: {  	v29 =	vmax.f32 v63, v18;
	v30 =	vmax.f32 v19, v20;
	v31 =	vmax.f32 v21, v22  }
0x2e0: {  	v32 =	vmax.f32 v23, v24;
	v33 =	vmax.f32 v25, v26;
	v0 =	vmax.f32 v0, v27  }
0x2e1: {  	v34 =	vmax.f32 v28, v29;
	v35 =	vmax.f32 v30, v31;
	v36 =	vmax.f32 v32, v33  }
0x2e2: {  	v0 =	vmax.f32 v0, v34;
	v37 =	vmax.f32 v35, v36  }
0x2e3: {  	v0 =	vmax.f32 v0, v37  }
0x2e4: {  	[tilespmem:s18+$0x10C60] =	vst v0  }
0x2e5: {  	v0 =	vld [tilespmem:s17+$0x8470]  }
0x2e6: {  	v38 =	vld [tilespmem:s17+$0x84F0]  }
0x2e7: {  	v39 =	vld [tilespmem:s17+$0x8570]  }
0x2e8: {  	v40 =	vld [tilespmem:s17+$0x85F0]  }
0x2e9: {  	v41 =	vld [tilespmem:s17+$0x8670]  }
0x2ea: {  	v42 =	vld [tilespmem:s17+$0x86F0]  }
0x2eb: {  	v43 =	vld [tilespmem:s17+$0x8770]  }
0x2ec: {  	v44 =	vld [tilespmem:s17+$0x87F0]  }
0x2ed: {  	v45 =	vld [tilespmem:s17+$0x8C70]  }
0x2ee: {  	v46 =	vld [tilespmem:s17+$0x8CF0]  }
0x2ef: {  	v47 =	vld [tilespmem:s17+$0x8D70]  }
0x2f0: {  	v48 =	vld [tilespmem:s17+$0x8DF0]  }
0x2f1: {  	v49 =	vld [tilespmem:s17+$0x8E70]  }
0x2f2: {  	v50 =	vld [tilespmem:s17+$0x8EF0]  }
0x2f3: {  	v51 =	vld [tilespmem:s17+$0x8F70]  }
0x2f4: {  	v52 =	vld [tilespmem:s17+$0x8FF0];
	_ =	sdelay $0x2  }
0x2f5: {  	v0 =	vmax.f32 v0, v38;
	v53 =	vmax.f32 v39, v40;
	v54 =	vmax.f32 v41, v42  }
0x2f6: {  	p0 =	sne.s32 s16, $0x7;
	v55 =	vmax.f32 v43, v44;
	v56 =	vmax.f32 v45, v46;
	v57 =	vmax.f32 v47, v48  }
.Ltmp1:
0x2f7: {  	v58 =	vmax.f32 v49, v50;
	v59 =	vmax.f32 v51, v52;
	v0 =	vmax.f32 v0, v53;
	(pc) =	sbr.rel @p0 .LBB2_4-.Ltmp1, $4  }
0x2f8: {  	v60 =	vmax.f32 v54, v55;
	v61 =	vmax.f32 v56, v57;
	v62 =	vmax.f32 v58, v59  }
0x2f9: {  	v0 =	vmax.f32 v0, v60;
	v63 =	vmax.f32 v61, v62  }
0x2fa: {  	v0 =	vmax.f32 v0, v63  }
0x2fb: {  	s16 =	sadd.s32 $0x1, s16;
	[tilespmem:s18+$0x10C70] =	vst v0  }
0x2fc: {  	[hbm4b:s6+s2] =	stream.linear.scatter [tilespmem:s12], [sflag:$0x4], $0x800, $0x38;
	[tilespmem:$0x11000] =	vst v63  }
0x2fd: {  	s15 =	sadd.s32 $0x1, s15  }
0x2fe: {  	_ =	swait.ge [sflag:s13], $0x800;
	p0 =	sne.s32 s15, s7  }
.Ltmp2:
0x2ff: {  	[sflag:s13] =	ssyncset.done $0x0;
	(pc) =	sbr.rel @p0 .LBB2_1-.Ltmp2, $4  }
0x300: {  	[sflag:s13] =	ssyncadd.s32 $0xFFFFF800  }
0x301: {  	_ =	swait.ge [sflag:s14], $0x800  }
0x302: {  	[sflag:s14] =	ssyncset.done $0x0  }
0x303: {  	[sflag:s14] =	ssyncadd.s32 $0xFFFFF800  }
0x304: {  	_ =	sfence.sel $0x180000  }
0x305: {  	[bflag:$0x0] =	sbarrier.arrive $0xFFFF  }
0x306: {  	p0 =	sne.s32 s0, $0x0;
	_ =	strace $0x90000047  }
0x307: {  	s0 =	sadd.s32 @!p0 $0x100000, s1;
	[bflag:$0x2] =	sbarrier.arrive $0xFFFF  }
0x308: {  	[sflag:s0] =	ssyncadd.tile.s32 @!p0 $0x1;
	_ =	shalt  }
.Lfunc_end2:
_tile_overlayer_lowered:
.L_overlay_start_2:
0x309: {  	(tag) =	ssettag $0x2  }
0x30a: {  	s0 =	rddreg [dreg:$0x0];
	s2 =	stileid.u32  }
0x30b: {  	s1 =	rddreg [dreg:$0x1];
	p0 =	sne.s32 s2, $0x0  }
0x30c: {  	s3 =	rddreg [dreg:$0x2];
	[bflag:$0x3] =	sbarrier.arrive $0xFFFF;
	s2 =	simm.s32 @!p0 $0x1C05  }
0x30d: {  	[timem:s3], [sflag:s2] =	dma.local @!p0 [hbm:s0], s1  }
0x30e: {  	s0 =	simm.s32 @!p0 $0x5  }
0x30f: {  	_ =	swait.ge @!p0 [sflag:s0], s1  }
0x310: {  	s1 =	ssub.s32 @!p0 $0x0, s1;
	[sflag:s0] =	ssyncset.done @!p0 $0x0  }
0x311: {  	[sflag:s0] =	ssyncadd.s32 @!p0 s1  }
0x312: {  	[bflag:$0x3] =	sbarrier.arrive $0xFFFF  }
0x313: {  	_ =	shalt  }

</sc_bundles>
